<compile_context>
chip_gen: v7x
topology: tpu7x:2x2x1
jax: 0.10.2.dev20260603
libtpu: 0.0.44.dev20260713+nightly
codegen_flags: <defaults>
</compile_context>

<pallas_src>
import functools

import jax
import jax.numpy as jnp
from jax import lax
from jax.experimental import pallas as pl
from jax.experimental.pallas import tpu as pltpu
from jax.experimental.pallas import tpu_sc as plsc

_B = 16384
_L = 50
_D = 32
_C = 4
_NC = 2
_NS = 16
_NW = _NC * _NS
_ROWS_W = _B // _NW
_CB = 32
_NCH = _ROWS_W // _CB
_CHUNK_IDX = _CB * _L


_V = 1000000
_TBLK = 8192


def _transpose_body(xt_ref, o_ref):
    lane = lax.broadcasted_iota(jnp.int32, (_D, 128), 1)
    drow = lax.broadcasted_iota(jnp.int32, (_D, 128), 0)
    rep = jnp.where(lane % _D == drow, 1.0, 0.0).astype(jnp.float32)
    y = lax.dot_general(xt_ref[...], rep, (((0,), (0,)), ((), ())),
                        preferred_element_type=jnp.float32)
    sub = lax.broadcasted_iota(jnp.int32, (_TBLK, 128), 0)
    lane2 = lax.broadcasted_iota(jnp.int32, (_TBLK, 128), 1)
    ym = jnp.where(lane2 // _D == sub % 4, y, 0.0)
    o_ref[...] = ym.reshape(_TBLK // 4, 4, 128).sum(axis=1)


def _relayout_table(emb_t):
    grid = (_V + _TBLK - 1) // _TBLK
    return pl.pallas_call(
        _transpose_body,
        grid=(grid,),
        in_specs=[pl.BlockSpec((_D, _TBLK), lambda i: (0, i))],
        out_specs=pl.BlockSpec((_TBLK * _D // 128, 128), lambda i: (i, 0)),
        out_shape=jax.ShapeDtypeStruct((_V * _D // 128, 128), jnp.float32),
    )(emb_t)


def _embed_bag_sum(text_flat, emb_weight):
    mesh = plsc.VectorSubcoreMesh(core_axis_name="c", subcore_axis_name="s")

    @functools.partial(
        pl.kernel,
        out_type=jax.ShapeDtypeStruct((_B, _D), jnp.float32),
        mesh=mesh,
        scratch_types=[
            pltpu.VMEM((_CHUNK_IDX,), jnp.int32),
            pltpu.VMEM((_CHUNK_IDX,), jnp.int32),
            pltpu.VMEM((_CHUNK_IDX, _D), jnp.float32),
            pltpu.VMEM((_CHUNK_IDX, _D), jnp.float32),
            pltpu.VMEM((_CB, _D), jnp.float32),
            pltpu.SemaphoreType.DMA,
            pltpu.SemaphoreType.DMA,
        ],
        compiler_params=pltpu.CompilerParams(use_tc_tiling_on_sc=False),
    )
    def body(text_hbm, emb_hbm, out_hbm, idx0, idx1, rows0, rows1, outb,
             sem0, sem1):
        wid = lax.axis_index("s") * _NC + lax.axis_index("c")
        base_row = wid * _ROWS_W
        base_idx = base_row * _L

        idx_bufs = (idx0, idx1)
        row_bufs = (rows0, rows1)
        sems = (sem0, sem1)

        zero = jnp.zeros((16,), jnp.float32)

        def stage_and_fire(ch, b):
            pltpu.sync_copy(
                text_hbm.at[pl.ds(base_idx + ch * _CHUNK_IDX, _CHUNK_IDX)],
                idx_bufs[b])
            pltpu.async_copy(emb_hbm.at[idx_bufs[b]], row_bufs[b], sems[b])

        stage_and_fire(0, 0)

        for ch in range(_NCH):
            cur = ch % 2
            nxt = (ch + 1) % 2
            if ch + 1 < _NCH:
                stage_and_fire(ch + 1, nxt)
            cur_rows = row_bufs[cur]
            cur_idx = idx_bufs[cur]
            cur_sem = sems[cur]

            pltpu.make_async_copy(emb_hbm.at[cur_idx], cur_rows,
                                  cur_sem).wait()

            def row_body(i, _):
                def l_body(l, carry):
                    a0, a1 = carry
                    return (a0 + cur_rows[i * _L + l, pl.ds(0, 16)],
                            a1 + cur_rows[i * _L + l, pl.ds(16, 16)])
                a0, a1 = lax.fori_loop(0, _L, l_body, (zero, zero),
                                       unroll=10)
                outb[i, pl.ds(0, 16)] = a0
                outb[i, pl.ds(16, 16)] = a1
                return 0

            lax.fori_loop(0, _CB, row_body, 0)
            pltpu.sync_copy(outb, out_hbm.at[pl.ds(base_row + ch * _CB, _CB)])

    return body(text_flat, emb_weight)


def _linear_body(x_ref, w_ref, b_ref, o_ref):
    y = lax.dot_general(x_ref[...], w_ref[...], (((1,), (1,)), ((), ())),
                        preferred_element_type=jnp.float32)
    o_ref[...] = y * (1.0 / _L) + b_ref[...]


def _linear(bag, fc_weight, fc_bias2d):
    return pl.pallas_call(
        _linear_body,
        out_shape=jax.ShapeDtypeStruct((_B, _C), jnp.float32),
    )(bag, fc_weight, fc_bias2d)


def kernel(text, emb_weight, fc_weight, fc_bias):
    emb_lin = _relayout_table(emb_weight.T)
    emb_rows = emb_lin.reshape(_V, _D)
    bag = _embed_bag_sum(text.reshape(_B * _L), emb_rows)
    return _linear(bag, fc_weight, fc_bias.reshape(1, _C))

# --- scband reference (transcript-rebuilt; emitter-appended) ---
"""Pipeline reference for scband-text-classification-model-22067541967750 (READ-ONLY COPY).

The authoritative reference and input builder live on the scoring server;
editing this copy changes nothing except your own understanding.
"""

import jax, jax.numpy as jnp
import numpy as np

VOCAB = 1000000
EMBED_DIM = 32
NUM_CLASS = 4
BATCH = 16384
HIST = 50


def setup_inputs(seed: int = 0) -> dict:
    key = jax.random.key(seed)
    k1, k2, k3 = jax.random.split(key, 3)
    text = jax.random.randint(k1, (BATCH, HIST), 0, VOCAB, dtype=jnp.int64 if jax.config.jax_enable_x64 else jnp.int32).astype(jnp.int32)
    # init_weights: uniform(-0.5, 0.5) for embedding and fc weight; fc bias zeros
    emb_weight = jax.random.uniform(k2, (VOCAB, EMBED_DIM), dtype=jnp.float32, minval=-0.5, maxval=0.5)
    fc_weight = jax.random.uniform(k3, (NUM_CLASS, EMBED_DIM), dtype=jnp.float32, minval=-0.5, maxval=0.5)
    fc_bias = jnp.zeros((NUM_CLASS,), dtype=jnp.float32)
    return {"text": text, "emb_weight": emb_weight, "fc_weight": fc_weight, "fc_bias": fc_bias}


def reference(text, emb_weight, fc_weight, fc_bias):
    # nn.EmbeddingBag with 2D input [B, L] and default mode='mean':
    # gather rows then mean over the bag (sequence) dimension.
    gathered = jnp.take(emb_weight, text, axis=0)          # [B, L, D]
    embedded = jnp.mean(gathered, axis=1)                   # [B, D]
    # nn.Linear: x @ W^T + b
    return embedded @ fc_weight.T + fc_bias                 # [B, num_class]

if __name__ == "__main__":
    import jax
    _d = setup_inputs()
    print(jax.jit(kernel)(*tuple(_d.values())))

</pallas_src>

<mosaic_0001>
#map = affine_map<(d0, d1) -> (0)>
#map1 = affine_map<(d0, d1) -> (0, 0)>
module attributes {stable_mosaic.version = 14 : i64} {
  func.func @body(%arg0: i32, %arg1: i32, %arg2: memref<819200xi32, #tpu.memory_space<hbm>>, %arg3: memref<1000000x32xf32, #tpu.memory_space<hbm>>, %arg4: memref<16384x32xf32, #tpu.memory_space<hbm>>, %arg5: memref<1600xi32, #tpu.memory_space<vmem>>, %arg6: memref<1600xi32, #tpu.memory_space<vmem>>, %arg7: memref<1600x32xf32, #tpu.memory_space<vmem>>, %arg8: memref<1600x32xf32, #tpu.memory_space<vmem>>, %arg9: memref<32x32xf32, #tpu.memory_space<vmem>>, %arg10: memref<!tpu.dma_semaphore, #tpu.memory_space<semaphore_mem>>, %arg11: memref<!tpu.dma_semaphore, #tpu.memory_space<semaphore_mem>>) attributes {dimension_semantics = [#tpu.dimension_semantics<core_parallel>, #tpu.dimension_semantics<subcore_parallel>], iteration_bounds = array<i64: 2, 16>, scalar_prefetch = 0 : i64, scratch_operands = 7 : i64, tpu.core_type = #tpu.core_type<sc_vector_subcore>, window_params = [{transform_indices = #map}, {transform_indices = #map1}, {transform_indices = #map1}]} {
    %mul3A = arith.constant 2 : i32
    %mul3A_0 = arith.muli %arg1, %mul3A : i32
    %add3A = arith.addi %mul3A_0, %arg0 : i32
    %mul3A_1 = arith.constant 512 : i32
    %mul3A_2 = arith.muli %add3A, %mul3A_1 : i32
    %mul3A_3 = arith.constant 50 : i32
    %mul3A_4 = arith.muli %mul3A_2, %mul3A_3 : i32
    %broadcast_in_dim3A = arith.constant 0.000000e+00 : f32
    %broadcast_in_dim3A_5 = vector.broadcast %broadcast_in_dim3A : f32 to vector<16xf32>
    %add3A_6 = arith.constant 0 : i32
    %add3A_7 = arith.addi %mul3A_4, %add3A_6 : i32
    "tpu.region"() ({
      %run_scoped3A = tpu.sem_alloc : memref<!tpu.dma_semaphore, #tpu.memory_space<semaphore_mem>>
      %dma_start3A_275 = tpu.memref_slice %arg2[%add3A_7] : memref<819200xi32, #tpu.memory_space<hbm>> -> memref<1600xi32, #tpu.memory_space<hbm>>
      %dma_start3A_276 = tpu.memref_slice %arg2[%add3A_7] : memref<819200xi32, #tpu.memory_space<hbm>> -> memref<1600xi32, #tpu.memory_space<hbm>>
      tpu.enqueue_dma source(%dma_start3A_276 : memref<1600xi32, #tpu.memory_space<hbm>>) target(%arg5 : memref<1600xi32, #tpu.memory_space<vmem>>) target_semaphore(%run_scoped3A : memref<!tpu.dma_semaphore, #tpu.memory_space<semaphore_mem>>)
      %dma_wait3A_277 = tpu.memref_slice %arg2[%add3A_7] : memref<819200xi32, #tpu.memory_space<hbm>> -> memref<1600xi32, #tpu.memory_space<hbm>>
      %dma_wait3A_278 = tpu.memref_slice %arg2[%add3A_7] : memref<819200xi32, #tpu.memory_space<hbm>> -> memref<1600xi32, #tpu.memory_space<hbm>>
      tpu.wait_dma2 semaphore(%run_scoped3A : memref<!tpu.dma_semaphore, #tpu.memory_space<semaphore_mem>>) src(%dma_wait3A_278 : memref<1600xi32, #tpu.memory_space<hbm>>) dst(%arg5 : memref<1600xi32, #tpu.memory_space<vmem>>)
      tpu.yield
    }) : () -> ()
    %dma_start3A = arith.constant 0 : i32
    %dma_start3A_8 = arith.constant 0 : i32
    %dma_start3A_9 = tpu.memref_slice %arg3[%dma_start3A, %dma_start3A_8] : memref<1000000x32xf32, #tpu.memory_space<hbm>> -> memref<1000000x32xf32, #tpu.memory_space<hbm>>
    tpu.enqueue_indirect_dma source(%dma_start3A_9 : memref<1000000x32xf32, #tpu.memory_space<hbm>>) target(%arg7 : memref<1600x32xf32, #tpu.memory_space<vmem>>) offsets(%arg5 : memref<1600xi32, #tpu.memory_space<vmem>>) semaphore(%arg10 : memref<!tpu.dma_semaphore, #tpu.memory_space<semaphore_mem>>)
    %add3A_10 = arith.constant 1600 : i32
    %add3A_11 = arith.addi %mul3A_4, %add3A_10 : i32
    "tpu.region"() ({
      %run_scoped3A = tpu.sem_alloc : memref<!tpu.dma_semaphore, #tpu.memory_space<semaphore_mem>>
      %dma_start3A_275 = tpu.memref_slice %arg2[%add3A_11] : memref<819200xi32, #tpu.memory_space<hbm>> -> memref<1600xi32, #tpu.memory_space<hbm>>
      %dma_start3A_276 = tpu.memref_slice %arg2[%add3A_11] : memref<819200xi32, #tpu.memory_space<hbm>> -> memref<1600xi32, #tpu.memory_space<hbm>>
      tpu.enqueue_dma source(%dma_start3A_276 : memref<1600xi32, #tpu.memory_space<hbm>>) target(%arg6 : memref<1600xi32, #tpu.memory_space<vmem>>) target_semaphore(%run_scoped3A : memref<!tpu.dma_semaphore, #tpu.memory_space<semaphore_mem>>)
      %dma_wait3A_277 = tpu.memref_slice %arg2[%add3A_11] : memref<819200xi32, #tpu.memory_space<hbm>> -> memref<1600xi32, #tpu.memory_space<hbm>>
      %dma_wait3A_278 = tpu.memref_slice %arg2[%add3A_11] : memref<819200xi32, #tpu.memory_space<hbm>> -> memref<1600xi32, #tpu.memory_space<hbm>>
      tpu.wait_dma2 semaphore(%run_scoped3A : memref<!tpu.dma_semaphore, #tpu.memory_space<semaphore_mem>>) src(%dma_wait3A_278 : memref<1600xi32, #tpu.memory_space<hbm>>) dst(%arg6 : memref<1600xi32, #tpu.memory_space<vmem>>)
      tpu.yield
    }) : () -> ()
    %dma_start3A_12 = arith.constant 0 : i32
    %dma_start3A_13 = arith.constant 0 : i32
    %dma_start3A_14 = tpu.memref_slice %arg3[%dma_start3A_12, %dma_start3A_13] : memref<1000000x32xf32, #tpu.memory_space<hbm>> -> memref<1000000x32xf32, #tpu.memory_space<hbm>>
    tpu.enqueue_indirect_dma source(%dma_start3A_14 : memref<1000000x32xf32, #tpu.memory_space<hbm>>) target(%arg8 : memref<1600x32xf32, #tpu.memory_space<vmem>>) offsets(%arg6 : memref<1600xi32, #tpu.memory_space<vmem>>) semaphore(%arg11 : memref<!tpu.dma_semaphore, #tpu.memory_space<semaphore_mem>>)
    %dma_wait3A = arith.constant 0 : i32
    %dma_wait3A_15 = arith.constant 0 : i32
    %dma_wait3A_16 = tpu.memref_slice %arg3[%dma_wait3A, %dma_wait3A_15] : memref<1000000x32xf32, #tpu.memory_space<hbm>> -> memref<1000000x32xf32, #tpu.memory_space<hbm>>
    tpu.wait_indirect_dma semaphore(%arg10 : memref<!tpu.dma_semaphore, #tpu.memory_space<semaphore_mem>>) src(%dma_wait3A_16 : memref<1000000x32xf32, #tpu.memory_space<hbm>>) dst(%arg7 : memref<1600x32xf32, #tpu.memory_space<vmem>>)
    %scan3A = arith.constant 0 : i32
    %scan3A_17 = arith.constant 0 : i32
    %scan3A_18 = arith.constant 32 : i32
    %scan3A_19 = arith.addi %scan3A_17, %scan3A_18 : i32
    %scan3A_20 = arith.constant 1 : i32
    %scan3A_21 = scf.for %scan3A_275 = %scan3A_17 to %scan3A_19 step %scan3A_20 iter_args(%scan3A_276 = %scan3A) -> (i32)  : i32 {
      %scan3A_277 = arith.constant 0 : i32
      %scan3A_278 = arith.constant 50 : i32
      %scan3A_279 = arith.addi %scan3A_277, %scan3A_278 : i32
      %scan3A_280 = arith.constant 10 : i32
      %scan3A_281:2 = scf.for %scan3A_293 = %scan3A_277 to %scan3A_279 step %scan3A_280 iter_args(%scan3A_294 = %broadcast_in_dim3A_5, %scan3A_295 = %broadcast_in_dim3A_5) -> (vector<16xf32>, vector<16xf32>)  : i32 {
        %mul3A_296 = arith.constant 50 : i32
        %mul3A_297 = arith.muli %scan3A_275, %mul3A_296 : i32
        %add3A_298 = arith.addi %mul3A_297, %scan3A_293 : i32
        %get3A = arith.index_cast %add3A_298 : i32 to index
        %get3A_299 = arith.constant 0 : index
        %get3A_300 = tpu.vector_load %arg7[%get3A, %get3A_299] {strides = array<i32>} : memref<1600x32xf32, #tpu.memory_space<vmem>>, vector<1x16xf32>,
        %get3A_301 = vector.shape_cast %get3A_300 : vector<1x16xf32> to vector<16xf32>
        %add3A_302 = arith.addf %scan3A_294, %get3A_301 : vector<16xf32>
        %mul3A_303 = arith.constant 50 : i32
        %mul3A_304 = arith.muli %scan3A_275, %mul3A_303 : i32
        %add3A_305 = arith.addi %mul3A_304, %scan3A_293 : i32
        %get3A_306 = arith.index_cast %add3A_305 : i32 to index
        %get3A_307 = arith.constant 16 : index
        %get3A_308 = tpu.vector_load %arg7[%get3A_306, %get3A_307] {strides = array<i32>} : memref<1600x32xf32, #tpu.memory_space<vmem>>, vector<1x16xf32>,
        %get3A_309 = vector.shape_cast %get3A_308 : vector<1x16xf32> to vector<16xf32>
        %add3A_310 = arith.addf %scan3A_295, %get3A_309 : vector<16xf32>
        %scan3A_311 = arith.constant 1 : i32
        %scan3A_312 = arith.addi %scan3A_293, %scan3A_311 : i32
        %mul3A_313 = arith.constant 50 : i32
        %mul3A_314 = arith.muli %scan3A_275, %mul3A_313 : i32
        %add3A_315 = arith.addi %mul3A_314, %scan3A_312 : i32
        %get3A_316 = arith.index_cast %add3A_315 : i32 to index
        %get3A_317 = arith.constant 0 : index
        %get3A_318 = tpu.vector_load %arg7[%get3A_316, %get3A_317] {strides = array<i32>} : memref<1600x32xf32, #tpu.memory_space<vmem>>, vector<1x16xf32>,
        %get3A_319 = vector.shape_cast %get3A_318 : vector<1x16xf32> to vector<16xf32>
        %add3A_320 = arith.addf %add3A_302, %get3A_319 : vector<16xf32>
        %mul3A_321 = arith.constant 50 : i32
        %mul3A_322 = arith.muli %scan3A_275, %mul3A_321 : i32
        %add3A_323 = arith.addi %mul3A_322, %scan3A_312 : i32
        %get3A_324 = arith.index_cast %add3A_323 : i32 to index
        %get3A_325 = arith.constant 16 : index
        %get3A_326 = tpu.vector_load %arg7[%get3A_324, %get3A_325] {strides = array<i32>} : memref<1600x32xf32, #tpu.memory_space<vmem>>, vector<1x16xf32>,
        %get3A_327 = vector.shape_cast %get3A_326 : vector<1x16xf32> to vector<16xf32>
        %add3A_328 = arith.addf %add3A_310, %get3A_327 : vector<16xf32>
        %scan3A_329 = arith.constant 2 : i32
        %scan3A_330 = arith.addi %scan3A_293, %scan3A_329 : i32
        %mul3A_331 = arith.constant 50 : i32
        %mul3A_332 = arith.muli %scan3A_275, %mul3A_331 : i32
        %add3A_333 = arith.addi %mul3A_332, %scan3A_330 : i32
        %get3A_334 = arith.index_cast %add3A_333 : i32 to index
        %get3A_335 = arith.constant 0 : index
        %get3A_336 = tpu.vector_load %arg7[%get3A_334, %get3A_335] {strides = array<i32>} : memref<1600x32xf32, #tpu.memory_space<vmem>>, vector<1x16xf32>,
        %get3A_337 = vector.shape_cast %get3A_336 : vector<1x16xf32> to vector<16xf32>
        %add3A_338 = arith.addf %add3A_320, %get3A_337 : vector<16xf32>
        %mul3A_339 = arith.constant 50 : i32
        %mul3A_340 = arith.muli %scan3A_275, %mul3A_339 : i32
        %add3A_341 = arith.addi %mul3A_340, %scan3A_330 : i32
        %get3A_342 = arith.index_cast %add3A_341 : i32 to index
        %get3A_343 = arith.constant 16 : index
        %get3A_344 = tpu.vector_load %arg7[%get3A_342, %get3A_343] {strides = array<i32>} : memref<1600x32xf32, #tpu.memory_space<vmem>>, vector<1x16xf32>,
        %get3A_345 = vector.shape_cast %get3A_344 : vector<1x16xf32> to vector<16xf32>
        %add3A_346 = arith.addf %add3A_328, %get3A_345 : vector<16xf32>
        %scan3A_347 = arith.constant 3 : i32
        %scan3A_348 = arith.addi %scan3A_293, %scan3A_347 : i32
        %mul3A_349 = arith.constant 50 : i32
        %mul3A_350 = arith.muli %scan3A_275, %mul3A_349 : i32
        %add3A_351 = arith.addi %mul3A_350, %scan3A_348 : i32
        %get3A_352 = arith.index_cast %add3A_351 : i32 to index
        %get3A_353 = arith.constant 0 : index
        %get3A_354 = tpu.vector_load %arg7[%get3A_352, %get3A_353] {strides = array<i32>} : memref<1600x32xf32, #tpu.memory_space<vmem>>, vector<1x16xf32>,
        %get3A_355 = vector.shape_cast %get3A_354 : vector<1x16xf32> to vector<16xf32>
        %add3A_356 = arith.addf %add3A_338, %get3A_355 : vector<16xf32>
        %mul3A_357 = arith.constant 50 : i32
        %mul3A_358 = arith.muli %scan3A_275, %mul3A_357 : i32
        %add3A_359 = arith.addi %mul3A_358, %scan3A_348 : i32
        %get3A_360 = arith.index_cast %add3A_359 : i32 to index
        %get3A_361 = arith.constant 16 : index
        %get3A_362 = tpu.vector_load %arg7[%get3A_360, %get3A_361] {strides = array<i32>} : memref<1600x32xf32, #tpu.memory_space<vmem>>, vector<1x16xf32>,
        %get3A_363 = vector.shape_cast %get3A_362 : vector<1x16xf32> to vector<16xf32>
        %add3A_364 = arith.addf %add3A_346, %get3A_363 : vector<16xf32>
        %scan3A_365 = arith.constant 4 : i32
        %scan3A_366 = arith.addi %scan3A_293, %scan3A_365 : i32
        %mul3A_367 = arith.constant 50 : i32
        %mul3A_368 = arith.muli %scan3A_275, %mul3A_367 : i32
        %add3A_369 = arith.addi %mul3A_368, %scan3A_366 : i32
        %get3A_370 = arith.index_cast %add3A_369 : i32 to index
        %get3A_371 = arith.constant 0 : index
        %get3A_372 = tpu.vector_load %arg7[%get3A_370, %get3A_371] {strides = array<i32>} : memref<1600x32xf32, #tpu.memory_space<vmem>>, vector<1x16xf32>,
        %get3A_373 = vector.shape_cast %get3A_372 : vector<1x16xf32> to vector<16xf32>
        %add3A_374 = arith.addf %add3A_356, %get3A_373 : vector<16xf32>
        %mul3A_375 = arith.constant 50 : i32
        %mul3A_376 = arith.muli %scan3A_275, %mul3A_375 : i32
        %add3A_377 = arith.addi %mul3A_376, %scan3A_366 : i32
        %get3A_378 = arith.index_cast %add3A_377 : i32 to index
        %get3A_379 = arith.constant 16 : index
        %get3A_380 = tpu.vector_load %arg7[%get3A_378, %get3A_379] {strides = array<i32>} : memref<1600x32xf32, #tpu.memory_space<vmem>>, vector<1x16xf32>,
        %get3A_381 = vector.shape_cast %get3A_380 : vector<1x16xf32> to vector<16xf32>
        %add3A_382 = arith.addf %add3A_364, %get3A_381 : vector<16xf32>
        %scan3A_383 = arith.constant 5 : i32
        %scan3A_384 = arith.addi %scan3A_293, %scan3A_383 : i32
        %mul3A_385 = arith.constant 50 : i32
        %mul3A_386 = arith.muli %scan3A_275, %mul3A_385 : i32
        %add3A_387 = arith.addi %mul3A_386, %scan3A_384 : i32
        %get3A_388 = arith.index_cast %add3A_387 : i32 to index
        %get3A_389 = arith.constant 0 : index
        %get3A_390 = tpu.vector_load %arg7[%get3A_388, %get3A_389] {strides = array<i32>} : memref<1600x32xf32, #tpu.memory_space<vmem>>, vector<1x16xf32>,
        %get3A_391 = vector.shape_cast %get3A_390 : vector<1x16xf32> to vector<16xf32>
        %add3A_392 = arith.addf %add3A_374, %get3A_391 : vector<16xf32>
        %mul3A_393 = arith.constant 50 : i32
        %mul3A_394 = arith.muli %scan3A_275, %mul3A_393 : i32
        %add3A_395 = arith.addi %mul3A_394, %scan3A_384 : i32
        %get3A_396 = arith.index_cast %add3A_395 : i32 to index
        %get3A_397 = arith.constant 16 : index
        %get3A_398 = tpu.vector_load %arg7[%get3A_396, %get3A_397] {strides = array<i32>} : memref<1600x32xf32, #tpu.memory_space<vmem>>, vector<1x16xf32>,
        %get3A_399 = vector.shape_cast %get3A_398 : vector<1x16xf32> to vector<16xf32>
        %add3A_400 = arith.addf %add3A_382, %get3A_399 : vector<16xf32>
        %scan3A_401 = arith.constant 6 : i32
        %scan3A_402 = arith.addi %scan3A_293, %scan3A_401 : i32
        %mul3A_403 = arith.constant 50 : i32
        %mul3A_404 = arith.muli %scan3A_275, %mul3A_403 : i32
        %add3A_405 = arith.addi %mul3A_404, %scan3A_402 : i32
        %get3A_406 = arith.index_cast %add3A_405 : i32 to index
        %get3A_407 = arith.constant 0 : index
        %get3A_408 = tpu.vector_load %arg7[%get3A_406, %get3A_407] {strides = array<i32>} : memref<1600x32xf32, #tpu.memory_space<vmem>>, vector<1x16xf32>,
        %get3A_409 = vector.shape_cast %get3A_408 : vector<1x16xf32> to vector<16xf32>
        %add3A_410 = arith.addf %add3A_392, %get3A_409 : vector<16xf32>
        %mul3A_411 = arith.constant 50 : i32
        %mul3A_412 = arith.muli %scan3A_275, %mul3A_411 : i32
        %add3A_413 = arith.addi %mul3A_412, %scan3A_402 : i32
        %get3A_414 = arith.index_cast %add3A_413 : i32 to index
        %get3A_415 = arith.constant 16 : index
        %get3A_416 = tpu.vector_load %arg7[%get3A_414, %get3A_415] {strides = array<i32>} : memref<1600x32xf32, #tpu.memory_space<vmem>>, vector<1x16xf32>,
        %get3A_417 = vector.shape_cast %get3A_416 : vector<1x16xf32> to vector<16xf32>
        %add3A_418 = arith.addf %add3A_400, %get3A_417 : vector<16xf32>
        %scan3A_419 = arith.constant 7 : i32
        %scan3A_420 = arith.addi %scan3A_293, %scan3A_419 : i32
        %mul3A_421 = arith.constant 50 : i32
        %mul3A_422 = arith.muli %scan3A_275, %mul3A_421 : i32
        %add3A_423 = arith.addi %mul3A_422, %scan3A_420 : i32
        %get3A_424 = arith.index_cast %add3A_423 : i32 to index
        %get3A_425 = arith.constant 0 : index
        %get3A_426 = tpu.vector_load %arg7[%get3A_424, %get3A_425] {strides = array<i32>} : memref<1600x32xf32, #tpu.memory_space<vmem>>, vector<1x16xf32>,
        %get3A_427 = vector.shape_cast %get3A_426 : vector<1x16xf32> to vector<16xf32>
        %add3A_428 = arith.addf %add3A_410, %get3A_427 : vector<16xf32>
        %mul3A_429 = arith.constant 50 : i32
        %mul3A_430 = arith.muli %scan3A_275, %mul3A_429 : i32
        %add3A_431 = arith.addi %mul3A_430, %scan3A_420 : i32
        %get3A_432 = arith.index_cast %add3A_431 : i32 to index
        %get3A_433 = arith.constant 16 : index
        %get3A_434 = tpu.vector_load %arg7[%get3A_432, %get3A_433] {strides = array<i32>} : memref<1600x32xf32, #tpu.memory_space<vmem>>, vector<1x16xf32>,
        %get3A_435 = vector.shape_cast %get3A_434 : vector<1x16xf32> to vector<16xf32>
        %add3A_436 = arith.addf %add3A_418, %get3A_435 : vector<16xf32>
        %scan3A_437 = arith.constant 8 : i32
        %scan3A_438 = arith.addi %scan3A_293, %scan3A_437 : i32
        %mul3A_439 = arith.constant 50 : i32
        %mul3A_440 = arith.muli %scan3A_275, %mul3A_439 : i32
        %add3A_441 = arith.addi %mul3A_440, %scan3A_438 : i32
        %get3A_442 = arith.index_cast %add3A_441 : i32 to index
        %get3A_443 = arith.constant 0 : index
        %get3A_444 = tpu.vector_load %arg7[%get3A_442, %get3A_443] {strides = array<i32>} : memref<1600x32xf32, #tpu.memory_space<vmem>>, vector<1x16xf32>,
        %get3A_445 = vector.shape_cast %get3A_444 : vector<1x16xf32> to vector<16xf32>
        %add3A_446 = arith.addf %add3A_428, %get3A_445 : vector<16xf32>
        %mul3A_447 = arith.constant 50 : i32
        %mul3A_448 = arith.muli %scan3A_275, %mul3A_447 : i32
        %add3A_449 = arith.addi %mul3A_448, %scan3A_438 : i32
        %get3A_450 = arith.index_cast %add3A_449 : i32 to index
        %get3A_451 = arith.constant 16 : index
        %get3A_452 = tpu.vector_load %arg7[%get3A_450, %get3A_451] {strides = array<i32>} : memref<1600x32xf32, #tpu.memory_space<vmem>>, vector<1x16xf32>,
        %get3A_453 = vector.shape_cast %get3A_452 : vector<1x16xf32> to vector<16xf32>
        %add3A_454 = arith.addf %add3A_436, %get3A_453 : vector<16xf32>
        %scan3A_455 = arith.constant 9 : i32
        %scan3A_456 = arith.addi %scan3A_293, %scan3A_455 : i32
        %mul3A_457 = arith.constant 50 : i32
        %mul3A_458 = arith.muli %scan3A_275, %mul3A_457 : i32
        %add3A_459 = arith.addi %mul3A_458, %scan3A_456 : i32
        %get3A_460 = arith.index_cast %add3A_459 : i32 to index
        %get3A_461 = arith.constant 0 : index
        %get3A_462 = tpu.vector_load %arg7[%get3A_460, %get3A_461] {strides = array<i32>} : memref<1600x32xf32, #tpu.memory_space<vmem>>, vector<1x16xf32>,
        %get3A_463 = vector.shape_cast %get3A_462 : vector<1x16xf32> to vector<16xf32>
        %add3A_464 = arith.addf %add3A_446, %get3A_463 : vector<16xf32>
        %mul3A_465 = arith.constant 50 : i32
        %mul3A_466 = arith.muli %scan3A_275, %mul3A_465 : i32
        %add3A_467 = arith.addi %mul3A_466, %scan3A_456 : i32
        %get3A_468 = arith.index_cast %add3A_467 : i32 to index
        %get3A_469 = arith.constant 16 : index
        %get3A_470 = tpu.vector_load %arg7[%get3A_468, %get3A_469] {strides = array<i32>} : memref<1600x32xf32, #tpu.memory_space<vmem>>, vector<1x16xf32>,
        %get3A_471 = vector.shape_cast %get3A_470 : vector<1x16xf32> to vector<16xf32>
        %add3A_472 = arith.addf %add3A_454, %get3A_471 : vector<16xf32>
        scf.yield %add3A_464, %add3A_472 : vector<16xf32>, vector<16xf32>
      }
      %scan3A_282 = arith.constant 50 : i32
      %swap3A = arith.index_cast %scan3A_275 : i32 to index
      %swap3A_283 = arith.constant 0 : index
      %swap3A_284 = tpu.vector_load %arg9[%swap3A, %swap3A_283] {strides = array<i32>} : memref<32x32xf32, #tpu.memory_space<vmem>>, vector<1x16xf32>,
      %swap3A_285 = vector.shape_cast %swap3A_284 : vector<1x16xf32> to vector<16xf32>
      %swap3A_286 = vector.shape_cast %scan3A_281#0 : vector<16xf32> to vector<1x16xf32>
      tpu.vector_store %arg9[%swap3A, %swap3A_283], %swap3A_286 {strides = array<i32>} : memref<32x32xf32, #tpu.memory_space<vmem>>, vector<1x16xf32>,
      %swap3A_287 = arith.index_cast %scan3A_275 : i32 to index
      %swap3A_288 = arith.constant 16 : index
      %swap3A_289 = tpu.vector_load %arg9[%swap3A_287, %swap3A_288] {strides = array<i32>} : memref<32x32xf32, #tpu.memory_space<vmem>>, vector<1x16xf32>,
      %swap3A_290 = vector.shape_cast %swap3A_289 : vector<1x16xf32> to vector<16xf32>
      %swap3A_291 = vector.shape_cast %scan3A_281#1 : vector<16xf32> to vector<1x16xf32>
      tpu.vector_store %arg9[%swap3A_287, %swap3A_288], %swap3A_291 {strides = array<i32>} : memref<32x32xf32, #tpu.memory_space<vmem>>, vector<1x16xf32>,
      %scan3A_292 = arith.constant 0 : i32
      scf.yield %scan3A_292 : i32
    }
    %scan3A_22 = arith.constant 32 : i32
    %add3A_23 = arith.constant 0 : i32
    %add3A_24 = arith.addi %mul3A_2, %add3A_23 : i32
    "tpu.region"() ({
      %run_scoped3A = tpu.sem_alloc : memref<!tpu.dma_semaphore, #tpu.memory_space<semaphore_mem>>
      %dma_start3A_275 = arith.constant 0 : i32
      %dma_start3A_276 = tpu.memref_slice %arg4[%add3A_24, %dma_start3A_275] : memref<16384x32xf32, #tpu.memory_space<hbm>> -> memref<32x32xf32, #tpu.memory_space<hbm>>
      %dma_start3A_277 = arith.constant 0 : i32
      %dma_start3A_278 = tpu.memref_slice %arg4[%add3A_24, %dma_start3A_277] : memref<16384x32xf32, #tpu.memory_space<hbm>> -> memref<32x32xf32, #tpu.memory_space<hbm>>
      tpu.enqueue_dma source(%arg9 : memref<32x32xf32, #tpu.memory_space<vmem>>) target(%dma_start3A_278 : memref<32x32xf32, #tpu.memory_space<hbm>>) target_semaphore(%run_scoped3A : memref<!tpu.dma_semaphore, #tpu.memory_space<semaphore_mem>>)
      %dma_wait3A_279 = arith.constant 0 : i32
      %dma_wait3A_280 = tpu.memref_slice %arg4[%add3A_24, %dma_wait3A_279] : memref<16384x32xf32, #tpu.memory_space<hbm>> -> memref<32x32xf32, #tpu.memory_space<hbm>>
      %dma_wait3A_281 = arith.constant 0 : i32
      %dma_wait3A_282 = tpu.memref_slice %arg4[%add3A_24, %dma_wait3A_281] : memref<16384x32xf32, #tpu.memory_space<hbm>> -> memref<32x32xf32, #tpu.memory_space<hbm>>
      tpu.wait_dma2 semaphore(%run_scoped3A : memref<!tpu.dma_semaphore, #tpu.memory_space<semaphore_mem>>) src(%arg9 : memref<32x32xf32, #tpu.memory_space<vmem>>) dst(%dma_wait3A_282 : memref<32x32xf32, #tpu.memory_space<hbm>>)
      tpu.yield
    }) : () -> ()
    %add3A_25 = arith.constant 3200 : i32
    %add3A_26 = arith.addi %mul3A_4, %add3A_25 : i32
    "tpu.region"() ({
      %run_scoped3A = tpu.sem_alloc : memref<!tpu.dma_semaphore, #tpu.memory_space<semaphore_mem>>
      %dma_start3A_275 = tpu.memref_slice %arg2[%add3A_26] : memref<819200xi32, #tpu.memory_space<hbm>> -> memref<1600xi32, #tpu.memory_space<hbm>>
      %dma_start3A_276 = tpu.memref_slice %arg2[%add3A_26] : memref<819200xi32, #tpu.memory_space<hbm>> -> memref<1600xi32, #tpu.memory_space<hbm>>
      tpu.enqueue_dma source(%dma_start3A_276 : memref<1600xi32, #tpu.memory_space<hbm>>) target(%arg5 : memref<1600xi32, #tpu.memory_space<vmem>>) target_semaphore(%run_scoped3A : memref<!tpu.dma_semaphore, #tpu.memory_space<semaphore_mem>>)
      %dma_wait3A_277 = tpu.memref_slice %arg2[%add3A_26] : memref<819200xi32, #tpu.memory_space<hbm>> -> memref<1600xi32, #tpu.memory_space<hbm>>
      %dma_wait3A_278 = tpu.memref_slice %arg2[%add3A_26] : memref<819200xi32, #tpu.memory_space<hbm>> -> memref<1600xi32, #tpu.memory_space<hbm>>
      tpu.wait_dma2 semaphore(%run_scoped3A : memref<!tpu.dma_semaphore, #tpu.memory_space<semaphore_mem>>) src(%dma_wait3A_278 : memref<1600xi32, #tpu.memory_space<hbm>>) dst(%arg5 : memref<1600xi32, #tpu.memory_space<vmem>>)
      tpu.yield
    }) : () -> ()
    %dma_start3A_27 = arith.constant 0 : i32
    %dma_start3A_28 = arith.constant 0 : i32
    %dma_start3A_29 = tpu.memref_slice %arg3[%dma_start3A_27, %dma_start3A_28] : memref<1000000x32xf32, #tpu.memory_space<hbm>> -> memref<1000000x32xf32, #tpu.memory_space<hbm>>
    tpu.enqueue_indirect_dma source(%dma_start3A_29 : memref<1000000x32xf32, #tpu.memory_space<hbm>>) target(%arg7 : memref<1600x32xf32, #tpu.memory_space<vmem>>) offsets(%arg5 : memref<1600xi32, #tpu.memory_space<vmem>>) semaphore(%arg10 : memref<!tpu.dma_semaphore, #tpu.memory_space<semaphore_mem>>)
    %dma_wait3A_30 = arith.constant 0 : i32
    %dma_wait3A_31 = arith.constant 0 : i32
    %dma_wait3A_32 = tpu.memref_slice %arg3[%dma_wait3A_30, %dma_wait3A_31] : memref<1000000x32xf32, #tpu.memory_space<hbm>> -> memref<1000000x32xf32, #tpu.memory_space<hbm>>
    tpu.wait_indirect_dma semaphore(%arg11 : memref<!tpu.dma_semaphore, #tpu.memory_space<semaphore_mem>>) src(%dma_wait3A_32 : memref<1000000x32xf32, #tpu.memory_space<hbm>>) dst(%arg8 : memref<1600x32xf32, #tpu.memory_space<vmem>>)
    %scan3A_33 = arith.constant 0 : i32
    %scan3A_34 = arith.constant 0 : i32
    %scan3A_35 = arith.constant 32 : i32
    %scan3A_36 = arith.addi %scan3A_34, %scan3A_35 : i32
    %scan3A_37 = arith.constant 1 : i32
    %scan3A_38 = scf.for %scan3A_275 = %scan3A_34 to %scan3A_36 step %scan3A_37 iter_args(%scan3A_276 = %scan3A_33) -> (i32)  : i32 {
      %scan3A_277 = arith.constant 0 : i32
      %scan3A_278 = arith.constant 50 : i32
      %scan3A_279 = arith.addi %scan3A_277, %scan3A_278 : i32
      %scan3A_280 = arith.constant 10 : i32
      %scan3A_281:2 = scf.for %scan3A_293 = %scan3A_277 to %scan3A_279 step %scan3A_280 iter_args(%scan3A_294 = %broadcast_in_dim3A_5, %scan3A_295 = %broadcast_in_dim3A_5) -> (vector<16xf32>, vector<16xf32>)  : i32 {
        %mul3A_296 = arith.constant 50 : i32
        %mul3A_297 = arith.muli %scan3A_275, %mul3A_296 : i32
        %add3A_298 = arith.addi %mul3A_297, %scan3A_293 : i32
        %get3A = arith.index_cast %add3A_298 : i32 to index
        %get3A_299 = arith.constant 0 : index
        %get3A_300 = tpu.vector_load %arg8[%get3A, %get3A_299] {strides = array<i32>} : memref<1600x32xf32, #tpu.memory_space<vmem>>, vector<1x16xf32>,
        %get3A_301 = vector.shape_cast %get3A_300 : vector<1x16xf32> to vector<16xf32>
        %add3A_302 = arith.addf %scan3A_294, %get3A_301 : vector<16xf32>
        %mul3A_303 = arith.constant 50 : i32
        %mul3A_304 = arith.muli %scan3A_275, %mul3A_303 : i32
        %add3A_305 = arith.addi %mul3A_304, %scan3A_293 : i32
        %get3A_306 = arith.index_cast %add3A_305 : i32 to index
        %get3A_307 = arith.constant 16 : index
        %get3A_308 = tpu.vector_load %arg8[%get3A_306, %get3A_307] {strides = array<i32>} : memref<1600x32xf32, #tpu.memory_space<vmem>>, vector<1x16xf32>,
        %get3A_309 = vector.shape_cast %get3A_308 : vector<1x16xf32> to vector<16xf32>
        %add3A_310 = arith.addf %scan3A_295, %get3A_309 : vector<16xf32>
        %scan3A_311 = arith.constant 1 : i32
        %scan3A_312 = arith.addi %scan3A_293, %scan3A_311 : i32
        %mul3A_313 = arith.constant 50 : i32
        %mul3A_314 = arith.muli %scan3A_275, %mul3A_313 : i32
        %add3A_315 = arith.addi %mul3A_314, %scan3A_312 : i32
        %get3A_316 = arith.index_cast %add3A_315 : i32 to index
        %get3A_317 = arith.constant 0 : index
        %get3A_318 = tpu.vector_load %arg8[%get3A_316, %get3A_317] {strides = array<i32>} : memref<1600x32xf32, #tpu.memory_space<vmem>>, vector<1x16xf32>,
        %get3A_319 = vector.shape_cast %get3A_318 : vector<1x16xf32> to vector<16xf32>
        %add3A_320 = arith.addf %add3A_302, %get3A_319 : vector<16xf32>
        %mul3A_321 = arith.constant 50 : i32
        %mul3A_322 = arith.muli %scan3A_275, %mul3A_321 : i32
        %add3A_323 = arith.addi %mul3A_322, %scan3A_312 : i32
        %get3A_324 = arith.index_cast %add3A_323 : i32 to index
        %get3A_325 = arith.constant 16 : index
        %get3A_326 = tpu.vector_load %arg8[%get3A_324, %get3A_325] {strides = array<i32>} : memref<1600x32xf32, #tpu.memory_space<vmem>>, vector<1x16xf32>,
        %get3A_327 = vector.shape_cast %get3A_326 : vector<1x16xf32> to vector<16xf32>
        %add3A_328 = arith.addf %add3A_310, %get3A_327 : vector<16xf32>
        %scan3A_329 = arith.constant 2 : i32
        %scan3A_330 = arith.addi %scan3A_293, %scan3A_329 : i32
        %mul3A_331 = arith.constant 50 : i32
        %mul3A_332 = arith.muli %scan3A_275, %mul3A_331 : i32
        %add3A_333 = arith.addi %mul3A_332, %scan3A_330 : i32
        %get3A_334 = arith.index_cast %add3A_333 : i32 to index
        %get3A_335 = arith.constant 0 : index
        %get3A_336 = tpu.vector_load %arg8[%get3A_334, %get3A_335] {strides = array<i32>} : memref<1600x32xf32, #tpu.memory_space<vmem>>, vector<1x16xf32>,
        %get3A_337 = vector.shape_cast %get3A_336 : vector<1x16xf32> to vector<16xf32>
        %add3A_338 = arith.addf %add3A_320, %get3A_337 : vector<16xf32>
        %mul3A_339 = arith.constant 50 : i32
        %mul3A_340 = arith.muli %scan3A_275, %mul3A_339 : i32
        %add3A_341 = arith.addi %mul3A_340, %scan3A_330 : i32
        %get3A_342 = arith.index_cast %add3A_341 : i32 to index
        %get3A_343 = arith.constant 16 : index
        %get3A_344 = tpu.vector_load %arg8[%get3A_342, %get3A_343] {strides = array<i32>} : memref<1600x32xf32, #tpu.memory_space<vmem>>, vector<1x16xf32>,
        %get3A_345 = vector.shape_cast %get3A_344 : vector<1x16xf32> to vector<16xf32>
        %add3A_346 = arith.addf %add3A_328, %get3A_345 : vector<16xf32>
        %scan3A_347 = arith.constant 3 : i32
        %scan3A_348 = arith.addi %scan3A_293, %scan3A_347 : i32
        %mul3A_349 = arith.constant 50 : i32
        %mul3A_350 = arith.muli %scan3A_275, %mul3A_349 : i32
        %add3A_351 = arith.addi %mul3A_350, %scan3A_348 : i32
        %get3A_352 = arith.index_cast %add3A_351 : i32 to index
        %get3A_353 = arith.constant 0 : index
        %get3A_354 = tpu.vector_load %arg8[%get3A_352, %get3A_353] {strides = array<i32>} : memref<1600x32xf32, #tpu.memory_space<vmem>>, vector<1x16xf32>,
        %get3A_355 = vector.shape_cast %get3A_354 : vector<1x16xf32> to vector<16xf32>
        %add3A_356 = arith.addf %add3A_338, %get3A_355 : vector<16xf32>
        %mul3A_357 = arith.constant 50 : i32
        %mul3A_358 = arith.muli %scan3A_275, %mul3A_357 : i32
        %add3A_359 = arith.addi %mul3A_358, %scan3A_348 : i32
        %get3A_360 = arith.index_cast %add3A_359 : i32 to index
        %get3A_361 = arith.constant 16 : index
        %get3A_362 = tpu.vector_load %arg8[%get3A_360, %get3A_361] {strides = array<i32>} : memref<1600x32xf32, #tpu.memory_space<vmem>>, vector<1x16xf32>,
        %get3A_363 = vector.shape_cast %get3A_362 : vector<1x16xf32> to vector<16xf32>
        %add3A_364 = arith.addf %add3A_346, %get3A_363 : vector<16xf32>
        %scan3A_365 = arith.constant 4 : i32
        %scan3A_366 = arith.addi %scan3A_293, %scan3A_365 : i32
        %mul3A_367 = arith.constant 50 : i32
        %mul3A_368 = arith.muli %scan3A_275, %mul3A_367 : i32
        %add3A_369 = arith.addi %mul3A_368, %scan3A_366 : i32
        %get3A_370 = arith.index_cast %add3A_369 : i32 to index
        %get3A_371 = arith.constant 0 : index
        %get3A_372 = tpu.vector_load %arg8[%get3A_370, %get3A_371] {strides = array<i32>} : memref<1600x32xf32, #tpu.memory_space<vmem>>, vector<1x16xf32>,
        %get3A_373 = vector.shape_cast %get3A_372 : vector<1x16xf32> to vector<16xf32>
        %add3A_374 = arith.addf %add3A_356, %get3A_373 : vector<16xf32>
        %mul3A_375 = arith.constant 50 : i32
        %mul3A_376 = arith.muli %scan3A_275, %mul3A_375 : i32
        %add3A_377 = arith.addi %mul3A_376, %scan3A_366 : i32
        %get3A_378 = arith.index_cast %add3A_377 : i32 to index
        %get3A_379 = arith.constant 16 : index
        %get3A_380 = tpu.vector_load %arg8[%get3A_378, %get3A_379] {strides = array<i32>} : memref<1600x32xf32, #tpu.memory_space<vmem>>, vector<1x16xf32>,
        %get3A_381 = vector.shape_cast %get3A_380 : vector<1x16xf32> to vector<16xf32>
        %add3A_382 = arith.addf %add3A_364, %get3A_381 : vector<16xf32>
        %scan3A_383 = arith.constant 5 : i32
        %scan3A_384 = arith.addi %scan3A_293, %scan3A_383 : i32
        %mul3A_385 = arith.constant 50 : i32
        %mul3A_386 = arith.muli %scan3A_275, %mul3A_385 : i32
        %add3A_387 = arith.addi %mul3A_386, %scan3A_384 : i32
        %get3A_388 = arith.index_cast %add3A_387 : i32 to index
        %get3A_389 = arith.constant 0 : index
        %get3A_390 = tpu.vector_load %arg8[%get3A_388, %get3A_389] {strides = array<i32>} : memref<1600x32xf32, #tpu.memory_space<vmem>>, vector<1x16xf32>,
        %get3A_391 = vector.shape_cast %get3A_390 : vector<1x16xf32> to vector<16xf32>
        %add3A_392 = arith.addf %add3A_374, %get3A_391 : vector<16xf32>
        %mul3A_393 = arith.constant 50 : i32
        %mul3A_394 = arith.muli %scan3A_275, %mul3A_393 : i32
        %add3A_395 = arith.addi %mul3A_394, %scan3A_384 : i32
        %get3A_396 = arith.index_cast %add3A_395 : i32 to index
        %get3A_397 = arith.constant 16 : index
        %get3A_398 = tpu.vector_load %arg8[%get3A_396, %get3A_397] {strides = array<i32>} : memref<1600x32xf32, #tpu.memory_space<vmem>>, vector<1x16xf32>,
        %get3A_399 = vector.shape_cast %get3A_398 : vector<1x16xf32> to vector<16xf32>
        %add3A_400 = arith.addf %add3A_382, %get3A_399 : vector<16xf32>
        %scan3A_401 = arith.constant 6 : i32
        %scan3A_402 = arith.addi %scan3A_293, %scan3A_401 : i32
        %mul3A_403 = arith.constant 50 : i32
        %mul3A_404 = arith.muli %scan3A_275, %mul3A_403 : i32
        %add3A_405 = arith.addi %mul3A_404, %scan3A_402 : i32
        %get3A_406 = arith.index_cast %add3A_405 : i32 to index
        %get3A_407 = arith.constant 0 : index
        %get3A_408 = tpu.vector_load %arg8[%get3A_406, %get3A_407] {strides = array<i32>} : memref<1600x32xf32, #tpu.memory_space<vmem>>, vector<1x16xf32>,
        %get3A_409 = vector.shape_cast %get3A_408 : vector<1x16xf32> to vector<16xf32>
        %add3A_410 = arith.addf %add3A_392, %get3A_409 : vector<16xf32>
        %mul3A_411 = arith.constant 50 : i32
        %mul3A_412 = arith.muli %scan3A_275, %mul3A_411 : i32
        %add3A_413 = arith.addi %mul3A_412, %scan3A_402 : i32
        %get3A_414 = arith.index_cast %add3A_413 : i32 to index
        %get3A_415 = arith.constant 16 : index
        %get3A_416 = tpu.vector_load %arg8[%get3A_414, %get3A_415] {strides = array<i32>} : memref<1600x32xf32, #tpu.memory_space<vmem>>, vector<1x16xf32>,
        %get3A_417 = vector.shape_cast %get3A_416 : vector<1x16xf32> to vector<16xf32>
        %add3A_418 = arith.addf %add3A_400, %get3A_417 : vector<16xf32>
        %scan3A_419 = arith.constant 7 : i32
        %scan3A_420 = arith.addi %scan3A_293, %scan3A_419 : i32
        %mul3A_421 = arith.constant 50 : i32
        %mul3A_422 = arith.muli %scan3A_275, %mul3A_421 : i32
        %add3A_423 = arith.addi %mul3A_422, %scan3A_420 : i32
        %get3A_424 = arith.index_cast %add3A_423 : i32 to index
        %get3A_425 = arith.constant 0 : index
        %get3A_426 = tpu.vector_load %arg8[%get3A_424, %get3A_425] {strides = array<i32>} : memref<1600x32xf32, #tpu.memory_space<vmem>>, vector<1x16xf32>,
        %get3A_427 = vector.shape_cast %get3A_426 : vector<1x16xf32> to vector<16xf32>
        %add3A_428 = arith.addf %add3A_410, %get3A_427 : vector<16xf32>
        %mul3A_429 = arith.constant 50 : i32
        %mul3A_430 = arith.muli %scan3A_275, %mul3A_429 : i32
        %add3A_431 = arith.addi %mul3A_430, %scan3A_420 : i32
        %get3A_432 = arith.index_cast %add3A_431 : i32 to index
        %get3A_433 = arith.constant 16 : index
        %get3A_434 = tpu.vector_load %arg8[%get3A_432, %get3A_433] {strides = array<i32>} : memref<1600x32xf32, #tpu.memory_space<vmem>>, vector<1x16xf32>,
        %get3A_435 = vector.shape_cast %get3A_434 : vector<1x16xf32> to vector<16xf32>
        %add3A_436 = arith.addf %add3A_418, %get3A_435 : vector<16xf32>
        %scan3A_437 = arith.constant 8 : i32
        %scan3A_438 = arith.addi %scan3A_293, %scan3A_437 : i32
        %mul3A_439 = arith.constant 50 : i32
        %mul3A_440 = arith.muli %scan3A_275, %mul3A_439 : i32
        %add3A_441 = arith.addi %mul3A_440, %scan3A_438 : i32
        %get3A_442 = arith.index_cast %add3A_441 : i32 to index
        %get3A_443 = arith.constant 0 : index
        %get3A_444 = tpu.vector_load %arg8[%get3A_442, %get3A_443] {strides = array<i32>} : memref<1600x32xf32, #tpu.memory_space<vmem>>, vector<1x16xf32>,
        %get3A_445 = vector.shape_cast %get3A_444 : vector<1x16xf32> to vector<16xf32>
        %add3A_446 = arith.addf %add3A_428, %get3A_445 : vector<16xf32>
        %mul3A_447 = arith.constant 50 : i32
        %mul3A_448 = arith.muli %scan3A_275, %mul3A_447 : i32
        %add3A_449 = arith.addi %mul3A_448, %scan3A_438 : i32
        %get3A_450 = arith.index_cast %add3A_449 : i32 to index
        %get3A_451 = arith.constant 16 : index
        %get3A_452 = tpu.vector_load %arg8[%get3A_450, %get3A_451] {strides = array<i32>} : memref<1600x32xf32, #tpu.memory_space<vmem>>, vector<1x16xf32>,
        %get3A_453 = vector.shape_cast %get3A_452 : vector<1x16xf32> to vector<16xf32>
        %add3A_454 = arith.addf %add3A_436, %get3A_453 : vector<16xf32>
        %scan3A_455 = arith.constant 9 : i32
        %scan3A_456 = arith.addi %scan3A_293, %scan3A_455 : i32
        %mul3A_457 = arith.constant 50 : i32
        %mul3A_458 = arith.muli %scan3A_275, %mul3A_457 : i32
        %add3A_459 = arith.addi %mul3A_458, %scan3A_456 : i32
        %get3A_460 = arith.index_cast %add3A_459 : i32 to index
        %get3A_461 = arith.constant 0 : index
        %get3A_462 = tpu.vector_load %arg8[%get3A_460, %get3A_461] {strides = array<i32>} : memref<1600x32xf32, #tpu.memory_space<vmem>>, vector<1x16xf32>,
        %get3A_463 = vector.shape_cast %get3A_462 : vector<1x16xf32> to vector<16xf32>
        %add3A_464 = arith.addf %add3A_446, %get3A_463 : vector<16xf32>
        %mul3A_465 = arith.constant 50 : i32
        %mul3A_466 = arith.muli %scan3A_275, %mul3A_465 : i32
        %add3A_467 = arith.addi %mul3A_466, %scan3A_456 : i32
        %get3A_468 = arith.index_cast %add3A_467 : i32 to index
        %get3A_469 = arith.constant 16 : index
        %get3A_470 = tpu.vector_load %arg8[%get3A_468, %get3A_469] {strides = array<i32>} : memref<1600x32xf32, #tpu.memory_space<vmem>>, vector<1x16xf32>,
        %get3A_471 = vector.shape_cast %get3A_470 : vector<1x16xf32> to vector<16xf32>
        %add3A_472 = arith.addf %add3A_454, %get3A_471 : vector<16xf32>
        scf.yield %add3A_464, %add3A_472 : vector<16xf32>, vector<16xf32>
      }
      %scan3A_282 = arith.constant 50 : i32
      %swap3A = arith.index_cast %scan3A_275 : i32 to index
      %swap3A_283 = arith.constant 0 : index
      %swap3A_284 = tpu.vector_load %arg9[%swap3A, %swap3A_283] {strides = array<i32>} : memref<32x32xf32, #tpu.memory_space<vmem>>, vector<1x16xf32>,
      %swap3A_285 = vector.shape_cast %swap3A_284 : vector<1x16xf32> to vector<16xf32>
      %swap3A_286 = vector.shape_cast %scan3A_281#0 : vector<16xf32> to vector<1x16xf32>
      tpu.vector_store %arg9[%swap3A, %swap3A_283], %swap3A_286 {strides = array<i32>} : memref<32x32xf32, #tpu.memory_space<vmem>>, vector<1x16xf32>,
      %swap3A_287 = arith.index_cast %scan3A_275 : i32 to index
      %swap3A_288 = arith.constant 16 : index
      %swap3A_289 = tpu.vector_load %arg9[%swap3A_287, %swap3A_288] {strides = array<i32>} : memref<32x32xf32, #tpu.memory_space<vmem>>, vector<1x16xf32>,
      %swap3A_290 = vector.shape_cast %swap3A_289 : vector<1x16xf32> to vector<16xf32>
      %swap3A_291 = vector.shape_cast %scan3A_281#1 : vector<16xf32> to vector<1x16xf32>
      tpu.vector_store %arg9[%swap3A_287, %swap3A_288], %swap3A_291 {strides = array<i32>} : memref<32x32xf32, #tpu.memory_space<vmem>>, vector<1x16xf32>,
      %scan3A_292 = arith.constant 0 : i32
      scf.yield %scan3A_292 : i32
    }
    %scan3A_39 = arith.constant 32 : i32
    %add3A_40 = arith.constant 32 : i32
    %add3A_41 = arith.addi %mul3A_2, %add3A_40 : i32
    "tpu.region"() ({
      %run_scoped3A = tpu.sem_alloc : memref<!tpu.dma_semaphore, #tpu.memory_space<semaphore_mem>>
      %dma_start3A_275 = arith.constant 0 : i32
      %dma_start3A_276 = tpu.memref_slice %arg4[%add3A_41, %dma_start3A_275] : memref<16384x32xf32, #tpu.memory_space<hbm>> -> memref<32x32xf32, #tpu.memory_space<hbm>>
      %dma_start3A_277 = arith.constant 0 : i32
      %dma_start3A_278 = tpu.memref_slice %arg4[%add3A_41, %dma_start3A_277] : memref<16384x32xf32, #tpu.memory_space<hbm>> -> memref<32x32xf32, #tpu.memory_space<hbm>>
      tpu.enqueue_dma source(%arg9 : memref<32x32xf32, #tpu.memory_space<vmem>>) target(%dma_start3A_278 : memref<32x32xf32, #tpu.memory_space<hbm>>) target_semaphore(%run_scoped3A : memref<!tpu.dma_semaphore, #tpu.memory_space<semaphore_mem>>)
      %dma_wait3A_279 = arith.constant 0 : i32
      %dma_wait3A_280 = tpu.memref_slice %arg4[%add3A_41, %dma_wait3A_279] : memref<16384x32xf32, #tpu.memory_space<hbm>> -> memref<32x32xf32, #tpu.memory_space<hbm>>
      %dma_wait3A_281 = arith.constant 0 : i32
      %dma_wait3A_282 = tpu.memref_slice %arg4[%add3A_41, %dma_wait3A_281] : memref<16384x32xf32, #tpu.memory_space<hbm>> -> memref<32x32xf32, #tpu.memory_space<hbm>>
      tpu.wait_dma2 semaphore(%run_scoped3A : memref<!tpu.dma_semaphore, #tpu.memory_space<semaphore_mem>>) src(%arg9 : memref<32x32xf32, #tpu.memory_space<vmem>>) dst(%dma_wait3A_282 : memref<32x32xf32, #tpu.memory_space<hbm>>)
      tpu.yield
    }) : () -> ()
    %add3A_42 = arith.constant 4800 : i32
    %add3A_43 = arith.addi %mul3A_4, %add3A_42 : i32
    "tpu.region"() ({
      %run_scoped3A = tpu.sem_alloc : memref<!tpu.dma_semaphore, #tpu.memory_space<semaphore_mem>>
      %dma_start3A_275 = tpu.memref_slice %arg2[%add3A_43] : memref<819200xi32, #tpu.memory_space<hbm>> -> memref<1600xi32, #tpu.memory_space<hbm>>
      %dma_start3A_276 = tpu.memref_slice %arg2[%add3A_43] : memref<819200xi32, #tpu.memory_space<hbm>> -> memref<1600xi32, #tpu.memory_space<hbm>>
      tpu.enqueue_dma source(%dma_start3A_276 : memref<1600xi32, #tpu.memory_space<hbm>>) target(%arg6 : memref<1600xi32, #tpu.memory_space<vmem>>) target_semaphore(%run_scoped3A : memref<!tpu.dma_semaphore, #tpu.memory_space<semaphore_mem>>)
      %dma_wait3A_277 = tpu.memref_slice %arg2[%add3A_43] : memref<819200xi32, #tpu.memory_space<hbm>> -> memref<1600xi32, #tpu.memory_space<hbm>>
      %dma_wait3A_278 = tpu.memref_slice %arg2[%add3A_43] : memref<819200xi32, #tpu.memory_space<hbm>> -> memref<1600xi32, #tpu.memory_space<hbm>>
      tpu.wait_dma2 semaphore(%run_scoped3A : memref<!tpu.dma_semaphore, #tpu.memory_space<semaphore_mem>>) src(%dma_wait3A_278 : memref<1600xi32, #tpu.memory_space<hbm>>) dst(%arg6 : memref<1600xi32, #tpu.memory_space<vmem>>)
      tpu.yield
    }) : () -> ()
    %dma_start3A_44 = arith.constant 0 : i32
    %dma_start3A_45 = arith.constant 0 : i32
    %dma_start3A_46 = tpu.memref_slice %arg3[%dma_start3A_44, %dma_start3A_45] : memref<1000000x32xf32, #tpu.memory_space<hbm>> -> memref<1000000x32xf32, #tpu.memory_space<hbm>>
    tpu.enqueue_indirect_dma source(%dma_start3A_46 : memref<1000000x32xf32, #tpu.memory_space<hbm>>) target(%arg8 : memref<1600x32xf32, #tpu.memory_space<vmem>>) offsets(%arg6 : memref<1600xi32, #tpu.memory_space<vmem>>) semaphore(%arg11 : memref<!tpu.dma_semaphore, #tpu.memory_space<semaphore_mem>>)
    %dma_wait3A_47 = arith.constant 0 : i32
    %dma_wait3A_48 = arith.constant 0 : i32
    %dma_wait3A_49 = tpu.memref_slice %arg3[%dma_wait3A_47, %dma_wait3A_48] : memref<1000000x32xf32, #tpu.memory_space<hbm>> -> memref<1000000x32xf32, #tpu.memory_space<hbm>>
    tpu.wait_indirect_dma semaphore(%arg10 : memref<!tpu.dma_semaphore, #tpu.memory_space<semaphore_mem>>) src(%dma_wait3A_49 : memref<1000000x32xf32, #tpu.memory_space<hbm>>) dst(%arg7 : memref<1600x32xf32, #tpu.memory_space<vmem>>)
    %scan3A_50 = arith.constant 0 : i32
    %scan3A_51 = arith.constant 0 : i32
    %scan3A_52 = arith.constant 32 : i32
    %scan3A_53 = arith.addi %scan3A_51, %scan3A_52 : i32
    %scan3A_54 = arith.constant 1 : i32
    %scan3A_55 = scf.for %scan3A_275 = %scan3A_51 to %scan3A_53 step %scan3A_54 iter_args(%scan3A_276 = %scan3A_50) -> (i32)  : i32 {
      %scan3A_277 = arith.constant 0 : i32
      %scan3A_278 = arith.constant 50 : i32
      %scan3A_279 = arith.addi %scan3A_277, %scan3A_278 : i32
      %scan3A_280 = arith.constant 10 : i32
      %scan3A_281:2 = scf.for %scan3A_293 = %scan3A_277 to %scan3A_279 step %scan3A_280 iter_args(%scan3A_294 = %broadcast_in_dim3A_5, %scan3A_295 = %broadcast_in_dim3A_5) -> (vector<16xf32>, vector<16xf32>)  : i32 {
        %mul3A_296 = arith.constant 50 : i32
        %mul3A_297 = arith.muli %scan3A_275, %mul3A_296 : i32
        %add3A_298 = arith.addi %mul3A_297, %scan3A_293 : i32
        %get3A = arith.index_cast %add3A_298 : i32 to index
        %get3A_299 = arith.constant 0 : index
        %get3A_300 = tpu.vector_load %arg7[%get3A, %get3A_299] {strides = array<i32>} : memref<1600x32xf32, #tpu.memory_space<vmem>>, vector<1x16xf32>,
        %get3A_301 = vector.shape_cast %get3A_300 : vector<1x16xf32> to vector<16xf32>
        %add3A_302 = arith.addf %scan3A_294, %get3A_301 : vector<16xf32>
        %mul3A_303 = arith.constant 50 : i32
        %mul3A_304 = arith.muli %scan3A_275, %mul3A_303 : i32
        %add3A_305 = arith.addi %mul3A_304, %scan3A_293 : i32
        %get3A_306 = arith.index_cast %add3A_305 : i32 to index
        %get3A_307 = arith.constant 16 : index
        %get3A_308 = tpu.vector_load %arg7[%get3A_306, %get3A_307] {strides = array<i32>} : memref<1600x32xf32, #tpu.memory_space<vmem>>, vector<1x16xf32>,
        %get3A_309 = vector.shape_cast %get3A_308 : vector<1x16xf32> to vector<16xf32>
        %add3A_310 = arith.addf %scan3A_295, %get3A_309 : vector<16xf32>
        %scan3A_311 = arith.constant 1 : i32
        %scan3A_312 = arith.addi %scan3A_293, %scan3A_311 : i32
        %mul3A_313 = arith.constant 50 : i32
        %mul3A_314 = arith.muli %scan3A_275, %mul3A_313 : i32
        %add3A_315 = arith.addi %mul3A_314, %scan3A_312 : i32
        %get3A_316 = arith.index_cast %add3A_315 : i32 to index
        %get3A_317 = arith.constant 0 : index
        %get3A_318 = tpu.vector_load %arg7[%get3A_316, %get3A_317] {strides = array<i32>} : memref<1600x32xf32, #tpu.memory_space<vmem>>, vector<1x16xf32>,
        %get3A_319 = vector.shape_cast %get3A_318 : vector<1x16xf32> to vector<16xf32>
        %add3A_320 = arith.addf %add3A_302, %get3A_319 : vector<16xf32>
        %mul3A_321 = arith.constant 50 : i32
        %mul3A_322 = arith.muli %scan3A_275, %mul3A_321 : i32
        %add3A_323 = arith.addi %mul3A_322, %scan3A_312 : i32
        %get3A_324 = arith.index_cast %add3A_323 : i32 to index
        %get3A_325 = arith.constant 16 : index
        %get3A_326 = tpu.vector_load %arg7[%get3A_324, %get3A_325] {strides = array<i32>} : memref<1600x32xf32, #tpu.memory_space<vmem>>, vector<1x16xf32>,
        %get3A_327 = vector.shape_cast %get3A_326 : vector<1x16xf32> to vector<16xf32>
        %add3A_328 = arith.addf %add3A_310, %get3A_327 : vector<16xf32>
        %scan3A_329 = arith.constant 2 : i32
        %scan3A_330 = arith.addi %scan3A_293, %scan3A_329 : i32
        %mul3A_331 = arith.constant 50 : i32
        %mul3A_332 = arith.muli %scan3A_275, %mul3A_331 : i32
        %add3A_333 = arith.addi %mul3A_332, %scan3A_330 : i32
        %get3A_334 = arith.index_cast %add3A_333 : i32 to index
        %get3A_335 = arith.constant 0 : index
        %get3A_336 = tpu.vector_load %arg7[%get3A_334, %get3A_335] {strides = array<i32>} : memref<1600x32xf32, #tpu.memory_space<vmem>>, vector<1x16xf32>,
        %get3A_337 = vector.shape_cast %get3A_336 : vector<1x16xf32> to vector<16xf32>
        %add3A_338 = arith.addf %add3A_320, %get3A_337 : vector<16xf32>
        %mul3A_339 = arith.constant 50 : i32
        %mul3A_340 = arith.muli %scan3A_275, %mul3A_339 : i32
        %add3A_341 = arith.addi %mul3A_340, %scan3A_330 : i32
        %get3A_342 = arith.index_cast %add3A_341 : i32 to index
        %get3A_343 = arith.constant 16 : index
        %get3A_344 = tpu.vector_load %arg7[%get3A_342, %get3A_343] {strides = array<i32>} : memref<1600x32xf32, #tpu.memory_space<vmem>>, vector<1x16xf32>,
        %get3A_345 = vector.shape_cast %get3A_344 : vector<1x16xf32> to vector<16xf32>
        %add3A_346 = arith.addf %add3A_328, %get3A_345 : vector<16xf32>
        %scan3A_347 = arith.constant 3 : i32
        %scan3A_348 = arith.addi %scan3A_293, %scan3A_347 : i32
        %mul3A_349 = arith.constant 50 : i32
        %mul3A_350 = arith.muli %scan3A_275, %mul3A_349 : i32
        %add3A_351 = arith.addi %mul3A_350, %scan3A_348 : i32
        %get3A_352 = arith.index_cast %add3A_351 : i32 to index
        %get3A_353 = arith.constant 0 : index
        %get3A_354 = tpu.vector_load %arg7[%get3A_352, %get3A_353] {strides = array<i32>} : memref<1600x32xf32, #tpu.memory_space<vmem>>, vector<1x16xf32>,
        %get3A_355 = vector.shape_cast %get3A_354 : vector<1x16xf32> to vector<16xf32>
        %add3A_356 = arith.addf %add3A_338, %get3A_355 : vector<16xf32>
        %mul3A_357 = arith.constant 50 : i32
        %mul3A_358 = arith.muli %scan3A_275, %mul3A_357 : i32
        %add3A_359 = arith.addi %mul3A_358, %scan3A_348 : i32
        %get3A_360 = arith.index_cast %add3A_359 : i32 to index
        %get3A_361 = arith.constant 16 : index
        %get3A_362 = tpu.vector_load %arg7[%get3A_360, %get3A_361] {strides = array<i32>} : memref<1600x32xf32, #tpu.memory_space<vmem>>, vector<1x16xf32>,
        %get3A_363 = vector.shape_cast %get3A_362 : vector<1x16xf32> to vector<16xf32>
        %add3A_364 = arith.addf %add3A_346, %get3A_363 : vector<16xf32>
        %scan3A_365 = arith.constant 4 : i32
        %scan3A_366 = arith.addi %scan3A_293, %scan3A_365 : i32
        %mul3A_367 = arith.constant 50 : i32
        %mul3A_368 = arith.muli %scan3A_275, %mul3A_367 : i32
        %add3A_369 = arith.addi %mul3A_368, %scan3A_366 : i32
        %get3A_370 = arith.index_cast %add3A_369 : i32 to index
        %get3A_371 = arith.constant 0 : index
        %get3A_372 = tpu.vector_load %arg7[%get3A_370, %get3A_371] {strides = array<i32>} : memref<1600x32xf32, #tpu.memory_space<vmem>>, vector<1x16xf32>,
        %get3A_373 = vector.shape_cast %get3A_372 : vector<1x16xf32> to vector<16xf32>
        %add3A_374 = arith.addf %add3A_356, %get3A_373 : vector<16xf32>
        %mul3A_375 = arith.constant 50 : i32
        %mul3A_376 = arith.muli %scan3A_275, %mul3A_375 : i32
        %add3A_377 = arith.addi %mul3A_376, %scan3A_366 : i32
        %get3A_378 = arith.index_cast %add3A_377 : i32 to index
        %get3A_379 = arith.constant 16 : index
        %get3A_380 = tpu.vector_load %arg7[%get3A_378, %get3A_379] {strides = array<i32>} : memref<1600x32xf32, #tpu.memory_space<vmem>>, vector<1x16xf32>,
        %get3A_381 = vector.shape_cast %get3A_380 : vector<1x16xf32> to vector<16xf32>
        %add3A_382 = arith.addf %add3A_364, %get3A_381 : vector<16xf32>
        %scan3A_383 = arith.constant 5 : i32
        %scan3A_384 = arith.addi %scan3A_293, %scan3A_383 : i32
        %mul3A_385 = arith.constant 50 : i32
        %mul3A_386 = arith.muli %scan3A_275, %mul3A_385 : i32
        %add3A_387 = arith.addi %mul3A_386, %scan3A_384 : i32
        %get3A_388 = arith.index_cast %add3A_387 : i32 to index
        %get3A_389 = arith.constant 0 : index
        %get3A_390 = tpu.vector_load %arg7[%get3A_388, %get3A_389] {strides = array<i32>} : memref<1600x32xf32, #tpu.memory_space<vmem>>, vector<1x16xf32>,
        %get3A_391 = vector.shape_cast %get3A_390 : vector<1x16xf32> to vector<16xf32>
        %add3A_392 = arith.addf %add3A_374, %get3A_391 : vector<16xf32>
        %mul3A_393 = arith.constant 50 : i32
        %mul3A_394 = arith.muli %scan3A_275, %mul3A_393 : i32
        %add3A_395 = arith.addi %mul3A_394, %scan3A_384 : i32
        %get3A_396 = arith.index_cast %add3A_395 : i32 to index
        %get3A_397 = arith.constant 16 : index
        %get3A_398 = tpu.vector_load %arg7[%get3A_396, %get3A_397] {strides = array<i32>} : memref<1600x32xf32, #tpu.memory_space<vmem>>, vector<1x16xf32>,
        %get3A_399 = vector.shape_cast %get3A_398 : vector<1x16xf32> to vector<16xf32>
        %add3A_400 = arith.addf %add3A_382, %get3A_399 : vector<16xf32>
        %scan3A_401 = arith.constant 6 : i32
        %scan3A_402 = arith.addi %scan3A_293, %scan3A_401 : i32
        %mul3A_403 = arith.constant 50 : i32
        %mul3A_404 = arith.muli %scan3A_275, %mul3A_403 : i32
        %add3A_405 = arith.addi %mul3A_404, %scan3A_402 : i32
        %get3A_406 = arith.index_cast %add3A_405 : i32 to index
        %get3A_407 = arith.constant 0 : index
        %get3A_408 = tpu.vector_load %arg7[%get3A_406, %get3A_407] {strides = array<i32>} : memref<1600x32xf32, #tpu.memory_space<vmem>>, vector<1x16xf32>,
        %get3A_409 = vector.shape_cast %get3A_408 : vector<1x16xf32> to vector<16xf32>
        %add3A_410 = arith.addf %add3A_392, %get3A_409 : vector<16xf32>
        %mul3A_411 = arith.constant 50 : i32
        %mul3A_412 = arith.muli %scan3A_275, %mul3A_411 : i32
        %add3A_413 = arith.addi %mul3A_412, %scan3A_402 : i32
        %get3A_414 = arith.index_cast %add3A_413 : i32 to index
        %get3A_415 = arith.constant 16 : index
        %get3A_416 = tpu.vector_load %arg7[%get3A_414, %get3A_415] {strides = array<i32>} : memref<1600x32xf32, #tpu.memory_space<vmem>>, vector<1x16xf32>,
        %get3A_417 = vector.shape_cast %get3A_416 : vector<1x16xf32> to vector<16xf32>
        %add3A_418 = arith.addf %add3A_400, %get3A_417 : vector<16xf32>
        %scan3A_419 = arith.constant 7 : i32
        %scan3A_420 = arith.addi %scan3A_293, %scan3A_419 : i32
        %mul3A_421 = arith.constant 50 : i32
        %mul3A_422 = arith.muli %scan3A_275, %mul3A_421 : i32
        %add3A_423 = arith.addi %mul3A_422, %scan3A_420 : i32
        %get3A_424 = arith.index_cast %add3A_423 : i32 to index
        %get3A_425 = arith.constant 0 : index
        %get3A_426 = tpu.vector_load %arg7[%get3A_424, %get3A_425] {strides = array<i32>} : memref<1600x32xf32, #tpu.memory_space<vmem>>, vector<1x16xf32>,
        %get3A_427 = vector.shape_cast %get3A_426 : vector<1x16xf32> to vector<16xf32>
        %add3A_428 = arith.addf %add3A_410, %get3A_427 : vector<16xf32>
        %mul3A_429 = arith.constant 50 : i32
        %mul3A_430 = arith.muli %scan3A_275, %mul3A_429 : i32
        %add3A_431 = arith.addi %mul3A_430, %scan3A_420 : i32
        %get3A_432 = arith.index_cast %add3A_431 : i32 to index
        %get3A_433 = arith.constant 16 : index
        %get3A_434 = tpu.vector_load %arg7[%get3A_432, %get3A_433] {strides = array<i32>} : memref<1600x32xf32, #tpu.memory_space<vmem>>, vector<1x16xf32>,
        %get3A_435 = vector.shape_cast %get3A_434 : vector<1x16xf32> to vector<16xf32>
        %add3A_436 = arith.addf %add3A_418, %get3A_435 : vector<16xf32>
        %scan3A_437 = arith.constant 8 : i32
        %scan3A_438 = arith.addi %scan3A_293, %scan3A_437 : i32
        %mul3A_439 = arith.constant 50 : i32
        %mul3A_440 = arith.muli %scan3A_275, %mul3A_439 : i32
        %add3A_441 = arith.addi %mul3A_440, %scan3A_438 : i32
        %get3A_442 = arith.index_cast %add3A_441 : i32 to index
        %get3A_443 = arith.constant 0 : index
        %get3A_444 = tpu.vector_load %arg7[%get3A_442, %get3A_443] {strides = array<i32>} : memref<1600x32xf32, #tpu.memory_space<vmem>>, vector<1x16xf32>,
        %get3A_445 = vector.shape_cast %get3A_444 : vector<1x16xf32> to vector<16xf32>
        %add3A_446 = arith.addf %add3A_428, %get3A_445 : vector<16xf32>
        %mul3A_447 = arith.constant 50 : i32
        %mul3A_448 = arith.muli %scan3A_275, %mul3A_447 : i32
        %add3A_449 = arith.addi %mul3A_448, %scan3A_438 : i32
        %get3A_450 = arith.index_cast %add3A_449 : i32 to index
        %get3A_451 = arith.constant 16 : index
        %get3A_452 = tpu.vector_load %arg7[%get3A_450, %get3A_451] {strides = array<i32>} : memref<1600x32xf32, #tpu.memory_space<vmem>>, vector<1x16xf32>,
        %get3A_453 = vector.shape_cast %get3A_452 : vector<1x16xf32> to vector<16xf32>
        %add3A_454 = arith.addf %add3A_436, %get3A_453 : vector<16xf32>
        %scan3A_455 = arith.constant 9 : i32
        %scan3A_456 = arith.addi %scan3A_293, %scan3A_455 : i32
        %mul3A_457 = arith.constant 50 : i32
        %mul3A_458 = arith.muli %scan3A_275, %mul3A_457 : i32
        %add3A_459 = arith.addi %mul3A_458, %scan3A_456 : i32
        %get3A_460 = arith.index_cast %add3A_459 : i32 to index
        %get3A_461 = arith.constant 0 : index
        %get3A_462 = tpu.vector_load %arg7[%get3A_460, %get3A_461] {strides = array<i32>} : memref<1600x32xf32, #tpu.memory_space<vmem>>, vector<1x16xf32>,
        %get3A_463 = vector.shape_cast %get3A_462 : vector<1x16xf32> to vector<16xf32>
        %add3A_464 = arith.addf %add3A_446, %get3A_463 : vector<16xf32>
        %mul3A_465 = arith.constant 50 : i32
        %mul3A_466 = arith.muli %scan3A_275, %mul3A_465 : i32
        %add3A_467 = arith.addi %mul3A_466, %scan3A_456 : i32
        %get3A_468 = arith.index_cast %add3A_467 : i32 to index
        %get3A_469 = arith.constant 16 : index
        %get3A_470 = tpu.vector_load %arg7[%get3A_468, %get3A_469] {strides = array<i32>} : memref<1600x32xf32, #tpu.memory_space<vmem>>, vector<1x16xf32>,
        %get3A_471 = vector.shape_cast %get3A_470 : vector<1x16xf32> to vector<16xf32>
        %add3A_472 = arith.addf %add3A_454, %get3A_471 : vector<16xf32>
        scf.yield %add3A_464, %add3A_472 : vector<16xf32>, vector<16xf32>
      }
      %scan3A_282 = arith.constant 50 : i32
      %swap3A = arith.index_cast %scan3A_275 : i32 to index
      %swap3A_283 = arith.constant 0 : index
      %swap3A_284 = tpu.vector_load %arg9[%swap3A, %swap3A_283] {strides = array<i32>} : memref<32x32xf32, #tpu.memory_space<vmem>>, vector<1x16xf32>,
      %swap3A_285 = vector.shape_cast %swap3A_284 : vector<1x16xf32> to vector<16xf32>
      %swap3A_286 = vector.shape_cast %scan3A_281#0 : vector<16xf32> to vector<1x16xf32>
      tpu.vector_store %arg9[%swap3A, %swap3A_283], %swap3A_286 {strides = array<i32>} : memref<32x32xf32, #tpu.memory_space<vmem>>, vector<1x16xf32>,
      %swap3A_287 = arith.index_cast %scan3A_275 : i32 to index
      %swap3A_288 = arith.constant 16 : index
      %swap3A_289 = tpu.vector_load %arg9[%swap3A_287, %swap3A_288] {strides = array<i32>} : memref<32x32xf32, #tpu.memory_space<vmem>>, vector<1x16xf32>,
      %swap3A_290 = vector.shape_cast %swap3A_289 : vector<1x16xf32> to vector<16xf32>
      %swap3A_291 = vector.shape_cast %scan3A_281#1 : vector<16xf32> to vector<1x16xf32>
      tpu.vector_store %arg9[%swap3A_287, %swap3A_288], %swap3A_291 {strides = array<i32>} : memref<32x32xf32, #tpu.memory_space<vmem>>, vector<1x16xf32>,
      %scan3A_292 = arith.constant 0 : i32
      scf.yield %scan3A_292 : i32
    }
    %scan3A_56 = arith.constant 32 : i32
    %add3A_57 = arith.constant 64 : i32
    %add3A_58 = arith.addi %mul3A_2, %add3A_57 : i32
    "tpu.region"() ({
      %run_scoped3A = tpu.sem_alloc : memref<!tpu.dma_semaphore, #tpu.memory_space<semaphore_mem>>
      %dma_start3A_275 = arith.constant 0 : i32
      %dma_start3A_276 = tpu.memref_slice %arg4[%add3A_58, %dma_start3A_275] : memref<16384x32xf32, #tpu.memory_space<hbm>> -> memref<32x32xf32, #tpu.memory_space<hbm>>
      %dma_start3A_277 = arith.constant 0 : i32
      %dma_start3A_278 = tpu.memref_slice %arg4[%add3A_58, %dma_start3A_277] : memref<16384x32xf32, #tpu.memory_space<hbm>> -> memref<32x32xf32, #tpu.memory_space<hbm>>
      tpu.enqueue_dma source(%arg9 : memref<32x32xf32, #tpu.memory_space<vmem>>) target(%dma_start3A_278 : memref<32x32xf32, #tpu.memory_space<hbm>>) target_semaphore(%run_scoped3A : memref<!tpu.dma_semaphore, #tpu.memory_space<semaphore_mem>>)
      %dma_wait3A_279 = arith.constant 0 : i32
      %dma_wait3A_280 = tpu.memref_slice %arg4[%add3A_58, %dma_wait3A_279] : memref<16384x32xf32, #tpu.memory_space<hbm>> -> memref<32x32xf32, #tpu.memory_space<hbm>>
      %dma_wait3A_281 = arith.constant 0 : i32
      %dma_wait3A_282 = tpu.memref_slice %arg4[%add3A_58, %dma_wait3A_281] : memref<16384x32xf32, #tpu.memory_space<hbm>> -> memref<32x32xf32, #tpu.memory_space<hbm>>
      tpu.wait_dma2 semaphore(%run_scoped3A : memref<!tpu.dma_semaphore, #tpu.memory_space<semaphore_mem>>) src(%arg9 : memref<32x32xf32, #tpu.memory_space<vmem>>) dst(%dma_wait3A_282 : memref<32x32xf32, #tpu.memory_space<hbm>>)
      tpu.yield
    }) : () -> ()
    %add3A_59 = arith.constant 6400 : i32
    %add3A_60 = arith.addi %mul3A_4, %add3A_59 : i32
    "tpu.region"() ({
      %run_scoped3A = tpu.sem_alloc : memref<!tpu.dma_semaphore, #tpu.memory_space<semaphore_mem>>
      %dma_start3A_275 = tpu.memref_slice %arg2[%add3A_60] : memref<819200xi32, #tpu.memory_space<hbm>> -> memref<1600xi32, #tpu.memory_space<hbm>>
      %dma_start3A_276 = tpu.memref_slice %arg2[%add3A_60] : memref<819200xi32, #tpu.memory_space<hbm>> -> memref<1600xi32, #tpu.memory_space<hbm>>
      tpu.enqueue_dma source(%dma_start3A_276 : memref<1600xi32, #tpu.memory_space<hbm>>) target(%arg5 : memref<1600xi32, #tpu.memory_space<vmem>>) target_semaphore(%run_scoped3A : memref<!tpu.dma_semaphore, #tpu.memory_space<semaphore_mem>>)
      %dma_wait3A_277 = tpu.memref_slice %arg2[%add3A_60] : memref<819200xi32, #tpu.memory_space<hbm>> -> memref<1600xi32, #tpu.memory_space<hbm>>
      %dma_wait3A_278 = tpu.memref_slice %arg2[%add3A_60] : memref<819200xi32, #tpu.memory_space<hbm>> -> memref<1600xi32, #tpu.memory_space<hbm>>
      tpu.wait_dma2 semaphore(%run_scoped3A : memref<!tpu.dma_semaphore, #tpu.memory_space<semaphore_mem>>) src(%dma_wait3A_278 : memref<1600xi32, #tpu.memory_space<hbm>>) dst(%arg5 : memref<1600xi32, #tpu.memory_space<vmem>>)
      tpu.yield
    }) : () -> ()
    %dma_start3A_61 = arith.constant 0 : i32
    %dma_start3A_62 = arith.constant 0 : i32
    %dma_start3A_63 = tpu.memref_slice %arg3[%dma_start3A_61, %dma_start3A_62] : memref<1000000x32xf32, #tpu.memory_space<hbm>> -> memref<1000000x32xf32, #tpu.memory_space<hbm>>
    tpu.enqueue_indirect_dma source(%dma_start3A_63 : memref<1000000x32xf32, #tpu.memory_space<hbm>>) target(%arg7 : memref<1600x32xf32, #tpu.memory_space<vmem>>) offsets(%arg5 : memref<1600xi32, #tpu.memory_space<vmem>>) semaphore(%arg10 : memref<!tpu.dma_semaphore, #tpu.memory_space<semaphore_mem>>)
    %dma_wait3A_64 = arith.constant 0 : i32
    %dma_wait3A_65 = arith.constant 0 : i32
    %dma_wait3A_66 = tpu.memref_slice %arg3[%dma_wait3A_64, %dma_wait3A_65] : memref<1000000x32xf32, #tpu.memory_space<hbm>> -> memref<1000000x32xf32, #tpu.memory_space<hbm>>
    tpu.wait_indirect_dma semaphore(%arg11 : memref<!tpu.dma_semaphore, #tpu.memory_space<semaphore_mem>>) src(%dma_wait3A_66 : memref<1000000x32xf32, #tpu.memory_space<hbm>>) dst(%arg8 : memref<1600x32xf32, #tpu.memory_space<vmem>>)
    %scan3A_67 = arith.constant 0 : i32
    %scan3A_68 = arith.constant 0 : i32
    %scan3A_69 = arith.constant 32 : i32
    %scan3A_70 = arith.addi %scan3A_68, %scan3A_69 : i32
    %scan3A_71 = arith.constant 1 : i32
    %scan3A_72 = scf.for %scan3A_275 = %scan3A_68 to %scan3A_70 step %scan3A_71 iter_args(%scan3A_276 = %scan3A_67) -> (i32)  : i32 {
      %scan3A_277 = arith.constant 0 : i32
      %scan3A_278 = arith.constant 50 : i32
      %scan3A_279 = arith.addi %scan3A_277, %scan3A_278 : i32
      %scan3A_280 = arith.constant 10 : i32
      %scan3A_281:2 = scf.for %scan3A_293 = %scan3A_277 to %scan3A_279 step %scan3A_280 iter_args(%scan3A_294 = %broadcast_in_dim3A_5, %scan3A_295 = %broadcast_in_dim3A_5) -> (vector<16xf32>, vector<16xf32>)  : i32 {
        %mul3A_296 = arith.constant 50 : i32
        %mul3A_297 = arith.muli %scan3A_275, %mul3A_296 : i32
        %add3A_298 = arith.addi %mul3A_297, %scan3A_293 : i32
        %get3A = arith.index_cast %add3A_298 : i32 to index
        %get3A_299 = arith.constant 0 : index
        %get3A_300 = tpu.vector_load %arg8[%get3A, %get3A_299] {strides = array<i32>} : memref<1600x32xf32, #tpu.memory_space<vmem>>, vector<1x16xf32>,
        %get3A_301 = vector.shape_cast %get3A_300 : vector<1x16xf32> to vector<16xf32>
        %add3A_302 = arith.addf %scan3A_294, %get3A_301 : vector<16xf32>
        %mul3A_303 = arith.constant 50 : i32
        %mul3A_304 = arith.muli %scan3A_275, %mul3A_303 : i32
        %add3A_305 = arith.addi %mul3A_304, %scan3A_293 : i32
        %get3A_306 = arith.index_cast %add3A_305 : i32 to index
        %get3A_307 = arith.constant 16 : index
        %get3A_308 = tpu.vector_load %arg8[%get3A_306, %get3A_307] {strides = array<i32>} : memref<1600x32xf32, #tpu.memory_space<vmem>>, vector<1x16xf32>,
        %get3A_309 = vector.shape_cast %get3A_308 : vector<1x16xf32> to vector<16xf32>
        %add3A_310 = arith.addf %scan3A_295, %get3A_309 : vector<16xf32>
        %scan3A_311 = arith.constant 1 : i32
        %scan3A_312 = arith.addi %scan3A_293, %scan3A_311 : i32
        %mul3A_313 = arith.constant 50 : i32
        %mul3A_314 = arith.muli %scan3A_275, %mul3A_313 : i32
        %add3A_315 = arith.addi %mul3A_314, %scan3A_312 : i32
        %get3A_316 = arith.index_cast %add3A_315 : i32 to index
        %get3A_317 = arith.constant 0 : index
        %get3A_318 = tpu.vector_load %arg8[%get3A_316, %get3A_317] {strides = array<i32>} : memref<1600x32xf32, #tpu.memory_space<vmem>>, vector<1x16xf32>,
        %get3A_319 = vector.shape_cast %get3A_318 : vector<1x16xf32> to vector<16xf32>
        %add3A_320 = arith.addf %add3A_302, %get3A_319 : vector<16xf32>
        %mul3A_321 = arith.constant 50 : i32
        %mul3A_322 = arith.muli %scan3A_275, %mul3A_321 : i32
        %add3A_323 = arith.addi %mul3A_322, %scan3A_312 : i32
        %get3A_324 = arith.index_cast %add3A_323 : i32 to index
        %get3A_325 = arith.constant 16 : index
        %get3A_326 = tpu.vector_load %arg8[%get3A_324, %get3A_325] {strides = array<i32>} : memref<1600x32xf32, #tpu.memory_space<vmem>>, vector<1x16xf32>,
        %get3A_327 = vector.shape_cast %get3A_326 : vector<1x16xf32> to vector<16xf32>
        %add3A_328 = arith.addf %add3A_310, %get3A_327 : vector<16xf32>
        %scan3A_329 = arith.constant 2 : i32
        %scan3A_330 = arith.addi %scan3A_293, %scan3A_329 : i32
        %mul3A_331 = arith.constant 50 : i32
        %mul3A_332 = arith.muli %scan3A_275, %mul3A_331 : i32
        %add3A_333 = arith.addi %mul3A_332, %scan3A_330 : i32
        %get3A_334 = arith.index_cast %add3A_333 : i32 to index
        %get3A_335 = arith.constant 0 : index
        %get3A_336 = tpu.vector_load %arg8[%get3A_334, %get3A_335] {strides = array<i32>} : memref<1600x32xf32, #tpu.memory_space<vmem>>, vector<1x16xf32>,
        %get3A_337 = vector.shape_cast %get3A_336 : vector<1x16xf32> to vector<16xf32>
        %add3A_338 = arith.addf %add3A_320, %get3A_337 : vector<16xf32>
        %mul3A_339 = arith.constant 50 : i32
        %mul3A_340 = arith.muli %scan3A_275, %mul3A_339 : i32
        %add3A_341 = arith.addi %mul3A_340, %scan3A_330 : i32
        %get3A_342 = arith.index_cast %add3A_341 : i32 to index
        %get3A_343 = arith.constant 16 : index
        %get3A_344 = tpu.vector_load %arg8[%get3A_342, %get3A_343] {strides = array<i32>} : memref<1600x32xf32, #tpu.memory_space<vmem>>, vector<1x16xf32>,
        %get3A_345 = vector.shape_cast %get3A_344 : vector<1x16xf32> to vector<16xf32>
        %add3A_346 = arith.addf %add3A_328, %get3A_345 : vector<16xf32>
        %scan3A_347 = arith.constant 3 : i32
        %scan3A_348 = arith.addi %scan3A_293, %scan3A_347 : i32
        %mul3A_349 = arith.constant 50 : i32
        %mul3A_350 = arith.muli %scan3A_275, %mul3A_349 : i32
        %add3A_351 = arith.addi %mul3A_350, %scan3A_348 : i32
        %get3A_352 = arith.index_cast %add3A_351 : i32 to index
        %get3A_353 = arith.constant 0 : index
        %get3A_354 = tpu.vector_load %arg8[%get3A_352, %get3A_353] {strides = array<i32>} : memref<1600x32xf32, #tpu.memory_space<vmem>>, vector<1x16xf32>,
        %get3A_355 = vector.shape_cast %get3A_354 : vector<1x16xf32> to vector<16xf32>
        %add3A_356 = arith.addf %add3A_338, %get3A_355 : vector<16xf32>
        %mul3A_357 = arith.constant 50 : i32
        %mul3A_358 = arith.muli %scan3A_275, %mul3A_357 : i32
        %add3A_359 = arith.addi %mul3A_358, %scan3A_348 : i32
        %get3A_360 = arith.index_cast %add3A_359 : i32 to index
        %get3A_361 = arith.constant 16 : index
        %get3A_362 = tpu.vector_load %arg8[%get3A_360, %get3A_361] {strides = array<i32>} : memref<1600x32xf32, #tpu.memory_space<vmem>>, vector<1x16xf32>,
        %get3A_363 = vector.shape_cast %get3A_362 : vector<1x16xf32> to vector<16xf32>
        %add3A_364 = arith.addf %add3A_346, %get3A_363 : vector<16xf32>
        %scan3A_365 = arith.constant 4 : i32
        %scan3A_366 = arith.addi %scan3A_293, %scan3A_365 : i32
        %mul3A_367 = arith.constant 50 : i32
        %mul3A_368 = arith.muli %scan3A_275, %mul3A_367 : i32
        %add3A_369 = arith.addi %mul3A_368, %scan3A_366 : i32
        %get3A_370 = arith.index_cast %add3A_369 : i32 to index
        %get3A_371 = arith.constant 0 : index
        %get3A_372 = tpu.vector_load %arg8[%get3A_370, %get3A_371] {strides = array<i32>} : memref<1600x32xf32, #tpu.memory_space<vmem>>, vector<1x16xf32>,
        %get3A_373 = vector.shape_cast %get3A_372 : vector<1x16xf32> to vector<16xf32>
        %add3A_374 = arith.addf %add3A_356, %get3A_373 : vector<16xf32>
        %mul3A_375 = arith.constant 50 : i32
        %mul3A_376 = arith.muli %scan3A_275, %mul3A_375 : i32
        %add3A_377 = arith.addi %mul3A_376, %scan3A_366 : i32
        %get3A_378 = arith.index_cast %add3A_377 : i32 to index
        %get3A_379 = arith.constant 16 : index
        %get3A_380 = tpu.vector_load %arg8[%get3A_378, %get3A_379] {strides = array<i32>} : memref<1600x32xf32, #tpu.memory_space<vmem>>, vector<1x16xf32>,
        %get3A_381 = vector.shape_cast %get3A_380 : vector<1x16xf32> to vector<16xf32>
        %add3A_382 = arith.addf %add3A_364, %get3A_381 : vector<16xf32>
        %scan3A_383 = arith.constant 5 : i32
        %scan3A_384 = arith.addi %scan3A_293, %scan3A_383 : i32
        %mul3A_385 = arith.constant 50 : i32
        %mul3A_386 = arith.muli %scan3A_275, %mul3A_385 : i32
        %add3A_387 = arith.addi %mul3A_386, %scan3A_384 : i32
        %get3A_388 = arith.index_cast %add3A_387 : i32 to index
        %get3A_389 = arith.constant 0 : index
        %get3A_390 = tpu.vector_load %arg8[%get3A_388, %get3A_389] {strides = array<i32>} : memref<1600x32xf32, #tpu.memory_space<vmem>>, vector<1x16xf32>,
        %get3A_391 = vector.shape_cast %get3A_390 : vector<1x16xf32> to vector<16xf32>
        %add3A_392 = arith.addf %add3A_374, %get3A_391 : vector<16xf32>
        %mul3A_393 = arith.constant 50 : i32
        %mul3A_394 = arith.muli %scan3A_275, %mul3A_393 : i32
        %add3A_395 = arith.addi %mul3A_394, %scan3A_384 : i32
        %get3A_396 = arith.index_cast %add3A_395 : i32 to index
        %get3A_397 = arith.constant 16 : index
        %get3A_398 = tpu.vector_load %arg8[%get3A_396, %get3A_397] {strides = array<i32>} : memref<1600x32xf32, #tpu.memory_space<vmem>>, vector<1x16xf32>,
        %get3A_399 = vector.shape_cast %get3A_398 : vector<1x16xf32> to vector<16xf32>
        %add3A_400 = arith.addf %add3A_382, %get3A_399 : vector<16xf32>
        %scan3A_401 = arith.constant 6 : i32
        %scan3A_402 = arith.addi %scan3A_293, %scan3A_401 : i32
        %mul3A_403 = arith.constant 50 : i32
        %mul3A_404 = arith.muli %scan3A_275, %mul3A_403 : i32
        %add3A_405 = arith.addi %mul3A_404, %scan3A_402 : i32
        %get3A_406 = arith.index_cast %add3A_405 : i32 to index
        %get3A_407 = arith.constant 0 : index
        %get3A_408 = tpu.vector_load %arg8[%get3A_406, %get3A_407] {strides = array<i32>} : memref<1600x32xf32, #tpu.memory_space<vmem>>, vector<1x16xf32>,
        %get3A_409 = vector.shape_cast %get3A_408 : vector<1x16xf32> to vector<16xf32>
        %add3A_410 = arith.addf %add3A_392, %get3A_409 : vector<16xf32>
        %mul3A_411 = arith.constant 50 : i32
        %mul3A_412 = arith.muli %scan3A_275, %mul3A_411 : i32
        %add3A_413 = arith.addi %mul3A_412, %scan3A_402 : i32
        %get3A_414 = arith.index_cast %add3A_413 : i32 to index
        %get3A_415 = arith.constant 16 : index
        %get3A_416 = tpu.vector_load %arg8[%get3A_414, %get3A_415] {strides = array<i32>} : memref<1600x32xf32, #tpu.memory_space<vmem>>, vector<1x16xf32>,
        %get3A_417 = vector.shape_cast %get3A_416 : vector<1x16xf32> to vector<16xf32>
        %add3A_418 = arith.addf %add3A_400, %get3A_417 : vector<16xf32>
        %scan3A_419 = arith.constant 7 : i32
        %scan3A_420 = arith.addi %scan3A_293, %scan3A_419 : i32
        %mul3A_421 = arith.constant 50 : i32
        %mul3A_422 = arith.muli %scan3A_275, %mul3A_421 : i32
        %add3A_423 = arith.addi %mul3A_422, %scan3A_420 : i32
        %get3A_424 = arith.index_cast %add3A_423 : i32 to index
        %get3A_425 = arith.constant 0 : index
        %get3A_426 = tpu.vector_load %arg8[%get3A_424, %get3A_425] {strides = array<i32>} : memref<1600x32xf32, #tpu.memory_space<vmem>>, vector<1x16xf32>,
        %get3A_427 = vector.shape_cast %get3A_426 : vector<1x16xf32> to vector<16xf32>
        %add3A_428 = arith.addf %add3A_410, %get3A_427 : vector<16xf32>
        %mul3A_429 = arith.constant 50 : i32
        %mul3A_430 = arith.muli %scan3A_275, %mul3A_429 : i32
        %add3A_431 = arith.addi %mul3A_430, %scan3A_420 : i32
        %get3A_432 = arith.index_cast %add3A_431 : i32 to index
        %get3A_433 = arith.constant 16 : index
        %get3A_434 = tpu.vector_load %arg8[%get3A_432, %get3A_433] {strides = array<i32>} : memref<1600x32xf32, #tpu.memory_space<vmem>>, vector<1x16xf32>,
        %get3A_435 = vector.shape_cast %get3A_434 : vector<1x16xf32> to vector<16xf32>
        %add3A_436 = arith.addf %add3A_418, %get3A_435 : vector<16xf32>
        %scan3A_437 = arith.constant 8 : i32
        %scan3A_438 = arith.addi %scan3A_293, %scan3A_437 : i32
        %mul3A_439 = arith.constant 50 : i32
        %mul3A_440 = arith.muli %scan3A_275, %mul3A_439 : i32
        %add3A_441 = arith.addi %mul3A_440, %scan3A_438 : i32
        %get3A_442 = arith.index_cast %add3A_441 : i32 to index
        %get3A_443 = arith.constant 0 : index
        %get3A_444 = tpu.vector_load %arg8[%get3A_442, %get3A_443] {strides = array<i32>} : memref<1600x32xf32, #tpu.memory_space<vmem>>, vector<1x16xf32>,
        %get3A_445 = vector.shape_cast %get3A_444 : vector<1x16xf32> to vector<16xf32>
        %add3A_446 = arith.addf %add3A_428, %get3A_445 : vector<16xf32>
        %mul3A_447 = arith.constant 50 : i32
        %mul3A_448 = arith.muli %scan3A_275, %mul3A_447 : i32
        %add3A_449 = arith.addi %mul3A_448, %scan3A_438 : i32
        %get3A_450 = arith.index_cast %add3A_449 : i32 to index
        %get3A_451 = arith.constant 16 : index
        %get3A_452 = tpu.vector_load %arg8[%get3A_450, %get3A_451] {strides = array<i32>} : memref<1600x32xf32, #tpu.memory_space<vmem>>, vector<1x16xf32>,
        %get3A_453 = vector.shape_cast %get3A_452 : vector<1x16xf32> to vector<16xf32>
        %add3A_454 = arith.addf %add3A_436, %get3A_453 : vector<16xf32>
        %scan3A_455 = arith.constant 9 : i32
        %scan3A_456 = arith.addi %scan3A_293, %scan3A_455 : i32
        %mul3A_457 = arith.constant 50 : i32
        %mul3A_458 = arith.muli %scan3A_275, %mul3A_457 : i32
        %add3A_459 = arith.addi %mul3A_458, %scan3A_456 : i32
        %get3A_460 = arith.index_cast %add3A_459 : i32 to index
        %get3A_461 = arith.constant 0 : index
        %get3A_462 = tpu.vector_load %arg8[%get3A_460, %get3A_461] {strides = array<i32>} : memref<1600x32xf32, #tpu.memory_space<vmem>>, vector<1x16xf32>,
        %get3A_463 = vector.shape_cast %get3A_462 : vector<1x16xf32> to vector<16xf32>
        %add3A_464 = arith.addf %add3A_446, %get3A_463 : vector<16xf32>
        %mul3A_465 = arith.constant 50 : i32
        %mul3A_466 = arith.muli %scan3A_275, %mul3A_465 : i32
        %add3A_467 = arith.addi %mul3A_466, %scan3A_456 : i32
        %get3A_468 = arith.index_cast %add3A_467 : i32 to index
        %get3A_469 = arith.constant 16 : index
        %get3A_470 = tpu.vector_load %arg8[%get3A_468, %get3A_469] {strides = array<i32>} : memref<1600x32xf32, #tpu.memory_space<vmem>>, vector<1x16xf32>,
        %get3A_471 = vector.shape_cast %get3A_470 : vector<1x16xf32> to vector<16xf32>
        %add3A_472 = arith.addf %add3A_454, %get3A_471 : vector<16xf32>
        scf.yield %add3A_464, %add3A_472 : vector<16xf32>, vector<16xf32>
      }
      %scan3A_282 = arith.constant 50 : i32
      %swap3A = arith.index_cast %scan3A_275 : i32 to index
      %swap3A_283 = arith.constant 0 : index
      %swap3A_284 = tpu.vector_load %arg9[%swap3A, %swap3A_283] {strides = array<i32>} : memref<32x32xf32, #tpu.memory_space<vmem>>, vector<1x16xf32>,
      %swap3A_285 = vector.shape_cast %swap3A_284 : vector<1x16xf32> to vector<16xf32>
      %swap3A_286 = vector.shape_cast %scan3A_281#0 : vector<16xf32> to vector<1x16xf32>
      tpu.vector_store %arg9[%swap3A, %swap3A_283], %swap3A_286 {strides = array<i32>} : memref<32x32xf32, #tpu.memory_space<vmem>>, vector<1x16xf32>,
      %swap3A_287 = arith.index_cast %scan3A_275 : i32 to index
      %swap3A_288 = arith.constant 16 : index
      %swap3A_289 = tpu.vector_load %arg9[%swap3A_287, %swap3A_288] {strides = array<i32>} : memref<32x32xf32, #tpu.memory_space<vmem>>, vector<1x16xf32>,
      %swap3A_290 = vector.shape_cast %swap3A_289 : vector<1x16xf32> to vector<16xf32>
      %swap3A_291 = vector.shape_cast %scan3A_281#1 : vector<16xf32> to vector<1x16xf32>
      tpu.vector_store %arg9[%swap3A_287, %swap3A_288], %swap3A_291 {strides = array<i32>} : memref<32x32xf32, #tpu.memory_space<vmem>>, vector<1x16xf32>,
      %scan3A_292 = arith.constant 0 : i32
      scf.yield %scan3A_292 : i32
    }
    %scan3A_73 = arith.constant 32 : i32
    %add3A_74 = arith.constant 96 : i32
    %add3A_75 = arith.addi %mul3A_2, %add3A_74 : i32
    "tpu.region"() ({
      %run_scoped3A = tpu.sem_alloc : memref<!tpu.dma_semaphore, #tpu.memory_space<semaphore_mem>>
      %dma_start3A_275 = arith.constant 0 : i32
      %dma_start3A_276 = tpu.memref_slice %arg4[%add3A_75, %dma_start3A_275] : memref<16384x32xf32, #tpu.memory_space<hbm>> -> memref<32x32xf32, #tpu.memory_space<hbm>>
      %dma_start3A_277 = arith.constant 0 : i32
      %dma_start3A_278 = tpu.memref_slice %arg4[%add3A_75, %dma_start3A_277] : memref<16384x32xf32, #tpu.memory_space<hbm>> -> memref<32x32xf32, #tpu.memory_space<hbm>>
      tpu.enqueue_dma source(%arg9 : memref<32x32xf32, #tpu.memory_space<vmem>>) target(%dma_start3A_278 : memref<32x32xf32, #tpu.memory_space<hbm>>) target_semaphore(%run_scoped3A : memref<!tpu.dma_semaphore, #tpu.memory_space<semaphore_mem>>)
      %dma_wait3A_279 = arith.constant 0 : i32
      %dma_wait3A_280 = tpu.memref_slice %arg4[%add3A_75, %dma_wait3A_279] : memref<16384x32xf32, #tpu.memory_space<hbm>> -> memref<32x32xf32, #tpu.memory_space<hbm>>
      %dma_wait3A_281 = arith.constant 0 : i32
      %dma_wait3A_282 = tpu.memref_slice %arg4[%add3A_75, %dma_wait3A_281] : memref<16384x32xf32, #tpu.memory_space<hbm>> -> memref<32x32xf32, #tpu.memory_space<hbm>>
      tpu.wait_dma2 semaphore(%run_scoped3A : memref<!tpu.dma_semaphore, #tpu.memory_space<semaphore_mem>>) src(%arg9 : memref<32x32xf32, #tpu.memory_space<vmem>>) dst(%dma_wait3A_282 : memref<32x32xf32, #tpu.memory_space<hbm>>)
      tpu.yield
    }) : () -> ()
    %add3A_76 = arith.constant 8000 : i32
    %add3A_77 = arith.addi %mul3A_4, %add3A_76 : i32
    "tpu.region"() ({
      %run_scoped3A = tpu.sem_alloc : memref<!tpu.dma_semaphore, #tpu.memory_space<semaphore_mem>>
      %dma_start3A_275 = tpu.memref_slice %arg2[%add3A_77] : memref<819200xi32, #tpu.memory_space<hbm>> -> memref<1600xi32, #tpu.memory_space<hbm>>
      %dma_start3A_276 = tpu.memref_slice %arg2[%add3A_77] : memref<819200xi32, #tpu.memory_space<hbm>> -> memref<1600xi32, #tpu.memory_space<hbm>>
      tpu.enqueue_dma source(%dma_start3A_276 : memref<1600xi32, #tpu.memory_space<hbm>>) target(%arg6 : memref<1600xi32, #tpu.memory_space<vmem>>) target_semaphore(%run_scoped3A : memref<!tpu.dma_semaphore, #tpu.memory_space<semaphore_mem>>)
      %dma_wait3A_277 = tpu.memref_slice %arg2[%add3A_77] : memref<819200xi32, #tpu.memory_space<hbm>> -> memref<1600xi32, #tpu.memory_space<hbm>>
      %dma_wait3A_278 = tpu.memref_slice %arg2[%add3A_77] : memref<819200xi32, #tpu.memory_space<hbm>> -> memref<1600xi32, #tpu.memory_space<hbm>>
      tpu.wait_dma2 semaphore(%run_scoped3A : memref<!tpu.dma_semaphore, #tpu.memory_space<semaphore_mem>>) src(%dma_wait3A_278 : memref<1600xi32, #tpu.memory_space<hbm>>) dst(%arg6 : memref<1600xi32, #tpu.memory_space<vmem>>)
      tpu.yield
    }) : () -> ()
    %dma_start3A_78 = arith.constant 0 : i32
    %dma_start3A_79 = arith.constant 0 : i32
    %dma_start3A_80 = tpu.memref_slice %arg3[%dma_start3A_78, %dma_start3A_79] : memref<1000000x32xf32, #tpu.memory_space<hbm>> -> memref<1000000x32xf32, #tpu.memory_space<hbm>>
    tpu.enqueue_indirect_dma source(%dma_start3A_80 : memref<1000000x32xf32, #tpu.memory_space<hbm>>) target(%arg8 : memref<1600x32xf32, #tpu.memory_space<vmem>>) offsets(%arg6 : memref<1600xi32, #tpu.memory_space<vmem>>) semaphore(%arg11 : memref<!tpu.dma_semaphore, #tpu.memory_space<semaphore_mem>>)
    %dma_wait3A_81 = arith.constant 0 : i32
    %dma_wait3A_82 = arith.constant 0 : i32
    %dma_wait3A_83 = tpu.memref_slice %arg3[%dma_wait3A_81, %dma_wait3A_82] : memref<1000000x32xf32, #tpu.memory_space<hbm>> -> memref<1000000x32xf32, #tpu.memory_space<hbm>>
    tpu.wait_indirect_dma semaphore(%arg10 : memref<!tpu.dma_semaphore, #tpu.memory_space<semaphore_mem>>) src(%dma_wait3A_83 : memref<1000000x32xf32, #tpu.memory_space<hbm>>) dst(%arg7 : memref<1600x32xf32, #tpu.memory_space<vmem>>)
    %scan3A_84 = arith.constant 0 : i32
    %scan3A_85 = arith.constant 0 : i32
    %scan3A_86 = arith.constant 32 : i32
    %scan3A_87 = arith.addi %scan3A_85, %scan3A_86 : i32
    %scan3A_88 = arith.constant 1 : i32
    %scan3A_89 = scf.for %scan3A_275 = %scan3A_85 to %scan3A_87 step %scan3A_88 iter_args(%scan3A_276 = %scan3A_84) -> (i32)  : i32 {
      %scan3A_277 = arith.constant 0 : i32
      %scan3A_278 = arith.constant 50 : i32
      %scan3A_279 = arith.addi %scan3A_277, %scan3A_278 : i32
      %scan3A_280 = arith.constant 10 : i32
      %scan3A_281:2 = scf.for %scan3A_293 = %scan3A_277 to %scan3A_279 step %scan3A_280 iter_args(%scan3A_294 = %broadcast_in_dim3A_5, %scan3A_295 = %broadcast_in_dim3A_5) -> (vector<16xf32>, vector<16xf32>)  : i32 {
        %mul3A_296 = arith.constant 50 : i32
        %mul3A_297 = arith.muli %scan3A_275, %mul3A_296 : i32
        %add3A_298 = arith.addi %mul3A_297, %scan3A_293 : i32
        %get3A = arith.index_cast %add3A_298 : i32 to index
        %get3A_299 = arith.constant 0 : index
        %get3A_300 = tpu.vector_load %arg7[%get3A, %get3A_299] {strides = array<i32>} : memref<1600x32xf32, #tpu.memory_space<vmem>>, vector<1x16xf32>,
        %get3A_301 = vector.shape_cast %get3A_300 : vector<1x16xf32> to vector<16xf32>
        %add3A_302 = arith.addf %scan3A_294, %get3A_301 : vector<16xf32>
        %mul3A_303 = arith.constant 50 : i32
        %mul3A_304 = arith.muli %scan3A_275, %mul3A_303 : i32
        %add3A_305 = arith.addi %mul3A_304, %scan3A_293 : i32
        %get3A_306 = arith.index_cast %add3A_305 : i32 to index
        %get3A_307 = arith.constant 16 : index
        %get3A_308 = tpu.vector_load %arg7[%get3A_306, %get3A_307] {strides = array<i32>} : memref<1600x32xf32, #tpu.memory_space<vmem>>, vector<1x16xf32>,
        %get3A_309 = vector.shape_cast %get3A_308 : vector<1x16xf32> to vector<16xf32>
        %add3A_310 = arith.addf %scan3A_295, %get3A_309 : vector<16xf32>
        %scan3A_311 = arith.constant 1 : i32
        %scan3A_312 = arith.addi %scan3A_293, %scan3A_311 : i32
        %mul3A_313 = arith.constant 50 : i32
        %mul3A_314 = arith.muli %scan3A_275, %mul3A_313 : i32
        %add3A_315 = arith.addi %mul3A_314, %scan3A_312 : i32
        %get3A_316 = arith.index_cast %add3A_315 : i32 to index
        %get3A_317 = arith.constant 0 : index
        %get3A_318 = tpu.vector_load %arg7[%get3A_316, %get3A_317] {strides = array<i32>} : memref<1600x32xf32, #tpu.memory_space<vmem>>, vector<1x16xf32>,
        %get3A_319 = vector.shape_cast %get3A_318 : vector<1x16xf32> to vector<16xf32>
        %add3A_320 = arith.addf %add3A_302, %get3A_319 : vector<16xf32>
        %mul3A_321 = arith.constant 50 : i32
        %mul3A_322 = arith.muli %scan3A_275, %mul3A_321 : i32
        %add3A_323 = arith.addi %mul3A_322, %scan3A_312 : i32
        %get3A_324 = arith.index_cast %add3A_323 : i32 to index
        %get3A_325 = arith.constant 16 : index
        %get3A_326 = tpu.vector_load %arg7[%get3A_324, %get3A_325] {strides = array<i32>} : memref<1600x32xf32, #tpu.memory_space<vmem>>, vector<1x16xf32>,
        %get3A_327 = vector.shape_cast %get3A_326 : vector<1x16xf32> to vector<16xf32>
        %add3A_328 = arith.addf %add3A_310, %get3A_327 : vector<16xf32>
        %scan3A_329 = arith.constant 2 : i32
        %scan3A_330 = arith.addi %scan3A_293, %scan3A_329 : i32
        %mul3A_331 = arith.constant 50 : i32
        %mul3A_332 = arith.muli %scan3A_275, %mul3A_331 : i32
        %add3A_333 = arith.addi %mul3A_332, %scan3A_330 : i32
        %get3A_334 = arith.index_cast %add3A_333 : i32 to index
        %get3A_335 = arith.constant 0 : index
        %get3A_336 = tpu.vector_load %arg7[%get3A_334, %get3A_335] {strides = array<i32>} : memref<1600x32xf32, #tpu.memory_space<vmem>>, vector<1x16xf32>,
        %get3A_337 = vector.shape_cast %get3A_336 : vector<1x16xf32> to vector<16xf32>
        %add3A_338 = arith.addf %add3A_320, %get3A_337 : vector<16xf32>
        %mul3A_339 = arith.constant 50 : i32
        %mul3A_340 = arith.muli %scan3A_275, %mul3A_339 : i32
        %add3A_341 = arith.addi %mul3A_340, %scan3A_330 : i32
        %get3A_342 = arith.index_cast %add3A_341 : i32 to index
        %get3A_343 = arith.constant 16 : index
        %get3A_344 = tpu.vector_load %arg7[%get3A_342, %get3A_343] {strides = array<i32>} : memref<1600x32xf32, #tpu.memory_space<vmem>>, vector<1x16xf32>,
        %get3A_345 = vector.shape_cast %get3A_344 : vector<1x16xf32> to vector<16xf32>
        %add3A_346 = arith.addf %add3A_328, %get3A_345 : vector<16xf32>
        %scan3A_347 = arith.constant 3 : i32
        %scan3A_348 = arith.addi %scan3A_293, %scan3A_347 : i32
        %mul3A_349 = arith.constant 50 : i32
        %mul3A_350 = arith.muli %scan3A_275, %mul3A_349 : i32
        %add3A_351 = arith.addi %mul3A_350, %scan3A_348 : i32
        %get3A_352 = arith.index_cast %add3A_351 : i32 to index
        %get3A_353 = arith.constant 0 : index
        %get3A_354 = tpu.vector_load %arg7[%get3A_352, %get3A_353] {strides = array<i32>} : memref<1600x32xf32, #tpu.memory_space<vmem>>, vector<1x16xf32>,
        %get3A_355 = vector.shape_cast %get3A_354 : vector<1x16xf32> to vector<16xf32>
        %add3A_356 = arith.addf %add3A_338, %get3A_355 : vector<16xf32>
        %mul3A_357 = arith.constant 50 : i32
        %mul3A_358 = arith.muli %scan3A_275, %mul3A_357 : i32
        %add3A_359 = arith.addi %mul3A_358, %scan3A_348 : i32
        %get3A_360 = arith.index_cast %add3A_359 : i32 to index
        %get3A_361 = arith.constant 16 : index
        %get3A_362 = tpu.vector_load %arg7[%get3A_360, %get3A_361] {strides = array<i32>} : memref<1600x32xf32, #tpu.memory_space<vmem>>, vector<1x16xf32>,
        %get3A_363 = vector.shape_cast %get3A_362 : vector<1x16xf32> to vector<16xf32>
        %add3A_364 = arith.addf %add3A_346, %get3A_363 : vector<16xf32>
        %scan3A_365 = arith.constant 4 : i32
        %scan3A_366 = arith.addi %scan3A_293, %scan3A_365 : i32
        %mul3A_367 = arith.constant 50 : i32
        %mul3A_368 = arith.muli %scan3A_275, %mul3A_367 : i32
        %add3A_369 = arith.addi %mul3A_368, %scan3A_366 : i32
        %get3A_370 = arith.index_cast %add3A_369 : i32 to index
        %get3A_371 = arith.constant 0 : index
        %get3A_372 = tpu.vector_load %arg7[%get3A_370, %get3A_371] {strides = array<i32>} : memref<1600x32xf32, #tpu.memory_space<vmem>>, vector<1x16xf32>,
        %get3A_373 = vector.shape_cast %get3A_372 : vector<1x16xf32> to vector<16xf32>
        %add3A_374 = arith.addf %add3A_356, %get3A_373 : vector<16xf32>
        %mul3A_375 = arith.constant 50 : i32
        %mul3A_376 = arith.muli %scan3A_275, %mul3A_375 : i32
        %add3A_377 = arith.addi %mul3A_376, %scan3A_366 : i32
        %get3A_378 = arith.index_cast %add3A_377 : i32 to index
        %get3A_379 = arith.constant 16 : index
        %get3A_380 = tpu.vector_load %arg7[%get3A_378, %get3A_379] {strides = array<i32>} : memref<1600x32xf32, #tpu.memory_space<vmem>>, vector<1x16xf32>,
        %get3A_381 = vector.shape_cast %get3A_380 : vector<1x16xf32> to vector<16xf32>
        %add3A_382 = arith.addf %add3A_364, %get3A_381 : vector<16xf32>
        %scan3A_383 = arith.constant 5 : i32
        %scan3A_384 = arith.addi %scan3A_293, %scan3A_383 : i32
        %mul3A_385 = arith.constant 50 : i32
        %mul3A_386 = arith.muli %scan3A_275, %mul3A_385 : i32
        %add3A_387 = arith.addi %mul3A_386, %scan3A_384 : i32
        %get3A_388 = arith.index_cast %add3A_387 : i32 to index
        %get3A_389 = arith.constant 0 : index
        %get3A_390 = tpu.vector_load %arg7[%get3A_388, %get3A_389] {strides = array<i32>} : memref<1600x32xf32, #tpu.memory_space<vmem>>, vector<1x16xf32>,
        %get3A_391 = vector.shape_cast %get3A_390 : vector<1x16xf32> to vector<16xf32>
        %add3A_392 = arith.addf %add3A_374, %get3A_391 : vector<16xf32>
        %mul3A_393 = arith.constant 50 : i32
        %mul3A_394 = arith.muli %scan3A_275, %mul3A_393 : i32
        %add3A_395 = arith.addi %mul3A_394, %scan3A_384 : i32
        %get3A_396 = arith.index_cast %add3A_395 : i32 to index
        %get3A_397 = arith.constant 16 : index
        %get3A_398 = tpu.vector_load %arg7[%get3A_396, %get3A_397] {strides = array<i32>} : memref<1600x32xf32, #tpu.memory_space<vmem>>, vector<1x16xf32>,
        %get3A_399 = vector.shape_cast %get3A_398 : vector<1x16xf32> to vector<16xf32>
        %add3A_400 = arith.addf %add3A_382, %get3A_399 : vector<16xf32>
        %scan3A_401 = arith.constant 6 : i32
        %scan3A_402 = arith.addi %scan3A_293, %scan3A_401 : i32
        %mul3A_403 = arith.constant 50 : i32
        %mul3A_404 = arith.muli %scan3A_275, %mul3A_403 : i32
        %add3A_405 = arith.addi %mul3A_404, %scan3A_402 : i32
        %get3A_406 = arith.index_cast %add3A_405 : i32 to index
        %get3A_407 = arith.constant 0 : index
        %get3A_408 = tpu.vector_load %arg7[%get3A_406, %get3A_407] {strides = array<i32>} : memref<1600x32xf32, #tpu.memory_space<vmem>>, vector<1x16xf32>,
        %get3A_409 = vector.shape_cast %get3A_408 : vector<1x16xf32> to vector<16xf32>
        %add3A_410 = arith.addf %add3A_392, %get3A_409 : vector<16xf32>
        %mul3A_411 = arith.constant 50 : i32
        %mul3A_412 = arith.muli %scan3A_275, %mul3A_411 : i32
        %add3A_413 = arith.addi %mul3A_412, %scan3A_402 : i32
        %get3A_414 = arith.index_cast %add3A_413 : i32 to index
        %get3A_415 = arith.constant 16 : index
        %get3A_416 = tpu.vector_load %arg7[%get3A_414, %get3A_415] {strides = array<i32>} : memref<1600x32xf32, #tpu.memory_space<vmem>>, vector<1x16xf32>,
        %get3A_417 = vector.shape_cast %get3A_416 : vector<1x16xf32> to vector<16xf32>
        %add3A_418 = arith.addf %add3A_400, %get3A_417 : vector<16xf32>
        %scan3A_419 = arith.constant 7 : i32
        %scan3A_420 = arith.addi %scan3A_293, %scan3A_419 : i32
        %mul3A_421 = arith.constant 50 : i32
        %mul3A_422 = arith.muli %scan3A_275, %mul3A_421 : i32
        %add3A_423 = arith.addi %mul3A_422, %scan3A_420 : i32
        %get3A_424 = arith.index_cast %add3A_423 : i32 to index
        %get3A_425 = arith.constant 0 : index
        %get3A_426 = tpu.vector_load %arg7[%get3A_424, %get3A_425] {strides = array<i32>} : memref<1600x32xf32, #tpu.memory_space<vmem>>, vector<1x16xf32>,
        %get3A_427 = vector.shape_cast %get3A_426 : vector<1x16xf32> to vector<16xf32>
        %add3A_428 = arith.addf %add3A_410, %get3A_427 : vector<16xf32>
        %mul3A_429 = arith.constant 50 : i32
        %mul3A_430 = arith.muli %scan3A_275, %mul3A_429 : i32
        %add3A_431 = arith.addi %mul3A_430, %scan3A_420 : i32
        %get3A_432 = arith.index_cast %add3A_431 : i32 to index
        %get3A_433 = arith.constant 16 : index
        %get3A_434 = tpu.vector_load %arg7[%get3A_432, %get3A_433] {strides = array<i32>} : memref<1600x32xf32, #tpu.memory_space<vmem>>, vector<1x16xf32>,
        %get3A_435 = vector.shape_cast %get3A_434 : vector<1x16xf32> to vector<16xf32>
        %add3A_436 = arith.addf %add3A_418, %get3A_435 : vector<16xf32>
        %scan3A_437 = arith.constant 8 : i32
        %scan3A_438 = arith.addi %scan3A_293, %scan3A_437 : i32
        %mul3A_439 = arith.constant 50 : i32
        %mul3A_440 = arith.muli %scan3A_275, %mul3A_439 : i32
        %add3A_441 = arith.addi %mul3A_440, %scan3A_438 : i32
        %get3A_442 = arith.index_cast %add3A_441 : i32 to index
        %get3A_443 = arith.constant 0 : index
        %get3A_444 = tpu.vector_load %arg7[%get3A_442, %get3A_443] {strides = array<i32>} : memref<1600x32xf32, #tpu.memory_space<vmem>>, vector<1x16xf32>,
        %get3A_445 = vector.shape_cast %get3A_444 : vector<1x16xf32> to vector<16xf32>
        %add3A_446 = arith.addf %add3A_428, %get3A_445 : vector<16xf32>
        %mul3A_447 = arith.constant 50 : i32
        %mul3A_448 = arith.muli %scan3A_275, %mul3A_447 : i32
        %add3A_449 = arith.addi %mul3A_448, %scan3A_438 : i32
        %get3A_450 = arith.index_cast %add3A_449 : i32 to index
        %get3A_451 = arith.constant 16 : index
        %get3A_452 = tpu.vector_load %arg7[%get3A_450, %get3A_451] {strides = array<i32>} : memref<1600x32xf32, #tpu.memory_space<vmem>>, vector<1x16xf32>,
        %get3A_453 = vector.shape_cast %get3A_452 : vector<1x16xf32> to vector<16xf32>
        %add3A_454 = arith.addf %add3A_436, %get3A_453 : vector<16xf32>
        %scan3A_455 = arith.constant 9 : i32
        %scan3A_456 = arith.addi %scan3A_293, %scan3A_455 : i32
        %mul3A_457 = arith.constant 50 : i32
        %mul3A_458 = arith.muli %scan3A_275, %mul3A_457 : i32
        %add3A_459 = arith.addi %mul3A_458, %scan3A_456 : i32
        %get3A_460 = arith.index_cast %add3A_459 : i32 to index
        %get3A_461 = arith.constant 0 : index
        %get3A_462 = tpu.vector_load %arg7[%get3A_460, %get3A_461] {strides = array<i32>} : memref<1600x32xf32, #tpu.memory_space<vmem>>, vector<1x16xf32>,
        %get3A_463 = vector.shape_cast %get3A_462 : vector<1x16xf32> to vector<16xf32>
        %add3A_464 = arith.addf %add3A_446, %get3A_463 : vector<16xf32>
        %mul3A_465 = arith.constant 50 : i32
        %mul3A_466 = arith.muli %scan3A_275, %mul3A_465 : i32
        %add3A_467 = arith.addi %mul3A_466, %scan3A_456 : i32
        %get3A_468 = arith.index_cast %add3A_467 : i32 to index
        %get3A_469 = arith.constant 16 : index
        %get3A_470 = tpu.vector_load %arg7[%get3A_468, %get3A_469] {strides = array<i32>} : memref<1600x32xf32, #tpu.memory_space<vmem>>, vector<1x16xf32>,
        %get3A_471 = vector.shape_cast %get3A_470 : vector<1x16xf32> to vector<16xf32>
        %add3A_472 = arith.addf %add3A_454, %get3A_471 : vector<16xf32>
        scf.yield %add3A_464, %add3A_472 : vector<16xf32>, vector<16xf32>
      }
      %scan3A_282 = arith.constant 50 : i32
      %swap3A = arith.index_cast %scan3A_275 : i32 to index
      %swap3A_283 = arith.constant 0 : index
      %swap3A_284 = tpu.vector_load %arg9[%swap3A, %swap3A_283] {strides = array<i32>} : memref<32x32xf32, #tpu.memory_space<vmem>>, vector<1x16xf32>,
      %swap3A_285 = vector.shape_cast %swap3A_284 : vector<1x16xf32> to vector<16xf32>
      %swap3A_286 = vector.shape_cast %scan3A_281#0 : vector<16xf32> to vector<1x16xf32>
      tpu.vector_store %arg9[%swap3A, %swap3A_283], %swap3A_286 {strides = array<i32>} : memref<32x32xf32, #tpu.memory_space<vmem>>, vector<1x16xf32>,
      %swap3A_287 = arith.index_cast %scan3A_275 : i32 to index
      %swap3A_288 = arith.constant 16 : index
      %swap3A_289 = tpu.vector_load %arg9[%swap3A_287, %swap3A_288] {strides = array<i32>} : memref<32x32xf32, #tpu.memory_space<vmem>>, vector<1x16xf32>,
      %swap3A_290 = vector.shape_cast %swap3A_289 : vector<1x16xf32> to vector<16xf32>
      %swap3A_291 = vector.shape_cast %scan3A_281#1 : vector<16xf32> to vector<1x16xf32>
      tpu.vector_store %arg9[%swap3A_287, %swap3A_288], %swap3A_291 {strides = array<i32>} : memref<32x32xf32, #tpu.memory_space<vmem>>, vector<1x16xf32>,
      %scan3A_292 = arith.constant 0 : i32
      scf.yield %scan3A_292 : i32
    }
    %scan3A_90 = arith.constant 32 : i32
    %add3A_91 = arith.constant 128 : i32
    %add3A_92 = arith.addi %mul3A_2, %add3A_91 : i32
    "tpu.region"() ({
      %run_scoped3A = tpu.sem_alloc : memref<!tpu.dma_semaphore, #tpu.memory_space<semaphore_mem>>
      %dma_start3A_275 = arith.constant 0 : i32
      %dma_start3A_276 = tpu.memref_slice %arg4[%add3A_92, %dma_start3A_275] : memref<16384x32xf32, #tpu.memory_space<hbm>> -> memref<32x32xf32, #tpu.memory_space<hbm>>
      %dma_start3A_277 = arith.constant 0 : i32
      %dma_start3A_278 = tpu.memref_slice %arg4[%add3A_92, %dma_start3A_277] : memref<16384x32xf32, #tpu.memory_space<hbm>> -> memref<32x32xf32, #tpu.memory_space<hbm>>
      tpu.enqueue_dma source(%arg9 : memref<32x32xf32, #tpu.memory_space<vmem>>) target(%dma_start3A_278 : memref<32x32xf32, #tpu.memory_space<hbm>>) target_semaphore(%run_scoped3A : memref<!tpu.dma_semaphore, #tpu.memory_space<semaphore_mem>>)
      %dma_wait3A_279 = arith.constant 0 : i32
      %dma_wait3A_280 = tpu.memref_slice %arg4[%add3A_92, %dma_wait3A_279] : memref<16384x32xf32, #tpu.memory_space<hbm>> -> memref<32x32xf32, #tpu.memory_space<hbm>>
      %dma_wait3A_281 = arith.constant 0 : i32
      %dma_wait3A_282 = tpu.memref_slice %arg4[%add3A_92, %dma_wait3A_281] : memref<16384x32xf32, #tpu.memory_space<hbm>> -> memref<32x32xf32, #tpu.memory_space<hbm>>
      tpu.wait_dma2 semaphore(%run_scoped3A : memref<!tpu.dma_semaphore, #tpu.memory_space<semaphore_mem>>) src(%arg9 : memref<32x32xf32, #tpu.memory_space<vmem>>) dst(%dma_wait3A_282 : memref<32x32xf32, #tpu.memory_space<hbm>>)
      tpu.yield
    }) : () -> ()
    %add3A_93 = arith.constant 9600 : i32
    %add3A_94 = arith.addi %mul3A_4, %add3A_93 : i32
    "tpu.region"() ({
      %run_scoped3A = tpu.sem_alloc : memref<!tpu.dma_semaphore, #tpu.memory_space<semaphore_mem>>
      %dma_start3A_275 = tpu.memref_slice %arg2[%add3A_94] : memref<819200xi32, #tpu.memory_space<hbm>> -> memref<1600xi32, #tpu.memory_space<hbm>>
      %dma_start3A_276 = tpu.memref_slice %arg2[%add3A_94] : memref<819200xi32, #tpu.memory_space<hbm>> -> memref<1600xi32, #tpu.memory_space<hbm>>
      tpu.enqueue_dma source(%dma_start3A_276 : memref<1600xi32, #tpu.memory_space<hbm>>) target(%arg5 : memref<1600xi32, #tpu.memory_space<vmem>>) target_semaphore(%run_scoped3A : memref<!tpu.dma_semaphore, #tpu.memory_space<semaphore_mem>>)
      %dma_wait3A_277 = tpu.memref_slice %arg2[%add3A_94] : memref<819200xi32, #tpu.memory_space<hbm>> -> memref<1600xi32, #tpu.memory_space<hbm>>
      %dma_wait3A_278 = tpu.memref_slice %arg2[%add3A_94] : memref<819200xi32, #tpu.memory_space<hbm>> -> memref<1600xi32, #tpu.memory_space<hbm>>
      tpu.wait_dma2 semaphore(%run_scoped3A : memref<!tpu.dma_semaphore, #tpu.memory_space<semaphore_mem>>) src(%dma_wait3A_278 : memref<1600xi32, #tpu.memory_space<hbm>>) dst(%arg5 : memref<1600xi32, #tpu.memory_space<vmem>>)
      tpu.yield
    }) : () -> ()
    %dma_start3A_95 = arith.constant 0 : i32
    %dma_start3A_96 = arith.constant 0 : i32
    %dma_start3A_97 = tpu.memref_slice %arg3[%dma_start3A_95, %dma_start3A_96] : memref<1000000x32xf32, #tpu.memory_space<hbm>> -> memref<1000000x32xf32, #tpu.memory_space<hbm>>
    tpu.enqueue_indirect_dma source(%dma_start3A_97 : memref<1000000x32xf32, #tpu.memory_space<hbm>>) target(%arg7 : memref<1600x32xf32, #tpu.memory_space<vmem>>) offsets(%arg5 : memref<1600xi32, #tpu.memory_space<vmem>>) semaphore(%arg10 : memref<!tpu.dma_semaphore, #tpu.memory_space<semaphore_mem>>)
    %dma_wait3A_98 = arith.constant 0 : i32
    %dma_wait3A_99 = arith.constant 0 : i32
    %dma_wait3A_100 = tpu.memref_slice %arg3[%dma_wait3A_98, %dma_wait3A_99] : memref<1000000x32xf32, #tpu.memory_space<hbm>> -> memref<1000000x32xf32, #tpu.memory_space<hbm>>
    tpu.wait_indirect_dma semaphore(%arg11 : memref<!tpu.dma_semaphore, #tpu.memory_space<semaphore_mem>>) src(%dma_wait3A_100 : memref<1000000x32xf32, #tpu.memory_space<hbm>>) dst(%arg8 : memref<1600x32xf32, #tpu.memory_space<vmem>>)
    %scan3A_101 = arith.constant 0 : i32
    %scan3A_102 = arith.constant 0 : i32
    %scan3A_103 = arith.constant 32 : i32
    %scan3A_104 = arith.addi %scan3A_102, %scan3A_103 : i32
    %scan3A_105 = arith.constant 1 : i32
    %scan3A_106 = scf.for %scan3A_275 = %scan3A_102 to %scan3A_104 step %scan3A_105 iter_args(%scan3A_276 = %scan3A_101) -> (i32)  : i32 {
      %scan3A_277 = arith.constant 0 : i32
      %scan3A_278 = arith.constant 50 : i32
      %scan3A_279 = arith.addi %scan3A_277, %scan3A_278 : i32
      %scan3A_280 = arith.constant 10 : i32
      %scan3A_281:2 = scf.for %scan3A_293 = %scan3A_277 to %scan3A_279 step %scan3A_280 iter_args(%scan3A_294 = %broadcast_in_dim3A_5, %scan3A_295 = %broadcast_in_dim3A_5) -> (vector<16xf32>, vector<16xf32>)  : i32 {
        %mul3A_296 = arith.constant 50 : i32
        %mul3A_297 = arith.muli %scan3A_275, %mul3A_296 : i32
        %add3A_298 = arith.addi %mul3A_297, %scan3A_293 : i32
        %get3A = arith.index_cast %add3A_298 : i32 to index
        %get3A_299 = arith.constant 0 : index
        %get3A_300 = tpu.vector_load %arg8[%get3A, %get3A_299] {strides = array<i32>} : memref<1600x32xf32, #tpu.memory_space<vmem>>, vector<1x16xf32>,
        %get3A_301 = vector.shape_cast %get3A_300 : vector<1x16xf32> to vector<16xf32>
        %add3A_302 = arith.addf %scan3A_294, %get3A_301 : vector<16xf32>
        %mul3A_303 = arith.constant 50 : i32
        %mul3A_304 = arith.muli %scan3A_275, %mul3A_303 : i32
        %add3A_305 = arith.addi %mul3A_304, %scan3A_293 : i32
        %get3A_306 = arith.index_cast %add3A_305 : i32 to index
        %get3A_307 = arith.constant 16 : index
        %get3A_308 = tpu.vector_load %arg8[%get3A_306, %get3A_307] {strides = array<i32>} : memref<1600x32xf32, #tpu.memory_space<vmem>>, vector<1x16xf32>,
        %get3A_309 = vector.shape_cast %get3A_308 : vector<1x16xf32> to vector<16xf32>
        %add3A_310 = arith.addf %scan3A_295, %get3A_309 : vector<16xf32>
        %scan3A_311 = arith.constant 1 : i32
        %scan3A_312 = arith.addi %scan3A_293, %scan3A_311 : i32
        %mul3A_313 = arith.constant 50 : i32
        %mul3A_314 = arith.muli %scan3A_275, %mul3A_313 : i32
        %add3A_315 = arith.addi %mul3A_314, %scan3A_312 : i32
        %get3A_316 = arith.index_cast %add3A_315 : i32 to index
        %get3A_317 = arith.constant 0 : index
        %get3A_318 = tpu.vector_load %arg8[%get3A_316, %get3A_317] {strides = array<i32>} : memref<1600x32xf32, #tpu.memory_space<vmem>>, vector<1x16xf32>,
        %get3A_319 = vector.shape_cast %get3A_318 : vector<1x16xf32> to vector<16xf32>
        %add3A_320 = arith.addf %add3A_302, %get3A_319 : vector<16xf32>
        %mul3A_321 = arith.constant 50 : i32
        %mul3A_322 = arith.muli %scan3A_275, %mul3A_321 : i32
        %add3A_323 = arith.addi %mul3A_322, %scan3A_312 : i32
        %get3A_324 = arith.index_cast %add3A_323 : i32 to index
        %get3A_325 = arith.constant 16 : index
        %get3A_326 = tpu.vector_load %arg8[%get3A_324, %get3A_325] {strides = array<i32>} : memref<1600x32xf32, #tpu.memory_space<vmem>>, vector<1x16xf32>,
        %get3A_327 = vector.shape_cast %get3A_326 : vector<1x16xf32> to vector<16xf32>
        %add3A_328 = arith.addf %add3A_310, %get3A_327 : vector<16xf32>
        %scan3A_329 = arith.constant 2 : i32
        %scan3A_330 = arith.addi %scan3A_293, %scan3A_329 : i32
        %mul3A_331 = arith.constant 50 : i32
        %mul3A_332 = arith.muli %scan3A_275, %mul3A_331 : i32
        %add3A_333 = arith.addi %mul3A_332, %scan3A_330 : i32
        %get3A_334 = arith.index_cast %add3A_333 : i32 to index
        %get3A_335 = arith.constant 0 : index
        %get3A_336 = tpu.vector_load %arg8[%get3A_334, %get3A_335] {strides = array<i32>} : memref<1600x32xf32, #tpu.memory_space<vmem>>, vector<1x16xf32>,
        %get3A_337 = vector.shape_cast %get3A_336 : vector<1x16xf32> to vector<16xf32>
        %add3A_338 = arith.addf %add3A_320, %get3A_337 : vector<16xf32>
        %mul3A_339 = arith.constant 50 : i32
        %mul3A_340 = arith.muli %scan3A_275, %mul3A_339 : i32
        %add3A_341 = arith.addi %mul3A_340, %scan3A_330 : i32
        %get3A_342 = arith.index_cast %add3A_341 : i32 to index
        %get3A_343 = arith.constant 16 : index
        %get3A_344 = tpu.vector_load %arg8[%get3A_342, %get3A_343] {strides = array<i32>} : memref<1600x32xf32, #tpu.memory_space<vmem>>, vector<1x16xf32>,
        %get3A_345 = vector.shape_cast %get3A_344 : vector<1x16xf32> to vector<16xf32>
        %add3A_346 = arith.addf %add3A_328, %get3A_345 : vector<16xf32>
        %scan3A_347 = arith.constant 3 : i32
        %scan3A_348 = arith.addi %scan3A_293, %scan3A_347 : i32
        %mul3A_349 = arith.constant 50 : i32
        %mul3A_350 = arith.muli %scan3A_275, %mul3A_349 : i32
        %add3A_351 = arith.addi %mul3A_350, %scan3A_348 : i32
        %get3A_352 = arith.index_cast %add3A_351 : i32 to index
        %get3A_353 = arith.constant 0 : index
        %get3A_354 = tpu.vector_load %arg8[%get3A_352, %get3A_353] {strides = array<i32>} : memref<1600x32xf32, #tpu.memory_space<vmem>>, vector<1x16xf32>,
        %get3A_355 = vector.shape_cast %get3A_354 : vector<1x16xf32> to vector<16xf32>
        %add3A_356 = arith.addf %add3A_338, %get3A_355 : vector<16xf32>
        %mul3A_357 = arith.constant 50 : i32
        %mul3A_358 = arith.muli %scan3A_275, %mul3A_357 : i32
        %add3A_359 = arith.addi %mul3A_358, %scan3A_348 : i32
        %get3A_360 = arith.index_cast %add3A_359 : i32 to index
        %get3A_361 = arith.constant 16 : index
        %get3A_362 = tpu.vector_load %arg8[%get3A_360, %get3A_361] {strides = array<i32>} : memref<1600x32xf32, #tpu.memory_space<vmem>>, vector<1x16xf32>,
        %get3A_363 = vector.shape_cast %get3A_362 : vector<1x16xf32> to vector<16xf32>
        %add3A_364 = arith.addf %add3A_346, %get3A_363 : vector<16xf32>
        %scan3A_365 = arith.constant 4 : i32
        %scan3A_366 = arith.addi %scan3A_293, %scan3A_365 : i32
        %mul3A_367 = arith.constant 50 : i32
        %mul3A_368 = arith.muli %scan3A_275, %mul3A_367 : i32
        %add3A_369 = arith.addi %mul3A_368, %scan3A_366 : i32
        %get3A_370 = arith.index_cast %add3A_369 : i32 to index
        %get3A_371 = arith.constant 0 : index
        %get3A_372 = tpu.vector_load %arg8[%get3A_370, %get3A_371] {strides = array<i32>} : memref<1600x32xf32, #tpu.memory_space<vmem>>, vector<1x16xf32>,
        %get3A_373 = vector.shape_cast %get3A_372 : vector<1x16xf32> to vector<16xf32>
        %add3A_374 = arith.addf %add3A_356, %get3A_373 : vector<16xf32>
        %mul3A_375 = arith.constant 50 : i32
        %mul3A_376 = arith.muli %scan3A_275, %mul3A_375 : i32
        %add3A_377 = arith.addi %mul3A_376, %scan3A_366 : i32
        %get3A_378 = arith.index_cast %add3A_377 : i32 to index
        %get3A_379 = arith.constant 16 : index
        %get3A_380 = tpu.vector_load %arg8[%get3A_378, %get3A_379] {strides = array<i32>} : memref<1600x32xf32, #tpu.memory_space<vmem>>, vector<1x16xf32>,
        %get3A_381 = vector.shape_cast %get3A_380 : vector<1x16xf32> to vector<16xf32>
        %add3A_382 = arith.addf %add3A_364, %get3A_381 : vector<16xf32>
        %scan3A_383 = arith.constant 5 : i32
        %scan3A_384 = arith.addi %scan3A_293, %scan3A_383 : i32
        %mul3A_385 = arith.constant 50 : i32
        %mul3A_386 = arith.muli %scan3A_275, %mul3A_385 : i32
        %add3A_387 = arith.addi %mul3A_386, %scan3A_384 : i32
        %get3A_388 = arith.index_cast %add3A_387 : i32 to index
        %get3A_389 = arith.constant 0 : index
        %get3A_390 = tpu.vector_load %arg8[%get3A_388, %get3A_389] {strides = array<i32>} : memref<1600x32xf32, #tpu.memory_space<vmem>>, vector<1x16xf32>,
        %get3A_391 = vector.shape_cast %get3A_390 : vector<1x16xf32> to vector<16xf32>
        %add3A_392 = arith.addf %add3A_374, %get3A_391 : vector<16xf32>
        %mul3A_393 = arith.constant 50 : i32
        %mul3A_394 = arith.muli %scan3A_275, %mul3A_393 : i32
        %add3A_395 = arith.addi %mul3A_394, %scan3A_384 : i32
        %get3A_396 = arith.index_cast %add3A_395 : i32 to index
        %get3A_397 = arith.constant 16 : index
        %get3A_398 = tpu.vector_load %arg8[%get3A_396, %get3A_397] {strides = array<i32>} : memref<1600x32xf32, #tpu.memory_space<vmem>>, vector<1x16xf32>,
        %get3A_399 = vector.shape_cast %get3A_398 : vector<1x16xf32> to vector<16xf32>
        %add3A_400 = arith.addf %add3A_382, %get3A_399 : vector<16xf32>
        %scan3A_401 = arith.constant 6 : i32
        %scan3A_402 = arith.addi %scan3A_293, %scan3A_401 : i32
        %mul3A_403 = arith.constant 50 : i32
        %mul3A_404 = arith.muli %scan3A_275, %mul3A_403 : i32
        %add3A_405 = arith.addi %mul3A_404, %scan3A_402 : i32
        %get3A_406 = arith.index_cast %add3A_405 : i32 to index
        %get3A_407 = arith.constant 0 : index
        %get3A_408 = tpu.vector_load %arg8[%get3A_406, %get3A_407] {strides = array<i32>} : memref<1600x32xf32, #tpu.memory_space<vmem>>, vector<1x16xf32>,
        %get3A_409 = vector.shape_cast %get3A_408 : vector<1x16xf32> to vector<16xf32>
        %add3A_410 = arith.addf %add3A_392, %get3A_409 : vector<16xf32>
        %mul3A_411 = arith.constant 50 : i32
        %mul3A_412 = arith.muli %scan3A_275, %mul3A_411 : i32
        %add3A_413 = arith.addi %mul3A_412, %scan3A_402 : i32
        %get3A_414 = arith.index_cast %add3A_413 : i32 to index
        %get3A_415 = arith.constant 16 : index
        %get3A_416 = tpu.vector_load %arg8[%get3A_414, %get3A_415] {strides = array<i32>} : memref<1600x32xf32, #tpu.memory_space<vmem>>, vector<1x16xf32>,
        %get3A_417 = vector.shape_cast %get3A_416 : vector<1x16xf32> to vector<16xf32>
        %add3A_418 = arith.addf %add3A_400, %get3A_417 : vector<16xf32>
        %scan3A_419 = arith.constant 7 : i32
        %scan3A_420 = arith.addi %scan3A_293, %scan3A_419 : i32
        %mul3A_421 = arith.constant 50 : i32
        %mul3A_422 = arith.muli %scan3A_275, %mul3A_421 : i32
        %add3A_423 = arith.addi %mul3A_422, %scan3A_420 : i32
        %get3A_424 = arith.index_cast %add3A_423 : i32 to index
        %get3A_425 = arith.constant 0 : index
        %get3A_426 = tpu.vector_load %arg8[%get3A_424, %get3A_425] {strides = array<i32>} : memref<1600x32xf32, #tpu.memory_space<vmem>>, vector<1x16xf32>,
        %get3A_427 = vector.shape_cast %get3A_426 : vector<1x16xf32> to vector<16xf32>
        %add3A_428 = arith.addf %add3A_410, %get3A_427 : vector<16xf32>
        %mul3A_429 = arith.constant 50 : i32
        %mul3A_430 = arith.muli %scan3A_275, %mul3A_429 : i32
        %add3A_431 = arith.addi %mul3A_430, %scan3A_420 : i32
        %get3A_432 = arith.index_cast %add3A_431 : i32 to index
        %get3A_433 = arith.constant 16 : index
        %get3A_434 = tpu.vector_load %arg8[%get3A_432, %get3A_433] {strides = array<i32>} : memref<1600x32xf32, #tpu.memory_space<vmem>>, vector<1x16xf32>,
        %get3A_435 = vector.shape_cast %get3A_434 : vector<1x16xf32> to vector<16xf32>
        %add3A_436 = arith.addf %add3A_418, %get3A_435 : vector<16xf32>
        %scan3A_437 = arith.constant 8 : i32
        %scan3A_438 = arith.addi %scan3A_293, %scan3A_437 : i32
        %mul3A_439 = arith.constant 50 : i32
        %mul3A_440 = arith.muli %scan3A_275, %mul3A_439 : i32
        %add3A_441 = arith.addi %mul3A_440, %scan3A_438 : i32
        %get3A_442 = arith.index_cast %add3A_441 : i32 to index
        %get3A_443 = arith.constant 0 : index
        %get3A_444 = tpu.vector_load %arg8[%get3A_442, %get3A_443] {strides = array<i32>} : memref<1600x32xf32, #tpu.memory_space<vmem>>, vector<1x16xf32>,
        %get3A_445 = vector.shape_cast %get3A_444 : vector<1x16xf32> to vector<16xf32>
        %add3A_446 = arith.addf %add3A_428, %get3A_445 : vector<16xf32>
        %mul3A_447 = arith.constant 50 : i32
        %mul3A_448 = arith.muli %scan3A_275, %mul3A_447 : i32
        %add3A_449 = arith.addi %mul3A_448, %scan3A_438 : i32
        %get3A_450 = arith.index_cast %add3A_449 : i32 to index
        %get3A_451 = arith.constant 16 : index
        %get3A_452 = tpu.vector_load %arg8[%get3A_450, %get3A_451] {strides = array<i32>} : memref<1600x32xf32, #tpu.memory_space<vmem>>, vector<1x16xf32>,
        %get3A_453 = vector.shape_cast %get3A_452 : vector<1x16xf32> to vector<16xf32>
        %add3A_454 = arith.addf %add3A_436, %get3A_453 : vector<16xf32>
        %scan3A_455 = arith.constant 9 : i32
        %scan3A_456 = arith.addi %scan3A_293, %scan3A_455 : i32
        %mul3A_457 = arith.constant 50 : i32
        %mul3A_458 = arith.muli %scan3A_275, %mul3A_457 : i32
        %add3A_459 = arith.addi %mul3A_458, %scan3A_456 : i32
        %get3A_460 = arith.index_cast %add3A_459 : i32 to index
        %get3A_461 = arith.constant 0 : index
        %get3A_462 = tpu.vector_load %arg8[%get3A_460, %get3A_461] {strides = array<i32>} : memref<1600x32xf32, #tpu.memory_space<vmem>>, vector<1x16xf32>,
        %get3A_463 = vector.shape_cast %get3A_462 : vector<1x16xf32> to vector<16xf32>
        %add3A_464 = arith.addf %add3A_446, %get3A_463 : vector<16xf32>
        %mul3A_465 = arith.constant 50 : i32
        %mul3A_466 = arith.muli %scan3A_275, %mul3A_465 : i32
        %add3A_467 = arith.addi %mul3A_466, %scan3A_456 : i32
        %get3A_468 = arith.index_cast %add3A_467 : i32 to index
        %get3A_469 = arith.constant 16 : index
        %get3A_470 = tpu.vector_load %arg8[%get3A_468, %get3A_469] {strides = array<i32>} : memref<1600x32xf32, #tpu.memory_space<vmem>>, vector<1x16xf32>,
        %get3A_471 = vector.shape_cast %get3A_470 : vector<1x16xf32> to vector<16xf32>
        %add3A_472 = arith.addf %add3A_454, %get3A_471 : vector<16xf32>
        scf.yield %add3A_464, %add3A_472 : vector<16xf32>, vector<16xf32>
      }
      %scan3A_282 = arith.constant 50 : i32
      %swap3A = arith.index_cast %scan3A_275 : i32 to index
      %swap3A_283 = arith.constant 0 : index
      %swap3A_284 = tpu.vector_load %arg9[%swap3A, %swap3A_283] {strides = array<i32>} : memref<32x32xf32, #tpu.memory_space<vmem>>, vector<1x16xf32>,
      %swap3A_285 = vector.shape_cast %swap3A_284 : vector<1x16xf32> to vector<16xf32>
      %swap3A_286 = vector.shape_cast %scan3A_281#0 : vector<16xf32> to vector<1x16xf32>
      tpu.vector_store %arg9[%swap3A, %swap3A_283], %swap3A_286 {strides = array<i32>} : memref<32x32xf32, #tpu.memory_space<vmem>>, vector<1x16xf32>,
      %swap3A_287 = arith.index_cast %scan3A_275 : i32 to index
      %swap3A_288 = arith.constant 16 : index
      %swap3A_289 = tpu.vector_load %arg9[%swap3A_287, %swap3A_288] {strides = array<i32>} : memref<32x32xf32, #tpu.memory_space<vmem>>, vector<1x16xf32>,
      %swap3A_290 = vector.shape_cast %swap3A_289 : vector<1x16xf32> to vector<16xf32>
      %swap3A_291 = vector.shape_cast %scan3A_281#1 : vector<16xf32> to vector<1x16xf32>
      tpu.vector_store %arg9[%swap3A_287, %swap3A_288], %swap3A_291 {strides = array<i32>} : memref<32x32xf32, #tpu.memory_space<vmem>>, vector<1x16xf32>,
      %scan3A_292 = arith.constant 0 : i32
      scf.yield %scan3A_292 : i32
    }
    %scan3A_107 = arith.constant 32 : i32
    %add3A_108 = arith.constant 160 : i32
    %add3A_109 = arith.addi %mul3A_2, %add3A_108 : i32
    "tpu.region"() ({
      %run_scoped3A = tpu.sem_alloc : memref<!tpu.dma_semaphore, #tpu.memory_space<semaphore_mem>>
      %dma_start3A_275 = arith.constant 0 : i32
      %dma_start3A_276 = tpu.memref_slice %arg4[%add3A_109, %dma_start3A_275] : memref<16384x32xf32, #tpu.memory_space<hbm>> -> memref<32x32xf32, #tpu.memory_space<hbm>>
      %dma_start3A_277 = arith.constant 0 : i32
      %dma_start3A_278 = tpu.memref_slice %arg4[%add3A_109, %dma_start3A_277] : memref<16384x32xf32, #tpu.memory_space<hbm>> -> memref<32x32xf32, #tpu.memory_space<hbm>>
      tpu.enqueue_dma source(%arg9 : memref<32x32xf32, #tpu.memory_space<vmem>>) target(%dma_start3A_278 : memref<32x32xf32, #tpu.memory_space<hbm>>) target_semaphore(%run_scoped3A : memref<!tpu.dma_semaphore, #tpu.memory_space<semaphore_mem>>)
      %dma_wait3A_279 = arith.constant 0 : i32
      %dma_wait3A_280 = tpu.memref_slice %arg4[%add3A_109, %dma_wait3A_279] : memref<16384x32xf32, #tpu.memory_space<hbm>> -> memref<32x32xf32, #tpu.memory_space<hbm>>
      %dma_wait3A_281 = arith.constant 0 : i32
      %dma_wait3A_282 = tpu.memref_slice %arg4[%add3A_109, %dma_wait3A_281] : memref<16384x32xf32, #tpu.memory_space<hbm>> -> memref<32x32xf32, #tpu.memory_space<hbm>>
      tpu.wait_dma2 semaphore(%run_scoped3A : memref<!tpu.dma_semaphore, #tpu.memory_space<semaphore_mem>>) src(%arg9 : memref<32x32xf32, #tpu.memory_space<vmem>>) dst(%dma_wait3A_282 : memref<32x32xf32, #tpu.memory_space<hbm>>)
      tpu.yield
    }) : () -> ()
    %add3A_110 = arith.constant 11200 : i32
    %add3A_111 = arith.addi %mul3A_4, %add3A_110 : i32
    "tpu.region"() ({
      %run_scoped3A = tpu.sem_alloc : memref<!tpu.dma_semaphore, #tpu.memory_space<semaphore_mem>>
      %dma_start3A_275 = tpu.memref_slice %arg2[%add3A_111] : memref<819200xi32, #tpu.memory_space<hbm>> -> memref<1600xi32, #tpu.memory_space<hbm>>
      %dma_start3A_276 = tpu.memref_slice %arg2[%add3A_111] : memref<819200xi32, #tpu.memory_space<hbm>> -> memref<1600xi32, #tpu.memory_space<hbm>>
      tpu.enqueue_dma source(%dma_start3A_276 : memref<1600xi32, #tpu.memory_space<hbm>>) target(%arg6 : memref<1600xi32, #tpu.memory_space<vmem>>) target_semaphore(%run_scoped3A : memref<!tpu.dma_semaphore, #tpu.memory_space<semaphore_mem>>)
      %dma_wait3A_277 = tpu.memref_slice %arg2[%add3A_111] : memref<819200xi32, #tpu.memory_space<hbm>> -> memref<1600xi32, #tpu.memory_space<hbm>>
      %dma_wait3A_278 = tpu.memref_slice %arg2[%add3A_111] : memref<819200xi32, #tpu.memory_space<hbm>> -> memref<1600xi32, #tpu.memory_space<hbm>>
      tpu.wait_dma2 semaphore(%run_scoped3A : memref<!tpu.dma_semaphore, #tpu.memory_space<semaphore_mem>>) src(%dma_wait3A_278 : memref<1600xi32, #tpu.memory_space<hbm>>) dst(%arg6 : memref<1600xi32, #tpu.memory_space<vmem>>)
      tpu.yield
    }) : () -> ()
    %dma_start3A_112 = arith.constant 0 : i32
    %dma_start3A_113 = arith.constant 0 : i32
    %dma_start3A_114 = tpu.memref_slice %arg3[%dma_start3A_112, %dma_start3A_113] : memref<1000000x32xf32, #tpu.memory_space<hbm>> -> memref<1000000x32xf32, #tpu.memory_space<hbm>>
    tpu.enqueue_indirect_dma source(%dma_start3A_114 : memref<1000000x32xf32, #tpu.memory_space<hbm>>) target(%arg8 : memref<1600x32xf32, #tpu.memory_space<vmem>>) offsets(%arg6 : memref<1600xi32, #tpu.memory_space<vmem>>) semaphore(%arg11 : memref<!tpu.dma_semaphore, #tpu.memory_space<semaphore_mem>>)
    %dma_wait3A_115 = arith.constant 0 : i32
    %dma_wait3A_116 = arith.constant 0 : i32
    %dma_wait3A_117 = tpu.memref_slice %arg3[%dma_wait3A_115, %dma_wait3A_116] : memref<1000000x32xf32, #tpu.memory_space<hbm>> -> memref<1000000x32xf32, #tpu.memory_space<hbm>>
    tpu.wait_indirect_dma semaphore(%arg10 : memref<!tpu.dma_semaphore, #tpu.memory_space<semaphore_mem>>) src(%dma_wait3A_117 : memref<1000000x32xf32, #tpu.memory_space<hbm>>) dst(%arg7 : memref<1600x32xf32, #tpu.memory_space<vmem>>)
    %scan3A_118 = arith.constant 0 : i32
    %scan3A_119 = arith.constant 0 : i32
    %scan3A_120 = arith.constant 32 : i32
    %scan3A_121 = arith.addi %scan3A_119, %scan3A_120 : i32
    %scan3A_122 = arith.constant 1 : i32
    %scan3A_123 = scf.for %scan3A_275 = %scan3A_119 to %scan3A_121 step %scan3A_122 iter_args(%scan3A_276 = %scan3A_118) -> (i32)  : i32 {
      %scan3A_277 = arith.constant 0 : i32
      %scan3A_278 = arith.constant 50 : i32
      %scan3A_279 = arith.addi %scan3A_277, %scan3A_278 : i32
      %scan3A_280 = arith.constant 10 : i32
      %scan3A_281:2 = scf.for %scan3A_293 = %scan3A_277 to %scan3A_279 step %scan3A_280 iter_args(%scan3A_294 = %broadcast_in_dim3A_5, %scan3A_295 = %broadcast_in_dim3A_5) -> (vector<16xf32>, vector<16xf32>)  : i32 {
        %mul3A_296 = arith.constant 50 : i32
        %mul3A_297 = arith.muli %scan3A_275, %mul3A_296 : i32
        %add3A_298 = arith.addi %mul3A_297, %scan3A_293 : i32
        %get3A = arith.index_cast %add3A_298 : i32 to index
        %get3A_299 = arith.constant 0 : index
        %get3A_300 = tpu.vector_load %arg7[%get3A, %get3A_299] {strides = array<i32>} : memref<1600x32xf32, #tpu.memory_space<vmem>>, vector<1x16xf32>,
        %get3A_301 = vector.shape_cast %get3A_300 : vector<1x16xf32> to vector<16xf32>
        %add3A_302 = arith.addf %scan3A_294, %get3A_301 : vector<16xf32>
        %mul3A_303 = arith.constant 50 : i32
        %mul3A_304 = arith.muli %scan3A_275, %mul3A_303 : i32
        %add3A_305 = arith.addi %mul3A_304, %scan3A_293 : i32
        %get3A_306 = arith.index_cast %add3A_305 : i32 to index
        %get3A_307 = arith.constant 16 : index
        %get3A_308 = tpu.vector_load %arg7[%get3A_306, %get3A_307] {strides = array<i32>} : memref<1600x32xf32, #tpu.memory_space<vmem>>, vector<1x16xf32>,
        %get3A_309 = vector.shape_cast %get3A_308 : vector<1x16xf32> to vector<16xf32>
        %add3A_310 = arith.addf %scan3A_295, %get3A_309 : vector<16xf32>
        %scan3A_311 = arith.constant 1 : i32
        %scan3A_312 = arith.addi %scan3A_293, %scan3A_311 : i32
        %mul3A_313 = arith.constant 50 : i32
        %mul3A_314 = arith.muli %scan3A_275, %mul3A_313 : i32
        %add3A_315 = arith.addi %mul3A_314, %scan3A_312 : i32
        %get3A_316 = arith.index_cast %add3A_315 : i32 to index
        %get3A_317 = arith.constant 0 : index
        %get3A_318 = tpu.vector_load %arg7[%get3A_316, %get3A_317] {strides = array<i32>} : memref<1600x32xf32, #tpu.memory_space<vmem>>, vector<1x16xf32>,
        %get3A_319 = vector.shape_cast %get3A_318 : vector<1x16xf32> to vector<16xf32>
        %add3A_320 = arith.addf %add3A_302, %get3A_319 : vector<16xf32>
        %mul3A_321 = arith.constant 50 : i32
        %mul3A_322 = arith.muli %scan3A_275, %mul3A_321 : i32
        %add3A_323 = arith.addi %mul3A_322, %scan3A_312 : i32
        %get3A_324 = arith.index_cast %add3A_323 : i32 to index
        %get3A_325 = arith.constant 16 : index
        %get3A_326 = tpu.vector_load %arg7[%get3A_324, %get3A_325] {strides = array<i32>} : memref<1600x32xf32, #tpu.memory_space<vmem>>, vector<1x16xf32>,
        %get3A_327 = vector.shape_cast %get3A_326 : vector<1x16xf32> to vector<16xf32>
        %add3A_328 = arith.addf %add3A_310, %get3A_327 : vector<16xf32>
        %scan3A_329 = arith.constant 2 : i32
        %scan3A_330 = arith.addi %scan3A_293, %scan3A_329 : i32
        %mul3A_331 = arith.constant 50 : i32
        %mul3A_332 = arith.muli %scan3A_275, %mul3A_331 : i32
        %add3A_333 = arith.addi %mul3A_332, %scan3A_330 : i32
        %get3A_334 = arith.index_cast %add3A_333 : i32 to index
        %get3A_335 = arith.constant 0 : index
        %get3A_336 = tpu.vector_load %arg7[%get3A_334, %get3A_335] {strides = array<i32>} : memref<1600x32xf32, #tpu.memory_space<vmem>>, vector<1x16xf32>,
        %get3A_337 = vector.shape_cast %get3A_336 : vector<1x16xf32> to vector<16xf32>
        %add3A_338 = arith.addf %add3A_320, %get3A_337 : vector<16xf32>
        %mul3A_339 = arith.constant 50 : i32
        %mul3A_340 = arith.muli %scan3A_275, %mul3A_339 : i32
        %add3A_341 = arith.addi %mul3A_340, %scan3A_330 : i32
        %get3A_342 = arith.index_cast %add3A_341 : i32 to index
        %get3A_343 = arith.constant 16 : index
        %get3A_344 = tpu.vector_load %arg7[%get3A_342, %get3A_343] {strides = array<i32>} : memref<1600x32xf32, #tpu.memory_space<vmem>>, vector<1x16xf32>,
        %get3A_345 = vector.shape_cast %get3A_344 : vector<1x16xf32> to vector<16xf32>
        %add3A_346 = arith.addf %add3A_328, %get3A_345 : vector<16xf32>
        %scan3A_347 = arith.constant 3 : i32
        %scan3A_348 = arith.addi %scan3A_293, %scan3A_347 : i32
        %mul3A_349 = arith.constant 50 : i32
        %mul3A_350 = arith.muli %scan3A_275, %mul3A_349 : i32
        %add3A_351 = arith.addi %mul3A_350, %scan3A_348 : i32
        %get3A_352 = arith.index_cast %add3A_351 : i32 to index
        %get3A_353 = arith.constant 0 : index
        %get3A_354 = tpu.vector_load %arg7[%get3A_352, %get3A_353] {strides = array<i32>} : memref<1600x32xf32, #tpu.memory_space<vmem>>, vector<1x16xf32>,
        %get3A_355 = vector.shape_cast %get3A_354 : vector<1x16xf32> to vector<16xf32>
        %add3A_356 = arith.addf %add3A_338, %get3A_355 : vector<16xf32>
        %mul3A_357 = arith.constant 50 : i32
        %mul3A_358 = arith.muli %scan3A_275, %mul3A_357 : i32
        %add3A_359 = arith.addi %mul3A_358, %scan3A_348 : i32
        %get3A_360 = arith.index_cast %add3A_359 : i32 to index
        %get3A_361 = arith.constant 16 : index
        %get3A_362 = tpu.vector_load %arg7[%get3A_360, %get3A_361] {strides = array<i32>} : memref<1600x32xf32, #tpu.memory_space<vmem>>, vector<1x16xf32>,
        %get3A_363 = vector.shape_cast %get3A_362 : vector<1x16xf32> to vector<16xf32>
        %add3A_364 = arith.addf %add3A_346, %get3A_363 : vector<16xf32>
        %scan3A_365 = arith.constant 4 : i32
        %scan3A_366 = arith.addi %scan3A_293, %scan3A_365 : i32
        %mul3A_367 = arith.constant 50 : i32
        %mul3A_368 = arith.muli %scan3A_275, %mul3A_367 : i32
        %add3A_369 = arith.addi %mul3A_368, %scan3A_366 : i32
        %get3A_370 = arith.index_cast %add3A_369 : i32 to index
        %get3A_371 = arith.constant 0 : index
        %get3A_372 = tpu.vector_load %arg7[%get3A_370, %get3A_371] {strides = array<i32>} : memref<1600x32xf32, #tpu.memory_space<vmem>>, vector<1x16xf32>,
        %get3A_373 = vector.shape_cast %get3A_372 : vector<1x16xf32> to vector<16xf32>
        %add3A_374 = arith.addf %add3A_356, %get3A_373 : vector<16xf32>
        %mul3A_375 = arith.constant 50 : i32
        %mul3A_376 = arith.muli %scan3A_275, %mul3A_375 : i32
        %add3A_377 = arith.addi %mul3A_376, %scan3A_366 : i32
        %get3A_378 = arith.index_cast %add3A_377 : i32 to index
        %get3A_379 = arith.constant 16 : index
        %get3A_380 = tpu.vector_load %arg7[%get3A_378, %get3A_379] {strides = array<i32>} : memref<1600x32xf32, #tpu.memory_space<vmem>>, vector<1x16xf32>,
        %get3A_381 = vector.shape_cast %get3A_380 : vector<1x16xf32> to vector<16xf32>
        %add3A_382 = arith.addf %add3A_364, %get3A_381 : vector<16xf32>
        %scan3A_383 = arith.constant 5 : i32
        %scan3A_384 = arith.addi %scan3A_293, %scan3A_383 : i32
        %mul3A_385 = arith.constant 50 : i32
        %mul3A_386 = arith.muli %scan3A_275, %mul3A_385 : i32
        %add3A_387 = arith.addi %mul3A_386, %scan3A_384 : i32
        %get3A_388 = arith.index_cast %add3A_387 : i32 to index
        %get3A_389 = arith.constant 0 : index
        %get3A_390 = tpu.vector_load %arg7[%get3A_388, %get3A_389] {strides = array<i32>} : memref<1600x32xf32, #tpu.memory_space<vmem>>, vector<1x16xf32>,
        %get3A_391 = vector.shape_cast %get3A_390 : vector<1x16xf32> to vector<16xf32>
        %add3A_392 = arith.addf %add3A_374, %get3A_391 : vector<16xf32>
        %mul3A_393 = arith.constant 50 : i32
        %mul3A_394 = arith.muli %scan3A_275, %mul3A_393 : i32
        %add3A_395 = arith.addi %mul3A_394, %scan3A_384 : i32
        %get3A_396 = arith.index_cast %add3A_395 : i32 to index
        %get3A_397 = arith.constant 16 : index
        %get3A_398 = tpu.vector_load %arg7[%get3A_396, %get3A_397] {strides = array<i32>} : memref<1600x32xf32, #tpu.memory_space<vmem>>, vector<1x16xf32>,
        %get3A_399 = vector.shape_cast %get3A_398 : vector<1x16xf32> to vector<16xf32>
        %add3A_400 = arith.addf %add3A_382, %get3A_399 : vector<16xf32>
        %scan3A_401 = arith.constant 6 : i32
        %scan3A_402 = arith.addi %scan3A_293, %scan3A_401 : i32
        %mul3A_403 = arith.constant 50 : i32
        %mul3A_404 = arith.muli %scan3A_275, %mul3A_403 : i32
        %add3A_405 = arith.addi %mul3A_404, %scan3A_402 : i32
        %get3A_406 = arith.index_cast %add3A_405 : i32 to index
        %get3A_407 = arith.constant 0 : index
        %get3A_408 = tpu.vector_load %arg7[%get3A_406, %get3A_407] {strides = array<i32>} : memref<1600x32xf32, #tpu.memory_space<vmem>>, vector<1x16xf32>,
        %get3A_409 = vector.shape_cast %get3A_408 : vector<1x16xf32> to vector<16xf32>
        %add3A_410 = arith.addf %add3A_392, %get3A_409 : vector<16xf32>
        %mul3A_411 = arith.constant 50 : i32
        %mul3A_412 = arith.muli %scan3A_275, %mul3A_411 : i32
        %add3A_413 = arith.addi %mul3A_412, %scan3A_402 : i32
        %get3A_414 = arith.index_cast %add3A_413 : i32 to index
        %get3A_415 = arith.constant 16 : index
        %get3A_416 = tpu.vector_load %arg7[%get3A_414, %get3A_415] {strides = array<i32>} : memref<1600x32xf32, #tpu.memory_space<vmem>>, vector<1x16xf32>,
        %get3A_417 = vector.shape_cast %get3A_416 : vector<1x16xf32> to vector<16xf32>
        %add3A_418 = arith.addf %add3A_400, %get3A_417 : vector<16xf32>
        %scan3A_419 = arith.constant 7 : i32
        %scan3A_420 = arith.addi %scan3A_293, %scan3A_419 : i32
        %mul3A_421 = arith.constant 50 : i32
        %mul3A_422 = arith.muli %scan3A_275, %mul3A_421 : i32
        %add3A_423 = arith.addi %mul3A_422, %scan3A_420 : i32
        %get3A_424 = arith.index_cast %add3A_423 : i32 to index
        %get3A_425 = arith.constant 0 : index
        %get3A_426 = tpu.vector_load %arg7[%get3A_424, %get3A_425] {strides = array<i32>} : memref<1600x32xf32, #tpu.memory_space<vmem>>, vector<1x16xf32>,
        %get3A_427 = vector.shape_cast %get3A_426 : vector<1x16xf32> to vector<16xf32>
        %add3A_428 = arith.addf %add3A_410, %get3A_427 : vector<16xf32>
        %mul3A_429 = arith.constant 50 : i32
        %mul3A_430 = arith.muli %scan3A_275, %mul3A_429 : i32
        %add3A_431 = arith.addi %mul3A_430, %scan3A_420 : i32
        %get3A_432 = arith.index_cast %add3A_431 : i32 to index
        %get3A_433 = arith.constant 16 : index
        %get3A_434 = tpu.vector_load %arg7[%get3A_432, %get3A_433] {strides = array<i32>} : memref<1600x32xf32, #tpu.memory_space<vmem>>, vector<1x16xf32>,
        %get3A_435 = vector.shape_cast %get3A_434 : vector<1x16xf32> to vector<16xf32>
        %add3A_436 = arith.addf %add3A_418, %get3A_435 : vector<16xf32>
        %scan3A_437 = arith.constant 8 : i32
        %scan3A_438 = arith.addi %scan3A_293, %scan3A_437 : i32
        %mul3A_439 = arith.constant 50 : i32
        %mul3A_440 = arith.muli %scan3A_275, %mul3A_439 : i32
        %add3A_441 = arith.addi %mul3A_440, %scan3A_438 : i32
        %get3A_442 = arith.index_cast %add3A_441 : i32 to index
        %get3A_443 = arith.constant 0 : index
        %get3A_444 = tpu.vector_load %arg7[%get3A_442, %get3A_443] {strides = array<i32>} : memref<1600x32xf32, #tpu.memory_space<vmem>>, vector<1x16xf32>,
        %get3A_445 = vector.shape_cast %get3A_444 : vector<1x16xf32> to vector<16xf32>
        %add3A_446 = arith.addf %add3A_428, %get3A_445 : vector<16xf32>
        %mul3A_447 = arith.constant 50 : i32
        %mul3A_448 = arith.muli %scan3A_275, %mul3A_447 : i32
        %add3A_449 = arith.addi %mul3A_448, %scan3A_438 : i32
        %get3A_450 = arith.index_cast %add3A_449 : i32 to index
        %get3A_451 = arith.constant 16 : index
        %get3A_452 = tpu.vector_load %arg7[%get3A_450, %get3A_451] {strides = array<i32>} : memref<1600x32xf32, #tpu.memory_space<vmem>>, vector<1x16xf32>,
        %get3A_453 = vector.shape_cast %get3A_452 : vector<1x16xf32> to vector<16xf32>
        %add3A_454 = arith.addf %add3A_436, %get3A_453 : vector<16xf32>
        %scan3A_455 = arith.constant 9 : i32
        %scan3A_456 = arith.addi %scan3A_293, %scan3A_455 : i32
        %mul3A_457 = arith.constant 50 : i32
        %mul3A_458 = arith.muli %scan3A_275, %mul3A_457 : i32
        %add3A_459 = arith.addi %mul3A_458, %scan3A_456 : i32
        %get3A_460 = arith.index_cast %add3A_459 : i32 to index
        %get3A_461 = arith.constant 0 : index
        %get3A_462 = tpu.vector_load %arg7[%get3A_460, %get3A_461] {strides = array<i32>} : memref<1600x32xf32, #tpu.memory_space<vmem>>, vector<1x16xf32>,
        %get3A_463 = vector.shape_cast %get3A_462 : vector<1x16xf32> to vector<16xf32>
        %add3A_464 = arith.addf %add3A_446, %get3A_463 : vector<16xf32>
        %mul3A_465 = arith.constant 50 : i32
        %mul3A_466 = arith.muli %scan3A_275, %mul3A_465 : i32
        %add3A_467 = arith.addi %mul3A_466, %scan3A_456 : i32
        %get3A_468 = arith.index_cast %add3A_467 : i32 to index
        %get3A_469 = arith.constant 16 : index
        %get3A_470 = tpu.vector_load %arg7[%get3A_468, %get3A_469] {strides = array<i32>} : memref<1600x32xf32, #tpu.memory_space<vmem>>, vector<1x16xf32>,
        %get3A_471 = vector.shape_cast %get3A_470 : vector<1x16xf32> to vector<16xf32>
        %add3A_472 = arith.addf %add3A_454, %get3A_471 : vector<16xf32>
        scf.yield %add3A_464, %add3A_472 : vector<16xf32>, vector<16xf32>
      }
      %scan3A_282 = arith.constant 50 : i32
      %swap3A = arith.index_cast %scan3A_275 : i32 to index
      %swap3A_283 = arith.constant 0 : index
      %swap3A_284 = tpu.vector_load %arg9[%swap3A, %swap3A_283] {strides = array<i32>} : memref<32x32xf32, #tpu.memory_space<vmem>>, vector<1x16xf32>,
      %swap3A_285 = vector.shape_cast %swap3A_284 : vector<1x16xf32> to vector<16xf32>
      %swap3A_286 = vector.shape_cast %scan3A_281#0 : vector<16xf32> to vector<1x16xf32>
      tpu.vector_store %arg9[%swap3A, %swap3A_283], %swap3A_286 {strides = array<i32>} : memref<32x32xf32, #tpu.memory_space<vmem>>, vector<1x16xf32>,
      %swap3A_287 = arith.index_cast %scan3A_275 : i32 to index
      %swap3A_288 = arith.constant 16 : index
      %swap3A_289 = tpu.vector_load %arg9[%swap3A_287, %swap3A_288] {strides = array<i32>} : memref<32x32xf32, #tpu.memory_space<vmem>>, vector<1x16xf32>,
      %swap3A_290 = vector.shape_cast %swap3A_289 : vector<1x16xf32> to vector<16xf32>
      %swap3A_291 = vector.shape_cast %scan3A_281#1 : vector<16xf32> to vector<1x16xf32>
      tpu.vector_store %arg9[%swap3A_287, %swap3A_288], %swap3A_291 {strides = array<i32>} : memref<32x32xf32, #tpu.memory_space<vmem>>, vector<1x16xf32>,
      %scan3A_292 = arith.constant 0 : i32
      scf.yield %scan3A_292 : i32
    }
    %scan3A_124 = arith.constant 32 : i32
    %add3A_125 = arith.constant 192 : i32
    %add3A_126 = arith.addi %mul3A_2, %add3A_125 : i32
    "tpu.region"() ({
      %run_scoped3A = tpu.sem_alloc : memref<!tpu.dma_semaphore, #tpu.memory_space<semaphore_mem>>
      %dma_start3A_275 = arith.constant 0 : i32
      %dma_start3A_276 = tpu.memref_slice %arg4[%add3A_126, %dma_start3A_275] : memref<16384x32xf32, #tpu.memory_space<hbm>> -> memref<32x32xf32, #tpu.memory_space<hbm>>
      %dma_start3A_277 = arith.constant 0 : i32
      %dma_start3A_278 = tpu.memref_slice %arg4[%add3A_126, %dma_start3A_277] : memref<16384x32xf32, #tpu.memory_space<hbm>> -> memref<32x32xf32, #tpu.memory_space<hbm>>
      tpu.enqueue_dma source(%arg9 : memref<32x32xf32, #tpu.memory_space<vmem>>) target(%dma_start3A_278 : memref<32x32xf32, #tpu.memory_space<hbm>>) target_semaphore(%run_scoped3A : memref<!tpu.dma_semaphore, #tpu.memory_space<semaphore_mem>>)
      %dma_wait3A_279 = arith.constant 0 : i32
      %dma_wait3A_280 = tpu.memref_slice %arg4[%add3A_126, %dma_wait3A_279] : memref<16384x32xf32, #tpu.memory_space<hbm>> -> memref<32x32xf32, #tpu.memory_space<hbm>>
      %dma_wait3A_281 = arith.constant 0 : i32
      %dma_wait3A_282 = tpu.memref_slice %arg4[%add3A_126, %dma_wait3A_281] : memref<16384x32xf32, #tpu.memory_space<hbm>> -> memref<32x32xf32, #tpu.memory_space<hbm>>
      tpu.wait_dma2 semaphore(%run_scoped3A : memref<!tpu.dma_semaphore, #tpu.memory_space<semaphore_mem>>) src(%arg9 : memref<32x32xf32, #tpu.memory_space<vmem>>) dst(%dma_wait3A_282 : memref<32x32xf32, #tpu.memory_space<hbm>>)
      tpu.yield
    }) : () -> ()
    %add3A_127 = arith.constant 12800 : i32
    %add3A_128 = arith.addi %mul3A_4, %add3A_127 : i32
    "tpu.region"() ({
      %run_scoped3A = tpu.sem_alloc : memref<!tpu.dma_semaphore, #tpu.memory_space<semaphore_mem>>
      %dma_start3A_275 = tpu.memref_slice %arg2[%add3A_128] : memref<819200xi32, #tpu.memory_space<hbm>> -> memref<1600xi32, #tpu.memory_space<hbm>>
      %dma_start3A_276 = tpu.memref_slice %arg2[%add3A_128] : memref<819200xi32, #tpu.memory_space<hbm>> -> memref<1600xi32, #tpu.memory_space<hbm>>
      tpu.enqueue_dma source(%dma_start3A_276 : memref<1600xi32, #tpu.memory_space<hbm>>) target(%arg5 : memref<1600xi32, #tpu.memory_space<vmem>>) target_semaphore(%run_scoped3A : memref<!tpu.dma_semaphore, #tpu.memory_space<semaphore_mem>>)
      %dma_wait3A_277 = tpu.memref_slice %arg2[%add3A_128] : memref<819200xi32, #tpu.memory_space<hbm>> -> memref<1600xi32, #tpu.memory_space<hbm>>
      %dma_wait3A_278 = tpu.memref_slice %arg2[%add3A_128] : memref<819200xi32, #tpu.memory_space<hbm>> -> memref<1600xi32, #tpu.memory_space<hbm>>
      tpu.wait_dma2 semaphore(%run_scoped3A : memref<!tpu.dma_semaphore, #tpu.memory_space<semaphore_mem>>) src(%dma_wait3A_278 : memref<1600xi32, #tpu.memory_space<hbm>>) dst(%arg5 : memref<1600xi32, #tpu.memory_space<vmem>>)
      tpu.yield
    }) : () -> ()
    %dma_start3A_129 = arith.constant 0 : i32
    %dma_start3A_130 = arith.constant 0 : i32
    %dma_start3A_131 = tpu.memref_slice %arg3[%dma_start3A_129, %dma_start3A_130] : memref<1000000x32xf32, #tpu.memory_space<hbm>> -> memref<1000000x32xf32, #tpu.memory_space<hbm>>
    tpu.enqueue_indirect_dma source(%dma_start3A_131 : memref<1000000x32xf32, #tpu.memory_space<hbm>>) target(%arg7 : memref<1600x32xf32, #tpu.memory_space<vmem>>) offsets(%arg5 : memref<1600xi32, #tpu.memory_space<vmem>>) semaphore(%arg10 : memref<!tpu.dma_semaphore, #tpu.memory_space<semaphore_mem>>)
    %dma_wait3A_132 = arith.constant 0 : i32
    %dma_wait3A_133 = arith.constant 0 : i32
    %dma_wait3A_134 = tpu.memref_slice %arg3[%dma_wait3A_132, %dma_wait3A_133] : memref<1000000x32xf32, #tpu.memory_space<hbm>> -> memref<1000000x32xf32, #tpu.memory_space<hbm>>
    tpu.wait_indirect_dma semaphore(%arg11 : memref<!tpu.dma_semaphore, #tpu.memory_space<semaphore_mem>>) src(%dma_wait3A_134 : memref<1000000x32xf32, #tpu.memory_space<hbm>>) dst(%arg8 : memref<1600x32xf32, #tpu.memory_space<vmem>>)
    %scan3A_135 = arith.constant 0 : i32
    %scan3A_136 = arith.constant 0 : i32
    %scan3A_137 = arith.constant 32 : i32
    %scan3A_138 = arith.addi %scan3A_136, %scan3A_137 : i32
    %scan3A_139 = arith.constant 1 : i32
    %scan3A_140 = scf.for %scan3A_275 = %scan3A_136 to %scan3A_138 step %scan3A_139 iter_args(%scan3A_276 = %scan3A_135) -> (i32)  : i32 {
      %scan3A_277 = arith.constant 0 : i32
      %scan3A_278 = arith.constant 50 : i32
      %scan3A_279 = arith.addi %scan3A_277, %scan3A_278 : i32
      %scan3A_280 = arith.constant 10 : i32
      %scan3A_281:2 = scf.for %scan3A_293 = %scan3A_277 to %scan3A_279 step %scan3A_280 iter_args(%scan3A_294 = %broadcast_in_dim3A_5, %scan3A_295 = %broadcast_in_dim3A_5) -> (vector<16xf32>, vector<16xf32>)  : i32 {
        %mul3A_296 = arith.constant 50 : i32
        %mul3A_297 = arith.muli %scan3A_275, %mul3A_296 : i32
        %add3A_298 = arith.addi %mul3A_297, %scan3A_293 : i32
        %get3A = arith.index_cast %add3A_298 : i32 to index
        %get3A_299 = arith.constant 0 : index
        %get3A_300 = tpu.vector_load %arg8[%get3A, %get3A_299] {strides = array<i32>} : memref<1600x32xf32, #tpu.memory_space<vmem>>, vector<1x16xf32>,
        %get3A_301 = vector.shape_cast %get3A_300 : vector<1x16xf32> to vector<16xf32>
        %add3A_302 = arith.addf %scan3A_294, %get3A_301 : vector<16xf32>
        %mul3A_303 = arith.constant 50 : i32
        %mul3A_304 = arith.muli %scan3A_275, %mul3A_303 : i32
        %add3A_305 = arith.addi %mul3A_304, %scan3A_293 : i32
        %get3A_306 = arith.index_cast %add3A_305 : i32 to index
        %get3A_307 = arith.constant 16 : index
        %get3A_308 = tpu.vector_load %arg8[%get3A_306, %get3A_307] {strides = array<i32>} : memref<1600x32xf32, #tpu.memory_space<vmem>>, vector<1x16xf32>,
        %get3A_309 = vector.shape_cast %get3A_308 : vector<1x16xf32> to vector<16xf32>
        %add3A_310 = arith.addf %scan3A_295, %get3A_309 : vector<16xf32>
        %scan3A_311 = arith.constant 1 : i32
        %scan3A_312 = arith.addi %scan3A_293, %scan3A_311 : i32
        %mul3A_313 = arith.constant 50 : i32
        %mul3A_314 = arith.muli %scan3A_275, %mul3A_313 : i32
        %add3A_315 = arith.addi %mul3A_314, %scan3A_312 : i32
        %get3A_316 = arith.index_cast %add3A_315 : i32 to index
        %get3A_317 = arith.constant 0 : index
        %get3A_318 = tpu.vector_load %arg8[%get3A_316, %get3A_317] {strides = array<i32>} : memref<1600x32xf32, #tpu.memory_space<vmem>>, vector<1x16xf32>,
        %get3A_319 = vector.shape_cast %get3A_318 : vector<1x16xf32> to vector<16xf32>
        %add3A_320 = arith.addf %add3A_302, %get3A_319 : vector<16xf32>
        %mul3A_321 = arith.constant 50 : i32
        %mul3A_322 = arith.muli %scan3A_275, %mul3A_321 : i32
        %add3A_323 = arith.addi %mul3A_322, %scan3A_312 : i32
        %get3A_324 = arith.index_cast %add3A_323 : i32 to index
        %get3A_325 = arith.constant 16 : index
        %get3A_326 = tpu.vector_load %arg8[%get3A_324, %get3A_325] {strides = array<i32>} : memref<1600x32xf32, #tpu.memory_space<vmem>>, vector<1x16xf32>,
        %get3A_327 = vector.shape_cast %get3A_326 : vector<1x16xf32> to vector<16xf32>
        %add3A_328 = arith.addf %add3A_310, %get3A_327 : vector<16xf32>
        %scan3A_329 = arith.constant 2 : i32
        %scan3A_330 = arith.addi %scan3A_293, %scan3A_329 : i32
        %mul3A_331 = arith.constant 50 : i32
        %mul3A_332 = arith.muli %scan3A_275, %mul3A_331 : i32
        %add3A_333 = arith.addi %mul3A_332, %scan3A_330 : i32
        %get3A_334 = arith.index_cast %add3A_333 : i32 to index
        %get3A_335 = arith.constant 0 : index
        %get3A_336 = tpu.vector_load %arg8[%get3A_334, %get3A_335] {strides = array<i32>} : memref<1600x32xf32, #tpu.memory_space<vmem>>, vector<1x16xf32>,
        %get3A_337 = vector.shape_cast %get3A_336 : vector<1x16xf32> to vector<16xf32>
        %add3A_338 = arith.addf %add3A_320, %get3A_337 : vector<16xf32>
        %mul3A_339 = arith.constant 50 : i32
        %mul3A_340 = arith.muli %scan3A_275, %mul3A_339 : i32
        %add3A_341 = arith.addi %mul3A_340, %scan3A_330 : i32
        %get3A_342 = arith.index_cast %add3A_341 : i32 to index
        %get3A_343 = arith.constant 16 : index
        %get3A_344 = tpu.vector_load %arg8[%get3A_342, %get3A_343] {strides = array<i32>} : memref<1600x32xf32, #tpu.memory_space<vmem>>, vector<1x16xf32>,
        %get3A_345 = vector.shape_cast %get3A_344 : vector<1x16xf32> to vector<16xf32>
        %add3A_346 = arith.addf %add3A_328, %get3A_345 : vector<16xf32>
        %scan3A_347 = arith.constant 3 : i32
        %scan3A_348 = arith.addi %scan3A_293, %scan3A_347 : i32
        %mul3A_349 = arith.constant 50 : i32
        %mul3A_350 = arith.muli %scan3A_275, %mul3A_349 : i32
        %add3A_351 = arith.addi %mul3A_350, %scan3A_348 : i32
        %get3A_352 = arith.index_cast %add3A_351 : i32 to index
        %get3A_353 = arith.constant 0 : index
        %get3A_354 = tpu.vector_load %arg8[%get3A_352, %get3A_353] {strides = array<i32>} : memref<1600x32xf32, #tpu.memory_space<vmem>>, vector<1x16xf32>,
        %get3A_355 = vector.shape_cast %get3A_354 : vector<1x16xf32> to vector<16xf32>
        %add3A_356 = arith.addf %add3A_338, %get3A_355 : vector<16xf32>
        %mul3A_357 = arith.constant 50 : i32
        %mul3A_358 = arith.muli %scan3A_275, %mul3A_357 : i32
        %add3A_359 = arith.addi %mul3A_358, %scan3A_348 : i32
        %get3A_360 = arith.index_cast %add3A_359 : i32 to index
        %get3A_361 = arith.constant 16 : index
        %get3A_362 = tpu.vector_load %arg8[%get3A_360, %get3A_361] {strides = array<i32>} : memref<1600x32xf32, #tpu.memory_space<vmem>>, vector<1x16xf32>,
        %get3A_363 = vector.shape_cast %get3A_362 : vector<1x16xf32> to vector<16xf32>
        %add3A_364 = arith.addf %add3A_346, %get3A_363 : vector<16xf32>
        %scan3A_365 = arith.constant 4 : i32
        %scan3A_366 = arith.addi %scan3A_293, %scan3A_365 : i32
        %mul3A_367 = arith.constant 50 : i32
        %mul3A_368 = arith.muli %scan3A_275, %mul3A_367 : i32
        %add3A_369 = arith.addi %mul3A_368, %scan3A_366 : i32
        %get3A_370 = arith.index_cast %add3A_369 : i32 to index
        %get3A_371 = arith.constant 0 : index
        %get3A_372 = tpu.vector_load %arg8[%get3A_370, %get3A_371] {strides = array<i32>} : memref<1600x32xf32, #tpu.memory_space<vmem>>, vector<1x16xf32>,
        %get3A_373 = vector.shape_cast %get3A_372 : vector<1x16xf32> to vector<16xf32>
        %add3A_374 = arith.addf %add3A_356, %get3A_373 : vector<16xf32>
        %mul3A_375 = arith.constant 50 : i32
        %mul3A_376 = arith.muli %scan3A_275, %mul3A_375 : i32
        %add3A_377 = arith.addi %mul3A_376, %scan3A_366 : i32
        %get3A_378 = arith.index_cast %add3A_377 : i32 to index
        %get3A_379 = arith.constant 16 : index
        %get3A_380 = tpu.vector_load %arg8[%get3A_378, %get3A_379] {strides = array<i32>} : memref<1600x32xf32, #tpu.memory_space<vmem>>, vector<1x16xf32>,
        %get3A_381 = vector.shape_cast %get3A_380 : vector<1x16xf32> to vector<16xf32>
        %add3A_382 = arith.addf %add3A_364, %get3A_381 : vector<16xf32>
        %scan3A_383 = arith.constant 5 : i32
        %scan3A_384 = arith.addi %scan3A_293, %scan3A_383 : i32
        %mul3A_385 = arith.constant 50 : i32
        %mul3A_386 = arith.muli %scan3A_275, %mul3A_385 : i32
        %add3A_387 = arith.addi %mul3A_386, %scan3A_384 : i32
        %get3A_388 = arith.index_cast %add3A_387 : i32 to index
        %get3A_389 = arith.constant 0 : index
        %get3A_390 = tpu.vector_load %arg8[%get3A_388, %get3A_389] {strides = array<i32>} : memref<1600x32xf32, #tpu.memory_space<vmem>>, vector<1x16xf32>,
        %get3A_391 = vector.shape_cast %get3A_390 : vector<1x16xf32> to vector<16xf32>
        %add3A_392 = arith.addf %add3A_374, %get3A_391 : vector<16xf32>
        %mul3A_393 = arith.constant 50 : i32
        %mul3A_394 = arith.muli %scan3A_275, %mul3A_393 : i32
        %add3A_395 = arith.addi %mul3A_394, %scan3A_384 : i32
        %get3A_396 = arith.index_cast %add3A_395 : i32 to index
        %get3A_397 = arith.constant 16 : index
        %get3A_398 = tpu.vector_load %arg8[%get3A_396, %get3A_397] {strides = array<i32>} : memref<1600x32xf32, #tpu.memory_space<vmem>>, vector<1x16xf32>,
        %get3A_399 = vector.shape_cast %get3A_398 : vector<1x16xf32> to vector<16xf32>
        %add3A_400 = arith.addf %add3A_382, %get3A_399 : vector<16xf32>
        %scan3A_401 = arith.constant 6 : i32
        %scan3A_402 = arith.addi %scan3A_293, %scan3A_401 : i32
        %mul3A_403 = arith.constant 50 : i32
        %mul3A_404 = arith.muli %scan3A_275, %mul3A_403 : i32
        %add3A_405 = arith.addi %mul3A_404, %scan3A_402 : i32
        %get3A_406 = arith.index_cast %add3A_405 : i32 to index
        %get3A_407 = arith.constant 0 : index
        %get3A_408 = tpu.vector_load %arg8[%get3A_406, %get3A_407] {strides = array<i32>} : memref<1600x32xf32, #tpu.memory_space<vmem>>, vector<1x16xf32>,
        %get3A_409 = vector.shape_cast %get3A_408 : vector<1x16xf32> to vector<16xf32>
        %add3A_410 = arith.addf %add3A_392, %get3A_409 : vector<16xf32>
        %mul3A_411 = arith.constant 50 : i32
        %mul3A_412 = arith.muli %scan3A_275, %mul3A_411 : i32
        %add3A_413 = arith.addi %mul3A_412, %scan3A_402 : i32
        %get3A_414 = arith.index_cast %add3A_413 : i32 to index
        %get3A_415 = arith.constant 16 : index
        %get3A_416 = tpu.vector_load %arg8[%get3A_414, %get3A_415] {strides = array<i32>} : memref<1600x32xf32, #tpu.memory_space<vmem>>, vector<1x16xf32>,
        %get3A_417 = vector.shape_cast %get3A_416 : vector<1x16xf32> to vector<16xf32>
        %add3A_418 = arith.addf %add3A_400, %get3A_417 : vector<16xf32>
        %scan3A_419 = arith.constant 7 : i32
        %scan3A_420 = arith.addi %scan3A_293, %scan3A_419 : i32
        %mul3A_421 = arith.constant 50 : i32
        %mul3A_422 = arith.muli %scan3A_275, %mul3A_421 : i32
        %add3A_423 = arith.addi %mul3A_422, %scan3A_420 : i32
        %get3A_424 = arith.index_cast %add3A_423 : i32 to index
        %get3A_425 = arith.constant 0 : index
        %get3A_426 = tpu.vector_load %arg8[%get3A_424, %get3A_425] {strides = array<i32>} : memref<1600x32xf32, #tpu.memory_space<vmem>>, vector<1x16xf32>,
        %get3A_427 = vector.shape_cast %get3A_426 : vector<1x16xf32> to vector<16xf32>
        %add3A_428 = arith.addf %add3A_410, %get3A_427 : vector<16xf32>
        %mul3A_429 = arith.constant 50 : i32
        %mul3A_430 = arith.muli %scan3A_275, %mul3A_429 : i32
        %add3A_431 = arith.addi %mul3A_430, %scan3A_420 : i32
        %get3A_432 = arith.index_cast %add3A_431 : i32 to index
        %get3A_433 = arith.constant 16 : index
        %get3A_434 = tpu.vector_load %arg8[%get3A_432, %get3A_433] {strides = array<i32>} : memref<1600x32xf32, #tpu.memory_space<vmem>>, vector<1x16xf32>,
        %get3A_435 = vector.shape_cast %get3A_434 : vector<1x16xf32> to vector<16xf32>
        %add3A_436 = arith.addf %add3A_418, %get3A_435 : vector<16xf32>
        %scan3A_437 = arith.constant 8 : i32
        %scan3A_438 = arith.addi %scan3A_293, %scan3A_437 : i32
        %mul3A_439 = arith.constant 50 : i32
        %mul3A_440 = arith.muli %scan3A_275, %mul3A_439 : i32
        %add3A_441 = arith.addi %mul3A_440, %scan3A_438 : i32
        %get3A_442 = arith.index_cast %add3A_441 : i32 to index
        %get3A_443 = arith.constant 0 : index
        %get3A_444 = tpu.vector_load %arg8[%get3A_442, %get3A_443] {strides = array<i32>} : memref<1600x32xf32, #tpu.memory_space<vmem>>, vector<1x16xf32>,
        %get3A_445 = vector.shape_cast %get3A_444 : vector<1x16xf32> to vector<16xf32>
        %add3A_446 = arith.addf %add3A_428, %get3A_445 : vector<16xf32>
        %mul3A_447 = arith.constant 50 : i32
        %mul3A_448 = arith.muli %scan3A_275, %mul3A_447 : i32
        %add3A_449 = arith.addi %mul3A_448, %scan3A_438 : i32
        %get3A_450 = arith.index_cast %add3A_449 : i32 to index
        %get3A_451 = arith.constant 16 : index
        %get3A_452 = tpu.vector_load %arg8[%get3A_450, %get3A_451] {strides = array<i32>} : memref<1600x32xf32, #tpu.memory_space<vmem>>, vector<1x16xf32>,
        %get3A_453 = vector.shape_cast %get3A_452 : vector<1x16xf32> to vector<16xf32>
        %add3A_454 = arith.addf %add3A_436, %get3A_453 : vector<16xf32>
        %scan3A_455 = arith.constant 9 : i32
        %scan3A_456 = arith.addi %scan3A_293, %scan3A_455 : i32
        %mul3A_457 = arith.constant 50 : i32
        %mul3A_458 = arith.muli %scan3A_275, %mul3A_457 : i32
        %add3A_459 = arith.addi %mul3A_458, %scan3A_456 : i32
        %get3A_460 = arith.index_cast %add3A_459 : i32 to index
        %get3A_461 = arith.constant 0 : index
        %get3A_462 = tpu.vector_load %arg8[%get3A_460, %get3A_461] {strides = array<i32>} : memref<1600x32xf32, #tpu.memory_space<vmem>>, vector<1x16xf32>,
        %get3A_463 = vector.shape_cast %get3A_462 : vector<1x16xf32> to vector<16xf32>
        %add3A_464 = arith.addf %add3A_446, %get3A_463 : vector<16xf32>
        %mul3A_465 = arith.constant 50 : i32
        %mul3A_466 = arith.muli %scan3A_275, %mul3A_465 : i32
        %add3A_467 = arith.addi %mul3A_466, %scan3A_456 : i32
        %get3A_468 = arith.index_cast %add3A_467 : i32 to index
        %get3A_469 = arith.constant 16 : index
        %get3A_470 = tpu.vector_load %arg8[%get3A_468, %get3A_469] {strides = array<i32>} : memref<1600x32xf32, #tpu.memory_space<vmem>>, vector<1x16xf32>,
        %get3A_471 = vector.shape_cast %get3A_470 : vector<1x16xf32> to vector<16xf32>
        %add3A_472 = arith.addf %add3A_454, %get3A_471 : vector<16xf32>
        scf.yield %add3A_464, %add3A_472 : vector<16xf32>, vector<16xf32>
      }
      %scan3A_282 = arith.constant 50 : i32
      %swap3A = arith.index_cast %scan3A_275 : i32 to index
      %swap3A_283 = arith.constant 0 : index
      %swap3A_284 = tpu.vector_load %arg9[%swap3A, %swap3A_283] {strides = array<i32>} : memref<32x32xf32, #tpu.memory_space<vmem>>, vector<1x16xf32>,
      %swap3A_285 = vector.shape_cast %swap3A_284 : vector<1x16xf32> to vector<16xf32>
      %swap3A_286 = vector.shape_cast %scan3A_281#0 : vector<16xf32> to vector<1x16xf32>
      tpu.vector_store %arg9[%swap3A, %swap3A_283], %swap3A_286 {strides = array<i32>} : memref<32x32xf32, #tpu.memory_space<vmem>>, vector<1x16xf32>,
      %swap3A_287 = arith.index_cast %scan3A_275 : i32 to index
      %swap3A_288 = arith.constant 16 : index
      %swap3A_289 = tpu.vector_load %arg9[%swap3A_287, %swap3A_288] {strides = array<i32>} : memref<32x32xf32, #tpu.memory_space<vmem>>, vector<1x16xf32>,
      %swap3A_290 = vector.shape_cast %swap3A_289 : vector<1x16xf32> to vector<16xf32>
      %swap3A_291 = vector.shape_cast %scan3A_281#1 : vector<16xf32> to vector<1x16xf32>
      tpu.vector_store %arg9[%swap3A_287, %swap3A_288], %swap3A_291 {strides = array<i32>} : memref<32x32xf32, #tpu.memory_space<vmem>>, vector<1x16xf32>,
      %scan3A_292 = arith.constant 0 : i32
      scf.yield %scan3A_292 : i32
    }
    %scan3A_141 = arith.constant 32 : i32
    %add3A_142 = arith.constant 224 : i32
    %add3A_143 = arith.addi %mul3A_2, %add3A_142 : i32
    "tpu.region"() ({
      %run_scoped3A = tpu.sem_alloc : memref<!tpu.dma_semaphore, #tpu.memory_space<semaphore_mem>>
      %dma_start3A_275 = arith.constant 0 : i32
      %dma_start3A_276 = tpu.memref_slice %arg4[%add3A_143, %dma_start3A_275] : memref<16384x32xf32, #tpu.memory_space<hbm>> -> memref<32x32xf32, #tpu.memory_space<hbm>>
      %dma_start3A_277 = arith.constant 0 : i32
      %dma_start3A_278 = tpu.memref_slice %arg4[%add3A_143, %dma_start3A_277] : memref<16384x32xf32, #tpu.memory_space<hbm>> -> memref<32x32xf32, #tpu.memory_space<hbm>>
      tpu.enqueue_dma source(%arg9 : memref<32x32xf32, #tpu.memory_space<vmem>>) target(%dma_start3A_278 : memref<32x32xf32, #tpu.memory_space<hbm>>) target_semaphore(%run_scoped3A : memref<!tpu.dma_semaphore, #tpu.memory_space<semaphore_mem>>)
      %dma_wait3A_279 = arith.constant 0 : i32
      %dma_wait3A_280 = tpu.memref_slice %arg4[%add3A_143, %dma_wait3A_279] : memref<16384x32xf32, #tpu.memory_space<hbm>> -> memref<32x32xf32, #tpu.memory_space<hbm>>
      %dma_wait3A_281 = arith.constant 0 : i32
      %dma_wait3A_282 = tpu.memref_slice %arg4[%add3A_143, %dma_wait3A_281] : memref<16384x32xf32, #tpu.memory_space<hbm>> -> memref<32x32xf32, #tpu.memory_space<hbm>>
      tpu.wait_dma2 semaphore(%run_scoped3A : memref<!tpu.dma_semaphore, #tpu.memory_space<semaphore_mem>>) src(%arg9 : memref<32x32xf32, #tpu.memory_space<vmem>>) dst(%dma_wait3A_282 : memref<32x32xf32, #tpu.memory_space<hbm>>)
      tpu.yield
    }) : () -> ()
    %add3A_144 = arith.constant 14400 : i32
    %add3A_145 = arith.addi %mul3A_4, %add3A_144 : i32
    "tpu.region"() ({
      %run_scoped3A = tpu.sem_alloc : memref<!tpu.dma_semaphore, #tpu.memory_space<semaphore_mem>>
      %dma_start3A_275 = tpu.memref_slice %arg2[%add3A_145] : memref<819200xi32, #tpu.memory_space<hbm>> -> memref<1600xi32, #tpu.memory_space<hbm>>
      %dma_start3A_276 = tpu.memref_slice %arg2[%add3A_145] : memref<819200xi32, #tpu.memory_space<hbm>> -> memref<1600xi32, #tpu.memory_space<hbm>>
      tpu.enqueue_dma source(%dma_start3A_276 : memref<1600xi32, #tpu.memory_space<hbm>>) target(%arg6 : memref<1600xi32, #tpu.memory_space<vmem>>) target_semaphore(%run_scoped3A : memref<!tpu.dma_semaphore, #tpu.memory_space<semaphore_mem>>)
      %dma_wait3A_277 = tpu.memref_slice %arg2[%add3A_145] : memref<819200xi32, #tpu.memory_space<hbm>> -> memref<1600xi32, #tpu.memory_space<hbm>>
      %dma_wait3A_278 = tpu.memref_slice %arg2[%add3A_145] : memref<819200xi32, #tpu.memory_space<hbm>> -> memref<1600xi32, #tpu.memory_space<hbm>>
      tpu.wait_dma2 semaphore(%run_scoped3A : memref<!tpu.dma_semaphore, #tpu.memory_space<semaphore_mem>>) src(%dma_wait3A_278 : memref<1600xi32, #tpu.memory_space<hbm>>) dst(%arg6 : memref<1600xi32, #tpu.memory_space<vmem>>)
      tpu.yield
    }) : () -> ()
    %dma_start3A_146 = arith.constant 0 : i32
    %dma_start3A_147 = arith.constant 0 : i32
    %dma_start3A_148 = tpu.memref_slice %arg3[%dma_start3A_146, %dma_start3A_147] : memref<1000000x32xf32, #tpu.memory_space<hbm>> -> memref<1000000x32xf32, #tpu.memory_space<hbm>>
    tpu.enqueue_indirect_dma source(%dma_start3A_148 : memref<1000000x32xf32, #tpu.memory_space<hbm>>) target(%arg8 : memref<1600x32xf32, #tpu.memory_space<vmem>>) offsets(%arg6 : memref<1600xi32, #tpu.memory_space<vmem>>) semaphore(%arg11 : memref<!tpu.dma_semaphore, #tpu.memory_space<semaphore_mem>>)
    %dma_wait3A_149 = arith.constant 0 : i32
    %dma_wait3A_150 = arith.constant 0 : i32
    %dma_wait3A_151 = tpu.memref_slice %arg3[%dma_wait3A_149, %dma_wait3A_150] : memref<1000000x32xf32, #tpu.memory_space<hbm>> -> memref<1000000x32xf32, #tpu.memory_space<hbm>>
    tpu.wait_indirect_dma semaphore(%arg10 : memref<!tpu.dma_semaphore, #tpu.memory_space<semaphore_mem>>) src(%dma_wait3A_151 : memref<1000000x32xf32, #tpu.memory_space<hbm>>) dst(%arg7 : memref<1600x32xf32, #tpu.memory_space<vmem>>)
    %scan3A_152 = arith.constant 0 : i32
    %scan3A_153 = arith.constant 0 : i32
    %scan3A_154 = arith.constant 32 : i32
    %scan3A_155 = arith.addi %scan3A_153, %scan3A_154 : i32
    %scan3A_156 = arith.constant 1 : i32
    %scan3A_157 = scf.for %scan3A_275 = %scan3A_153 to %scan3A_155 step %scan3A_156 iter_args(%scan3A_276 = %scan3A_152) -> (i32)  : i32 {
      %scan3A_277 = arith.constant 0 : i32
      %scan3A_278 = arith.constant 50 : i32
      %scan3A_279 = arith.addi %scan3A_277, %scan3A_278 : i32
      %scan3A_280 = arith.constant 10 : i32
      %scan3A_281:2 = scf.for %scan3A_293 = %scan3A_277 to %scan3A_279 step %scan3A_280 iter_args(%scan3A_294 = %broadcast_in_dim3A_5, %scan3A_295 = %broadcast_in_dim3A_5) -> (vector<16xf32>, vector<16xf32>)  : i32 {
        %mul3A_296 = arith.constant 50 : i32
        %mul3A_297 = arith.muli %scan3A_275, %mul3A_296 : i32
        %add3A_298 = arith.addi %mul3A_297, %scan3A_293 : i32
        %get3A = arith.index_cast %add3A_298 : i32 to index
        %get3A_299 = arith.constant 0 : index
        %get3A_300 = tpu.vector_load %arg7[%get3A, %get3A_299] {strides = array<i32>} : memref<1600x32xf32, #tpu.memory_space<vmem>>, vector<1x16xf32>,
        %get3A_301 = vector.shape_cast %get3A_300 : vector<1x16xf32> to vector<16xf32>
        %add3A_302 = arith.addf %scan3A_294, %get3A_301 : vector<16xf32>
        %mul3A_303 = arith.constant 50 : i32
        %mul3A_304 = arith.muli %scan3A_275, %mul3A_303 : i32
        %add3A_305 = arith.addi %mul3A_304, %scan3A_293 : i32
        %get3A_306 = arith.index_cast %add3A_305 : i32 to index
        %get3A_307 = arith.constant 16 : index
        %get3A_308 = tpu.vector_load %arg7[%get3A_306, %get3A_307] {strides = array<i32>} : memref<1600x32xf32, #tpu.memory_space<vmem>>, vector<1x16xf32>,
        %get3A_309 = vector.shape_cast %get3A_308 : vector<1x16xf32> to vector<16xf32>
        %add3A_310 = arith.addf %scan3A_295, %get3A_309 : vector<16xf32>
        %scan3A_311 = arith.constant 1 : i32
        %scan3A_312 = arith.addi %scan3A_293, %scan3A_311 : i32
        %mul3A_313 = arith.constant 50 : i32
        %mul3A_314 = arith.muli %scan3A_275, %mul3A_313 : i32
        %add3A_315 = arith.addi %mul3A_314, %scan3A_312 : i32
        %get3A_316 = arith.index_cast %add3A_315 : i32 to index
        %get3A_317 = arith.constant 0 : index
        %get3A_318 = tpu.vector_load %arg7[%get3A_316, %get3A_317] {strides = array<i32>} : memref<1600x32xf32, #tpu.memory_space<vmem>>, vector<1x16xf32>,
        %get3A_319 = vector.shape_cast %get3A_318 : vector<1x16xf32> to vector<16xf32>
        %add3A_320 = arith.addf %add3A_302, %get3A_319 : vector<16xf32>
        %mul3A_321 = arith.constant 50 : i32
        %mul3A_322 = arith.muli %scan3A_275, %mul3A_321 : i32
        %add3A_323 = arith.addi %mul3A_322, %scan3A_312 : i32
        %get3A_324 = arith.index_cast %add3A_323 : i32 to index
        %get3A_325 = arith.constant 16 : index
        %get3A_326 = tpu.vector_load %arg7[%get3A_324, %get3A_325] {strides = array<i32>} : memref<1600x32xf32, #tpu.memory_space<vmem>>, vector<1x16xf32>,
        %get3A_327 = vector.shape_cast %get3A_326 : vector<1x16xf32> to vector<16xf32>
        %add3A_328 = arith.addf %add3A_310, %get3A_327 : vector<16xf32>
        %scan3A_329 = arith.constant 2 : i32
        %scan3A_330 = arith.addi %scan3A_293, %scan3A_329 : i32
        %mul3A_331 = arith.constant 50 : i32
        %mul3A_332 = arith.muli %scan3A_275, %mul3A_331 : i32
        %add3A_333 = arith.addi %mul3A_332, %scan3A_330 : i32
        %get3A_334 = arith.index_cast %add3A_333 : i32 to index
        %get3A_335 = arith.constant 0 : index
        %get3A_336 = tpu.vector_load %arg7[%get3A_334, %get3A_335] {strides = array<i32>} : memref<1600x32xf32, #tpu.memory_space<vmem>>, vector<1x16xf32>,
        %get3A_337 = vector.shape_cast %get3A_336 : vector<1x16xf32> to vector<16xf32>
        %add3A_338 = arith.addf %add3A_320, %get3A_337 : vector<16xf32>
        %mul3A_339 = arith.constant 50 : i32
        %mul3A_340 = arith.muli %scan3A_275, %mul3A_339 : i32
        %add3A_341 = arith.addi %mul3A_340, %scan3A_330 : i32
        %get3A_342 = arith.index_cast %add3A_341 : i32 to index
        %get3A_343 = arith.constant 16 : index
        %get3A_344 = tpu.vector_load %arg7[%get3A_342, %get3A_343] {strides = array<i32>} : memref<1600x32xf32, #tpu.memory_space<vmem>>, vector<1x16xf32>,
        %get3A_345 = vector.shape_cast %get3A_344 : vector<1x16xf32> to vector<16xf32>
        %add3A_346 = arith.addf %add3A_328, %get3A_345 : vector<16xf32>
        %scan3A_347 = arith.constant 3 : i32
        %scan3A_348 = arith.addi %scan3A_293, %scan3A_347 : i32
        %mul3A_349 = arith.constant 50 : i32
        %mul3A_350 = arith.muli %scan3A_275, %mul3A_349 : i32
        %add3A_351 = arith.addi %mul3A_350, %scan3A_348 : i32
        %get3A_352 = arith.index_cast %add3A_351 : i32 to index
        %get3A_353 = arith.constant 0 : index
        %get3A_354 = tpu.vector_load %arg7[%get3A_352, %get3A_353] {strides = array<i32>} : memref<1600x32xf32, #tpu.memory_space<vmem>>, vector<1x16xf32>,
        %get3A_355 = vector.shape_cast %get3A_354 : vector<1x16xf32> to vector<16xf32>
        %add3A_356 = arith.addf %add3A_338, %get3A_355 : vector<16xf32>
        %mul3A_357 = arith.constant 50 : i32
        %mul3A_358 = arith.muli %scan3A_275, %mul3A_357 : i32
        %add3A_359 = arith.addi %mul3A_358, %scan3A_348 : i32
        %get3A_360 = arith.index_cast %add3A_359 : i32 to index
        %get3A_361 = arith.constant 16 : index
        %get3A_362 = tpu.vector_load %arg7[%get3A_360, %get3A_361] {strides = array<i32>} : memref<1600x32xf32, #tpu.memory_space<vmem>>, vector<1x16xf32>,
        %get3A_363 = vector.shape_cast %get3A_362 : vector<1x16xf32> to vector<16xf32>
        %add3A_364 = arith.addf %add3A_346, %get3A_363 : vector<16xf32>
        %scan3A_365 = arith.constant 4 : i32
        %scan3A_366 = arith.addi %scan3A_293, %scan3A_365 : i32
        %mul3A_367 = arith.constant 50 : i32
        %mul3A_368 = arith.muli %scan3A_275, %mul3A_367 : i32
        %add3A_369 = arith.addi %mul3A_368, %scan3A_366 : i32
        %get3A_370 = arith.index_cast %add3A_369 : i32 to index
        %get3A_371 = arith.constant 0 : index
        %get3A_372 = tpu.vector_load %arg7[%get3A_370, %get3A_371] {strides = array<i32>} : memref<1600x32xf32, #tpu.memory_space<vmem>>, vector<1x16xf32>,
        %get3A_373 = vector.shape_cast %get3A_372 : vector<1x16xf32> to vector<16xf32>
        %add3A_374 = arith.addf %add3A_356, %get3A_373 : vector<16xf32>
        %mul3A_375 = arith.constant 50 : i32
        %mul3A_376 = arith.muli %scan3A_275, %mul3A_375 : i32
        %add3A_377 = arith.addi %mul3A_376, %scan3A_366 : i32
        %get3A_378 = arith.index_cast %add3A_377 : i32 to index
        %get3A_379 = arith.constant 16 : index
        %get3A_380 = tpu.vector_load %arg7[%get3A_378, %get3A_379] {strides = array<i32>} : memref<1600x32xf32, #tpu.memory_space<vmem>>, vector<1x16xf32>,
        %get3A_381 = vector.shape_cast %get3A_380 : vector<1x16xf32> to vector<16xf32>
        %add3A_382 = arith.addf %add3A_364, %get3A_381 : vector<16xf32>
        %scan3A_383 = arith.constant 5 : i32
        %scan3A_384 = arith.addi %scan3A_293, %scan3A_383 : i32
        %mul3A_385 = arith.constant 50 : i32
        %mul3A_386 = arith.muli %scan3A_275, %mul3A_385 : i32
        %add3A_387 = arith.addi %mul3A_386, %scan3A_384 : i32
        %get3A_388 = arith.index_cast %add3A_387 : i32 to index
        %get3A_389 = arith.constant 0 : index
        %get3A_390 = tpu.vector_load %arg7[%get3A_388, %get3A_389] {strides = array<i32>} : memref<1600x32xf32, #tpu.memory_space<vmem>>, vector<1x16xf32>,
        %get3A_391 = vector.shape_cast %get3A_390 : vector<1x16xf32> to vector<16xf32>
        %add3A_392 = arith.addf %add3A_374, %get3A_391 : vector<16xf32>
        %mul3A_393 = arith.constant 50 : i32
        %mul3A_394 = arith.muli %scan3A_275, %mul3A_393 : i32
        %add3A_395 = arith.addi %mul3A_394, %scan3A_384 : i32
        %get3A_396 = arith.index_cast %add3A_395 : i32 to index
        %get3A_397 = arith.constant 16 : index
        %get3A_398 = tpu.vector_load %arg7[%get3A_396, %get3A_397] {strides = array<i32>} : memref<1600x32xf32, #tpu.memory_space<vmem>>, vector<1x16xf32>,
        %get3A_399 = vector.shape_cast %get3A_398 : vector<1x16xf32> to vector<16xf32>
        %add3A_400 = arith.addf %add3A_382, %get3A_399 : vector<16xf32>
        %scan3A_401 = arith.constant 6 : i32
        %scan3A_402 = arith.addi %scan3A_293, %scan3A_401 : i32
        %mul3A_403 = arith.constant 50 : i32
        %mul3A_404 = arith.muli %scan3A_275, %mul3A_403 : i32
        %add3A_405 = arith.addi %mul3A_404, %scan3A_402 : i32
        %get3A_406 = arith.index_cast %add3A_405 : i32 to index
        %get3A_407 = arith.constant 0 : index
        %get3A_408 = tpu.vector_load %arg7[%get3A_406, %get3A_407] {strides = array<i32>} : memref<1600x32xf32, #tpu.memory_space<vmem>>, vector<1x16xf32>,
        %get3A_409 = vector.shape_cast %get3A_408 : vector<1x16xf32> to vector<16xf32>
        %add3A_410 = arith.addf %add3A_392, %get3A_409 : vector<16xf32>
        %mul3A_411 = arith.constant 50 : i32
        %mul3A_412 = arith.muli %scan3A_275, %mul3A_411 : i32
        %add3A_413 = arith.addi %mul3A_412, %scan3A_402 : i32
        %get3A_414 = arith.index_cast %add3A_413 : i32 to index
        %get3A_415 = arith.constant 16 : index
        %get3A_416 = tpu.vector_load %arg7[%get3A_414, %get3A_415] {strides = array<i32>} : memref<1600x32xf32, #tpu.memory_space<vmem>>, vector<1x16xf32>,
        %get3A_417 = vector.shape_cast %get3A_416 : vector<1x16xf32> to vector<16xf32>
        %add3A_418 = arith.addf %add3A_400, %get3A_417 : vector<16xf32>
        %scan3A_419 = arith.constant 7 : i32
        %scan3A_420 = arith.addi %scan3A_293, %scan3A_419 : i32
        %mul3A_421 = arith.constant 50 : i32
        %mul3A_422 = arith.muli %scan3A_275, %mul3A_421 : i32
        %add3A_423 = arith.addi %mul3A_422, %scan3A_420 : i32
        %get3A_424 = arith.index_cast %add3A_423 : i32 to index
        %get3A_425 = arith.constant 0 : index
        %get3A_426 = tpu.vector_load %arg7[%get3A_424, %get3A_425] {strides = array<i32>} : memref<1600x32xf32, #tpu.memory_space<vmem>>, vector<1x16xf32>,
        %get3A_427 = vector.shape_cast %get3A_426 : vector<1x16xf32> to vector<16xf32>
        %add3A_428 = arith.addf %add3A_410, %get3A_427 : vector<16xf32>
        %mul3A_429 = arith.constant 50 : i32
        %mul3A_430 = arith.muli %scan3A_275, %mul3A_429 : i32
        %add3A_431 = arith.addi %mul3A_430, %scan3A_420 : i32
        %get3A_432 = arith.index_cast %add3A_431 : i32 to index
        %get3A_433 = arith.constant 16 : index
        %get3A_434 = tpu.vector_load %arg7[%get3A_432, %get3A_433] {strides = array<i32>} : memref<1600x32xf32, #tpu.memory_space<vmem>>, vector<1x16xf32>,
        %get3A_435 = vector.shape_cast %get3A_434 : vector<1x16xf32> to vector<16xf32>
        %add3A_436 = arith.addf %add3A_418, %get3A_435 : vector<16xf32>
        %scan3A_437 = arith.constant 8 : i32
        %scan3A_438 = arith.addi %scan3A_293, %scan3A_437 : i32
        %mul3A_439 = arith.constant 50 : i32
        %mul3A_440 = arith.muli %scan3A_275, %mul3A_439 : i32
        %add3A_441 = arith.addi %mul3A_440, %scan3A_438 : i32
        %get3A_442 = arith.index_cast %add3A_441 : i32 to index
        %get3A_443 = arith.constant 0 : index
        %get3A_444 = tpu.vector_load %arg7[%get3A_442, %get3A_443] {strides = array<i32>} : memref<1600x32xf32, #tpu.memory_space<vmem>>, vector<1x16xf32>,
        %get3A_445 = vector.shape_cast %get3A_444 : vector<1x16xf32> to vector<16xf32>
        %add3A_446 = arith.addf %add3A_428, %get3A_445 : vector<16xf32>
        %mul3A_447 = arith.constant 50 : i32
        %mul3A_448 = arith.muli %scan3A_275, %mul3A_447 : i32
        %add3A_449 = arith.addi %mul3A_448, %scan3A_438 : i32
        %get3A_450 = arith.index_cast %add3A_449 : i32 to index
        %get3A_451 = arith.constant 16 : index
        %get3A_452 = tpu.vector_load %arg7[%get3A_450, %get3A_451] {strides = array<i32>} : memref<1600x32xf32, #tpu.memory_space<vmem>>, vector<1x16xf32>,
        %get3A_453 = vector.shape_cast %get3A_452 : vector<1x16xf32> to vector<16xf32>
        %add3A_454 = arith.addf %add3A_436, %get3A_453 : vector<16xf32>
        %scan3A_455 = arith.constant 9 : i32
        %scan3A_456 = arith.addi %scan3A_293, %scan3A_455 : i32
        %mul3A_457 = arith.constant 50 : i32
        %mul3A_458 = arith.muli %scan3A_275, %mul3A_457 : i32
        %add3A_459 = arith.addi %mul3A_458, %scan3A_456 : i32
        %get3A_460 = arith.index_cast %add3A_459 : i32 to index
        %get3A_461 = arith.constant 0 : index
        %get3A_462 = tpu.vector_load %arg7[%get3A_460, %get3A_461] {strides = array<i32>} : memref<1600x32xf32, #tpu.memory_space<vmem>>, vector<1x16xf32>,
        %get3A_463 = vector.shape_cast %get3A_462 : vector<1x16xf32> to vector<16xf32>
        %add3A_464 = arith.addf %add3A_446, %get3A_463 : vector<16xf32>
        %mul3A_465 = arith.constant 50 : i32
        %mul3A_466 = arith.muli %scan3A_275, %mul3A_465 : i32
        %add3A_467 = arith.addi %mul3A_466, %scan3A_456 : i32
        %get3A_468 = arith.index_cast %add3A_467 : i32 to index
        %get3A_469 = arith.constant 16 : index
        %get3A_470 = tpu.vector_load %arg7[%get3A_468, %get3A_469] {strides = array<i32>} : memref<1600x32xf32, #tpu.memory_space<vmem>>, vector<1x16xf32>,
        %get3A_471 = vector.shape_cast %get3A_470 : vector<1x16xf32> to vector<16xf32>
        %add3A_472 = arith.addf %add3A_454, %get3A_471 : vector<16xf32>
        scf.yield %add3A_464, %add3A_472 : vector<16xf32>, vector<16xf32>
      }
      %scan3A_282 = arith.constant 50 : i32
      %swap3A = arith.index_cast %scan3A_275 : i32 to index
      %swap3A_283 = arith.constant 0 : index
      %swap3A_284 = tpu.vector_load %arg9[%swap3A, %swap3A_283] {strides = array<i32>} : memref<32x32xf32, #tpu.memory_space<vmem>>, vector<1x16xf32>,
      %swap3A_285 = vector.shape_cast %swap3A_284 : vector<1x16xf32> to vector<16xf32>
      %swap3A_286 = vector.shape_cast %scan3A_281#0 : vector<16xf32> to vector<1x16xf32>
      tpu.vector_store %arg9[%swap3A, %swap3A_283], %swap3A_286 {strides = array<i32>} : memref<32x32xf32, #tpu.memory_space<vmem>>, vector<1x16xf32>,
      %swap3A_287 = arith.index_cast %scan3A_275 : i32 to index
      %swap3A_288 = arith.constant 16 : index
      %swap3A_289 = tpu.vector_load %arg9[%swap3A_287, %swap3A_288] {strides = array<i32>} : memref<32x32xf32, #tpu.memory_space<vmem>>, vector<1x16xf32>,
      %swap3A_290 = vector.shape_cast %swap3A_289 : vector<1x16xf32> to vector<16xf32>
      %swap3A_291 = vector.shape_cast %scan3A_281#1 : vector<16xf32> to vector<1x16xf32>
      tpu.vector_store %arg9[%swap3A_287, %swap3A_288], %swap3A_291 {strides = array<i32>} : memref<32x32xf32, #tpu.memory_space<vmem>>, vector<1x16xf32>,
      %scan3A_292 = arith.constant 0 : i32
      scf.yield %scan3A_292 : i32
    }
    %scan3A_158 = arith.constant 32 : i32
    %add3A_159 = arith.constant 256 : i32
    %add3A_160 = arith.addi %mul3A_2, %add3A_159 : i32
    "tpu.region"() ({
      %run_scoped3A = tpu.sem_alloc : memref<!tpu.dma_semaphore, #tpu.memory_space<semaphore_mem>>
      %dma_start3A_275 = arith.constant 0 : i32
      %dma_start3A_276 = tpu.memref_slice %arg4[%add3A_160, %dma_start3A_275] : memref<16384x32xf32, #tpu.memory_space<hbm>> -> memref<32x32xf32, #tpu.memory_space<hbm>>
      %dma_start3A_277 = arith.constant 0 : i32
      %dma_start3A_278 = tpu.memref_slice %arg4[%add3A_160, %dma_start3A_277] : memref<16384x32xf32, #tpu.memory_space<hbm>> -> memref<32x32xf32, #tpu.memory_space<hbm>>
      tpu.enqueue_dma source(%arg9 : memref<32x32xf32, #tpu.memory_space<vmem>>) target(%dma_start3A_278 : memref<32x32xf32, #tpu.memory_space<hbm>>) target_semaphore(%run_scoped3A : memref<!tpu.dma_semaphore, #tpu.memory_space<semaphore_mem>>)
      %dma_wait3A_279 = arith.constant 0 : i32
      %dma_wait3A_280 = tpu.memref_slice %arg4[%add3A_160, %dma_wait3A_279] : memref<16384x32xf32, #tpu.memory_space<hbm>> -> memref<32x32xf32, #tpu.memory_space<hbm>>
      %dma_wait3A_281 = arith.constant 0 : i32
      %dma_wait3A_282 = tpu.memref_slice %arg4[%add3A_160, %dma_wait3A_281] : memref<16384x32xf32, #tpu.memory_space<hbm>> -> memref<32x32xf32, #tpu.memory_space<hbm>>
      tpu.wait_dma2 semaphore(%run_scoped3A : memref<!tpu.dma_semaphore, #tpu.memory_space<semaphore_mem>>) src(%arg9 : memref<32x32xf32, #tpu.memory_space<vmem>>) dst(%dma_wait3A_282 : memref<32x32xf32, #tpu.memory_space<hbm>>)
      tpu.yield
    }) : () -> ()
    %add3A_161 = arith.constant 16000 : i32
    %add3A_162 = arith.addi %mul3A_4, %add3A_161 : i32
    "tpu.region"() ({
      %run_scoped3A = tpu.sem_alloc : memref<!tpu.dma_semaphore, #tpu.memory_space<semaphore_mem>>
      %dma_start3A_275 = tpu.memref_slice %arg2[%add3A_162] : memref<819200xi32, #tpu.memory_space<hbm>> -> memref<1600xi32, #tpu.memory_space<hbm>>
      %dma_start3A_276 = tpu.memref_slice %arg2[%add3A_162] : memref<819200xi32, #tpu.memory_space<hbm>> -> memref<1600xi32, #tpu.memory_space<hbm>>
      tpu.enqueue_dma source(%dma_start3A_276 : memref<1600xi32, #tpu.memory_space<hbm>>) target(%arg5 : memref<1600xi32, #tpu.memory_space<vmem>>) target_semaphore(%run_scoped3A : memref<!tpu.dma_semaphore, #tpu.memory_space<semaphore_mem>>)
      %dma_wait3A_277 = tpu.memref_slice %arg2[%add3A_162] : memref<819200xi32, #tpu.memory_space<hbm>> -> memref<1600xi32, #tpu.memory_space<hbm>>
      %dma_wait3A_278 = tpu.memref_slice %arg2[%add3A_162] : memref<819200xi32, #tpu.memory_space<hbm>> -> memref<1600xi32, #tpu.memory_space<hbm>>
      tpu.wait_dma2 semaphore(%run_scoped3A : memref<!tpu.dma_semaphore, #tpu.memory_space<semaphore_mem>>) src(%dma_wait3A_278 : memref<1600xi32, #tpu.memory_space<hbm>>) dst(%arg5 : memref<1600xi32, #tpu.memory_space<vmem>>)
      tpu.yield
    }) : () -> ()
    %dma_start3A_163 = arith.constant 0 : i32
    %dma_start3A_164 = arith.constant 0 : i32
    %dma_start3A_165 = tpu.memref_slice %arg3[%dma_start3A_163, %dma_start3A_164] : memref<1000000x32xf32, #tpu.memory_space<hbm>> -> memref<1000000x32xf32, #tpu.memory_space<hbm>>
    tpu.enqueue_indirect_dma source(%dma_start3A_165 : memref<1000000x32xf32, #tpu.memory_space<hbm>>) target(%arg7 : memref<1600x32xf32, #tpu.memory_space<vmem>>) offsets(%arg5 : memref<1600xi32, #tpu.memory_space<vmem>>) semaphore(%arg10 : memref<!tpu.dma_semaphore, #tpu.memory_space<semaphore_mem>>)
    %dma_wait3A_166 = arith.constant 0 : i32
    %dma_wait3A_167 = arith.constant 0 : i32
    %dma_wait3A_168 = tpu.memref_slice %arg3[%dma_wait3A_166, %dma_wait3A_167] : memref<1000000x32xf32, #tpu.memory_space<hbm>> -> memref<1000000x32xf32, #tpu.memory_space<hbm>>
    tpu.wait_indirect_dma semaphore(%arg11 : memref<!tpu.dma_semaphore, #tpu.memory_space<semaphore_mem>>) src(%dma_wait3A_168 : memref<1000000x32xf32, #tpu.memory_space<hbm>>) dst(%arg8 : memref<1600x32xf32, #tpu.memory_space<vmem>>)
    %scan3A_169 = arith.constant 0 : i32
    %scan3A_170 = arith.constant 0 : i32
    %scan3A_171 = arith.constant 32 : i32
    %scan3A_172 = arith.addi %scan3A_170, %scan3A_171 : i32
    %scan3A_173 = arith.constant 1 : i32
    %scan3A_174 = scf.for %scan3A_275 = %scan3A_170 to %scan3A_172 step %scan3A_173 iter_args(%scan3A_276 = %scan3A_169) -> (i32)  : i32 {
      %scan3A_277 = arith.constant 0 : i32
      %scan3A_278 = arith.constant 50 : i32
      %scan3A_279 = arith.addi %scan3A_277, %scan3A_278 : i32
      %scan3A_280 = arith.constant 10 : i32
      %scan3A_281:2 = scf.for %scan3A_293 = %scan3A_277 to %scan3A_279 step %scan3A_280 iter_args(%scan3A_294 = %broadcast_in_dim3A_5, %scan3A_295 = %broadcast_in_dim3A_5) -> (vector<16xf32>, vector<16xf32>)  : i32 {
        %mul3A_296 = arith.constant 50 : i32
        %mul3A_297 = arith.muli %scan3A_275, %mul3A_296 : i32
        %add3A_298 = arith.addi %mul3A_297, %scan3A_293 : i32
        %get3A = arith.index_cast %add3A_298 : i32 to index
        %get3A_299 = arith.constant 0 : index
        %get3A_300 = tpu.vector_load %arg8[%get3A, %get3A_299] {strides = array<i32>} : memref<1600x32xf32, #tpu.memory_space<vmem>>, vector<1x16xf32>,
        %get3A_301 = vector.shape_cast %get3A_300 : vector<1x16xf32> to vector<16xf32>
        %add3A_302 = arith.addf %scan3A_294, %get3A_301 : vector<16xf32>
        %mul3A_303 = arith.constant 50 : i32
        %mul3A_304 = arith.muli %scan3A_275, %mul3A_303 : i32
        %add3A_305 = arith.addi %mul3A_304, %scan3A_293 : i32
        %get3A_306 = arith.index_cast %add3A_305 : i32 to index
        %get3A_307 = arith.constant 16 : index
        %get3A_308 = tpu.vector_load %arg8[%get3A_306, %get3A_307] {strides = array<i32>} : memref<1600x32xf32, #tpu.memory_space<vmem>>, vector<1x16xf32>,
        %get3A_309 = vector.shape_cast %get3A_308 : vector<1x16xf32> to vector<16xf32>
        %add3A_310 = arith.addf %scan3A_295, %get3A_309 : vector<16xf32>
        %scan3A_311 = arith.constant 1 : i32
        %scan3A_312 = arith.addi %scan3A_293, %scan3A_311 : i32
        %mul3A_313 = arith.constant 50 : i32
        %mul3A_314 = arith.muli %scan3A_275, %mul3A_313 : i32
        %add3A_315 = arith.addi %mul3A_314, %scan3A_312 : i32
        %get3A_316 = arith.index_cast %add3A_315 : i32 to index
        %get3A_317 = arith.constant 0 : index
        %get3A_318 = tpu.vector_load %arg8[%get3A_316, %get3A_317] {strides = array<i32>} : memref<1600x32xf32, #tpu.memory_space<vmem>>, vector<1x16xf32>,
        %get3A_319 = vector.shape_cast %get3A_318 : vector<1x16xf32> to vector<16xf32>
        %add3A_320 = arith.addf %add3A_302, %get3A_319 : vector<16xf32>
        %mul3A_321 = arith.constant 50 : i32
        %mul3A_322 = arith.muli %scan3A_275, %mul3A_321 : i32
        %add3A_323 = arith.addi %mul3A_322, %scan3A_312 : i32
        %get3A_324 = arith.index_cast %add3A_323 : i32 to index
        %get3A_325 = arith.constant 16 : index
        %get3A_326 = tpu.vector_load %arg8[%get3A_324, %get3A_325] {strides = array<i32>} : memref<1600x32xf32, #tpu.memory_space<vmem>>, vector<1x16xf32>,
        %get3A_327 = vector.shape_cast %get3A_326 : vector<1x16xf32> to vector<16xf32>
        %add3A_328 = arith.addf %add3A_310, %get3A_327 : vector<16xf32>
        %scan3A_329 = arith.constant 2 : i32
        %scan3A_330 = arith.addi %scan3A_293, %scan3A_329 : i32
        %mul3A_331 = arith.constant 50 : i32
        %mul3A_332 = arith.muli %scan3A_275, %mul3A_331 : i32
        %add3A_333 = arith.addi %mul3A_332, %scan3A_330 : i32
        %get3A_334 = arith.index_cast %add3A_333 : i32 to index
        %get3A_335 = arith.constant 0 : index
        %get3A_336 = tpu.vector_load %arg8[%get3A_334, %get3A_335] {strides = array<i32>} : memref<1600x32xf32, #tpu.memory_space<vmem>>, vector<1x16xf32>,
        %get3A_337 = vector.shape_cast %get3A_336 : vector<1x16xf32> to vector<16xf32>
        %add3A_338 = arith.addf %add3A_320, %get3A_337 : vector<16xf32>
        %mul3A_339 = arith.constant 50 : i32
        %mul3A_340 = arith.muli %scan3A_275, %mul3A_339 : i32
        %add3A_341 = arith.addi %mul3A_340, %scan3A_330 : i32
        %get3A_342 = arith.index_cast %add3A_341 : i32 to index
        %get3A_343 = arith.constant 16 : index
        %get3A_344 = tpu.vector_load %arg8[%get3A_342, %get3A_343] {strides = array<i32>} : memref<1600x32xf32, #tpu.memory_space<vmem>>, vector<1x16xf32>,
        %get3A_345 = vector.shape_cast %get3A_344 : vector<1x16xf32> to vector<16xf32>
        %add3A_346 = arith.addf %add3A_328, %get3A_345 : vector<16xf32>
        %scan3A_347 = arith.constant 3 : i32
        %scan3A_348 = arith.addi %scan3A_293, %scan3A_347 : i32
        %mul3A_349 = arith.constant 50 : i32
        %mul3A_350 = arith.muli %scan3A_275, %mul3A_349 : i32
        %add3A_351 = arith.addi %mul3A_350, %scan3A_348 : i32
        %get3A_352 = arith.index_cast %add3A_351 : i32 to index
        %get3A_353 = arith.constant 0 : index
        %get3A_354 = tpu.vector_load %arg8[%get3A_352, %get3A_353] {strides = array<i32>} : memref<1600x32xf32, #tpu.memory_space<vmem>>, vector<1x16xf32>,
        %get3A_355 = vector.shape_cast %get3A_354 : vector<1x16xf32> to vector<16xf32>
        %add3A_356 = arith.addf %add3A_338, %get3A_355 : vector<16xf32>
        %mul3A_357 = arith.constant 50 : i32
        %mul3A_358 = arith.muli %scan3A_275, %mul3A_357 : i32
        %add3A_359 = arith.addi %mul3A_358, %scan3A_348 : i32
        %get3A_360 = arith.index_cast %add3A_359 : i32 to index
        %get3A_361 = arith.constant 16 : index
        %get3A_362 = tpu.vector_load %arg8[%get3A_360, %get3A_361] {strides = array<i32>} : memref<1600x32xf32, #tpu.memory_space<vmem>>, vector<1x16xf32>,
        %get3A_363 = vector.shape_cast %get3A_362 : vector<1x16xf32> to vector<16xf32>
        %add3A_364 = arith.addf %add3A_346, %get3A_363 : vector<16xf32>
        %scan3A_365 = arith.constant 4 : i32
        %scan3A_366 = arith.addi %scan3A_293, %scan3A_365 : i32
        %mul3A_367 = arith.constant 50 : i32
        %mul3A_368 = arith.muli %scan3A_275, %mul3A_367 : i32
        %add3A_369 = arith.addi %mul3A_368, %scan3A_366 : i32
        %get3A_370 = arith.index_cast %add3A_369 : i32 to index
        %get3A_371 = arith.constant 0 : index
        %get3A_372 = tpu.vector_load %arg8[%get3A_370, %get3A_371] {strides = array<i32>} : memref<1600x32xf32, #tpu.memory_space<vmem>>, vector<1x16xf32>,
        %get3A_373 = vector.shape_cast %get3A_372 : vector<1x16xf32> to vector<16xf32>
        %add3A_374 = arith.addf %add3A_356, %get3A_373 : vector<16xf32>
        %mul3A_375 = arith.constant 50 : i32
        %mul3A_376 = arith.muli %scan3A_275, %mul3A_375 : i32
        %add3A_377 = arith.addi %mul3A_376, %scan3A_366 : i32
        %get3A_378 = arith.index_cast %add3A_377 : i32 to index
        %get3A_379 = arith.constant 16 : index
        %get3A_380 = tpu.vector_load %arg8[%get3A_378, %get3A_379] {strides = array<i32>} : memref<1600x32xf32, #tpu.memory_space<vmem>>, vector<1x16xf32>,
        %get3A_381 = vector.shape_cast %get3A_380 : vector<1x16xf32> to vector<16xf32>
        %add3A_382 = arith.addf %add3A_364, %get3A_381 : vector<16xf32>
        %scan3A_383 = arith.constant 5 : i32
        %scan3A_384 = arith.addi %scan3A_293, %scan3A_383 : i32
        %mul3A_385 = arith.constant 50 : i32
        %mul3A_386 = arith.muli %scan3A_275, %mul3A_385 : i32
        %add3A_387 = arith.addi %mul3A_386, %scan3A_384 : i32
        %get3A_388 = arith.index_cast %add3A_387 : i32 to index
        %get3A_389 = arith.constant 0 : index
        %get3A_390 = tpu.vector_load %arg8[%get3A_388, %get3A_389] {strides = array<i32>} : memref<1600x32xf32, #tpu.memory_space<vmem>>, vector<1x16xf32>,
        %get3A_391 = vector.shape_cast %get3A_390 : vector<1x16xf32> to vector<16xf32>
        %add3A_392 = arith.addf %add3A_374, %get3A_391 : vector<16xf32>
        %mul3A_393 = arith.constant 50 : i32
        %mul3A_394 = arith.muli %scan3A_275, %mul3A_393 : i32
        %add3A_395 = arith.addi %mul3A_394, %scan3A_384 : i32
        %get3A_396 = arith.index_cast %add3A_395 : i32 to index
        %get3A_397 = arith.constant 16 : index
        %get3A_398 = tpu.vector_load %arg8[%get3A_396, %get3A_397] {strides = array<i32>} : memref<1600x32xf32, #tpu.memory_space<vmem>>, vector<1x16xf32>,
        %get3A_399 = vector.shape_cast %get3A_398 : vector<1x16xf32> to vector<16xf32>
        %add3A_400 = arith.addf %add3A_382, %get3A_399 : vector<16xf32>
        %scan3A_401 = arith.constant 6 : i32
        %scan3A_402 = arith.addi %scan3A_293, %scan3A_401 : i32
        %mul3A_403 = arith.constant 50 : i32
        %mul3A_404 = arith.muli %scan3A_275, %mul3A_403 : i32
        %add3A_405 = arith.addi %mul3A_404, %scan3A_402 : i32
        %get3A_406 = arith.index_cast %add3A_405 : i32 to index
        %get3A_407 = arith.constant 0 : index
        %get3A_408 = tpu.vector_load %arg8[%get3A_406, %get3A_407] {strides = array<i32>} : memref<1600x32xf32, #tpu.memory_space<vmem>>, vector<1x16xf32>,
        %get3A_409 = vector.shape_cast %get3A_408 : vector<1x16xf32> to vector<16xf32>
        %add3A_410 = arith.addf %add3A_392, %get3A_409 : vector<16xf32>
        %mul3A_411 = arith.constant 50 : i32
        %mul3A_412 = arith.muli %scan3A_275, %mul3A_411 : i32
        %add3A_413 = arith.addi %mul3A_412, %scan3A_402 : i32
        %get3A_414 = arith.index_cast %add3A_413 : i32 to index
        %get3A_415 = arith.constant 16 : index
        %get3A_416 = tpu.vector_load %arg8[%get3A_414, %get3A_415] {strides = array<i32>} : memref<1600x32xf32, #tpu.memory_space<vmem>>, vector<1x16xf32>,
        %get3A_417 = vector.shape_cast %get3A_416 : vector<1x16xf32> to vector<16xf32>
        %add3A_418 = arith.addf %add3A_400, %get3A_417 : vector<16xf32>
        %scan3A_419 = arith.constant 7 : i32
        %scan3A_420 = arith.addi %scan3A_293, %scan3A_419 : i32
        %mul3A_421 = arith.constant 50 : i32
        %mul3A_422 = arith.muli %scan3A_275, %mul3A_421 : i32
        %add3A_423 = arith.addi %mul3A_422, %scan3A_420 : i32
        %get3A_424 = arith.index_cast %add3A_423 : i32 to index
        %get3A_425 = arith.constant 0 : index
        %get3A_426 = tpu.vector_load %arg8[%get3A_424, %get3A_425] {strides = array<i32>} : memref<1600x32xf32, #tpu.memory_space<vmem>>, vector<1x16xf32>,
        %get3A_427 = vector.shape_cast %get3A_426 : vector<1x16xf32> to vector<16xf32>
        %add3A_428 = arith.addf %add3A_410, %get3A_427 : vector<16xf32>
        %mul3A_429 = arith.constant 50 : i32
        %mul3A_430 = arith.muli %scan3A_275, %mul3A_429 : i32
        %add3A_431 = arith.addi %mul3A_430, %scan3A_420 : i32
        %get3A_432 = arith.index_cast %add3A_431 : i32 to index
        %get3A_433 = arith.constant 16 : index
        %get3A_434 = tpu.vector_load %arg8[%get3A_432, %get3A_433] {strides = array<i32>} : memref<1600x32xf32, #tpu.memory_space<vmem>>, vector<1x16xf32>,
        %get3A_435 = vector.shape_cast %get3A_434 : vector<1x16xf32> to vector<16xf32>
        %add3A_436 = arith.addf %add3A_418, %get3A_435 : vector<16xf32>
        %scan3A_437 = arith.constant 8 : i32
        %scan3A_438 = arith.addi %scan3A_293, %scan3A_437 : i32
        %mul3A_439 = arith.constant 50 : i32
        %mul3A_440 = arith.muli %scan3A_275, %mul3A_439 : i32
        %add3A_441 = arith.addi %mul3A_440, %scan3A_438 : i32
        %get3A_442 = arith.index_cast %add3A_441 : i32 to index
        %get3A_443 = arith.constant 0 : index
        %get3A_444 = tpu.vector_load %arg8[%get3A_442, %get3A_443] {strides = array<i32>} : memref<1600x32xf32, #tpu.memory_space<vmem>>, vector<1x16xf32>,
        %get3A_445 = vector.shape_cast %get3A_444 : vector<1x16xf32> to vector<16xf32>
        %add3A_446 = arith.addf %add3A_428, %get3A_445 : vector<16xf32>
        %mul3A_447 = arith.constant 50 : i32
        %mul3A_448 = arith.muli %scan3A_275, %mul3A_447 : i32
        %add3A_449 = arith.addi %mul3A_448, %scan3A_438 : i32
        %get3A_450 = arith.index_cast %add3A_449 : i32 to index
        %get3A_451 = arith.constant 16 : index
        %get3A_452 = tpu.vector_load %arg8[%get3A_450, %get3A_451] {strides = array<i32>} : memref<1600x32xf32, #tpu.memory_space<vmem>>, vector<1x16xf32>,
        %get3A_453 = vector.shape_cast %get3A_452 : vector<1x16xf32> to vector<16xf32>
        %add3A_454 = arith.addf %add3A_436, %get3A_453 : vector<16xf32>
        %scan3A_455 = arith.constant 9 : i32
        %scan3A_456 = arith.addi %scan3A_293, %scan3A_455 : i32
        %mul3A_457 = arith.constant 50 : i32
        %mul3A_458 = arith.muli %scan3A_275, %mul3A_457 : i32
        %add3A_459 = arith.addi %mul3A_458, %scan3A_456 : i32
        %get3A_460 = arith.index_cast %add3A_459 : i32 to index
        %get3A_461 = arith.constant 0 : index
        %get3A_462 = tpu.vector_load %arg8[%get3A_460, %get3A_461] {strides = array<i32>} : memref<1600x32xf32, #tpu.memory_space<vmem>>, vector<1x16xf32>,
        %get3A_463 = vector.shape_cast %get3A_462 : vector<1x16xf32> to vector<16xf32>
        %add3A_464 = arith.addf %add3A_446, %get3A_463 : vector<16xf32>
        %mul3A_465 = arith.constant 50 : i32
        %mul3A_466 = arith.muli %scan3A_275, %mul3A_465 : i32
        %add3A_467 = arith.addi %mul3A_466, %scan3A_456 : i32
        %get3A_468 = arith.index_cast %add3A_467 : i32 to index
        %get3A_469 = arith.constant 16 : index
        %get3A_470 = tpu.vector_load %arg8[%get3A_468, %get3A_469] {strides = array<i32>} : memref<1600x32xf32, #tpu.memory_space<vmem>>, vector<1x16xf32>,
        %get3A_471 = vector.shape_cast %get3A_470 : vector<1x16xf32> to vector<16xf32>
        %add3A_472 = arith.addf %add3A_454, %get3A_471 : vector<16xf32>
        scf.yield %add3A_464, %add3A_472 : vector<16xf32>, vector<16xf32>
      }
      %scan3A_282 = arith.constant 50 : i32
      %swap3A = arith.index_cast %scan3A_275 : i32 to index
      %swap3A_283 = arith.constant 0 : index
      %swap3A_284 = tpu.vector_load %arg9[%swap3A, %swap3A_283] {strides = array<i32>} : memref<32x32xf32, #tpu.memory_space<vmem>>, vector<1x16xf32>,
      %swap3A_285 = vector.shape_cast %swap3A_284 : vector<1x16xf32> to vector<16xf32>
      %swap3A_286 = vector.shape_cast %scan3A_281#0 : vector<16xf32> to vector<1x16xf32>
      tpu.vector_store %arg9[%swap3A, %swap3A_283], %swap3A_286 {strides = array<i32>} : memref<32x32xf32, #tpu.memory_space<vmem>>, vector<1x16xf32>,
      %swap3A_287 = arith.index_cast %scan3A_275 : i32 to index
      %swap3A_288 = arith.constant 16 : index
      %swap3A_289 = tpu.vector_load %arg9[%swap3A_287, %swap3A_288] {strides = array<i32>} : memref<32x32xf32, #tpu.memory_space<vmem>>, vector<1x16xf32>,
      %swap3A_290 = vector.shape_cast %swap3A_289 : vector<1x16xf32> to vector<16xf32>
      %swap3A_291 = vector.shape_cast %scan3A_281#1 : vector<16xf32> to vector<1x16xf32>
      tpu.vector_store %arg9[%swap3A_287, %swap3A_288], %swap3A_291 {strides = array<i32>} : memref<32x32xf32, #tpu.memory_space<vmem>>, vector<1x16xf32>,
      %scan3A_292 = arith.constant 0 : i32
      scf.yield %scan3A_292 : i32
    }
    %scan3A_175 = arith.constant 32 : i32
    %add3A_176 = arith.constant 288 : i32
    %add3A_177 = arith.addi %mul3A_2, %add3A_176 : i32
    "tpu.region"() ({
      %run_scoped3A = tpu.sem_alloc : memref<!tpu.dma_semaphore, #tpu.memory_space<semaphore_mem>>
      %dma_start3A_275 = arith.constant 0 : i32
      %dma_start3A_276 = tpu.memref_slice %arg4[%add3A_177, %dma_start3A_275] : memref<16384x32xf32, #tpu.memory_space<hbm>> -> memref<32x32xf32, #tpu.memory_space<hbm>>
      %dma_start3A_277 = arith.constant 0 : i32
      %dma_start3A_278 = tpu.memref_slice %arg4[%add3A_177, %dma_start3A_277] : memref<16384x32xf32, #tpu.memory_space<hbm>> -> memref<32x32xf32, #tpu.memory_space<hbm>>
      tpu.enqueue_dma source(%arg9 : memref<32x32xf32, #tpu.memory_space<vmem>>) target(%dma_start3A_278 : memref<32x32xf32, #tpu.memory_space<hbm>>) target_semaphore(%run_scoped3A : memref<!tpu.dma_semaphore, #tpu.memory_space<semaphore_mem>>)
      %dma_wait3A_279 = arith.constant 0 : i32
      %dma_wait3A_280 = tpu.memref_slice %arg4[%add3A_177, %dma_wait3A_279] : memref<16384x32xf32, #tpu.memory_space<hbm>> -> memref<32x32xf32, #tpu.memory_space<hbm>>
      %dma_wait3A_281 = arith.constant 0 : i32
      %dma_wait3A_282 = tpu.memref_slice %arg4[%add3A_177, %dma_wait3A_281] : memref<16384x32xf32, #tpu.memory_space<hbm>> -> memref<32x32xf32, #tpu.memory_space<hbm>>
      tpu.wait_dma2 semaphore(%run_scoped3A : memref<!tpu.dma_semaphore, #tpu.memory_space<semaphore_mem>>) src(%arg9 : memref<32x32xf32, #tpu.memory_space<vmem>>) dst(%dma_wait3A_282 : memref<32x32xf32, #tpu.memory_space<hbm>>)
      tpu.yield
    }) : () -> ()
    %add3A_178 = arith.constant 17600 : i32
    %add3A_179 = arith.addi %mul3A_4, %add3A_178 : i32
    "tpu.region"() ({
      %run_scoped3A = tpu.sem_alloc : memref<!tpu.dma_semaphore, #tpu.memory_space<semaphore_mem>>
      %dma_start3A_275 = tpu.memref_slice %arg2[%add3A_179] : memref<819200xi32, #tpu.memory_space<hbm>> -> memref<1600xi32, #tpu.memory_space<hbm>>
      %dma_start3A_276 = tpu.memref_slice %arg2[%add3A_179] : memref<819200xi32, #tpu.memory_space<hbm>> -> memref<1600xi32, #tpu.memory_space<hbm>>
      tpu.enqueue_dma source(%dma_start3A_276 : memref<1600xi32, #tpu.memory_space<hbm>>) target(%arg6 : memref<1600xi32, #tpu.memory_space<vmem>>) target_semaphore(%run_scoped3A : memref<!tpu.dma_semaphore, #tpu.memory_space<semaphore_mem>>)
      %dma_wait3A_277 = tpu.memref_slice %arg2[%add3A_179] : memref<819200xi32, #tpu.memory_space<hbm>> -> memref<1600xi32, #tpu.memory_space<hbm>>
      %dma_wait3A_278 = tpu.memref_slice %arg2[%add3A_179] : memref<819200xi32, #tpu.memory_space<hbm>> -> memref<1600xi32, #tpu.memory_space<hbm>>
      tpu.wait_dma2 semaphore(%run_scoped3A : memref<!tpu.dma_semaphore, #tpu.memory_space<semaphore_mem>>) src(%dma_wait3A_278 : memref<1600xi32, #tpu.memory_space<hbm>>) dst(%arg6 : memref<1600xi32, #tpu.memory_space<vmem>>)
      tpu.yield
    }) : () -> ()
    %dma_start3A_180 = arith.constant 0 : i32
    %dma_start3A_181 = arith.constant 0 : i32
    %dma_start3A_182 = tpu.memref_slice %arg3[%dma_start3A_180, %dma_start3A_181] : memref<1000000x32xf32, #tpu.memory_space<hbm>> -> memref<1000000x32xf32, #tpu.memory_space<hbm>>
    tpu.enqueue_indirect_dma source(%dma_start3A_182 : memref<1000000x32xf32, #tpu.memory_space<hbm>>) target(%arg8 : memref<1600x32xf32, #tpu.memory_space<vmem>>) offsets(%arg6 : memref<1600xi32, #tpu.memory_space<vmem>>) semaphore(%arg11 : memref<!tpu.dma_semaphore, #tpu.memory_space<semaphore_mem>>)
    %dma_wait3A_183 = arith.constant 0 : i32
    %dma_wait3A_184 = arith.constant 0 : i32
    %dma_wait3A_185 = tpu.memref_slice %arg3[%dma_wait3A_183, %dma_wait3A_184] : memref<1000000x32xf32, #tpu.memory_space<hbm>> -> memref<1000000x32xf32, #tpu.memory_space<hbm>>
    tpu.wait_indirect_dma semaphore(%arg10 : memref<!tpu.dma_semaphore, #tpu.memory_space<semaphore_mem>>) src(%dma_wait3A_185 : memref<1000000x32xf32, #tpu.memory_space<hbm>>) dst(%arg7 : memref<1600x32xf32, #tpu.memory_space<vmem>>)
    %scan3A_186 = arith.constant 0 : i32
    %scan3A_187 = arith.constant 0 : i32
    %scan3A_188 = arith.constant 32 : i32
    %scan3A_189 = arith.addi %scan3A_187, %scan3A_188 : i32
    %scan3A_190 = arith.constant 1 : i32
    %scan3A_191 = scf.for %scan3A_275 = %scan3A_187 to %scan3A_189 step %scan3A_190 iter_args(%scan3A_276 = %scan3A_186) -> (i32)  : i32 {
      %scan3A_277 = arith.constant 0 : i32
      %scan3A_278 = arith.constant 50 : i32
      %scan3A_279 = arith.addi %scan3A_277, %scan3A_278 : i32
      %scan3A_280 = arith.constant 10 : i32
      %scan3A_281:2 = scf.for %scan3A_293 = %scan3A_277 to %scan3A_279 step %scan3A_280 iter_args(%scan3A_294 = %broadcast_in_dim3A_5, %scan3A_295 = %broadcast_in_dim3A_5) -> (vector<16xf32>, vector<16xf32>)  : i32 {
        %mul3A_296 = arith.constant 50 : i32
        %mul3A_297 = arith.muli %scan3A_275, %mul3A_296 : i32
        %add3A_298 = arith.addi %mul3A_297, %scan3A_293 : i32
        %get3A = arith.index_cast %add3A_298 : i32 to index
        %get3A_299 = arith.constant 0 : index
        %get3A_300 = tpu.vector_load %arg7[%get3A, %get3A_299] {strides = array<i32>} : memref<1600x32xf32, #tpu.memory_space<vmem>>, vector<1x16xf32>,
        %get3A_301 = vector.shape_cast %get3A_300 : vector<1x16xf32> to vector<16xf32>
        %add3A_302 = arith.addf %scan3A_294, %get3A_301 : vector<16xf32>
        %mul3A_303 = arith.constant 50 : i32
        %mul3A_304 = arith.muli %scan3A_275, %mul3A_303 : i32
        %add3A_305 = arith.addi %mul3A_304, %scan3A_293 : i32
        %get3A_306 = arith.index_cast %add3A_305 : i32 to index
        %get3A_307 = arith.constant 16 : index
        %get3A_308 = tpu.vector_load %arg7[%get3A_306, %get3A_307] {strides = array<i32>} : memref<1600x32xf32, #tpu.memory_space<vmem>>, vector<1x16xf32>,
        %get3A_309 = vector.shape_cast %get3A_308 : vector<1x16xf32> to vector<16xf32>
        %add3A_310 = arith.addf %scan3A_295, %get3A_309 : vector<16xf32>
        %scan3A_311 = arith.constant 1 : i32
        %scan3A_312 = arith.addi %scan3A_293, %scan3A_311 : i32
        %mul3A_313 = arith.constant 50 : i32
        %mul3A_314 = arith.muli %scan3A_275, %mul3A_313 : i32
        %add3A_315 = arith.addi %mul3A_314, %scan3A_312 : i32
        %get3A_316 = arith.index_cast %add3A_315 : i32 to index
        %get3A_317 = arith.constant 0 : index
        %get3A_318 = tpu.vector_load %arg7[%get3A_316, %get3A_317] {strides = array<i32>} : memref<1600x32xf32, #tpu.memory_space<vmem>>, vector<1x16xf32>,
        %get3A_319 = vector.shape_cast %get3A_318 : vector<1x16xf32> to vector<16xf32>
        %add3A_320 = arith.addf %add3A_302, %get3A_319 : vector<16xf32>
        %mul3A_321 = arith.constant 50 : i32
        %mul3A_322 = arith.muli %scan3A_275, %mul3A_321 : i32
        %add3A_323 = arith.addi %mul3A_322, %scan3A_312 : i32
        %get3A_324 = arith.index_cast %add3A_323 : i32 to index
        %get3A_325 = arith.constant 16 : index
        %get3A_326 = tpu.vector_load %arg7[%get3A_324, %get3A_325] {strides = array<i32>} : memref<1600x32xf32, #tpu.memory_space<vmem>>, vector<1x16xf32>,
        %get3A_327 = vector.shape_cast %get3A_326 : vector<1x16xf32> to vector<16xf32>
        %add3A_328 = arith.addf %add3A_310, %get3A_327 : vector<16xf32>
        %scan3A_329 = arith.constant 2 : i32
        %scan3A_330 = arith.addi %scan3A_293, %scan3A_329 : i32
        %mul3A_331 = arith.constant 50 : i32
        %mul3A_332 = arith.muli %scan3A_275, %mul3A_331 : i32
        %add3A_333 = arith.addi %mul3A_332, %scan3A_330 : i32
        %get3A_334 = arith.index_cast %add3A_333 : i32 to index
        %get3A_335 = arith.constant 0 : index
        %get3A_336 = tpu.vector_load %arg7[%get3A_334, %get3A_335] {strides = array<i32>} : memref<1600x32xf32, #tpu.memory_space<vmem>>, vector<1x16xf32>,
        %get3A_337 = vector.shape_cast %get3A_336 : vector<1x16xf32> to vector<16xf32>
        %add3A_338 = arith.addf %add3A_320, %get3A_337 : vector<16xf32>
        %mul3A_339 = arith.constant 50 : i32
        %mul3A_340 = arith.muli %scan3A_275, %mul3A_339 : i32
        %add3A_341 = arith.addi %mul3A_340, %scan3A_330 : i32
        %get3A_342 = arith.index_cast %add3A_341 : i32 to index
        %get3A_343 = arith.constant 16 : index
        %get3A_344 = tpu.vector_load %arg7[%get3A_342, %get3A_343] {strides = array<i32>} : memref<1600x32xf32, #tpu.memory_space<vmem>>, vector<1x16xf32>,
        %get3A_345 = vector.shape_cast %get3A_344 : vector<1x16xf32> to vector<16xf32>
        %add3A_346 = arith.addf %add3A_328, %get3A_345 : vector<16xf32>
        %scan3A_347 = arith.constant 3 : i32
        %scan3A_348 = arith.addi %scan3A_293, %scan3A_347 : i32
        %mul3A_349 = arith.constant 50 : i32
        %mul3A_350 = arith.muli %scan3A_275, %mul3A_349 : i32
        %add3A_351 = arith.addi %mul3A_350, %scan3A_348 : i32
        %get3A_352 = arith.index_cast %add3A_351 : i32 to index
        %get3A_353 = arith.constant 0 : index
        %get3A_354 = tpu.vector_load %arg7[%get3A_352, %get3A_353] {strides = array<i32>} : memref<1600x32xf32, #tpu.memory_space<vmem>>, vector<1x16xf32>,
        %get3A_355 = vector.shape_cast %get3A_354 : vector<1x16xf32> to vector<16xf32>
        %add3A_356 = arith.addf %add3A_338, %get3A_355 : vector<16xf32>
        %mul3A_357 = arith.constant 50 : i32
        %mul3A_358 = arith.muli %scan3A_275, %mul3A_357 : i32
        %add3A_359 = arith.addi %mul3A_358, %scan3A_348 : i32
        %get3A_360 = arith.index_cast %add3A_359 : i32 to index
        %get3A_361 = arith.constant 16 : index
        %get3A_362 = tpu.vector_load %arg7[%get3A_360, %get3A_361] {strides = array<i32>} : memref<1600x32xf32, #tpu.memory_space<vmem>>, vector<1x16xf32>,
        %get3A_363 = vector.shape_cast %get3A_362 : vector<1x16xf32> to vector<16xf32>
        %add3A_364 = arith.addf %add3A_346, %get3A_363 : vector<16xf32>
        %scan3A_365 = arith.constant 4 : i32
        %scan3A_366 = arith.addi %scan3A_293, %scan3A_365 : i32
        %mul3A_367 = arith.constant 50 : i32
        %mul3A_368 = arith.muli %scan3A_275, %mul3A_367 : i32
        %add3A_369 = arith.addi %mul3A_368, %scan3A_366 : i32
        %get3A_370 = arith.index_cast %add3A_369 : i32 to index
        %get3A_371 = arith.constant 0 : index
        %get3A_372 = tpu.vector_load %arg7[%get3A_370, %get3A_371] {strides = array<i32>} : memref<1600x32xf32, #tpu.memory_space<vmem>>, vector<1x16xf32>,
        %get3A_373 = vector.shape_cast %get3A_372 : vector<1x16xf32> to vector<16xf32>
        %add3A_374 = arith.addf %add3A_356, %get3A_373 : vector<16xf32>
        %mul3A_375 = arith.constant 50 : i32
        %mul3A_376 = arith.muli %scan3A_275, %mul3A_375 : i32
        %add3A_377 = arith.addi %mul3A_376, %scan3A_366 : i32
        %get3A_378 = arith.index_cast %add3A_377 : i32 to index
        %get3A_379 = arith.constant 16 : index
        %get3A_380 = tpu.vector_load %arg7[%get3A_378, %get3A_379] {strides = array<i32>} : memref<1600x32xf32, #tpu.memory_space<vmem>>, vector<1x16xf32>,
        %get3A_381 = vector.shape_cast %get3A_380 : vector<1x16xf32> to vector<16xf32>
        %add3A_382 = arith.addf %add3A_364, %get3A_381 : vector<16xf32>
        %scan3A_383 = arith.constant 5 : i32
        %scan3A_384 = arith.addi %scan3A_293, %scan3A_383 : i32
        %mul3A_385 = arith.constant 50 : i32
        %mul3A_386 = arith.muli %scan3A_275, %mul3A_385 : i32
        %add3A_387 = arith.addi %mul3A_386, %scan3A_384 : i32
        %get3A_388 = arith.index_cast %add3A_387 : i32 to index
        %get3A_389 = arith.constant 0 : index
        %get3A_390 = tpu.vector_load %arg7[%get3A_388, %get3A_389] {strides = array<i32>} : memref<1600x32xf32, #tpu.memory_space<vmem>>, vector<1x16xf32>,
        %get3A_391 = vector.shape_cast %get3A_390 : vector<1x16xf32> to vector<16xf32>
        %add3A_392 = arith.addf %add3A_374, %get3A_391 : vector<16xf32>
        %mul3A_393 = arith.constant 50 : i32
        %mul3A_394 = arith.muli %scan3A_275, %mul3A_393 : i32
        %add3A_395 = arith.addi %mul3A_394, %scan3A_384 : i32
        %get3A_396 = arith.index_cast %add3A_395 : i32 to index
        %get3A_397 = arith.constant 16 : index
        %get3A_398 = tpu.vector_load %arg7[%get3A_396, %get3A_397] {strides = array<i32>} : memref<1600x32xf32, #tpu.memory_space<vmem>>, vector<1x16xf32>,
        %get3A_399 = vector.shape_cast %get3A_398 : vector<1x16xf32> to vector<16xf32>
        %add3A_400 = arith.addf %add3A_382, %get3A_399 : vector<16xf32>
        %scan3A_401 = arith.constant 6 : i32
        %scan3A_402 = arith.addi %scan3A_293, %scan3A_401 : i32
        %mul3A_403 = arith.constant 50 : i32
        %mul3A_404 = arith.muli %scan3A_275, %mul3A_403 : i32
        %add3A_405 = arith.addi %mul3A_404, %scan3A_402 : i32
        %get3A_406 = arith.index_cast %add3A_405 : i32 to index
        %get3A_407 = arith.constant 0 : index
        %get3A_408 = tpu.vector_load %arg7[%get3A_406, %get3A_407] {strides = array<i32>} : memref<1600x32xf32, #tpu.memory_space<vmem>>, vector<1x16xf32>,
        %get3A_409 = vector.shape_cast %get3A_408 : vector<1x16xf32> to vector<16xf32>
        %add3A_410 = arith.addf %add3A_392, %get3A_409 : vector<16xf32>
        %mul3A_411 = arith.constant 50 : i32
        %mul3A_412 = arith.muli %scan3A_275, %mul3A_411 : i32
        %add3A_413 = arith.addi %mul3A_412, %scan3A_402 : i32
        %get3A_414 = arith.index_cast %add3A_413 : i32 to index
        %get3A_415 = arith.constant 16 : index
        %get3A_416 = tpu.vector_load %arg7[%get3A_414, %get3A_415] {strides = array<i32>} : memref<1600x32xf32, #tpu.memory_space<vmem>>, vector<1x16xf32>,
        %get3A_417 = vector.shape_cast %get3A_416 : vector<1x16xf32> to vector<16xf32>
        %add3A_418 = arith.addf %add3A_400, %get3A_417 : vector<16xf32>
        %scan3A_419 = arith.constant 7 : i32
        %scan3A_420 = arith.addi %scan3A_293, %scan3A_419 : i32
        %mul3A_421 = arith.constant 50 : i32
        %mul3A_422 = arith.muli %scan3A_275, %mul3A_421 : i32
        %add3A_423 = arith.addi %mul3A_422, %scan3A_420 : i32
        %get3A_424 = arith.index_cast %add3A_423 : i32 to index
        %get3A_425 = arith.constant 0 : index
        %get3A_426 = tpu.vector_load %arg7[%get3A_424, %get3A_425] {strides = array<i32>} : memref<1600x32xf32, #tpu.memory_space<vmem>>, vector<1x16xf32>,
        %get3A_427 = vector.shape_cast %get3A_426 : vector<1x16xf32> to vector<16xf32>
        %add3A_428 = arith.addf %add3A_410, %get3A_427 : vector<16xf32>
        %mul3A_429 = arith.constant 50 : i32
        %mul3A_430 = arith.muli %scan3A_275, %mul3A_429 : i32
        %add3A_431 = arith.addi %mul3A_430, %scan3A_420 : i32
        %get3A_432 = arith.index_cast %add3A_431 : i32 to index
        %get3A_433 = arith.constant 16 : index
        %get3A_434 = tpu.vector_load %arg7[%get3A_432, %get3A_433] {strides = array<i32>} : memref<1600x32xf32, #tpu.memory_space<vmem>>, vector<1x16xf32>,
        %get3A_435 = vector.shape_cast %get3A_434 : vector<1x16xf32> to vector<16xf32>
        %add3A_436 = arith.addf %add3A_418, %get3A_435 : vector<16xf32>
        %scan3A_437 = arith.constant 8 : i32
        %scan3A_438 = arith.addi %scan3A_293, %scan3A_437 : i32
        %mul3A_439 = arith.constant 50 : i32
        %mul3A_440 = arith.muli %scan3A_275, %mul3A_439 : i32
        %add3A_441 = arith.addi %mul3A_440, %scan3A_438 : i32
        %get3A_442 = arith.index_cast %add3A_441 : i32 to index
        %get3A_443 = arith.constant 0 : index
        %get3A_444 = tpu.vector_load %arg7[%get3A_442, %get3A_443] {strides = array<i32>} : memref<1600x32xf32, #tpu.memory_space<vmem>>, vector<1x16xf32>,
        %get3A_445 = vector.shape_cast %get3A_444 : vector<1x16xf32> to vector<16xf32>
        %add3A_446 = arith.addf %add3A_428, %get3A_445 : vector<16xf32>
        %mul3A_447 = arith.constant 50 : i32
        %mul3A_448 = arith.muli %scan3A_275, %mul3A_447 : i32
        %add3A_449 = arith.addi %mul3A_448, %scan3A_438 : i32
        %get3A_450 = arith.index_cast %add3A_449 : i32 to index
        %get3A_451 = arith.constant 16 : index
        %get3A_452 = tpu.vector_load %arg7[%get3A_450, %get3A_451] {strides = array<i32>} : memref<1600x32xf32, #tpu.memory_space<vmem>>, vector<1x16xf32>,
        %get3A_453 = vector.shape_cast %get3A_452 : vector<1x16xf32> to vector<16xf32>
        %add3A_454 = arith.addf %add3A_436, %get3A_453 : vector<16xf32>
        %scan3A_455 = arith.constant 9 : i32
        %scan3A_456 = arith.addi %scan3A_293, %scan3A_455 : i32
        %mul3A_457 = arith.constant 50 : i32
        %mul3A_458 = arith.muli %scan3A_275, %mul3A_457 : i32
        %add3A_459 = arith.addi %mul3A_458, %scan3A_456 : i32
        %get3A_460 = arith.index_cast %add3A_459 : i32 to index
        %get3A_461 = arith.constant 0 : index
        %get3A_462 = tpu.vector_load %arg7[%get3A_460, %get3A_461] {strides = array<i32>} : memref<1600x32xf32, #tpu.memory_space<vmem>>, vector<1x16xf32>,
        %get3A_463 = vector.shape_cast %get3A_462 : vector<1x16xf32> to vector<16xf32>
        %add3A_464 = arith.addf %add3A_446, %get3A_463 : vector<16xf32>
        %mul3A_465 = arith.constant 50 : i32
        %mul3A_466 = arith.muli %scan3A_275, %mul3A_465 : i32
        %add3A_467 = arith.addi %mul3A_466, %scan3A_456 : i32
        %get3A_468 = arith.index_cast %add3A_467 : i32 to index
        %get3A_469 = arith.constant 16 : index
        %get3A_470 = tpu.vector_load %arg7[%get3A_468, %get3A_469] {strides = array<i32>} : memref<1600x32xf32, #tpu.memory_space<vmem>>, vector<1x16xf32>,
        %get3A_471 = vector.shape_cast %get3A_470 : vector<1x16xf32> to vector<16xf32>
        %add3A_472 = arith.addf %add3A_454, %get3A_471 : vector<16xf32>
        scf.yield %add3A_464, %add3A_472 : vector<16xf32>, vector<16xf32>
      }
      %scan3A_282 = arith.constant 50 : i32
      %swap3A = arith.index_cast %scan3A_275 : i32 to index
      %swap3A_283 = arith.constant 0 : index
      %swap3A_284 = tpu.vector_load %arg9[%swap3A, %swap3A_283] {strides = array<i32>} : memref<32x32xf32, #tpu.memory_space<vmem>>, vector<1x16xf32>,
      %swap3A_285 = vector.shape_cast %swap3A_284 : vector<1x16xf32> to vector<16xf32>
      %swap3A_286 = vector.shape_cast %scan3A_281#0 : vector<16xf32> to vector<1x16xf32>
      tpu.vector_store %arg9[%swap3A, %swap3A_283], %swap3A_286 {strides = array<i32>} : memref<32x32xf32, #tpu.memory_space<vmem>>, vector<1x16xf32>,
      %swap3A_287 = arith.index_cast %scan3A_275 : i32 to index
      %swap3A_288 = arith.constant 16 : index
      %swap3A_289 = tpu.vector_load %arg9[%swap3A_287, %swap3A_288] {strides = array<i32>} : memref<32x32xf32, #tpu.memory_space<vmem>>, vector<1x16xf32>,
      %swap3A_290 = vector.shape_cast %swap3A_289 : vector<1x16xf32> to vector<16xf32>
      %swap3A_291 = vector.shape_cast %scan3A_281#1 : vector<16xf32> to vector<1x16xf32>
      tpu.vector_store %arg9[%swap3A_287, %swap3A_288], %swap3A_291 {strides = array<i32>} : memref<32x32xf32, #tpu.memory_space<vmem>>, vector<1x16xf32>,
      %scan3A_292 = arith.constant 0 : i32
      scf.yield %scan3A_292 : i32
    }
    %scan3A_192 = arith.constant 32 : i32
    %add3A_193 = arith.constant 320 : i32
    %add3A_194 = arith.addi %mul3A_2, %add3A_193 : i32
    "tpu.region"() ({
      %run_scoped3A = tpu.sem_alloc : memref<!tpu.dma_semaphore, #tpu.memory_space<semaphore_mem>>
      %dma_start3A_275 = arith.constant 0 : i32
      %dma_start3A_276 = tpu.memref_slice %arg4[%add3A_194, %dma_start3A_275] : memref<16384x32xf32, #tpu.memory_space<hbm>> -> memref<32x32xf32, #tpu.memory_space<hbm>>
      %dma_start3A_277 = arith.constant 0 : i32
      %dma_start3A_278 = tpu.memref_slice %arg4[%add3A_194, %dma_start3A_277] : memref<16384x32xf32, #tpu.memory_space<hbm>> -> memref<32x32xf32, #tpu.memory_space<hbm>>
      tpu.enqueue_dma source(%arg9 : memref<32x32xf32, #tpu.memory_space<vmem>>) target(%dma_start3A_278 : memref<32x32xf32, #tpu.memory_space<hbm>>) target_semaphore(%run_scoped3A : memref<!tpu.dma_semaphore, #tpu.memory_space<semaphore_mem>>)
      %dma_wait3A_279 = arith.constant 0 : i32
      %dma_wait3A_280 = tpu.memref_slice %arg4[%add3A_194, %dma_wait3A_279] : memref<16384x32xf32, #tpu.memory_space<hbm>> -> memref<32x32xf32, #tpu.memory_space<hbm>>
      %dma_wait3A_281 = arith.constant 0 : i32
      %dma_wait3A_282 = tpu.memref_slice %arg4[%add3A_194, %dma_wait3A_281] : memref<16384x32xf32, #tpu.memory_space<hbm>> -> memref<32x32xf32, #tpu.memory_space<hbm>>
      tpu.wait_dma2 semaphore(%run_scoped3A : memref<!tpu.dma_semaphore, #tpu.memory_space<semaphore_mem>>) src(%arg9 : memref<32x32xf32, #tpu.memory_space<vmem>>) dst(%dma_wait3A_282 : memref<32x32xf32, #tpu.memory_space<hbm>>)
      tpu.yield
    }) : () -> ()
    %add3A_195 = arith.constant 19200 : i32
    %add3A_196 = arith.addi %mul3A_4, %add3A_195 : i32
    "tpu.region"() ({
      %run_scoped3A = tpu.sem_alloc : memref<!tpu.dma_semaphore, #tpu.memory_space<semaphore_mem>>
      %dma_start3A_275 = tpu.memref_slice %arg2[%add3A_196] : memref<819200xi32, #tpu.memory_space<hbm>> -> memref<1600xi32, #tpu.memory_space<hbm>>
      %dma_start3A_276 = tpu.memref_slice %arg2[%add3A_196] : memref<819200xi32, #tpu.memory_space<hbm>> -> memref<1600xi32, #tpu.memory_space<hbm>>
      tpu.enqueue_dma source(%dma_start3A_276 : memref<1600xi32, #tpu.memory_space<hbm>>) target(%arg5 : memref<1600xi32, #tpu.memory_space<vmem>>) target_semaphore(%run_scoped3A : memref<!tpu.dma_semaphore, #tpu.memory_space<semaphore_mem>>)
      %dma_wait3A_277 = tpu.memref_slice %arg2[%add3A_196] : memref<819200xi32, #tpu.memory_space<hbm>> -> memref<1600xi32, #tpu.memory_space<hbm>>
      %dma_wait3A_278 = tpu.memref_slice %arg2[%add3A_196] : memref<819200xi32, #tpu.memory_space<hbm>> -> memref<1600xi32, #tpu.memory_space<hbm>>
      tpu.wait_dma2 semaphore(%run_scoped3A : memref<!tpu.dma_semaphore, #tpu.memory_space<semaphore_mem>>) src(%dma_wait3A_278 : memref<1600xi32, #tpu.memory_space<hbm>>) dst(%arg5 : memref<1600xi32, #tpu.memory_space<vmem>>)
      tpu.yield
    }) : () -> ()
    %dma_start3A_197 = arith.constant 0 : i32
    %dma_start3A_198 = arith.constant 0 : i32
    %dma_start3A_199 = tpu.memref_slice %arg3[%dma_start3A_197, %dma_start3A_198] : memref<1000000x32xf32, #tpu.memory_space<hbm>> -> memref<1000000x32xf32, #tpu.memory_space<hbm>>
    tpu.enqueue_indirect_dma source(%dma_start3A_199 : memref<1000000x32xf32, #tpu.memory_space<hbm>>) target(%arg7 : memref<1600x32xf32, #tpu.memory_space<vmem>>) offsets(%arg5 : memref<1600xi32, #tpu.memory_space<vmem>>) semaphore(%arg10 : memref<!tpu.dma_semaphore, #tpu.memory_space<semaphore_mem>>)
    %dma_wait3A_200 = arith.constant 0 : i32
    %dma_wait3A_201 = arith.constant 0 : i32
    %dma_wait3A_202 = tpu.memref_slice %arg3[%dma_wait3A_200, %dma_wait3A_201] : memref<1000000x32xf32, #tpu.memory_space<hbm>> -> memref<1000000x32xf32, #tpu.memory_space<hbm>>
    tpu.wait_indirect_dma semaphore(%arg11 : memref<!tpu.dma_semaphore, #tpu.memory_space<semaphore_mem>>) src(%dma_wait3A_202 : memref<1000000x32xf32, #tpu.memory_space<hbm>>) dst(%arg8 : memref<1600x32xf32, #tpu.memory_space<vmem>>)
    %scan3A_203 = arith.constant 0 : i32
    %scan3A_204 = arith.constant 0 : i32
    %scan3A_205 = arith.constant 32 : i32
    %scan3A_206 = arith.addi %scan3A_204, %scan3A_205 : i32
    %scan3A_207 = arith.constant 1 : i32
    %scan3A_208 = scf.for %scan3A_275 = %scan3A_204 to %scan3A_206 step %scan3A_207 iter_args(%scan3A_276 = %scan3A_203) -> (i32)  : i32 {
      %scan3A_277 = arith.constant 0 : i32
      %scan3A_278 = arith.constant 50 : i32
      %scan3A_279 = arith.addi %scan3A_277, %scan3A_278 : i32
      %scan3A_280 = arith.constant 10 : i32
      %scan3A_281:2 = scf.for %scan3A_293 = %scan3A_277 to %scan3A_279 step %scan3A_280 iter_args(%scan3A_294 = %broadcast_in_dim3A_5, %scan3A_295 = %broadcast_in_dim3A_5) -> (vector<16xf32>, vector<16xf32>)  : i32 {
        %mul3A_296 = arith.constant 50 : i32
        %mul3A_297 = arith.muli %scan3A_275, %mul3A_296 : i32
        %add3A_298 = arith.addi %mul3A_297, %scan3A_293 : i32
        %get3A = arith.index_cast %add3A_298 : i32 to index
        %get3A_299 = arith.constant 0 : index
        %get3A_300 = tpu.vector_load %arg8[%get3A, %get3A_299] {strides = array<i32>} : memref<1600x32xf32, #tpu.memory_space<vmem>>, vector<1x16xf32>,
        %get3A_301 = vector.shape_cast %get3A_300 : vector<1x16xf32> to vector<16xf32>
        %add3A_302 = arith.addf %scan3A_294, %get3A_301 : vector<16xf32>
        %mul3A_303 = arith.constant 50 : i32
        %mul3A_304 = arith.muli %scan3A_275, %mul3A_303 : i32
        %add3A_305 = arith.addi %mul3A_304, %scan3A_293 : i32
        %get3A_306 = arith.index_cast %add3A_305 : i32 to index
        %get3A_307 = arith.constant 16 : index
        %get3A_308 = tpu.vector_load %arg8[%get3A_306, %get3A_307] {strides = array<i32>} : memref<1600x32xf32, #tpu.memory_space<vmem>>, vector<1x16xf32>,
        %get3A_309 = vector.shape_cast %get3A_308 : vector<1x16xf32> to vector<16xf32>
        %add3A_310 = arith.addf %scan3A_295, %get3A_309 : vector<16xf32>
        %scan3A_311 = arith.constant 1 : i32
        %scan3A_312 = arith.addi %scan3A_293, %scan3A_311 : i32
        %mul3A_313 = arith.constant 50 : i32
        %mul3A_314 = arith.muli %scan3A_275, %mul3A_313 : i32
        %add3A_315 = arith.addi %mul3A_314, %scan3A_312 : i32
        %get3A_316 = arith.index_cast %add3A_315 : i32 to index
        %get3A_317 = arith.constant 0 : index
        %get3A_318 = tpu.vector_load %arg8[%get3A_316, %get3A_317] {strides = array<i32>} : memref<1600x32xf32, #tpu.memory_space<vmem>>, vector<1x16xf32>,
        %get3A_319 = vector.shape_cast %get3A_318 : vector<1x16xf32> to vector<16xf32>
        %add3A_320 = arith.addf %add3A_302, %get3A_319 : vector<16xf32>
        %mul3A_321 = arith.constant 50 : i32
        %mul3A_322 = arith.muli %scan3A_275, %mul3A_321 : i32
        %add3A_323 = arith.addi %mul3A_322, %scan3A_312 : i32
        %get3A_324 = arith.index_cast %add3A_323 : i32 to index
        %get3A_325 = arith.constant 16 : index
        %get3A_326 = tpu.vector_load %arg8[%get3A_324, %get3A_325] {strides = array<i32>} : memref<1600x32xf32, #tpu.memory_space<vmem>>, vector<1x16xf32>,
        %get3A_327 = vector.shape_cast %get3A_326 : vector<1x16xf32> to vector<16xf32>
        %add3A_328 = arith.addf %add3A_310, %get3A_327 : vector<16xf32>
        %scan3A_329 = arith.constant 2 : i32
        %scan3A_330 = arith.addi %scan3A_293, %scan3A_329 : i32
        %mul3A_331 = arith.constant 50 : i32
        %mul3A_332 = arith.muli %scan3A_275, %mul3A_331 : i32
        %add3A_333 = arith.addi %mul3A_332, %scan3A_330 : i32
        %get3A_334 = arith.index_cast %add3A_333 : i32 to index
        %get3A_335 = arith.constant 0 : index
        %get3A_336 = tpu.vector_load %arg8[%get3A_334, %get3A_335] {strides = array<i32>} : memref<1600x32xf32, #tpu.memory_space<vmem>>, vector<1x16xf32>,
        %get3A_337 = vector.shape_cast %get3A_336 : vector<1x16xf32> to vector<16xf32>
        %add3A_338 = arith.addf %add3A_320, %get3A_337 : vector<16xf32>
        %mul3A_339 = arith.constant 50 : i32
        %mul3A_340 = arith.muli %scan3A_275, %mul3A_339 : i32
        %add3A_341 = arith.addi %mul3A_340, %scan3A_330 : i32
        %get3A_342 = arith.index_cast %add3A_341 : i32 to index
        %get3A_343 = arith.constant 16 : index
        %get3A_344 = tpu.vector_load %arg8[%get3A_342, %get3A_343] {strides = array<i32>} : memref<1600x32xf32, #tpu.memory_space<vmem>>, vector<1x16xf32>,
        %get3A_345 = vector.shape_cast %get3A_344 : vector<1x16xf32> to vector<16xf32>
        %add3A_346 = arith.addf %add3A_328, %get3A_345 : vector<16xf32>
        %scan3A_347 = arith.constant 3 : i32
        %scan3A_348 = arith.addi %scan3A_293, %scan3A_347 : i32
        %mul3A_349 = arith.constant 50 : i32
        %mul3A_350 = arith.muli %scan3A_275, %mul3A_349 : i32
        %add3A_351 = arith.addi %mul3A_350, %scan3A_348 : i32
        %get3A_352 = arith.index_cast %add3A_351 : i32 to index
        %get3A_353 = arith.constant 0 : index
        %get3A_354 = tpu.vector_load %arg8[%get3A_352, %get3A_353] {strides = array<i32>} : memref<1600x32xf32, #tpu.memory_space<vmem>>, vector<1x16xf32>,
        %get3A_355 = vector.shape_cast %get3A_354 : vector<1x16xf32> to vector<16xf32>
        %add3A_356 = arith.addf %add3A_338, %get3A_355 : vector<16xf32>
        %mul3A_357 = arith.constant 50 : i32
        %mul3A_358 = arith.muli %scan3A_275, %mul3A_357 : i32
        %add3A_359 = arith.addi %mul3A_358, %scan3A_348 : i32
        %get3A_360 = arith.index_cast %add3A_359 : i32 to index
        %get3A_361 = arith.constant 16 : index
        %get3A_362 = tpu.vector_load %arg8[%get3A_360, %get3A_361] {strides = array<i32>} : memref<1600x32xf32, #tpu.memory_space<vmem>>, vector<1x16xf32>,
        %get3A_363 = vector.shape_cast %get3A_362 : vector<1x16xf32> to vector<16xf32>
        %add3A_364 = arith.addf %add3A_346, %get3A_363 : vector<16xf32>
        %scan3A_365 = arith.constant 4 : i32
        %scan3A_366 = arith.addi %scan3A_293, %scan3A_365 : i32
        %mul3A_367 = arith.constant 50 : i32
        %mul3A_368 = arith.muli %scan3A_275, %mul3A_367 : i32
        %add3A_369 = arith.addi %mul3A_368, %scan3A_366 : i32
        %get3A_370 = arith.index_cast %add3A_369 : i32 to index
        %get3A_371 = arith.constant 0 : index
        %get3A_372 = tpu.vector_load %arg8[%get3A_370, %get3A_371] {strides = array<i32>} : memref<1600x32xf32, #tpu.memory_space<vmem>>, vector<1x16xf32>,
        %get3A_373 = vector.shape_cast %get3A_372 : vector<1x16xf32> to vector<16xf32>
        %add3A_374 = arith.addf %add3A_356, %get3A_373 : vector<16xf32>
        %mul3A_375 = arith.constant 50 : i32
        %mul3A_376 = arith.muli %scan3A_275, %mul3A_375 : i32
        %add3A_377 = arith.addi %mul3A_376, %scan3A_366 : i32
        %get3A_378 = arith.index_cast %add3A_377 : i32 to index
        %get3A_379 = arith.constant 16 : index
        %get3A_380 = tpu.vector_load %arg8[%get3A_378, %get3A_379] {strides = array<i32>} : memref<1600x32xf32, #tpu.memory_space<vmem>>, vector<1x16xf32>,
        %get3A_381 = vector.shape_cast %get3A_380 : vector<1x16xf32> to vector<16xf32>
        %add3A_382 = arith.addf %add3A_364, %get3A_381 : vector<16xf32>
        %scan3A_383 = arith.constant 5 : i32
        %scan3A_384 = arith.addi %scan3A_293, %scan3A_383 : i32
        %mul3A_385 = arith.constant 50 : i32
        %mul3A_386 = arith.muli %scan3A_275, %mul3A_385 : i32
        %add3A_387 = arith.addi %mul3A_386, %scan3A_384 : i32
        %get3A_388 = arith.index_cast %add3A_387 : i32 to index
        %get3A_389 = arith.constant 0 : index
        %get3A_390 = tpu.vector_load %arg8[%get3A_388, %get3A_389] {strides = array<i32>} : memref<1600x32xf32, #tpu.memory_space<vmem>>, vector<1x16xf32>,
        %get3A_391 = vector.shape_cast %get3A_390 : vector<1x16xf32> to vector<16xf32>
        %add3A_392 = arith.addf %add3A_374, %get3A_391 : vector<16xf32>
        %mul3A_393 = arith.constant 50 : i32
        %mul3A_394 = arith.muli %scan3A_275, %mul3A_393 : i32
        %add3A_395 = arith.addi %mul3A_394, %scan3A_384 : i32
        %get3A_396 = arith.index_cast %add3A_395 : i32 to index
        %get3A_397 = arith.constant 16 : index
        %get3A_398 = tpu.vector_load %arg8[%get3A_396, %get3A_397] {strides = array<i32>} : memref<1600x32xf32, #tpu.memory_space<vmem>>, vector<1x16xf32>,
        %get3A_399 = vector.shape_cast %get3A_398 : vector<1x16xf32> to vector<16xf32>
        %add3A_400 = arith.addf %add3A_382, %get3A_399 : vector<16xf32>
        %scan3A_401 = arith.constant 6 : i32
        %scan3A_402 = arith.addi %scan3A_293, %scan3A_401 : i32
        %mul3A_403 = arith.constant 50 : i32
        %mul3A_404 = arith.muli %scan3A_275, %mul3A_403 : i32
        %add3A_405 = arith.addi %mul3A_404, %scan3A_402 : i32
        %get3A_406 = arith.index_cast %add3A_405 : i32 to index
        %get3A_407 = arith.constant 0 : index
        %get3A_408 = tpu.vector_load %arg8[%get3A_406, %get3A_407] {strides = array<i32>} : memref<1600x32xf32, #tpu.memory_space<vmem>>, vector<1x16xf32>,
        %get3A_409 = vector.shape_cast %get3A_408 : vector<1x16xf32> to vector<16xf32>
        %add3A_410 = arith.addf %add3A_392, %get3A_409 : vector<16xf32>
        %mul3A_411 = arith.constant 50 : i32
        %mul3A_412 = arith.muli %scan3A_275, %mul3A_411 : i32
        %add3A_413 = arith.addi %mul3A_412, %scan3A_402 : i32
        %get3A_414 = arith.index_cast %add3A_413 : i32 to index
        %get3A_415 = arith.constant 16 : index
        %get3A_416 = tpu.vector_load %arg8[%get3A_414, %get3A_415] {strides = array<i32>} : memref<1600x32xf32, #tpu.memory_space<vmem>>, vector<1x16xf32>,
        %get3A_417 = vector.shape_cast %get3A_416 : vector<1x16xf32> to vector<16xf32>
        %add3A_418 = arith.addf %add3A_400, %get3A_417 : vector<16xf32>
        %scan3A_419 = arith.constant 7 : i32
        %scan3A_420 = arith.addi %scan3A_293, %scan3A_419 : i32
        %mul3A_421 = arith.constant 50 : i32
        %mul3A_422 = arith.muli %scan3A_275, %mul3A_421 : i32
        %add3A_423 = arith.addi %mul3A_422, %scan3A_420 : i32
        %get3A_424 = arith.index_cast %add3A_423 : i32 to index
        %get3A_425 = arith.constant 0 : index
        %get3A_426 = tpu.vector_load %arg8[%get3A_424, %get3A_425] {strides = array<i32>} : memref<1600x32xf32, #tpu.memory_space<vmem>>, vector<1x16xf32>,
        %get3A_427 = vector.shape_cast %get3A_426 : vector<1x16xf32> to vector<16xf32>
        %add3A_428 = arith.addf %add3A_410, %get3A_427 : vector<16xf32>
        %mul3A_429 = arith.constant 50 : i32
        %mul3A_430 = arith.muli %scan3A_275, %mul3A_429 : i32
        %add3A_431 = arith.addi %mul3A_430, %scan3A_420 : i32
        %get3A_432 = arith.index_cast %add3A_431 : i32 to index
        %get3A_433 = arith.constant 16 : index
        %get3A_434 = tpu.vector_load %arg8[%get3A_432, %get3A_433] {strides = array<i32>} : memref<1600x32xf32, #tpu.memory_space<vmem>>, vector<1x16xf32>,
        %get3A_435 = vector.shape_cast %get3A_434 : vector<1x16xf32> to vector<16xf32>
        %add3A_436 = arith.addf %add3A_418, %get3A_435 : vector<16xf32>
        %scan3A_437 = arith.constant 8 : i32
        %scan3A_438 = arith.addi %scan3A_293, %scan3A_437 : i32
        %mul3A_439 = arith.constant 50 : i32
        %mul3A_440 = arith.muli %scan3A_275, %mul3A_439 : i32
        %add3A_441 = arith.addi %mul3A_440, %scan3A_438 : i32
        %get3A_442 = arith.index_cast %add3A_441 : i32 to index
        %get3A_443 = arith.constant 0 : index
        %get3A_444 = tpu.vector_load %arg8[%get3A_442, %get3A_443] {strides = array<i32>} : memref<1600x32xf32, #tpu.memory_space<vmem>>, vector<1x16xf32>,
        %get3A_445 = vector.shape_cast %get3A_444 : vector<1x16xf32> to vector<16xf32>
        %add3A_446 = arith.addf %add3A_428, %get3A_445 : vector<16xf32>
        %mul3A_447 = arith.constant 50 : i32
        %mul3A_448 = arith.muli %scan3A_275, %mul3A_447 : i32
        %add3A_449 = arith.addi %mul3A_448, %scan3A_438 : i32
        %get3A_450 = arith.index_cast %add3A_449 : i32 to index
        %get3A_451 = arith.constant 16 : index
        %get3A_452 = tpu.vector_load %arg8[%get3A_450, %get3A_451] {strides = array<i32>} : memref<1600x32xf32, #tpu.memory_space<vmem>>, vector<1x16xf32>,
        %get3A_453 = vector.shape_cast %get3A_452 : vector<1x16xf32> to vector<16xf32>
        %add3A_454 = arith.addf %add3A_436, %get3A_453 : vector<16xf32>
        %scan3A_455 = arith.constant 9 : i32
        %scan3A_456 = arith.addi %scan3A_293, %scan3A_455 : i32
        %mul3A_457 = arith.constant 50 : i32
        %mul3A_458 = arith.muli %scan3A_275, %mul3A_457 : i32
        %add3A_459 = arith.addi %mul3A_458, %scan3A_456 : i32
        %get3A_460 = arith.index_cast %add3A_459 : i32 to index
        %get3A_461 = arith.constant 0 : index
        %get3A_462 = tpu.vector_load %arg8[%get3A_460, %get3A_461] {strides = array<i32>} : memref<1600x32xf32, #tpu.memory_space<vmem>>, vector<1x16xf32>,
        %get3A_463 = vector.shape_cast %get3A_462 : vector<1x16xf32> to vector<16xf32>
        %add3A_464 = arith.addf %add3A_446, %get3A_463 : vector<16xf32>
        %mul3A_465 = arith.constant 50 : i32
        %mul3A_466 = arith.muli %scan3A_275, %mul3A_465 : i32
        %add3A_467 = arith.addi %mul3A_466, %scan3A_456 : i32
        %get3A_468 = arith.index_cast %add3A_467 : i32 to index
        %get3A_469 = arith.constant 16 : index
        %get3A_470 = tpu.vector_load %arg8[%get3A_468, %get3A_469] {strides = array<i32>} : memref<1600x32xf32, #tpu.memory_space<vmem>>, vector<1x16xf32>,
        %get3A_471 = vector.shape_cast %get3A_470 : vector<1x16xf32> to vector<16xf32>
        %add3A_472 = arith.addf %add3A_454, %get3A_471 : vector<16xf32>
        scf.yield %add3A_464, %add3A_472 : vector<16xf32>, vector<16xf32>
      }
      %scan3A_282 = arith.constant 50 : i32
      %swap3A = arith.index_cast %scan3A_275 : i32 to index
      %swap3A_283 = arith.constant 0 : index
      %swap3A_284 = tpu.vector_load %arg9[%swap3A, %swap3A_283] {strides = array<i32>} : memref<32x32xf32, #tpu.memory_space<vmem>>, vector<1x16xf32>,
      %swap3A_285 = vector.shape_cast %swap3A_284 : vector<1x16xf32> to vector<16xf32>
      %swap3A_286 = vector.shape_cast %scan3A_281#0 : vector<16xf32> to vector<1x16xf32>
      tpu.vector_store %arg9[%swap3A, %swap3A_283], %swap3A_286 {strides = array<i32>} : memref<32x32xf32, #tpu.memory_space<vmem>>, vector<1x16xf32>,
      %swap3A_287 = arith.index_cast %scan3A_275 : i32 to index
      %swap3A_288 = arith.constant 16 : index
      %swap3A_289 = tpu.vector_load %arg9[%swap3A_287, %swap3A_288] {strides = array<i32>} : memref<32x32xf32, #tpu.memory_space<vmem>>, vector<1x16xf32>,
      %swap3A_290 = vector.shape_cast %swap3A_289 : vector<1x16xf32> to vector<16xf32>
      %swap3A_291 = vector.shape_cast %scan3A_281#1 : vector<16xf32> to vector<1x16xf32>
      tpu.vector_store %arg9[%swap3A_287, %swap3A_288], %swap3A_291 {strides = array<i32>} : memref<32x32xf32, #tpu.memory_space<vmem>>, vector<1x16xf32>,
      %scan3A_292 = arith.constant 0 : i32
      scf.yield %scan3A_292 : i32
    }
    %scan3A_209 = arith.constant 32 : i32
    %add3A_210 = arith.constant 352 : i32
    %add3A_211 = arith.addi %mul3A_2, %add3A_210 : i32
    "tpu.region"() ({
      %run_scoped3A = tpu.sem_alloc : memref<!tpu.dma_semaphore, #tpu.memory_space<semaphore_mem>>
      %dma_start3A_275 = arith.constant 0 : i32
      %dma_start3A_276 = tpu.memref_slice %arg4[%add3A_211, %dma_start3A_275] : memref<16384x32xf32, #tpu.memory_space<hbm>> -> memref<32x32xf32, #tpu.memory_space<hbm>>
      %dma_start3A_277 = arith.constant 0 : i32
      %dma_start3A_278 = tpu.memref_slice %arg4[%add3A_211, %dma_start3A_277] : memref<16384x32xf32, #tpu.memory_space<hbm>> -> memref<32x32xf32, #tpu.memory_space<hbm>>
      tpu.enqueue_dma source(%arg9 : memref<32x32xf32, #tpu.memory_space<vmem>>) target(%dma_start3A_278 : memref<32x32xf32, #tpu.memory_space<hbm>>) target_semaphore(%run_scoped3A : memref<!tpu.dma_semaphore, #tpu.memory_space<semaphore_mem>>)
      %dma_wait3A_279 = arith.constant 0 : i32
      %dma_wait3A_280 = tpu.memref_slice %arg4[%add3A_211, %dma_wait3A_279] : memref<16384x32xf32, #tpu.memory_space<hbm>> -> memref<32x32xf32, #tpu.memory_space<hbm>>
      %dma_wait3A_281 = arith.constant 0 : i32
      %dma_wait3A_282 = tpu.memref_slice %arg4[%add3A_211, %dma_wait3A_281] : memref<16384x32xf32, #tpu.memory_space<hbm>> -> memref<32x32xf32, #tpu.memory_space<hbm>>
      tpu.wait_dma2 semaphore(%run_scoped3A : memref<!tpu.dma_semaphore, #tpu.memory_space<semaphore_mem>>) src(%arg9 : memref<32x32xf32, #tpu.memory_space<vmem>>) dst(%dma_wait3A_282 : memref<32x32xf32, #tpu.memory_space<hbm>>)
      tpu.yield
    }) : () -> ()
    %add3A_212 = arith.constant 20800 : i32
    %add3A_213 = arith.addi %mul3A_4, %add3A_212 : i32
    "tpu.region"() ({
      %run_scoped3A = tpu.sem_alloc : memref<!tpu.dma_semaphore, #tpu.memory_space<semaphore_mem>>
      %dma_start3A_275 = tpu.memref_slice %arg2[%add3A_213] : memref<819200xi32, #tpu.memory_space<hbm>> -> memref<1600xi32, #tpu.memory_space<hbm>>
      %dma_start3A_276 = tpu.memref_slice %arg2[%add3A_213] : memref<819200xi32, #tpu.memory_space<hbm>> -> memref<1600xi32, #tpu.memory_space<hbm>>
      tpu.enqueue_dma source(%dma_start3A_276 : memref<1600xi32, #tpu.memory_space<hbm>>) target(%arg6 : memref<1600xi32, #tpu.memory_space<vmem>>) target_semaphore(%run_scoped3A : memref<!tpu.dma_semaphore, #tpu.memory_space<semaphore_mem>>)
      %dma_wait3A_277 = tpu.memref_slice %arg2[%add3A_213] : memref<819200xi32, #tpu.memory_space<hbm>> -> memref<1600xi32, #tpu.memory_space<hbm>>
      %dma_wait3A_278 = tpu.memref_slice %arg2[%add3A_213] : memref<819200xi32, #tpu.memory_space<hbm>> -> memref<1600xi32, #tpu.memory_space<hbm>>
      tpu.wait_dma2 semaphore(%run_scoped3A : memref<!tpu.dma_semaphore, #tpu.memory_space<semaphore_mem>>) src(%dma_wait3A_278 : memref<1600xi32, #tpu.memory_space<hbm>>) dst(%arg6 : memref<1600xi32, #tpu.memory_space<vmem>>)
      tpu.yield
    }) : () -> ()
    %dma_start3A_214 = arith.constant 0 : i32
    %dma_start3A_215 = arith.constant 0 : i32
    %dma_start3A_216 = tpu.memref_slice %arg3[%dma_start3A_214, %dma_start3A_215] : memref<1000000x32xf32, #tpu.memory_space<hbm>> -> memref<1000000x32xf32, #tpu.memory_space<hbm>>
    tpu.enqueue_indirect_dma source(%dma_start3A_216 : memref<1000000x32xf32, #tpu.memory_space<hbm>>) target(%arg8 : memref<1600x32xf32, #tpu.memory_space<vmem>>) offsets(%arg6 : memref<1600xi32, #tpu.memory_space<vmem>>) semaphore(%arg11 : memref<!tpu.dma_semaphore, #tpu.memory_space<semaphore_mem>>)
    %dma_wait3A_217 = arith.constant 0 : i32
    %dma_wait3A_218 = arith.constant 0 : i32
    %dma_wait3A_219 = tpu.memref_slice %arg3[%dma_wait3A_217, %dma_wait3A_218] : memref<1000000x32xf32, #tpu.memory_space<hbm>> -> memref<1000000x32xf32, #tpu.memory_space<hbm>>
    tpu.wait_indirect_dma semaphore(%arg10 : memref<!tpu.dma_semaphore, #tpu.memory_space<semaphore_mem>>) src(%dma_wait3A_219 : memref<1000000x32xf32, #tpu.memory_space<hbm>>) dst(%arg7 : memref<1600x32xf32, #tpu.memory_space<vmem>>)
    %scan3A_220 = arith.constant 0 : i32
    %scan3A_221 = arith.constant 0 : i32
    %scan3A_222 = arith.constant 32 : i32
    %scan3A_223 = arith.addi %scan3A_221, %scan3A_222 : i32
    %scan3A_224 = arith.constant 1 : i32
    %scan3A_225 = scf.for %scan3A_275 = %scan3A_221 to %scan3A_223 step %scan3A_224 iter_args(%scan3A_276 = %scan3A_220) -> (i32)  : i32 {
      %scan3A_277 = arith.constant 0 : i32
      %scan3A_278 = arith.constant 50 : i32
      %scan3A_279 = arith.addi %scan3A_277, %scan3A_278 : i32
      %scan3A_280 = arith.constant 10 : i32
      %scan3A_281:2 = scf.for %scan3A_293 = %scan3A_277 to %scan3A_279 step %scan3A_280 iter_args(%scan3A_294 = %broadcast_in_dim3A_5, %scan3A_295 = %broadcast_in_dim3A_5) -> (vector<16xf32>, vector<16xf32>)  : i32 {
        %mul3A_296 = arith.constant 50 : i32
        %mul3A_297 = arith.muli %scan3A_275, %mul3A_296 : i32
        %add3A_298 = arith.addi %mul3A_297, %scan3A_293 : i32
        %get3A = arith.index_cast %add3A_298 : i32 to index
        %get3A_299 = arith.constant 0 : index
        %get3A_300 = tpu.vector_load %arg7[%get3A, %get3A_299] {strides = array<i32>} : memref<1600x32xf32, #tpu.memory_space<vmem>>, vector<1x16xf32>,
        %get3A_301 = vector.shape_cast %get3A_300 : vector<1x16xf32> to vector<16xf32>
        %add3A_302 = arith.addf %scan3A_294, %get3A_301 : vector<16xf32>
        %mul3A_303 = arith.constant 50 : i32
        %mul3A_304 = arith.muli %scan3A_275, %mul3A_303 : i32
        %add3A_305 = arith.addi %mul3A_304, %scan3A_293 : i32
        %get3A_306 = arith.index_cast %add3A_305 : i32 to index
        %get3A_307 = arith.constant 16 : index
        %get3A_308 = tpu.vector_load %arg7[%get3A_306, %get3A_307] {strides = array<i32>} : memref<1600x32xf32, #tpu.memory_space<vmem>>, vector<1x16xf32>,
        %get3A_309 = vector.shape_cast %get3A_308 : vector<1x16xf32> to vector<16xf32>
        %add3A_310 = arith.addf %scan3A_295, %get3A_309 : vector<16xf32>
        %scan3A_311 = arith.constant 1 : i32
        %scan3A_312 = arith.addi %scan3A_293, %scan3A_311 : i32
        %mul3A_313 = arith.constant 50 : i32
        %mul3A_314 = arith.muli %scan3A_275, %mul3A_313 : i32
        %add3A_315 = arith.addi %mul3A_314, %scan3A_312 : i32
        %get3A_316 = arith.index_cast %add3A_315 : i32 to index
        %get3A_317 = arith.constant 0 : index
        %get3A_318 = tpu.vector_load %arg7[%get3A_316, %get3A_317] {strides = array<i32>} : memref<1600x32xf32, #tpu.memory_space<vmem>>, vector<1x16xf32>,
        %get3A_319 = vector.shape_cast %get3A_318 : vector<1x16xf32> to vector<16xf32>
        %add3A_320 = arith.addf %add3A_302, %get3A_319 : vector<16xf32>
        %mul3A_321 = arith.constant 50 : i32
        %mul3A_322 = arith.muli %scan3A_275, %mul3A_321 : i32
        %add3A_323 = arith.addi %mul3A_322, %scan3A_312 : i32
        %get3A_324 = arith.index_cast %add3A_323 : i32 to index
        %get3A_325 = arith.constant 16 : index
        %get3A_326 = tpu.vector_load %arg7[%get3A_324, %get3A_325] {strides = array<i32>} : memref<1600x32xf32, #tpu.memory_space<vmem>>, vector<1x16xf32>,
        %get3A_327 = vector.shape_cast %get3A_326 : vector<1x16xf32> to vector<16xf32>
        %add3A_328 = arith.addf %add3A_310, %get3A_327 : vector<16xf32>
        %scan3A_329 = arith.constant 2 : i32
        %scan3A_330 = arith.addi %scan3A_293, %scan3A_329 : i32
        %mul3A_331 = arith.constant 50 : i32
        %mul3A_332 = arith.muli %scan3A_275, %mul3A_331 : i32
        %add3A_333 = arith.addi %mul3A_332, %scan3A_330 : i32
        %get3A_334 = arith.index_cast %add3A_333 : i32 to index
        %get3A_335 = arith.constant 0 : index
        %get3A_336 = tpu.vector_load %arg7[%get3A_334, %get3A_335] {strides = array<i32>} : memref<1600x32xf32, #tpu.memory_space<vmem>>, vector<1x16xf32>,
        %get3A_337 = vector.shape_cast %get3A_336 : vector<1x16xf32> to vector<16xf32>
        %add3A_338 = arith.addf %add3A_320, %get3A_337 : vector<16xf32>
        %mul3A_339 = arith.constant 50 : i32
        %mul3A_340 = arith.muli %scan3A_275, %mul3A_339 : i32
        %add3A_341 = arith.addi %mul3A_340, %scan3A_330 : i32
        %get3A_342 = arith.index_cast %add3A_341 : i32 to index
        %get3A_343 = arith.constant 16 : index
        %get3A_344 = tpu.vector_load %arg7[%get3A_342, %get3A_343] {strides = array<i32>} : memref<1600x32xf32, #tpu.memory_space<vmem>>, vector<1x16xf32>,
        %get3A_345 = vector.shape_cast %get3A_344 : vector<1x16xf32> to vector<16xf32>
        %add3A_346 = arith.addf %add3A_328, %get3A_345 : vector<16xf32>
        %scan3A_347 = arith.constant 3 : i32
        %scan3A_348 = arith.addi %scan3A_293, %scan3A_347 : i32
        %mul3A_349 = arith.constant 50 : i32
        %mul3A_350 = arith.muli %scan3A_275, %mul3A_349 : i32
        %add3A_351 = arith.addi %mul3A_350, %scan3A_348 : i32
        %get3A_352 = arith.index_cast %add3A_351 : i32 to index
        %get3A_353 = arith.constant 0 : index
        %get3A_354 = tpu.vector_load %arg7[%get3A_352, %get3A_353] {strides = array<i32>} : memref<1600x32xf32, #tpu.memory_space<vmem>>, vector<1x16xf32>,
        %get3A_355 = vector.shape_cast %get3A_354 : vector<1x16xf32> to vector<16xf32>
        %add3A_356 = arith.addf %add3A_338, %get3A_355 : vector<16xf32>
        %mul3A_357 = arith.constant 50 : i32
        %mul3A_358 = arith.muli %scan3A_275, %mul3A_357 : i32
        %add3A_359 = arith.addi %mul3A_358, %scan3A_348 : i32
        %get3A_360 = arith.index_cast %add3A_359 : i32 to index
        %get3A_361 = arith.constant 16 : index
        %get3A_362 = tpu.vector_load %arg7[%get3A_360, %get3A_361] {strides = array<i32>} : memref<1600x32xf32, #tpu.memory_space<vmem>>, vector<1x16xf32>,
        %get3A_363 = vector.shape_cast %get3A_362 : vector<1x16xf32> to vector<16xf32>
        %add3A_364 = arith.addf %add3A_346, %get3A_363 : vector<16xf32>
        %scan3A_365 = arith.constant 4 : i32
        %scan3A_366 = arith.addi %scan3A_293, %scan3A_365 : i32
        %mul3A_367 = arith.constant 50 : i32
        %mul3A_368 = arith.muli %scan3A_275, %mul3A_367 : i32
        %add3A_369 = arith.addi %mul3A_368, %scan3A_366 : i32
        %get3A_370 = arith.index_cast %add3A_369 : i32 to index
        %get3A_371 = arith.constant 0 : index
        %get3A_372 = tpu.vector_load %arg7[%get3A_370, %get3A_371] {strides = array<i32>} : memref<1600x32xf32, #tpu.memory_space<vmem>>, vector<1x16xf32>,
        %get3A_373 = vector.shape_cast %get3A_372 : vector<1x16xf32> to vector<16xf32>
        %add3A_374 = arith.addf %add3A_356, %get3A_373 : vector<16xf32>
        %mul3A_375 = arith.constant 50 : i32
        %mul3A_376 = arith.muli %scan3A_275, %mul3A_375 : i32
        %add3A_377 = arith.addi %mul3A_376, %scan3A_366 : i32
        %get3A_378 = arith.index_cast %add3A_377 : i32 to index
        %get3A_379 = arith.constant 16 : index
        %get3A_380 = tpu.vector_load %arg7[%get3A_378, %get3A_379] {strides = array<i32>} : memref<1600x32xf32, #tpu.memory_space<vmem>>, vector<1x16xf32>,
        %get3A_381 = vector.shape_cast %get3A_380 : vector<1x16xf32> to vector<16xf32>
        %add3A_382 = arith.addf %add3A_364, %get3A_381 : vector<16xf32>
        %scan3A_383 = arith.constant 5 : i32
        %scan3A_384 = arith.addi %scan3A_293, %scan3A_383 : i32
        %mul3A_385 = arith.constant 50 : i32
        %mul3A_386 = arith.muli %scan3A_275, %mul3A_385 : i32
        %add3A_387 = arith.addi %mul3A_386, %scan3A_384 : i32
        %get3A_388 = arith.index_cast %add3A_387 : i32 to index
        %get3A_389 = arith.constant 0 : index
        %get3A_390 = tpu.vector_load %arg7[%get3A_388, %get3A_389] {strides = array<i32>} : memref<1600x32xf32, #tpu.memory_space<vmem>>, vector<1x16xf32>,
        %get3A_391 = vector.shape_cast %get3A_390 : vector<1x16xf32> to vector<16xf32>
        %add3A_392 = arith.addf %add3A_374, %get3A_391 : vector<16xf32>
        %mul3A_393 = arith.constant 50 : i32
        %mul3A_394 = arith.muli %scan3A_275, %mul3A_393 : i32
        %add3A_395 = arith.addi %mul3A_394, %scan3A_384 : i32
        %get3A_396 = arith.index_cast %add3A_395 : i32 to index
        %get3A_397 = arith.constant 16 : index
        %get3A_398 = tpu.vector_load %arg7[%get3A_396, %get3A_397] {strides = array<i32>} : memref<1600x32xf32, #tpu.memory_space<vmem>>, vector<1x16xf32>,
        %get3A_399 = vector.shape_cast %get3A_398 : vector<1x16xf32> to vector<16xf32>
        %add3A_400 = arith.addf %add3A_382, %get3A_399 : vector<16xf32>
        %scan3A_401 = arith.constant 6 : i32
        %scan3A_402 = arith.addi %scan3A_293, %scan3A_401 : i32
        %mul3A_403 = arith.constant 50 : i32
        %mul3A_404 = arith.muli %scan3A_275, %mul3A_403 : i32
        %add3A_405 = arith.addi %mul3A_404, %scan3A_402 : i32
        %get3A_406 = arith.index_cast %add3A_405 : i32 to index
        %get3A_407 = arith.constant 0 : index
        %get3A_408 = tpu.vector_load %arg7[%get3A_406, %get3A_407] {strides = array<i32>} : memref<1600x32xf32, #tpu.memory_space<vmem>>, vector<1x16xf32>,
        %get3A_409 = vector.shape_cast %get3A_408 : vector<1x16xf32> to vector<16xf32>
        %add3A_410 = arith.addf %add3A_392, %get3A_409 : vector<16xf32>
        %mul3A_411 = arith.constant 50 : i32
        %mul3A_412 = arith.muli %scan3A_275, %mul3A_411 : i32
        %add3A_413 = arith.addi %mul3A_412, %scan3A_402 : i32
        %get3A_414 = arith.index_cast %add3A_413 : i32 to index
        %get3A_415 = arith.constant 16 : index
        %get3A_416 = tpu.vector_load %arg7[%get3A_414, %get3A_415] {strides = array<i32>} : memref<1600x32xf32, #tpu.memory_space<vmem>>, vector<1x16xf32>,
        %get3A_417 = vector.shape_cast %get3A_416 : vector<1x16xf32> to vector<16xf32>
        %add3A_418 = arith.addf %add3A_400, %get3A_417 : vector<16xf32>
        %scan3A_419 = arith.constant 7 : i32
        %scan3A_420 = arith.addi %scan3A_293, %scan3A_419 : i32
        %mul3A_421 = arith.constant 50 : i32
        %mul3A_422 = arith.muli %scan3A_275, %mul3A_421 : i32
        %add3A_423 = arith.addi %mul3A_422, %scan3A_420 : i32
        %get3A_424 = arith.index_cast %add3A_423 : i32 to index
        %get3A_425 = arith.constant 0 : index
        %get3A_426 = tpu.vector_load %arg7[%get3A_424, %get3A_425] {strides = array<i32>} : memref<1600x32xf32, #tpu.memory_space<vmem>>, vector<1x16xf32>,
        %get3A_427 = vector.shape_cast %get3A_426 : vector<1x16xf32> to vector<16xf32>
        %add3A_428 = arith.addf %add3A_410, %get3A_427 : vector<16xf32>
        %mul3A_429 = arith.constant 50 : i32
        %mul3A_430 = arith.muli %scan3A_275, %mul3A_429 : i32
        %add3A_431 = arith.addi %mul3A_430, %scan3A_420 : i32
        %get3A_432 = arith.index_cast %add3A_431 : i32 to index
        %get3A_433 = arith.constant 16 : index
        %get3A_434 = tpu.vector_load %arg7[%get3A_432, %get3A_433] {strides = array<i32>} : memref<1600x32xf32, #tpu.memory_space<vmem>>, vector<1x16xf32>,
        %get3A_435 = vector.shape_cast %get3A_434 : vector<1x16xf32> to vector<16xf32>
        %add3A_436 = arith.addf %add3A_418, %get3A_435 : vector<16xf32>
        %scan3A_437 = arith.constant 8 : i32
        %scan3A_438 = arith.addi %scan3A_293, %scan3A_437 : i32
        %mul3A_439 = arith.constant 50 : i32
        %mul3A_440 = arith.muli %scan3A_275, %mul3A_439 : i32
        %add3A_441 = arith.addi %mul3A_440, %scan3A_438 : i32
        %get3A_442 = arith.index_cast %add3A_441 : i32 to index
        %get3A_443 = arith.constant 0 : index
        %get3A_444 = tpu.vector_load %arg7[%get3A_442, %get3A_443] {strides = array<i32>} : memref<1600x32xf32, #tpu.memory_space<vmem>>, vector<1x16xf32>,
        %get3A_445 = vector.shape_cast %get3A_444 : vector<1x16xf32> to vector<16xf32>
        %add3A_446 = arith.addf %add3A_428, %get3A_445 : vector<16xf32>
        %mul3A_447 = arith.constant 50 : i32
        %mul3A_448 = arith.muli %scan3A_275, %mul3A_447 : i32
        %add3A_449 = arith.addi %mul3A_448, %scan3A_438 : i32
        %get3A_450 = arith.index_cast %add3A_449 : i32 to index
        %get3A_451 = arith.constant 16 : index
        %get3A_452 = tpu.vector_load %arg7[%get3A_450, %get3A_451] {strides = array<i32>} : memref<1600x32xf32, #tpu.memory_space<vmem>>, vector<1x16xf32>,
        %get3A_453 = vector.shape_cast %get3A_452 : vector<1x16xf32> to vector<16xf32>
        %add3A_454 = arith.addf %add3A_436, %get3A_453 : vector<16xf32>
        %scan3A_455 = arith.constant 9 : i32
        %scan3A_456 = arith.addi %scan3A_293, %scan3A_455 : i32
        %mul3A_457 = arith.constant 50 : i32
        %mul3A_458 = arith.muli %scan3A_275, %mul3A_457 : i32
        %add3A_459 = arith.addi %mul3A_458, %scan3A_456 : i32
        %get3A_460 = arith.index_cast %add3A_459 : i32 to index
        %get3A_461 = arith.constant 0 : index
        %get3A_462 = tpu.vector_load %arg7[%get3A_460, %get3A_461] {strides = array<i32>} : memref<1600x32xf32, #tpu.memory_space<vmem>>, vector<1x16xf32>,
        %get3A_463 = vector.shape_cast %get3A_462 : vector<1x16xf32> to vector<16xf32>
        %add3A_464 = arith.addf %add3A_446, %get3A_463 : vector<16xf32>
        %mul3A_465 = arith.constant 50 : i32
        %mul3A_466 = arith.muli %scan3A_275, %mul3A_465 : i32
        %add3A_467 = arith.addi %mul3A_466, %scan3A_456 : i32
        %get3A_468 = arith.index_cast %add3A_467 : i32 to index
        %get3A_469 = arith.constant 16 : index
        %get3A_470 = tpu.vector_load %arg7[%get3A_468, %get3A_469] {strides = array<i32>} : memref<1600x32xf32, #tpu.memory_space<vmem>>, vector<1x16xf32>,
        %get3A_471 = vector.shape_cast %get3A_470 : vector<1x16xf32> to vector<16xf32>
        %add3A_472 = arith.addf %add3A_454, %get3A_471 : vector<16xf32>
        scf.yield %add3A_464, %add3A_472 : vector<16xf32>, vector<16xf32>
      }
      %scan3A_282 = arith.constant 50 : i32
      %swap3A = arith.index_cast %scan3A_275 : i32 to index
      %swap3A_283 = arith.constant 0 : index
      %swap3A_284 = tpu.vector_load %arg9[%swap3A, %swap3A_283] {strides = array<i32>} : memref<32x32xf32, #tpu.memory_space<vmem>>, vector<1x16xf32>,
      %swap3A_285 = vector.shape_cast %swap3A_284 : vector<1x16xf32> to vector<16xf32>
      %swap3A_286 = vector.shape_cast %scan3A_281#0 : vector<16xf32> to vector<1x16xf32>
      tpu.vector_store %arg9[%swap3A, %swap3A_283], %swap3A_286 {strides = array<i32>} : memref<32x32xf32, #tpu.memory_space<vmem>>, vector<1x16xf32>,
      %swap3A_287 = arith.index_cast %scan3A_275 : i32 to index
      %swap3A_288 = arith.constant 16 : index
      %swap3A_289 = tpu.vector_load %arg9[%swap3A_287, %swap3A_288] {strides = array<i32>} : memref<32x32xf32, #tpu.memory_space<vmem>>, vector<1x16xf32>,
      %swap3A_290 = vector.shape_cast %swap3A_289 : vector<1x16xf32> to vector<16xf32>
      %swap3A_291 = vector.shape_cast %scan3A_281#1 : vector<16xf32> to vector<1x16xf32>
      tpu.vector_store %arg9[%swap3A_287, %swap3A_288], %swap3A_291 {strides = array<i32>} : memref<32x32xf32, #tpu.memory_space<vmem>>, vector<1x16xf32>,
      %scan3A_292 = arith.constant 0 : i32
      scf.yield %scan3A_292 : i32
    }
    %scan3A_226 = arith.constant 32 : i32
    %add3A_227 = arith.constant 384 : i32
    %add3A_228 = arith.addi %mul3A_2, %add3A_227 : i32
    "tpu.region"() ({
      %run_scoped3A = tpu.sem_alloc : memref<!tpu.dma_semaphore, #tpu.memory_space<semaphore_mem>>
      %dma_start3A_275 = arith.constant 0 : i32
      %dma_start3A_276 = tpu.memref_slice %arg4[%add3A_228, %dma_start3A_275] : memref<16384x32xf32, #tpu.memory_space<hbm>> -> memref<32x32xf32, #tpu.memory_space<hbm>>
      %dma_start3A_277 = arith.constant 0 : i32
      %dma_start3A_278 = tpu.memref_slice %arg4[%add3A_228, %dma_start3A_277] : memref<16384x32xf32, #tpu.memory_space<hbm>> -> memref<32x32xf32, #tpu.memory_space<hbm>>
      tpu.enqueue_dma source(%arg9 : memref<32x32xf32, #tpu.memory_space<vmem>>) target(%dma_start3A_278 : memref<32x32xf32, #tpu.memory_space<hbm>>) target_semaphore(%run_scoped3A : memref<!tpu.dma_semaphore, #tpu.memory_space<semaphore_mem>>)
      %dma_wait3A_279 = arith.constant 0 : i32
      %dma_wait3A_280 = tpu.memref_slice %arg4[%add3A_228, %dma_wait3A_279] : memref<16384x32xf32, #tpu.memory_space<hbm>> -> memref<32x32xf32, #tpu.memory_space<hbm>>
      %dma_wait3A_281 = arith.constant 0 : i32
      %dma_wait3A_282 = tpu.memref_slice %arg4[%add3A_228, %dma_wait3A_281] : memref<16384x32xf32, #tpu.memory_space<hbm>> -> memref<32x32xf32, #tpu.memory_space<hbm>>
      tpu.wait_dma2 semaphore(%run_scoped3A : memref<!tpu.dma_semaphore, #tpu.memory_space<semaphore_mem>>) src(%arg9 : memref<32x32xf32, #tpu.memory_space<vmem>>) dst(%dma_wait3A_282 : memref<32x32xf32, #tpu.memory_space<hbm>>)
      tpu.yield
    }) : () -> ()
    %add3A_229 = arith.constant 22400 : i32
    %add3A_230 = arith.addi %mul3A_4, %add3A_229 : i32
    "tpu.region"() ({
      %run_scoped3A = tpu.sem_alloc : memref<!tpu.dma_semaphore, #tpu.memory_space<semaphore_mem>>
      %dma_start3A_275 = tpu.memref_slice %arg2[%add3A_230] : memref<819200xi32, #tpu.memory_space<hbm>> -> memref<1600xi32, #tpu.memory_space<hbm>>
      %dma_start3A_276 = tpu.memref_slice %arg2[%add3A_230] : memref<819200xi32, #tpu.memory_space<hbm>> -> memref<1600xi32, #tpu.memory_space<hbm>>
      tpu.enqueue_dma source(%dma_start3A_276 : memref<1600xi32, #tpu.memory_space<hbm>>) target(%arg5 : memref<1600xi32, #tpu.memory_space<vmem>>) target_semaphore(%run_scoped3A : memref<!tpu.dma_semaphore, #tpu.memory_space<semaphore_mem>>)
      %dma_wait3A_277 = tpu.memref_slice %arg2[%add3A_230] : memref<819200xi32, #tpu.memory_space<hbm>> -> memref<1600xi32, #tpu.memory_space<hbm>>
      %dma_wait3A_278 = tpu.memref_slice %arg2[%add3A_230] : memref<819200xi32, #tpu.memory_space<hbm>> -> memref<1600xi32, #tpu.memory_space<hbm>>
      tpu.wait_dma2 semaphore(%run_scoped3A : memref<!tpu.dma_semaphore, #tpu.memory_space<semaphore_mem>>) src(%dma_wait3A_278 : memref<1600xi32, #tpu.memory_space<hbm>>) dst(%arg5 : memref<1600xi32, #tpu.memory_space<vmem>>)
      tpu.yield
    }) : () -> ()
    %dma_start3A_231 = arith.constant 0 : i32
    %dma_start3A_232 = arith.constant 0 : i32
    %dma_start3A_233 = tpu.memref_slice %arg3[%dma_start3A_231, %dma_start3A_232] : memref<1000000x32xf32, #tpu.memory_space<hbm>> -> memref<1000000x32xf32, #tpu.memory_space<hbm>>
    tpu.enqueue_indirect_dma source(%dma_start3A_233 : memref<1000000x32xf32, #tpu.memory_space<hbm>>) target(%arg7 : memref<1600x32xf32, #tpu.memory_space<vmem>>) offsets(%arg5 : memref<1600xi32, #tpu.memory_space<vmem>>) semaphore(%arg10 : memref<!tpu.dma_semaphore, #tpu.memory_space<semaphore_mem>>)
    %dma_wait3A_234 = arith.constant 0 : i32
    %dma_wait3A_235 = arith.constant 0 : i32
    %dma_wait3A_236 = tpu.memref_slice %arg3[%dma_wait3A_234, %dma_wait3A_235] : memref<1000000x32xf32, #tpu.memory_space<hbm>> -> memref<1000000x32xf32, #tpu.memory_space<hbm>>
    tpu.wait_indirect_dma semaphore(%arg11 : memref<!tpu.dma_semaphore, #tpu.memory_space<semaphore_mem>>) src(%dma_wait3A_236 : memref<1000000x32xf32, #tpu.memory_space<hbm>>) dst(%arg8 : memref<1600x32xf32, #tpu.memory_space<vmem>>)
    %scan3A_237 = arith.constant 0 : i32
    %scan3A_238 = arith.constant 0 : i32
    %scan3A_239 = arith.constant 32 : i32
    %scan3A_240 = arith.addi %scan3A_238, %scan3A_239 : i32
    %scan3A_241 = arith.constant 1 : i32
    %scan3A_242 = scf.for %scan3A_275 = %scan3A_238 to %scan3A_240 step %scan3A_241 iter_args(%scan3A_276 = %scan3A_237) -> (i32)  : i32 {
      %scan3A_277 = arith.constant 0 : i32
      %scan3A_278 = arith.constant 50 : i32
      %scan3A_279 = arith.addi %scan3A_277, %scan3A_278 : i32
      %scan3A_280 = arith.constant 10 : i32
      %scan3A_281:2 = scf.for %scan3A_293 = %scan3A_277 to %scan3A_279 step %scan3A_280 iter_args(%scan3A_294 = %broadcast_in_dim3A_5, %scan3A_295 = %broadcast_in_dim3A_5) -> (vector<16xf32>, vector<16xf32>)  : i32 {
        %mul3A_296 = arith.constant 50 : i32
        %mul3A_297 = arith.muli %scan3A_275, %mul3A_296 : i32
        %add3A_298 = arith.addi %mul3A_297, %scan3A_293 : i32
        %get3A = arith.index_cast %add3A_298 : i32 to index
        %get3A_299 = arith.constant 0 : index
        %get3A_300 = tpu.vector_load %arg8[%get3A, %get3A_299] {strides = array<i32>} : memref<1600x32xf32, #tpu.memory_space<vmem>>, vector<1x16xf32>,
        %get3A_301 = vector.shape_cast %get3A_300 : vector<1x16xf32> to vector<16xf32>
        %add3A_302 = arith.addf %scan3A_294, %get3A_301 : vector<16xf32>
        %mul3A_303 = arith.constant 50 : i32
        %mul3A_304 = arith.muli %scan3A_275, %mul3A_303 : i32
        %add3A_305 = arith.addi %mul3A_304, %scan3A_293 : i32
        %get3A_306 = arith.index_cast %add3A_305 : i32 to index
        %get3A_307 = arith.constant 16 : index
        %get3A_308 = tpu.vector_load %arg8[%get3A_306, %get3A_307] {strides = array<i32>} : memref<1600x32xf32, #tpu.memory_space<vmem>>, vector<1x16xf32>,
        %get3A_309 = vector.shape_cast %get3A_308 : vector<1x16xf32> to vector<16xf32>
        %add3A_310 = arith.addf %scan3A_295, %get3A_309 : vector<16xf32>
        %scan3A_311 = arith.constant 1 : i32
        %scan3A_312 = arith.addi %scan3A_293, %scan3A_311 : i32
        %mul3A_313 = arith.constant 50 : i32
        %mul3A_314 = arith.muli %scan3A_275, %mul3A_313 : i32
        %add3A_315 = arith.addi %mul3A_314, %scan3A_312 : i32
        %get3A_316 = arith.index_cast %add3A_315 : i32 to index
        %get3A_317 = arith.constant 0 : index
        %get3A_318 = tpu.vector_load %arg8[%get3A_316, %get3A_317] {strides = array<i32>} : memref<1600x32xf32, #tpu.memory_space<vmem>>, vector<1x16xf32>,
        %get3A_319 = vector.shape_cast %get3A_318 : vector<1x16xf32> to vector<16xf32>
        %add3A_320 = arith.addf %add3A_302, %get3A_319 : vector<16xf32>
        %mul3A_321 = arith.constant 50 : i32
        %mul3A_322 = arith.muli %scan3A_275, %mul3A_321 : i32
        %add3A_323 = arith.addi %mul3A_322, %scan3A_312 : i32
        %get3A_324 = arith.index_cast %add3A_323 : i32 to index
        %get3A_325 = arith.constant 16 : index
        %get3A_326 = tpu.vector_load %arg8[%get3A_324, %get3A_325] {strides = array<i32>} : memref<1600x32xf32, #tpu.memory_space<vmem>>, vector<1x16xf32>,
        %get3A_327 = vector.shape_cast %get3A_326 : vector<1x16xf32> to vector<16xf32>
        %add3A_328 = arith.addf %add3A_310, %get3A_327 : vector<16xf32>
        %scan3A_329 = arith.constant 2 : i32
        %scan3A_330 = arith.addi %scan3A_293, %scan3A_329 : i32
        %mul3A_331 = arith.constant 50 : i32
        %mul3A_332 = arith.muli %scan3A_275, %mul3A_331 : i32
        %add3A_333 = arith.addi %mul3A_332, %scan3A_330 : i32
        %get3A_334 = arith.index_cast %add3A_333 : i32 to index
        %get3A_335 = arith.constant 0 : index
        %get3A_336 = tpu.vector_load %arg8[%get3A_334, %get3A_335] {strides = array<i32>} : memref<1600x32xf32, #tpu.memory_space<vmem>>, vector<1x16xf32>,
        %get3A_337 = vector.shape_cast %get3A_336 : vector<1x16xf32> to vector<16xf32>
        %add3A_338 = arith.addf %add3A_320, %get3A_337 : vector<16xf32>
        %mul3A_339 = arith.constant 50 : i32
        %mul3A_340 = arith.muli %scan3A_275, %mul3A_339 : i32
        %add3A_341 = arith.addi %mul3A_340, %scan3A_330 : i32
        %get3A_342 = arith.index_cast %add3A_341 : i32 to index
        %get3A_343 = arith.constant 16 : index
        %get3A_344 = tpu.vector_load %arg8[%get3A_342, %get3A_343] {strides = array<i32>} : memref<1600x32xf32, #tpu.memory_space<vmem>>, vector<1x16xf32>,
        %get3A_345 = vector.shape_cast %get3A_344 : vector<1x16xf32> to vector<16xf32>
        %add3A_346 = arith.addf %add3A_328, %get3A_345 : vector<16xf32>
        %scan3A_347 = arith.constant 3 : i32
        %scan3A_348 = arith.addi %scan3A_293, %scan3A_347 : i32
        %mul3A_349 = arith.constant 50 : i32
        %mul3A_350 = arith.muli %scan3A_275, %mul3A_349 : i32
        %add3A_351 = arith.addi %mul3A_350, %scan3A_348 : i32
        %get3A_352 = arith.index_cast %add3A_351 : i32 to index
        %get3A_353 = arith.constant 0 : index
        %get3A_354 = tpu.vector_load %arg8[%get3A_352, %get3A_353] {strides = array<i32>} : memref<1600x32xf32, #tpu.memory_space<vmem>>, vector<1x16xf32>,
        %get3A_355 = vector.shape_cast %get3A_354 : vector<1x16xf32> to vector<16xf32>
        %add3A_356 = arith.addf %add3A_338, %get3A_355 : vector<16xf32>
        %mul3A_357 = arith.constant 50 : i32
        %mul3A_358 = arith.muli %scan3A_275, %mul3A_357 : i32
        %add3A_359 = arith.addi %mul3A_358, %scan3A_348 : i32
        %get3A_360 = arith.index_cast %add3A_359 : i32 to index
        %get3A_361 = arith.constant 16 : index
        %get3A_362 = tpu.vector_load %arg8[%get3A_360, %get3A_361] {strides = array<i32>} : memref<1600x32xf32, #tpu.memory_space<vmem>>, vector<1x16xf32>,
        %get3A_363 = vector.shape_cast %get3A_362 : vector<1x16xf32> to vector<16xf32>
        %add3A_364 = arith.addf %add3A_346, %get3A_363 : vector<16xf32>
        %scan3A_365 = arith.constant 4 : i32
        %scan3A_366 = arith.addi %scan3A_293, %scan3A_365 : i32
        %mul3A_367 = arith.constant 50 : i32
        %mul3A_368 = arith.muli %scan3A_275, %mul3A_367 : i32
        %add3A_369 = arith.addi %mul3A_368, %scan3A_366 : i32
        %get3A_370 = arith.index_cast %add3A_369 : i32 to index
        %get3A_371 = arith.constant 0 : index
        %get3A_372 = tpu.vector_load %arg8[%get3A_370, %get3A_371] {strides = array<i32>} : memref<1600x32xf32, #tpu.memory_space<vmem>>, vector<1x16xf32>,
        %get3A_373 = vector.shape_cast %get3A_372 : vector<1x16xf32> to vector<16xf32>
        %add3A_374 = arith.addf %add3A_356, %get3A_373 : vector<16xf32>
        %mul3A_375 = arith.constant 50 : i32
        %mul3A_376 = arith.muli %scan3A_275, %mul3A_375 : i32
        %add3A_377 = arith.addi %mul3A_376, %scan3A_366 : i32
        %get3A_378 = arith.index_cast %add3A_377 : i32 to index
        %get3A_379 = arith.constant 16 : index
        %get3A_380 = tpu.vector_load %arg8[%get3A_378, %get3A_379] {strides = array<i32>} : memref<1600x32xf32, #tpu.memory_space<vmem>>, vector<1x16xf32>,
        %get3A_381 = vector.shape_cast %get3A_380 : vector<1x16xf32> to vector<16xf32>
        %add3A_382 = arith.addf %add3A_364, %get3A_381 : vector<16xf32>
        %scan3A_383 = arith.constant 5 : i32
        %scan3A_384 = arith.addi %scan3A_293, %scan3A_383 : i32
        %mul3A_385 = arith.constant 50 : i32
        %mul3A_386 = arith.muli %scan3A_275, %mul3A_385 : i32
        %add3A_387 = arith.addi %mul3A_386, %scan3A_384 : i32
        %get3A_388 = arith.index_cast %add3A_387 : i32 to index
        %get3A_389 = arith.constant 0 : index
        %get3A_390 = tpu.vector_load %arg8[%get3A_388, %get3A_389] {strides = array<i32>} : memref<1600x32xf32, #tpu.memory_space<vmem>>, vector<1x16xf32>,
        %get3A_391 = vector.shape_cast %get3A_390 : vector<1x16xf32> to vector<16xf32>
        %add3A_392 = arith.addf %add3A_374, %get3A_391 : vector<16xf32>
        %mul3A_393 = arith.constant 50 : i32
        %mul3A_394 = arith.muli %scan3A_275, %mul3A_393 : i32
        %add3A_395 = arith.addi %mul3A_394, %scan3A_384 : i32
        %get3A_396 = arith.index_cast %add3A_395 : i32 to index
        %get3A_397 = arith.constant 16 : index
        %get3A_398 = tpu.vector_load %arg8[%get3A_396, %get3A_397] {strides = array<i32>} : memref<1600x32xf32, #tpu.memory_space<vmem>>, vector<1x16xf32>,
        %get3A_399 = vector.shape_cast %get3A_398 : vector<1x16xf32> to vector<16xf32>
        %add3A_400 = arith.addf %add3A_382, %get3A_399 : vector<16xf32>
        %scan3A_401 = arith.constant 6 : i32
        %scan3A_402 = arith.addi %scan3A_293, %scan3A_401 : i32
        %mul3A_403 = arith.constant 50 : i32
        %mul3A_404 = arith.muli %scan3A_275, %mul3A_403 : i32
        %add3A_405 = arith.addi %mul3A_404, %scan3A_402 : i32
        %get3A_406 = arith.index_cast %add3A_405 : i32 to index
        %get3A_407 = arith.constant 0 : index
        %get3A_408 = tpu.vector_load %arg8[%get3A_406, %get3A_407] {strides = array<i32>} : memref<1600x32xf32, #tpu.memory_space<vmem>>, vector<1x16xf32>,
        %get3A_409 = vector.shape_cast %get3A_408 : vector<1x16xf32> to vector<16xf32>
        %add3A_410 = arith.addf %add3A_392, %get3A_409 : vector<16xf32>
        %mul3A_411 = arith.constant 50 : i32
        %mul3A_412 = arith.muli %scan3A_275, %mul3A_411 : i32
        %add3A_413 = arith.addi %mul3A_412, %scan3A_402 : i32
        %get3A_414 = arith.index_cast %add3A_413 : i32 to index
        %get3A_415 = arith.constant 16 : index
        %get3A_416 = tpu.vector_load %arg8[%get3A_414, %get3A_415] {strides = array<i32>} : memref<1600x32xf32, #tpu.memory_space<vmem>>, vector<1x16xf32>,
        %get3A_417 = vector.shape_cast %get3A_416 : vector<1x16xf32> to vector<16xf32>
        %add3A_418 = arith.addf %add3A_400, %get3A_417 : vector<16xf32>
        %scan3A_419 = arith.constant 7 : i32
        %scan3A_420 = arith.addi %scan3A_293, %scan3A_419 : i32
        %mul3A_421 = arith.constant 50 : i32
        %mul3A_422 = arith.muli %scan3A_275, %mul3A_421 : i32
        %add3A_423 = arith.addi %mul3A_422, %scan3A_420 : i32
        %get3A_424 = arith.index_cast %add3A_423 : i32 to index
        %get3A_425 = arith.constant 0 : index
        %get3A_426 = tpu.vector_load %arg8[%get3A_424, %get3A_425] {strides = array<i32>} : memref<1600x32xf32, #tpu.memory_space<vmem>>, vector<1x16xf32>,
        %get3A_427 = vector.shape_cast %get3A_426 : vector<1x16xf32> to vector<16xf32>
        %add3A_428 = arith.addf %add3A_410, %get3A_427 : vector<16xf32>
        %mul3A_429 = arith.constant 50 : i32
        %mul3A_430 = arith.muli %scan3A_275, %mul3A_429 : i32
        %add3A_431 = arith.addi %mul3A_430, %scan3A_420 : i32
        %get3A_432 = arith.index_cast %add3A_431 : i32 to index
        %get3A_433 = arith.constant 16 : index
        %get3A_434 = tpu.vector_load %arg8[%get3A_432, %get3A_433] {strides = array<i32>} : memref<1600x32xf32, #tpu.memory_space<vmem>>, vector<1x16xf32>,
        %get3A_435 = vector.shape_cast %get3A_434 : vector<1x16xf32> to vector<16xf32>
        %add3A_436 = arith.addf %add3A_418, %get3A_435 : vector<16xf32>
        %scan3A_437 = arith.constant 8 : i32
        %scan3A_438 = arith.addi %scan3A_293, %scan3A_437 : i32
        %mul3A_439 = arith.constant 50 : i32
        %mul3A_440 = arith.muli %scan3A_275, %mul3A_439 : i32
        %add3A_441 = arith.addi %mul3A_440, %scan3A_438 : i32
        %get3A_442 = arith.index_cast %add3A_441 : i32 to index
        %get3A_443 = arith.constant 0 : index
        %get3A_444 = tpu.vector_load %arg8[%get3A_442, %get3A_443] {strides = array<i32>} : memref<1600x32xf32, #tpu.memory_space<vmem>>, vector<1x16xf32>,
        %get3A_445 = vector.shape_cast %get3A_444 : vector<1x16xf32> to vector<16xf32>
        %add3A_446 = arith.addf %add3A_428, %get3A_445 : vector<16xf32>
        %mul3A_447 = arith.constant 50 : i32
        %mul3A_448 = arith.muli %scan3A_275, %mul3A_447 : i32
        %add3A_449 = arith.addi %mul3A_448, %scan3A_438 : i32
        %get3A_450 = arith.index_cast %add3A_449 : i32 to index
        %get3A_451 = arith.constant 16 : index
        %get3A_452 = tpu.vector_load %arg8[%get3A_450, %get3A_451] {strides = array<i32>} : memref<1600x32xf32, #tpu.memory_space<vmem>>, vector<1x16xf32>,
        %get3A_453 = vector.shape_cast %get3A_452 : vector<1x16xf32> to vector<16xf32>
        %add3A_454 = arith.addf %add3A_436, %get3A_453 : vector<16xf32>
        %scan3A_455 = arith.constant 9 : i32
        %scan3A_456 = arith.addi %scan3A_293, %scan3A_455 : i32
        %mul3A_457 = arith.constant 50 : i32
        %mul3A_458 = arith.muli %scan3A_275, %mul3A_457 : i32
        %add3A_459 = arith.addi %mul3A_458, %scan3A_456 : i32
        %get3A_460 = arith.index_cast %add3A_459 : i32 to index
        %get3A_461 = arith.constant 0 : index
        %get3A_462 = tpu.vector_load %arg8[%get3A_460, %get3A_461] {strides = array<i32>} : memref<1600x32xf32, #tpu.memory_space<vmem>>, vector<1x16xf32>,
        %get3A_463 = vector.shape_cast %get3A_462 : vector<1x16xf32> to vector<16xf32>
        %add3A_464 = arith.addf %add3A_446, %get3A_463 : vector<16xf32>
        %mul3A_465 = arith.constant 50 : i32
        %mul3A_466 = arith.muli %scan3A_275, %mul3A_465 : i32
        %add3A_467 = arith.addi %mul3A_466, %scan3A_456 : i32
        %get3A_468 = arith.index_cast %add3A_467 : i32 to index
        %get3A_469 = arith.constant 16 : index
        %get3A_470 = tpu.vector_load %arg8[%get3A_468, %get3A_469] {strides = array<i32>} : memref<1600x32xf32, #tpu.memory_space<vmem>>, vector<1x16xf32>,
        %get3A_471 = vector.shape_cast %get3A_470 : vector<1x16xf32> to vector<16xf32>
        %add3A_472 = arith.addf %add3A_454, %get3A_471 : vector<16xf32>
        scf.yield %add3A_464, %add3A_472 : vector<16xf32>, vector<16xf32>
      }
      %scan3A_282 = arith.constant 50 : i32
      %swap3A = arith.index_cast %scan3A_275 : i32 to index
      %swap3A_283 = arith.constant 0 : index
      %swap3A_284 = tpu.vector_load %arg9[%swap3A, %swap3A_283] {strides = array<i32>} : memref<32x32xf32, #tpu.memory_space<vmem>>, vector<1x16xf32>,
      %swap3A_285 = vector.shape_cast %swap3A_284 : vector<1x16xf32> to vector<16xf32>
      %swap3A_286 = vector.shape_cast %scan3A_281#0 : vector<16xf32> to vector<1x16xf32>
      tpu.vector_store %arg9[%swap3A, %swap3A_283], %swap3A_286 {strides = array<i32>} : memref<32x32xf32, #tpu.memory_space<vmem>>, vector<1x16xf32>,
      %swap3A_287 = arith.index_cast %scan3A_275 : i32 to index
      %swap3A_288 = arith.constant 16 : index
      %swap3A_289 = tpu.vector_load %arg9[%swap3A_287, %swap3A_288] {strides = array<i32>} : memref<32x32xf32, #tpu.memory_space<vmem>>, vector<1x16xf32>,
      %swap3A_290 = vector.shape_cast %swap3A_289 : vector<1x16xf32> to vector<16xf32>
      %swap3A_291 = vector.shape_cast %scan3A_281#1 : vector<16xf32> to vector<1x16xf32>
      tpu.vector_store %arg9[%swap3A_287, %swap3A_288], %swap3A_291 {strides = array<i32>} : memref<32x32xf32, #tpu.memory_space<vmem>>, vector<1x16xf32>,
      %scan3A_292 = arith.constant 0 : i32
      scf.yield %scan3A_292 : i32
    }
    %scan3A_243 = arith.constant 32 : i32
    %add3A_244 = arith.constant 416 : i32
    %add3A_245 = arith.addi %mul3A_2, %add3A_244 : i32
    "tpu.region"() ({
      %run_scoped3A = tpu.sem_alloc : memref<!tpu.dma_semaphore, #tpu.memory_space<semaphore_mem>>
      %dma_start3A_275 = arith.constant 0 : i32
      %dma_start3A_276 = tpu.memref_slice %arg4[%add3A_245, %dma_start3A_275] : memref<16384x32xf32, #tpu.memory_space<hbm>> -> memref<32x32xf32, #tpu.memory_space<hbm>>
      %dma_start3A_277 = arith.constant 0 : i32
      %dma_start3A_278 = tpu.memref_slice %arg4[%add3A_245, %dma_start3A_277] : memref<16384x32xf32, #tpu.memory_space<hbm>> -> memref<32x32xf32, #tpu.memory_space<hbm>>
      tpu.enqueue_dma source(%arg9 : memref<32x32xf32, #tpu.memory_space<vmem>>) target(%dma_start3A_278 : memref<32x32xf32, #tpu.memory_space<hbm>>) target_semaphore(%run_scoped3A : memref<!tpu.dma_semaphore, #tpu.memory_space<semaphore_mem>>)
      %dma_wait3A_279 = arith.constant 0 : i32
      %dma_wait3A_280 = tpu.memref_slice %arg4[%add3A_245, %dma_wait3A_279] : memref<16384x32xf32, #tpu.memory_space<hbm>> -> memref<32x32xf32, #tpu.memory_space<hbm>>
      %dma_wait3A_281 = arith.constant 0 : i32
      %dma_wait3A_282 = tpu.memref_slice %arg4[%add3A_245, %dma_wait3A_281] : memref<16384x32xf32, #tpu.memory_space<hbm>> -> memref<32x32xf32, #tpu.memory_space<hbm>>
      tpu.wait_dma2 semaphore(%run_scoped3A : memref<!tpu.dma_semaphore, #tpu.memory_space<semaphore_mem>>) src(%arg9 : memref<32x32xf32, #tpu.memory_space<vmem>>) dst(%dma_wait3A_282 : memref<32x32xf32, #tpu.memory_space<hbm>>)
      tpu.yield
    }) : () -> ()
    %add3A_246 = arith.constant 24000 : i32
    %add3A_247 = arith.addi %mul3A_4, %add3A_246 : i32
    "tpu.region"() ({
      %run_scoped3A = tpu.sem_alloc : memref<!tpu.dma_semaphore, #tpu.memory_space<semaphore_mem>>
      %dma_start3A_275 = tpu.memref_slice %arg2[%add3A_247] : memref<819200xi32, #tpu.memory_space<hbm>> -> memref<1600xi32, #tpu.memory_space<hbm>>
      %dma_start3A_276 = tpu.memref_slice %arg2[%add3A_247] : memref<819200xi32, #tpu.memory_space<hbm>> -> memref<1600xi32, #tpu.memory_space<hbm>>
      tpu.enqueue_dma source(%dma_start3A_276 : memref<1600xi32, #tpu.memory_space<hbm>>) target(%arg6 : memref<1600xi32, #tpu.memory_space<vmem>>) target_semaphore(%run_scoped3A : memref<!tpu.dma_semaphore, #tpu.memory_space<semaphore_mem>>)
      %dma_wait3A_277 = tpu.memref_slice %arg2[%add3A_247] : memref<819200xi32, #tpu.memory_space<hbm>> -> memref<1600xi32, #tpu.memory_space<hbm>>
      %dma_wait3A_278 = tpu.memref_slice %arg2[%add3A_247] : memref<819200xi32, #tpu.memory_space<hbm>> -> memref<1600xi32, #tpu.memory_space<hbm>>
      tpu.wait_dma2 semaphore(%run_scoped3A : memref<!tpu.dma_semaphore, #tpu.memory_space<semaphore_mem>>) src(%dma_wait3A_278 : memref<1600xi32, #tpu.memory_space<hbm>>) dst(%arg6 : memref<1600xi32, #tpu.memory_space<vmem>>)
      tpu.yield
    }) : () -> ()
    %dma_start3A_248 = arith.constant 0 : i32
    %dma_start3A_249 = arith.constant 0 : i32
    %dma_start3A_250 = tpu.memref_slice %arg3[%dma_start3A_248, %dma_start3A_249] : memref<1000000x32xf32, #tpu.memory_space<hbm>> -> memref<1000000x32xf32, #tpu.memory_space<hbm>>
    tpu.enqueue_indirect_dma source(%dma_start3A_250 : memref<1000000x32xf32, #tpu.memory_space<hbm>>) target(%arg8 : memref<1600x32xf32, #tpu.memory_space<vmem>>) offsets(%arg6 : memref<1600xi32, #tpu.memory_space<vmem>>) semaphore(%arg11 : memref<!tpu.dma_semaphore, #tpu.memory_space<semaphore_mem>>)
    %dma_wait3A_251 = arith.constant 0 : i32
    %dma_wait3A_252 = arith.constant 0 : i32
    %dma_wait3A_253 = tpu.memref_slice %arg3[%dma_wait3A_251, %dma_wait3A_252] : memref<1000000x32xf32, #tpu.memory_space<hbm>> -> memref<1000000x32xf32, #tpu.memory_space<hbm>>
    tpu.wait_indirect_dma semaphore(%arg10 : memref<!tpu.dma_semaphore, #tpu.memory_space<semaphore_mem>>) src(%dma_wait3A_253 : memref<1000000x32xf32, #tpu.memory_space<hbm>>) dst(%arg7 : memref<1600x32xf32, #tpu.memory_space<vmem>>)
    %scan3A_254 = arith.constant 0 : i32
    %scan3A_255 = arith.constant 0 : i32
    %scan3A_256 = arith.constant 32 : i32
    %scan3A_257 = arith.addi %scan3A_255, %scan3A_256 : i32
    %scan3A_258 = arith.constant 1 : i32
    %scan3A_259 = scf.for %scan3A_275 = %scan3A_255 to %scan3A_257 step %scan3A_258 iter_args(%scan3A_276 = %scan3A_254) -> (i32)  : i32 {
      %scan3A_277 = arith.constant 0 : i32
      %scan3A_278 = arith.constant 50 : i32
      %scan3A_279 = arith.addi %scan3A_277, %scan3A_278 : i32
      %scan3A_280 = arith.constant 10 : i32
      %scan3A_281:2 = scf.for %scan3A_293 = %scan3A_277 to %scan3A_279 step %scan3A_280 iter_args(%scan3A_294 = %broadcast_in_dim3A_5, %scan3A_295 = %broadcast_in_dim3A_5) -> (vector<16xf32>, vector<16xf32>)  : i32 {
        %mul3A_296 = arith.constant 50 : i32
        %mul3A_297 = arith.muli %scan3A_275, %mul3A_296 : i32
        %add3A_298 = arith.addi %mul3A_297, %scan3A_293 : i32
        %get3A = arith.index_cast %add3A_298 : i32 to index
        %get3A_299 = arith.constant 0 : index
        %get3A_300 = tpu.vector_load %arg7[%get3A, %get3A_299] {strides = array<i32>} : memref<1600x32xf32, #tpu.memory_space<vmem>>, vector<1x16xf32>,
        %get3A_301 = vector.shape_cast %get3A_300 : vector<1x16xf32> to vector<16xf32>
        %add3A_302 = arith.addf %scan3A_294, %get3A_301 : vector<16xf32>
        %mul3A_303 = arith.constant 50 : i32
        %mul3A_304 = arith.muli %scan3A_275, %mul3A_303 : i32
        %add3A_305 = arith.addi %mul3A_304, %scan3A_293 : i32
        %get3A_306 = arith.index_cast %add3A_305 : i32 to index
        %get3A_307 = arith.constant 16 : index
        %get3A_308 = tpu.vector_load %arg7[%get3A_306, %get3A_307] {strides = array<i32>} : memref<1600x32xf32, #tpu.memory_space<vmem>>, vector<1x16xf32>,
        %get3A_309 = vector.shape_cast %get3A_308 : vector<1x16xf32> to vector<16xf32>
        %add3A_310 = arith.addf %scan3A_295, %get3A_309 : vector<16xf32>
        %scan3A_311 = arith.constant 1 : i32
        %scan3A_312 = arith.addi %scan3A_293, %scan3A_311 : i32
        %mul3A_313 = arith.constant 50 : i32
        %mul3A_314 = arith.muli %scan3A_275, %mul3A_313 : i32
        %add3A_315 = arith.addi %mul3A_314, %scan3A_312 : i32
        %get3A_316 = arith.index_cast %add3A_315 : i32 to index
        %get3A_317 = arith.constant 0 : index
        %get3A_318 = tpu.vector_load %arg7[%get3A_316, %get3A_317] {strides = array<i32>} : memref<1600x32xf32, #tpu.memory_space<vmem>>, vector<1x16xf32>,
        %get3A_319 = vector.shape_cast %get3A_318 : vector<1x16xf32> to vector<16xf32>
        %add3A_320 = arith.addf %add3A_302, %get3A_319 : vector<16xf32>
        %mul3A_321 = arith.constant 50 : i32
        %mul3A_322 = arith.muli %scan3A_275, %mul3A_321 : i32
        %add3A_323 = arith.addi %mul3A_322, %scan3A_312 : i32
        %get3A_324 = arith.index_cast %add3A_323 : i32 to index
        %get3A_325 = arith.constant 16 : index
        %get3A_326 = tpu.vector_load %arg7[%get3A_324, %get3A_325] {strides = array<i32>} : memref<1600x32xf32, #tpu.memory_space<vmem>>, vector<1x16xf32>,
        %get3A_327 = vector.shape_cast %get3A_326 : vector<1x16xf32> to vector<16xf32>
        %add3A_328 = arith.addf %add3A_310, %get3A_327 : vector<16xf32>
        %scan3A_329 = arith.constant 2 : i32
        %scan3A_330 = arith.addi %scan3A_293, %scan3A_329 : i32
        %mul3A_331 = arith.constant 50 : i32
        %mul3A_332 = arith.muli %scan3A_275, %mul3A_331 : i32
        %add3A_333 = arith.addi %mul3A_332, %scan3A_330 : i32
        %get3A_334 = arith.index_cast %add3A_333 : i32 to index
        %get3A_335 = arith.constant 0 : index
        %get3A_336 = tpu.vector_load %arg7[%get3A_334, %get3A_335] {strides = array<i32>} : memref<1600x32xf32, #tpu.memory_space<vmem>>, vector<1x16xf32>,
        %get3A_337 = vector.shape_cast %get3A_336 : vector<1x16xf32> to vector<16xf32>
        %add3A_338 = arith.addf %add3A_320, %get3A_337 : vector<16xf32>
        %mul3A_339 = arith.constant 50 : i32
        %mul3A_340 = arith.muli %scan3A_275, %mul3A_339 : i32
        %add3A_341 = arith.addi %mul3A_340, %scan3A_330 : i32
        %get3A_342 = arith.index_cast %add3A_341 : i32 to index
        %get3A_343 = arith.constant 16 : index
        %get3A_344 = tpu.vector_load %arg7[%get3A_342, %get3A_343] {strides = array<i32>} : memref<1600x32xf32, #tpu.memory_space<vmem>>, vector<1x16xf32>,
        %get3A_345 = vector.shape_cast %get3A_344 : vector<1x16xf32> to vector<16xf32>
        %add3A_346 = arith.addf %add3A_328, %get3A_345 : vector<16xf32>
        %scan3A_347 = arith.constant 3 : i32
        %scan3A_348 = arith.addi %scan3A_293, %scan3A_347 : i32
        %mul3A_349 = arith.constant 50 : i32
        %mul3A_350 = arith.muli %scan3A_275, %mul3A_349 : i32
        %add3A_351 = arith.addi %mul3A_350, %scan3A_348 : i32
        %get3A_352 = arith.index_cast %add3A_351 : i32 to index
        %get3A_353 = arith.constant 0 : index
        %get3A_354 = tpu.vector_load %arg7[%get3A_352, %get3A_353] {strides = array<i32>} : memref<1600x32xf32, #tpu.memory_space<vmem>>, vector<1x16xf32>,
        %get3A_355 = vector.shape_cast %get3A_354 : vector<1x16xf32> to vector<16xf32>
        %add3A_356 = arith.addf %add3A_338, %get3A_355 : vector<16xf32>
        %mul3A_357 = arith.constant 50 : i32
        %mul3A_358 = arith.muli %scan3A_275, %mul3A_357 : i32
        %add3A_359 = arith.addi %mul3A_358, %scan3A_348 : i32
        %get3A_360 = arith.index_cast %add3A_359 : i32 to index
        %get3A_361 = arith.constant 16 : index
        %get3A_362 = tpu.vector_load %arg7[%get3A_360, %get3A_361] {strides = array<i32>} : memref<1600x32xf32, #tpu.memory_space<vmem>>, vector<1x16xf32>,
        %get3A_363 = vector.shape_cast %get3A_362 : vector<1x16xf32> to vector<16xf32>
        %add3A_364 = arith.addf %add3A_346, %get3A_363 : vector<16xf32>
        %scan3A_365 = arith.constant 4 : i32
        %scan3A_366 = arith.addi %scan3A_293, %scan3A_365 : i32
        %mul3A_367 = arith.constant 50 : i32
        %mul3A_368 = arith.muli %scan3A_275, %mul3A_367 : i32
        %add3A_369 = arith.addi %mul3A_368, %scan3A_366 : i32
        %get3A_370 = arith.index_cast %add3A_369 : i32 to index
        %get3A_371 = arith.constant 0 : index
        %get3A_372 = tpu.vector_load %arg7[%get3A_370, %get3A_371] {strides = array<i32>} : memref<1600x32xf32, #tpu.memory_space<vmem>>, vector<1x16xf32>,
        %get3A_373 = vector.shape_cast %get3A_372 : vector<1x16xf32> to vector<16xf32>
        %add3A_374 = arith.addf %add3A_356, %get3A_373 : vector<16xf32>
        %mul3A_375 = arith.constant 50 : i32
        %mul3A_376 = arith.muli %scan3A_275, %mul3A_375 : i32
        %add3A_377 = arith.addi %mul3A_376, %scan3A_366 : i32
        %get3A_378 = arith.index_cast %add3A_377 : i32 to index
        %get3A_379 = arith.constant 16 : index
        %get3A_380 = tpu.vector_load %arg7[%get3A_378, %get3A_379] {strides = array<i32>} : memref<1600x32xf32, #tpu.memory_space<vmem>>, vector<1x16xf32>,
        %get3A_381 = vector.shape_cast %get3A_380 : vector<1x16xf32> to vector<16xf32>
        %add3A_382 = arith.addf %add3A_364, %get3A_381 : vector<16xf32>
        %scan3A_383 = arith.constant 5 : i32
        %scan3A_384 = arith.addi %scan3A_293, %scan3A_383 : i32
        %mul3A_385 = arith.constant 50 : i32
        %mul3A_386 = arith.muli %scan3A_275, %mul3A_385 : i32
        %add3A_387 = arith.addi %mul3A_386, %scan3A_384 : i32
        %get3A_388 = arith.index_cast %add3A_387 : i32 to index
        %get3A_389 = arith.constant 0 : index
        %get3A_390 = tpu.vector_load %arg7[%get3A_388, %get3A_389] {strides = array<i32>} : memref<1600x32xf32, #tpu.memory_space<vmem>>, vector<1x16xf32>,
        %get3A_391 = vector.shape_cast %get3A_390 : vector<1x16xf32> to vector<16xf32>
        %add3A_392 = arith.addf %add3A_374, %get3A_391 : vector<16xf32>
        %mul3A_393 = arith.constant 50 : i32
        %mul3A_394 = arith.muli %scan3A_275, %mul3A_393 : i32
        %add3A_395 = arith.addi %mul3A_394, %scan3A_384 : i32
        %get3A_396 = arith.index_cast %add3A_395 : i32 to index
        %get3A_397 = arith.constant 16 : index
        %get3A_398 = tpu.vector_load %arg7[%get3A_396, %get3A_397] {strides = array<i32>} : memref<1600x32xf32, #tpu.memory_space<vmem>>, vector<1x16xf32>,
        %get3A_399 = vector.shape_cast %get3A_398 : vector<1x16xf32> to vector<16xf32>
        %add3A_400 = arith.addf %add3A_382, %get3A_399 : vector<16xf32>
        %scan3A_401 = arith.constant 6 : i32
        %scan3A_402 = arith.addi %scan3A_293, %scan3A_401 : i32
        %mul3A_403 = arith.constant 50 : i32
        %mul3A_404 = arith.muli %scan3A_275, %mul3A_403 : i32
        %add3A_405 = arith.addi %mul3A_404, %scan3A_402 : i32
        %get3A_406 = arith.index_cast %add3A_405 : i32 to index
        %get3A_407 = arith.constant 0 : index
        %get3A_408 = tpu.vector_load %arg7[%get3A_406, %get3A_407] {strides = array<i32>} : memref<1600x32xf32, #tpu.memory_space<vmem>>, vector<1x16xf32>,
        %get3A_409 = vector.shape_cast %get3A_408 : vector<1x16xf32> to vector<16xf32>
        %add3A_410 = arith.addf %add3A_392, %get3A_409 : vector<16xf32>
        %mul3A_411 = arith.constant 50 : i32
        %mul3A_412 = arith.muli %scan3A_275, %mul3A_411 : i32
        %add3A_413 = arith.addi %mul3A_412, %scan3A_402 : i32
        %get3A_414 = arith.index_cast %add3A_413 : i32 to index
        %get3A_415 = arith.constant 16 : index
        %get3A_416 = tpu.vector_load %arg7[%get3A_414, %get3A_415] {strides = array<i32>} : memref<1600x32xf32, #tpu.memory_space<vmem>>, vector<1x16xf32>,
        %get3A_417 = vector.shape_cast %get3A_416 : vector<1x16xf32> to vector<16xf32>
        %add3A_418 = arith.addf %add3A_400, %get3A_417 : vector<16xf32>
        %scan3A_419 = arith.constant 7 : i32
        %scan3A_420 = arith.addi %scan3A_293, %scan3A_419 : i32
        %mul3A_421 = arith.constant 50 : i32
        %mul3A_422 = arith.muli %scan3A_275, %mul3A_421 : i32
        %add3A_423 = arith.addi %mul3A_422, %scan3A_420 : i32
        %get3A_424 = arith.index_cast %add3A_423 : i32 to index
        %get3A_425 = arith.constant 0 : index
        %get3A_426 = tpu.vector_load %arg7[%get3A_424, %get3A_425] {strides = array<i32>} : memref<1600x32xf32, #tpu.memory_space<vmem>>, vector<1x16xf32>,
        %get3A_427 = vector.shape_cast %get3A_426 : vector<1x16xf32> to vector<16xf32>
        %add3A_428 = arith.addf %add3A_410, %get3A_427 : vector<16xf32>
        %mul3A_429 = arith.constant 50 : i32
        %mul3A_430 = arith.muli %scan3A_275, %mul3A_429 : i32
        %add3A_431 = arith.addi %mul3A_430, %scan3A_420 : i32
        %get3A_432 = arith.index_cast %add3A_431 : i32 to index
        %get3A_433 = arith.constant 16 : index
        %get3A_434 = tpu.vector_load %arg7[%get3A_432, %get3A_433] {strides = array<i32>} : memref<1600x32xf32, #tpu.memory_space<vmem>>, vector<1x16xf32>,
        %get3A_435 = vector.shape_cast %get3A_434 : vector<1x16xf32> to vector<16xf32>
        %add3A_436 = arith.addf %add3A_418, %get3A_435 : vector<16xf32>
        %scan3A_437 = arith.constant 8 : i32
        %scan3A_438 = arith.addi %scan3A_293, %scan3A_437 : i32
        %mul3A_439 = arith.constant 50 : i32
        %mul3A_440 = arith.muli %scan3A_275, %mul3A_439 : i32
        %add3A_441 = arith.addi %mul3A_440, %scan3A_438 : i32
        %get3A_442 = arith.index_cast %add3A_441 : i32 to index
        %get3A_443 = arith.constant 0 : index
        %get3A_444 = tpu.vector_load %arg7[%get3A_442, %get3A_443] {strides = array<i32>} : memref<1600x32xf32, #tpu.memory_space<vmem>>, vector<1x16xf32>,
        %get3A_445 = vector.shape_cast %get3A_444 : vector<1x16xf32> to vector<16xf32>
        %add3A_446 = arith.addf %add3A_428, %get3A_445 : vector<16xf32>
        %mul3A_447 = arith.constant 50 : i32
        %mul3A_448 = arith.muli %scan3A_275, %mul3A_447 : i32
        %add3A_449 = arith.addi %mul3A_448, %scan3A_438 : i32
        %get3A_450 = arith.index_cast %add3A_449 : i32 to index
        %get3A_451 = arith.constant 16 : index
        %get3A_452 = tpu.vector_load %arg7[%get3A_450, %get3A_451] {strides = array<i32>} : memref<1600x32xf32, #tpu.memory_space<vmem>>, vector<1x16xf32>,
        %get3A_453 = vector.shape_cast %get3A_452 : vector<1x16xf32> to vector<16xf32>
        %add3A_454 = arith.addf %add3A_436, %get3A_453 : vector<16xf32>
        %scan3A_455 = arith.constant 9 : i32
        %scan3A_456 = arith.addi %scan3A_293, %scan3A_455 : i32
        %mul3A_457 = arith.constant 50 : i32
        %mul3A_458 = arith.muli %scan3A_275, %mul3A_457 : i32
        %add3A_459 = arith.addi %mul3A_458, %scan3A_456 : i32
        %get3A_460 = arith.index_cast %add3A_459 : i32 to index
        %get3A_461 = arith.constant 0 : index
        %get3A_462 = tpu.vector_load %arg7[%get3A_460, %get3A_461] {strides = array<i32>} : memref<1600x32xf32, #tpu.memory_space<vmem>>, vector<1x16xf32>,
        %get3A_463 = vector.shape_cast %get3A_462 : vector<1x16xf32> to vector<16xf32>
        %add3A_464 = arith.addf %add3A_446, %get3A_463 : vector<16xf32>
        %mul3A_465 = arith.constant 50 : i32
        %mul3A_466 = arith.muli %scan3A_275, %mul3A_465 : i32
        %add3A_467 = arith.addi %mul3A_466, %scan3A_456 : i32
        %get3A_468 = arith.index_cast %add3A_467 : i32 to index
        %get3A_469 = arith.constant 16 : index
        %get3A_470 = tpu.vector_load %arg7[%get3A_468, %get3A_469] {strides = array<i32>} : memref<1600x32xf32, #tpu.memory_space<vmem>>, vector<1x16xf32>,
        %get3A_471 = vector.shape_cast %get3A_470 : vector<1x16xf32> to vector<16xf32>
        %add3A_472 = arith.addf %add3A_454, %get3A_471 : vector<16xf32>
        scf.yield %add3A_464, %add3A_472 : vector<16xf32>, vector<16xf32>
      }
      %scan3A_282 = arith.constant 50 : i32
      %swap3A = arith.index_cast %scan3A_275 : i32 to index
      %swap3A_283 = arith.constant 0 : index
      %swap3A_284 = tpu.vector_load %arg9[%swap3A, %swap3A_283] {strides = array<i32>} : memref<32x32xf32, #tpu.memory_space<vmem>>, vector<1x16xf32>,
      %swap3A_285 = vector.shape_cast %swap3A_284 : vector<1x16xf32> to vector<16xf32>
      %swap3A_286 = vector.shape_cast %scan3A_281#0 : vector<16xf32> to vector<1x16xf32>
      tpu.vector_store %arg9[%swap3A, %swap3A_283], %swap3A_286 {strides = array<i32>} : memref<32x32xf32, #tpu.memory_space<vmem>>, vector<1x16xf32>,
      %swap3A_287 = arith.index_cast %scan3A_275 : i32 to index
      %swap3A_288 = arith.constant 16 : index
      %swap3A_289 = tpu.vector_load %arg9[%swap3A_287, %swap3A_288] {strides = array<i32>} : memref<32x32xf32, #tpu.memory_space<vmem>>, vector<1x16xf32>,
      %swap3A_290 = vector.shape_cast %swap3A_289 : vector<1x16xf32> to vector<16xf32>
      %swap3A_291 = vector.shape_cast %scan3A_281#1 : vector<16xf32> to vector<1x16xf32>
      tpu.vector_store %arg9[%swap3A_287, %swap3A_288], %swap3A_291 {strides = array<i32>} : memref<32x32xf32, #tpu.memory_space<vmem>>, vector<1x16xf32>,
      %scan3A_292 = arith.constant 0 : i32
      scf.yield %scan3A_292 : i32
    }
    %scan3A_260 = arith.constant 32 : i32
    %add3A_261 = arith.constant 448 : i32
    %add3A_262 = arith.addi %mul3A_2, %add3A_261 : i32
    "tpu.region"() ({
      %run_scoped3A = tpu.sem_alloc : memref<!tpu.dma_semaphore, #tpu.memory_space<semaphore_mem>>
      %dma_start3A_275 = arith.constant 0 : i32
      %dma_start3A_276 = tpu.memref_slice %arg4[%add3A_262, %dma_start3A_275] : memref<16384x32xf32, #tpu.memory_space<hbm>> -> memref<32x32xf32, #tpu.memory_space<hbm>>
      %dma_start3A_277 = arith.constant 0 : i32
      %dma_start3A_278 = tpu.memref_slice %arg4[%add3A_262, %dma_start3A_277] : memref<16384x32xf32, #tpu.memory_space<hbm>> -> memref<32x32xf32, #tpu.memory_space<hbm>>
      tpu.enqueue_dma source(%arg9 : memref<32x32xf32, #tpu.memory_space<vmem>>) target(%dma_start3A_278 : memref<32x32xf32, #tpu.memory_space<hbm>>) target_semaphore(%run_scoped3A : memref<!tpu.dma_semaphore, #tpu.memory_space<semaphore_mem>>)
      %dma_wait3A_279 = arith.constant 0 : i32
      %dma_wait3A_280 = tpu.memref_slice %arg4[%add3A_262, %dma_wait3A_279] : memref<16384x32xf32, #tpu.memory_space<hbm>> -> memref<32x32xf32, #tpu.memory_space<hbm>>
      %dma_wait3A_281 = arith.constant 0 : i32
      %dma_wait3A_282 = tpu.memref_slice %arg4[%add3A_262, %dma_wait3A_281] : memref<16384x32xf32, #tpu.memory_space<hbm>> -> memref<32x32xf32, #tpu.memory_space<hbm>>
      tpu.wait_dma2 semaphore(%run_scoped3A : memref<!tpu.dma_semaphore, #tpu.memory_space<semaphore_mem>>) src(%arg9 : memref<32x32xf32, #tpu.memory_space<vmem>>) dst(%dma_wait3A_282 : memref<32x32xf32, #tpu.memory_space<hbm>>)
      tpu.yield
    }) : () -> ()
    %dma_wait3A_263 = arith.constant 0 : i32
    %dma_wait3A_264 = arith.constant 0 : i32
    %dma_wait3A_265 = tpu.memref_slice %arg3[%dma_wait3A_263, %dma_wait3A_264] : memref<1000000x32xf32, #tpu.memory_space<hbm>> -> memref<1000000x32xf32, #tpu.memory_space<hbm>>
    tpu.wait_indirect_dma semaphore(%arg11 : memref<!tpu.dma_semaphore, #tpu.memory_space<semaphore_mem>>) src(%dma_wait3A_265 : memref<1000000x32xf32, #tpu.memory_space<hbm>>) dst(%arg8 : memref<1600x32xf32, #tpu.memory_space<vmem>>)
    %scan3A_266 = arith.constant 0 : i32
    %scan3A_267 = arith.constant 0 : i32
    %scan3A_268 = arith.constant 32 : i32
    %scan3A_269 = arith.addi %scan3A_267, %scan3A_268 : i32
    %scan3A_270 = arith.constant 1 : i32
    %scan3A_271 = scf.for %scan3A_275 = %scan3A_267 to %scan3A_269 step %scan3A_270 iter_args(%scan3A_276 = %scan3A_266) -> (i32)  : i32 {
      %scan3A_277 = arith.constant 0 : i32
      %scan3A_278 = arith.constant 50 : i32
      %scan3A_279 = arith.addi %scan3A_277, %scan3A_278 : i32
      %scan3A_280 = arith.constant 10 : i32
      %scan3A_281:2 = scf.for %scan3A_293 = %scan3A_277 to %scan3A_279 step %scan3A_280 iter_args(%scan3A_294 = %broadcast_in_dim3A_5, %scan3A_295 = %broadcast_in_dim3A_5) -> (vector<16xf32>, vector<16xf32>)  : i32 {
        %mul3A_296 = arith.constant 50 : i32
        %mul3A_297 = arith.muli %scan3A_275, %mul3A_296 : i32
        %add3A_298 = arith.addi %mul3A_297, %scan3A_293 : i32
        %get3A = arith.index_cast %add3A_298 : i32 to index
        %get3A_299 = arith.constant 0 : index
        %get3A_300 = tpu.vector_load %arg8[%get3A, %get3A_299] {strides = array<i32>} : memref<1600x32xf32, #tpu.memory_space<vmem>>, vector<1x16xf32>,
        %get3A_301 = vector.shape_cast %get3A_300 : vector<1x16xf32> to vector<16xf32>
        %add3A_302 = arith.addf %scan3A_294, %get3A_301 : vector<16xf32>
        %mul3A_303 = arith.constant 50 : i32
        %mul3A_304 = arith.muli %scan3A_275, %mul3A_303 : i32
        %add3A_305 = arith.addi %mul3A_304, %scan3A_293 : i32
        %get3A_306 = arith.index_cast %add3A_305 : i32 to index
        %get3A_307 = arith.constant 16 : index
        %get3A_308 = tpu.vector_load %arg8[%get3A_306, %get3A_307] {strides = array<i32>} : memref<1600x32xf32, #tpu.memory_space<vmem>>, vector<1x16xf32>,
        %get3A_309 = vector.shape_cast %get3A_308 : vector<1x16xf32> to vector<16xf32>
        %add3A_310 = arith.addf %scan3A_295, %get3A_309 : vector<16xf32>
        %scan3A_311 = arith.constant 1 : i32
        %scan3A_312 = arith.addi %scan3A_293, %scan3A_311 : i32
        %mul3A_313 = arith.constant 50 : i32
        %mul3A_314 = arith.muli %scan3A_275, %mul3A_313 : i32
        %add3A_315 = arith.addi %mul3A_314, %scan3A_312 : i32
        %get3A_316 = arith.index_cast %add3A_315 : i32 to index
        %get3A_317 = arith.constant 0 : index
        %get3A_318 = tpu.vector_load %arg8[%get3A_316, %get3A_317] {strides = array<i32>} : memref<1600x32xf32, #tpu.memory_space<vmem>>, vector<1x16xf32>,
        %get3A_319 = vector.shape_cast %get3A_318 : vector<1x16xf32> to vector<16xf32>
        %add3A_320 = arith.addf %add3A_302, %get3A_319 : vector<16xf32>
        %mul3A_321 = arith.constant 50 : i32
        %mul3A_322 = arith.muli %scan3A_275, %mul3A_321 : i32
        %add3A_323 = arith.addi %mul3A_322, %scan3A_312 : i32
        %get3A_324 = arith.index_cast %add3A_323 : i32 to index
        %get3A_325 = arith.constant 16 : index
        %get3A_326 = tpu.vector_load %arg8[%get3A_324, %get3A_325] {strides = array<i32>} : memref<1600x32xf32, #tpu.memory_space<vmem>>, vector<1x16xf32>,
        %get3A_327 = vector.shape_cast %get3A_326 : vector<1x16xf32> to vector<16xf32>
        %add3A_328 = arith.addf %add3A_310, %get3A_327 : vector<16xf32>
        %scan3A_329 = arith.constant 2 : i32
        %scan3A_330 = arith.addi %scan3A_293, %scan3A_329 : i32
        %mul3A_331 = arith.constant 50 : i32
        %mul3A_332 = arith.muli %scan3A_275, %mul3A_331 : i32
        %add3A_333 = arith.addi %mul3A_332, %scan3A_330 : i32
        %get3A_334 = arith.index_cast %add3A_333 : i32 to index
        %get3A_335 = arith.constant 0 : index
        %get3A_336 = tpu.vector_load %arg8[%get3A_334, %get3A_335] {strides = array<i32>} : memref<1600x32xf32, #tpu.memory_space<vmem>>, vector<1x16xf32>,
        %get3A_337 = vector.shape_cast %get3A_336 : vector<1x16xf32> to vector<16xf32>
        %add3A_338 = arith.addf %add3A_320, %get3A_337 : vector<16xf32>
        %mul3A_339 = arith.constant 50 : i32
        %mul3A_340 = arith.muli %scan3A_275, %mul3A_339 : i32
        %add3A_341 = arith.addi %mul3A_340, %scan3A_330 : i32
        %get3A_342 = arith.index_cast %add3A_341 : i32 to index
        %get3A_343 = arith.constant 16 : index
        %get3A_344 = tpu.vector_load %arg8[%get3A_342, %get3A_343] {strides = array<i32>} : memref<1600x32xf32, #tpu.memory_space<vmem>>, vector<1x16xf32>,
        %get3A_345 = vector.shape_cast %get3A_344 : vector<1x16xf32> to vector<16xf32>
        %add3A_346 = arith.addf %add3A_328, %get3A_345 : vector<16xf32>
        %scan3A_347 = arith.constant 3 : i32
        %scan3A_348 = arith.addi %scan3A_293, %scan3A_347 : i32
        %mul3A_349 = arith.constant 50 : i32
        %mul3A_350 = arith.muli %scan3A_275, %mul3A_349 : i32
        %add3A_351 = arith.addi %mul3A_350, %scan3A_348 : i32
        %get3A_352 = arith.index_cast %add3A_351 : i32 to index
        %get3A_353 = arith.constant 0 : index
        %get3A_354 = tpu.vector_load %arg8[%get3A_352, %get3A_353] {strides = array<i32>} : memref<1600x32xf32, #tpu.memory_space<vmem>>, vector<1x16xf32>,
        %get3A_355 = vector.shape_cast %get3A_354 : vector<1x16xf32> to vector<16xf32>
        %add3A_356 = arith.addf %add3A_338, %get3A_355 : vector<16xf32>
        %mul3A_357 = arith.constant 50 : i32
        %mul3A_358 = arith.muli %scan3A_275, %mul3A_357 : i32
        %add3A_359 = arith.addi %mul3A_358, %scan3A_348 : i32
        %get3A_360 = arith.index_cast %add3A_359 : i32 to index
        %get3A_361 = arith.constant 16 : index
        %get3A_362 = tpu.vector_load %arg8[%get3A_360, %get3A_361] {strides = array<i32>} : memref<1600x32xf32, #tpu.memory_space<vmem>>, vector<1x16xf32>,
        %get3A_363 = vector.shape_cast %get3A_362 : vector<1x16xf32> to vector<16xf32>
        %add3A_364 = arith.addf %add3A_346, %get3A_363 : vector<16xf32>
        %scan3A_365 = arith.constant 4 : i32
        %scan3A_366 = arith.addi %scan3A_293, %scan3A_365 : i32
        %mul3A_367 = arith.constant 50 : i32
        %mul3A_368 = arith.muli %scan3A_275, %mul3A_367 : i32
        %add3A_369 = arith.addi %mul3A_368, %scan3A_366 : i32
        %get3A_370 = arith.index_cast %add3A_369 : i32 to index
        %get3A_371 = arith.constant 0 : index
        %get3A_372 = tpu.vector_load %arg8[%get3A_370, %get3A_371] {strides = array<i32>} : memref<1600x32xf32, #tpu.memory_space<vmem>>, vector<1x16xf32>,
        %get3A_373 = vector.shape_cast %get3A_372 : vector<1x16xf32> to vector<16xf32>
        %add3A_374 = arith.addf %add3A_356, %get3A_373 : vector<16xf32>
        %mul3A_375 = arith.constant 50 : i32
        %mul3A_376 = arith.muli %scan3A_275, %mul3A_375 : i32
        %add3A_377 = arith.addi %mul3A_376, %scan3A_366 : i32
        %get3A_378 = arith.index_cast %add3A_377 : i32 to index
        %get3A_379 = arith.constant 16 : index
        %get3A_380 = tpu.vector_load %arg8[%get3A_378, %get3A_379] {strides = array<i32>} : memref<1600x32xf32, #tpu.memory_space<vmem>>, vector<1x16xf32>,
        %get3A_381 = vector.shape_cast %get3A_380 : vector<1x16xf32> to vector<16xf32>
        %add3A_382 = arith.addf %add3A_364, %get3A_381 : vector<16xf32>
        %scan3A_383 = arith.constant 5 : i32
        %scan3A_384 = arith.addi %scan3A_293, %scan3A_383 : i32
        %mul3A_385 = arith.constant 50 : i32
        %mul3A_386 = arith.muli %scan3A_275, %mul3A_385 : i32
        %add3A_387 = arith.addi %mul3A_386, %scan3A_384 : i32
        %get3A_388 = arith.index_cast %add3A_387 : i32 to index
        %get3A_389 = arith.constant 0 : index
        %get3A_390 = tpu.vector_load %arg8[%get3A_388, %get3A_389] {strides = array<i32>} : memref<1600x32xf32, #tpu.memory_space<vmem>>, vector<1x16xf32>,
        %get3A_391 = vector.shape_cast %get3A_390 : vector<1x16xf32> to vector<16xf32>
        %add3A_392 = arith.addf %add3A_374, %get3A_391 : vector<16xf32>
        %mul3A_393 = arith.constant 50 : i32
        %mul3A_394 = arith.muli %scan3A_275, %mul3A_393 : i32
        %add3A_395 = arith.addi %mul3A_394, %scan3A_384 : i32
        %get3A_396 = arith.index_cast %add3A_395 : i32 to index
        %get3A_397 = arith.constant 16 : index
        %get3A_398 = tpu.vector_load %arg8[%get3A_396, %get3A_397] {strides = array<i32>} : memref<1600x32xf32, #tpu.memory_space<vmem>>, vector<1x16xf32>,
        %get3A_399 = vector.shape_cast %get3A_398 : vector<1x16xf32> to vector<16xf32>
        %add3A_400 = arith.addf %add3A_382, %get3A_399 : vector<16xf32>
        %scan3A_401 = arith.constant 6 : i32
        %scan3A_402 = arith.addi %scan3A_293, %scan3A_401 : i32
        %mul3A_403 = arith.constant 50 : i32
        %mul3A_404 = arith.muli %scan3A_275, %mul3A_403 : i32
        %add3A_405 = arith.addi %mul3A_404, %scan3A_402 : i32
        %get3A_406 = arith.index_cast %add3A_405 : i32 to index
        %get3A_407 = arith.constant 0 : index
        %get3A_408 = tpu.vector_load %arg8[%get3A_406, %get3A_407] {strides = array<i32>} : memref<1600x32xf32, #tpu.memory_space<vmem>>, vector<1x16xf32>,
        %get3A_409 = vector.shape_cast %get3A_408 : vector<1x16xf32> to vector<16xf32>
        %add3A_410 = arith.addf %add3A_392, %get3A_409 : vector<16xf32>
        %mul3A_411 = arith.constant 50 : i32
        %mul3A_412 = arith.muli %scan3A_275, %mul3A_411 : i32
        %add3A_413 = arith.addi %mul3A_412, %scan3A_402 : i32
        %get3A_414 = arith.index_cast %add3A_413 : i32 to index
        %get3A_415 = arith.constant 16 : index
        %get3A_416 = tpu.vector_load %arg8[%get3A_414, %get3A_415] {strides = array<i32>} : memref<1600x32xf32, #tpu.memory_space<vmem>>, vector<1x16xf32>,
        %get3A_417 = vector.shape_cast %get3A_416 : vector<1x16xf32> to vector<16xf32>
        %add3A_418 = arith.addf %add3A_400, %get3A_417 : vector<16xf32>
        %scan3A_419 = arith.constant 7 : i32
        %scan3A_420 = arith.addi %scan3A_293, %scan3A_419 : i32
        %mul3A_421 = arith.constant 50 : i32
        %mul3A_422 = arith.muli %scan3A_275, %mul3A_421 : i32
        %add3A_423 = arith.addi %mul3A_422, %scan3A_420 : i32
        %get3A_424 = arith.index_cast %add3A_423 : i32 to index
        %get3A_425 = arith.constant 0 : index
        %get3A_426 = tpu.vector_load %arg8[%get3A_424, %get3A_425] {strides = array<i32>} : memref<1600x32xf32, #tpu.memory_space<vmem>>, vector<1x16xf32>,
        %get3A_427 = vector.shape_cast %get3A_426 : vector<1x16xf32> to vector<16xf32>
        %add3A_428 = arith.addf %add3A_410, %get3A_427 : vector<16xf32>
        %mul3A_429 = arith.constant 50 : i32
        %mul3A_430 = arith.muli %scan3A_275, %mul3A_429 : i32
        %add3A_431 = arith.addi %mul3A_430, %scan3A_420 : i32
        %get3A_432 = arith.index_cast %add3A_431 : i32 to index
        %get3A_433 = arith.constant 16 : index
        %get3A_434 = tpu.vector_load %arg8[%get3A_432, %get3A_433] {strides = array<i32>} : memref<1600x32xf32, #tpu.memory_space<vmem>>, vector<1x16xf32>,
        %get3A_435 = vector.shape_cast %get3A_434 : vector<1x16xf32> to vector<16xf32>
        %add3A_436 = arith.addf %add3A_418, %get3A_435 : vector<16xf32>
        %scan3A_437 = arith.constant 8 : i32
        %scan3A_438 = arith.addi %scan3A_293, %scan3A_437 : i32
        %mul3A_439 = arith.constant 50 : i32
        %mul3A_440 = arith.muli %scan3A_275, %mul3A_439 : i32
        %add3A_441 = arith.addi %mul3A_440, %scan3A_438 : i32
        %get3A_442 = arith.index_cast %add3A_441 : i32 to index
        %get3A_443 = arith.constant 0 : index
        %get3A_444 = tpu.vector_load %arg8[%get3A_442, %get3A_443] {strides = array<i32>} : memref<1600x32xf32, #tpu.memory_space<vmem>>, vector<1x16xf32>,
        %get3A_445 = vector.shape_cast %get3A_444 : vector<1x16xf32> to vector<16xf32>
        %add3A_446 = arith.addf %add3A_428, %get3A_445 : vector<16xf32>
        %mul3A_447 = arith.constant 50 : i32
        %mul3A_448 = arith.muli %scan3A_275, %mul3A_447 : i32
        %add3A_449 = arith.addi %mul3A_448, %scan3A_438 : i32
        %get3A_450 = arith.index_cast %add3A_449 : i32 to index
        %get3A_451 = arith.constant 16 : index
        %get3A_452 = tpu.vector_load %arg8[%get3A_450, %get3A_451] {strides = array<i32>} : memref<1600x32xf32, #tpu.memory_space<vmem>>, vector<1x16xf32>,
        %get3A_453 = vector.shape_cast %get3A_452 : vector<1x16xf32> to vector<16xf32>
        %add3A_454 = arith.addf %add3A_436, %get3A_453 : vector<16xf32>
        %scan3A_455 = arith.constant 9 : i32
        %scan3A_456 = arith.addi %scan3A_293, %scan3A_455 : i32
        %mul3A_457 = arith.constant 50 : i32
        %mul3A_458 = arith.muli %scan3A_275, %mul3A_457 : i32
        %add3A_459 = arith.addi %mul3A_458, %scan3A_456 : i32
        %get3A_460 = arith.index_cast %add3A_459 : i32 to index
        %get3A_461 = arith.constant 0 : index
        %get3A_462 = tpu.vector_load %arg8[%get3A_460, %get3A_461] {strides = array<i32>} : memref<1600x32xf32, #tpu.memory_space<vmem>>, vector<1x16xf32>,
        %get3A_463 = vector.shape_cast %get3A_462 : vector<1x16xf32> to vector<16xf32>
        %add3A_464 = arith.addf %add3A_446, %get3A_463 : vector<16xf32>
        %mul3A_465 = arith.constant 50 : i32
        %mul3A_466 = arith.muli %scan3A_275, %mul3A_465 : i32
        %add3A_467 = arith.addi %mul3A_466, %scan3A_456 : i32
        %get3A_468 = arith.index_cast %add3A_467 : i32 to index
        %get3A_469 = arith.constant 16 : index
        %get3A_470 = tpu.vector_load %arg8[%get3A_468, %get3A_469] {strides = array<i32>} : memref<1600x32xf32, #tpu.memory_space<vmem>>, vector<1x16xf32>,
        %get3A_471 = vector.shape_cast %get3A_470 : vector<1x16xf32> to vector<16xf32>
        %add3A_472 = arith.addf %add3A_454, %get3A_471 : vector<16xf32>
        scf.yield %add3A_464, %add3A_472 : vector<16xf32>, vector<16xf32>
      }
      %scan3A_282 = arith.constant 50 : i32
      %swap3A = arith.index_cast %scan3A_275 : i32 to index
      %swap3A_283 = arith.constant 0 : index
      %swap3A_284 = tpu.vector_load %arg9[%swap3A, %swap3A_283] {strides = array<i32>} : memref<32x32xf32, #tpu.memory_space<vmem>>, vector<1x16xf32>,
      %swap3A_285 = vector.shape_cast %swap3A_284 : vector<1x16xf32> to vector<16xf32>
      %swap3A_286 = vector.shape_cast %scan3A_281#0 : vector<16xf32> to vector<1x16xf32>
      tpu.vector_store %arg9[%swap3A, %swap3A_283], %swap3A_286 {strides = array<i32>} : memref<32x32xf32, #tpu.memory_space<vmem>>, vector<1x16xf32>,
      %swap3A_287 = arith.index_cast %scan3A_275 : i32 to index
      %swap3A_288 = arith.constant 16 : index
      %swap3A_289 = tpu.vector_load %arg9[%swap3A_287, %swap3A_288] {strides = array<i32>} : memref<32x32xf32, #tpu.memory_space<vmem>>, vector<1x16xf32>,
      %swap3A_290 = vector.shape_cast %swap3A_289 : vector<1x16xf32> to vector<16xf32>
      %swap3A_291 = vector.shape_cast %scan3A_281#1 : vector<16xf32> to vector<1x16xf32>
      tpu.vector_store %arg9[%swap3A_287, %swap3A_288], %swap3A_291 {strides = array<i32>} : memref<32x32xf32, #tpu.memory_space<vmem>>, vector<1x16xf32>,
      %scan3A_292 = arith.constant 0 : i32
      scf.yield %scan3A_292 : i32
    }
    %scan3A_272 = arith.constant 32 : i32
    %add3A_273 = arith.constant 480 : i32
    %add3A_274 = arith.addi %mul3A_2, %add3A_273 : i32
    "tpu.region"() ({
      %run_scoped3A = tpu.sem_alloc : memref<!tpu.dma_semaphore, #tpu.memory_space<semaphore_mem>>
      %dma_start3A_275 = arith.constant 0 : i32
      %dma_start3A_276 = tpu.memref_slice %arg4[%add3A_274, %dma_start3A_275] : memref<16384x32xf32, #tpu.memory_space<hbm>> -> memref<32x32xf32, #tpu.memory_space<hbm>>
      %dma_start3A_277 = arith.constant 0 : i32
      %dma_start3A_278 = tpu.memref_slice %arg4[%add3A_274, %dma_start3A_277] : memref<16384x32xf32, #tpu.memory_space<hbm>> -> memref<32x32xf32, #tpu.memory_space<hbm>>
      tpu.enqueue_dma source(%arg9 : memref<32x32xf32, #tpu.memory_space<vmem>>) target(%dma_start3A_278 : memref<32x32xf32, #tpu.memory_space<hbm>>) target_semaphore(%run_scoped3A : memref<!tpu.dma_semaphore, #tpu.memory_space<semaphore_mem>>)
      %dma_wait3A_279 = arith.constant 0 : i32
      %dma_wait3A_280 = tpu.memref_slice %arg4[%add3A_274, %dma_wait3A_279] : memref<16384x32xf32, #tpu.memory_space<hbm>> -> memref<32x32xf32, #tpu.memory_space<hbm>>
      %dma_wait3A_281 = arith.constant 0 : i32
      %dma_wait3A_282 = tpu.memref_slice %arg4[%add3A_274, %dma_wait3A_281] : memref<16384x32xf32, #tpu.memory_space<hbm>> -> memref<32x32xf32, #tpu.memory_space<hbm>>
      tpu.wait_dma2 semaphore(%run_scoped3A : memref<!tpu.dma_semaphore, #tpu.memory_space<semaphore_mem>>) src(%arg9 : memref<32x32xf32, #tpu.memory_space<vmem>>) dst(%dma_wait3A_282 : memref<32x32xf32, #tpu.memory_space<hbm>>)
      tpu.yield
    }) : () -> ()
    return
  }
}

module attributes {stable_mosaic.version = 14 : i64} {
  func.func @_transpose_body(%arg0: i32, %arg1: memref<32x8192xf32, #tpu.memory_space<vmem>>, %arg2: memref<2048x128xf32, #tpu.memory_space<vmem>>) attributes {dimension_semantics = [#tpu.dimension_semantics<arbitrary>], iteration_bounds = array<i64: 123>, scalar_prefetch = 0 : i64, scratch_operands = 0 : i64, tpu.core_type = #tpu.core_type<tc>, window_params = [{transform_indices = @transform_0, window_bounds = array<i64: 32, 8192>}, {transform_indices = @transform_1, window_bounds = array<i64: 2048, 128>}]} {
    %iota3A = tpu.iota {dimensions = array<i32: 1>} : vector<32x128xi32>
    %iota3A_0 = tpu.iota {dimensions = array<i32: 0>} : vector<32x128xi32>
    %jit3A = arith.constant 32 : i32
    %eq3A = arith.constant 0 : i32
    %eq3A_1 = arith.cmpi eq, %jit3A, %eq3A : i32
    %jit3A_2 = arith.constant 1 : i32
    %select_n3A = arith.select %eq3A_1, %jit3A_2, %jit3A : i32
    %rem3A = vector.broadcast %select_n3A : i32 to vector<32x128xi32>
    %rem3A_3 = arith.remsi %iota3A, %rem3A : vector<32x128xi32>
    %ne3A = arith.constant 0 : i32
    %ne3A_4 = vector.broadcast %ne3A : i32 to vector<32x128xi32>
    %ne3A_5 = arith.cmpi ne, %rem3A_3, %ne3A_4 : vector<32x128xi32>
    %lt3A = arith.constant 0 : i32
    %lt3A_6 = vector.broadcast %lt3A : i32 to vector<32x128xi32>
    %lt3A_7 = arith.cmpi slt, %rem3A_3, %lt3A_6 : vector<32x128xi32>
    %lt3A_8 = arith.constant 0 : i32
    %lt3A_9 = arith.cmpi slt, %select_n3A, %lt3A_8 : i32
    %ne3A_10 = vector.broadcast %lt3A_9 : i1 to vector<32x128xi1>
    %ne3A_11 = vector.broadcast %ne3A_10 : vector<32x128xi1> to vector<32x128xi1>
    %ne3A_12 = arith.xori %lt3A_7, %ne3A_11 : vector<32x128xi1>
    %and3A = arith.andi %ne3A_12, %ne3A_5 : vector<32x128xi1>
    %add3A = vector.broadcast %select_n3A : i32 to vector<32x128xi32>
    %add3A_13 = arith.addi %rem3A_3, %add3A : vector<32x128xi32>
    %select_n3A_14 = arith.select %and3A, %add3A_13, %rem3A_3 : vector<32x128xi1>, vector<32x128xi32>
    %eq3A_15 = arith.cmpi eq, %select_n3A_14, %iota3A_0 : vector<32x128xi32>
    %jit3A_16 = arith.constant 1.000000e+00 : f32
    %jit3A_17 = arith.constant 0.000000e+00 : f32
    %broadcast_in_dim3A = vector.broadcast %jit3A_16 : f32 to vector<32x128xf32>
    %broadcast_in_dim3A_18 = vector.broadcast %jit3A_17 : f32 to vector<32x128xf32>
    %select_n3A_19 = arith.select %eq3A_15, %broadcast_in_dim3A, %broadcast_in_dim3A_18 : vector<32x128xi1>, vector<32x128xf32>
    %get3A = arith.constant 0 : index
    %get3A_20 = arith.constant 0 : index
    %get3A_21 = vector.load %arg1[%get3A, %get3A_20] : memref<32x8192xf32, #tpu.memory_space<vmem>>, vector<32x8192xf32>
    %dot_general3A = arith.constant dense<0.000000e+00> : vector<8192x128xf32>
    %dot_general3A_22 = tpu.matmul %get3A_21, %select_n3A_19, %dot_general3A {dimension_numbers = #tpu.dot_dimension_numbers<[0], [0], [1], [1], [0, 1, 1, 1], [], []>, transpose_lhs_hint = false} : vector<32x8192xf32>, vector<32x128xf32>, vector<8192x128xf32> -> vector<8192x128xf32>
    %iota3A_23 = tpu.iota {dimensions = array<i32: 0>} : vector<8192x128xi32>
    %iota3A_24 = tpu.iota {dimensions = array<i32: 1>} : vector<8192x128xi32>
    %jit3A_25 = arith.constant 32 : i32
    %div3A = vector.broadcast %jit3A_25 : i32 to vector<8192x128xi32>
    %div3A_26 = arith.divsi %iota3A_24, %div3A : vector<8192x128xi32>
    %sign3A = arith.constant 0 : i32
    %sign3A_27 = vector.broadcast %sign3A : i32 to vector<8192x128xi32>
    %sign3A_28 = arith.cmpi sgt, %iota3A_24, %sign3A_27 : vector<8192x128xi32>
    %sign3A_29 = arith.extui %sign3A_28 : vector<8192x128xi1> to vector<8192x128xi32>
    %sign3A_30 = arith.constant 0 : i32
    %sign3A_31 = vector.broadcast %sign3A_30 : i32 to vector<8192x128xi32>
    %sign3A_32 = arith.cmpi slt, %iota3A_24, %sign3A_31 : vector<8192x128xi32>
    %sign3A_33 = arith.extui %sign3A_32 : vector<8192x128xi1> to vector<8192x128xi32>
    %sign3A_34 = arith.subi %sign3A_29, %sign3A_33 : vector<8192x128xi32>
    %sign3A_35 = arith.constant 0 : i32
    %sign3A_36 = arith.cmpi sgt, %jit3A_25, %sign3A_35 : i32
    %sign3A_37 = arith.extui %sign3A_36 : i1 to i32
    %sign3A_38 = arith.constant 0 : i32
    %sign3A_39 = arith.cmpi slt, %jit3A_25, %sign3A_38 : i32
    %sign3A_40 = arith.extui %sign3A_39 : i1 to i32
    %sign3A_41 = arith.subi %sign3A_37, %sign3A_40 : i32
    %ne3A_42 = vector.broadcast %sign3A_41 : i32 to vector<8192x128xi32>
    %ne3A_43 = arith.cmpi ne, %sign3A_34, %ne3A_42 : vector<8192x128xi32>
    %rem3A_44 = vector.broadcast %jit3A_25 : i32 to vector<8192x128xi32>
    %rem3A_45 = arith.remsi %iota3A_24, %rem3A_44 : vector<8192x128xi32>
    %ne3A_46 = arith.constant 0 : i32
    %ne3A_47 = vector.broadcast %ne3A_46 : i32 to vector<8192x128xi32>
    %ne3A_48 = arith.cmpi ne, %rem3A_45, %ne3A_47 : vector<8192x128xi32>
    %and3A_49 = arith.andi %ne3A_43, %ne3A_48 : vector<8192x128xi1>
    %sub3A = arith.constant 1 : i32
    %sub3A_50 = vector.broadcast %sub3A : i32 to vector<8192x128xi32>
    %sub3A_51 = arith.subi %div3A_26, %sub3A_50 : vector<8192x128xi32>
    %select_n3A_52 = arith.select %and3A_49, %sub3A_51, %div3A_26 : vector<8192x128xi1>, vector<8192x128xi32>
    %jit3A_53 = arith.constant 4 : i32
    %eq3A_54 = arith.constant 0 : i32
    %eq3A_55 = arith.cmpi eq, %jit3A_53, %eq3A_54 : i32
    %jit3A_56 = arith.constant 1 : i32
    %select_n3A_57 = arith.select %eq3A_55, %jit3A_56, %jit3A_53 : i32
    %rem3A_58 = vector.broadcast %select_n3A_57 : i32 to vector<8192x128xi32>
    %rem3A_59 = arith.remsi %iota3A_23, %rem3A_58 : vector<8192x128xi32>
    %ne3A_60 = arith.constant 0 : i32
    %ne3A_61 = vector.broadcast %ne3A_60 : i32 to vector<8192x128xi32>
    %ne3A_62 = arith.cmpi ne, %rem3A_59, %ne3A_61 : vector<8192x128xi32>
    %lt3A_63 = arith.constant 0 : i32
    %lt3A_64 = vector.broadcast %lt3A_63 : i32 to vector<8192x128xi32>
    %lt3A_65 = arith.cmpi slt, %rem3A_59, %lt3A_64 : vector<8192x128xi32>
    %lt3A_66 = arith.constant 0 : i32
    %lt3A_67 = arith.cmpi slt, %select_n3A_57, %lt3A_66 : i32
    %ne3A_68 = vector.broadcast %lt3A_67 : i1 to vector<8192x128xi1>
    %ne3A_69 = vector.broadcast %ne3A_68 : vector<8192x128xi1> to vector<8192x128xi1>
    %ne3A_70 = arith.xori %lt3A_65, %ne3A_69 : vector<8192x128xi1>
    %and3A_71 = arith.andi %ne3A_70, %ne3A_62 : vector<8192x128xi1>
    %add3A_72 = vector.broadcast %select_n3A_57 : i32 to vector<8192x128xi32>
    %add3A_73 = arith.addi %rem3A_59, %add3A_72 : vector<8192x128xi32>
    %select_n3A_74 = arith.select %and3A_71, %add3A_73, %rem3A_59 : vector<8192x128xi1>, vector<8192x128xi32>
    %eq3A_75 = arith.cmpi eq, %select_n3A_52, %select_n3A_74 : vector<8192x128xi32>
    %jit3A_76 = arith.constant 0.000000e+00 : f32
    %broadcast_in_dim3A_77 = vector.broadcast %jit3A_76 : f32 to vector<8192x128xf32>
    %select_n3A_78 = arith.select %eq3A_75, %dot_general3A_22, %broadcast_in_dim3A_77 : vector<8192x128xi1>, vector<8192x128xf32>
    %reshape3A = vector.shape_cast %select_n3A_78 : vector<8192x128xf32> to vector<2048x4x128xf32>
    %reduce_sum3A = arith.constant dense<0.000000e+00> : vector<2048x128xf32>
    %reduce_sum3A_79 = vector.multi_reduction <add>, %reshape3A, %reduce_sum3A [1] : vector<2048x4x128xf32> to vector<2048x128xf32>
    %swap3A = arith.constant 0 : index
    %swap3A_80 = arith.constant 0 : index
    %swap3A_81 = vector.load %arg2[%swap3A, %swap3A_80] : memref<2048x128xf32, #tpu.memory_space<vmem>>, vector<2048x128xf32>
    tpu.vector_store %arg2[%swap3A, %swap3A_80], %reduce_sum3A_79 {strides = array<i32>} : memref<2048x128xf32, #tpu.memory_space<vmem>>, vector<2048x128xf32>,
    return
  }
  func.func @transform_0(%arg0: i32) -> (i32, i32) {
    %c0_i32 = arith.constant 0 : i32
    %c0_i32_0 = arith.constant 0 : i32
    return %c0_i32, %arg0 : i32, i32
  }
  func.func @transform_1(%arg0: i32) -> (i32, i32) {
    %c0_i32 = arith.constant 0 : i32
    %c0_i32_0 = arith.constant 0 : i32
    return %arg0, %c0_i32 : i32, i32
  }
}

module attributes {stable_mosaic.version = 14 : i64} {
  func.func @_linear_body(%arg0: memref<16384x32xf32, #tpu.memory_space<vmem>>, %arg1: memref<4x32xf32, #tpu.memory_space<vmem>>, %arg2: memref<1x4xf32, #tpu.memory_space<vmem>>, %arg3: memref<16384x4xf32, #tpu.memory_space<vmem>>) attributes {dimension_semantics = [], scalar_prefetch = 0 : i64, scratch_operands = 0 : i64, tpu.core_type = #tpu.core_type<tc>} {
    %get3A = arith.constant 0 : index
    %get3A_0 = arith.constant 0 : index
    %get3A_1 = vector.load %arg0[%get3A, %get3A_0] : memref<16384x32xf32, #tpu.memory_space<vmem>>, vector<16384x32xf32>
    %get3A_2 = arith.constant 0 : index
    %get3A_3 = arith.constant 0 : index
    %get3A_4 = vector.load %arg1[%get3A_2, %get3A_3] : memref<4x32xf32, #tpu.memory_space<vmem>>, vector<4x32xf32>
    %dot_general3A = arith.constant dense<0.000000e+00> : vector<16384x4xf32>
    %dot_general3A_5 = tpu.matmul %get3A_1, %get3A_4, %dot_general3A {dimension_numbers = #tpu.dot_dimension_numbers<[1], [1], [0], [0], [0, 0, 1, 0], [], []>, transpose_lhs_hint = false} : vector<16384x32xf32>, vector<4x32xf32>, vector<16384x4xf32> -> vector<16384x4xf32>
    %mul3A = arith.constant 2.000000e-02 : f32
    %mul3A_6 = vector.broadcast %mul3A : f32 to vector<16384x4xf32>
    %mul3A_7 = arith.mulf %dot_general3A_5, %mul3A_6 : vector<16384x4xf32>
    %get3A_8 = arith.constant 0 : index
    %get3A_9 = arith.constant 0 : index
    %get3A_10 = vector.load %arg2[%get3A_8, %get3A_9] : memref<1x4xf32, #tpu.memory_space<vmem>>, vector<1x4xf32>
    %add3A = vector.broadcast %get3A_10 : vector<1x4xf32> to vector<16384x4xf32>
    %add3A_11 = arith.addf %mul3A_7, %add3A : vector<16384x4xf32>
    %swap3A = arith.constant 0 : index
    %swap3A_12 = arith.constant 0 : index
    %swap3A_13 = vector.load %arg3[%swap3A, %swap3A_12] : memref<16384x4xf32, #tpu.memory_space<vmem>>, vector<16384x4xf32>
    tpu.vector_store %arg3[%swap3A, %swap3A_12], %add3A_11 {strides = array<i32>} : memref<16384x4xf32, #tpu.memory_space<vmem>>, vector<16384x4xf32>,
    return
  }
}

</mosaic_0001>

<sc_bundles>
// kernel: kernel.5.cloned.1.call-start
scs
__scs_entry_jumppad:
0x0: {  	(pc) =	sbr.rel $0x88, $3  }
0x1: {  	(tag) =	ssettag $0x0;
	lr =	simm.s32 $0x1  }
0x2: {  	[smem:$0x3F9D] =	sst lr;
	_ =	strace $0xD0000000  }
0x3: {  	_ = 	snop  }
0x4: {  	_ = 	snop  }
0x5: {  	_ = 	snop  }
0x6: {  	_ = 	snop  }
0x7: {  	_ = 	snop  }
__scs_overlays_trampoline_lowered:
0x8: {  	[smem:$0x3FAC] =	sst s0  }
0x9: {  	[smem:$0x3FAD] =	sst s1  }
0xa: {  	[smem:$0x3FAE] =	sst s2  }
0xb: {  	[smem:$0x3FAF] =	sst s3  }
0xc: {  	[smem:$0x3FB0] =	sst s4  }
0xd: {  	[smem:$0x3FB1] =	sst s5  }
0xe: {  	[smem:$0x3FB2] =	sst s6  }
0xf: {  	[smem:$0x3FB3] =	sst s7  }
0x10: {  	[smem:$0x3FB4] =	sst s8  }
0x11: {  	[smem:$0x3FB5] =	sst s9;
	s0 =	simm.s32 @!p0 $0x0  }
0x12: {  	s1 =	sld [smem:$0x3F9B];
	s0 =	simm.s32 @p0 $0x1  }
0x13: {  	[smem:$0x3FB6] =	sst s0;
	s0 =	simm.s32 @!p1 $0x0  }
0x14: {  	s2 =	sld [smem:$0x3F9A];
	s0 =	simm.s32 @p1 $0x1  }
0x15: {  	[smem:$0x3FB7] =	sst s0;
	s0 =	simm.s32 @!p2 $0x0  }
0x16: {  	s3 =	sld [smem:$0x3FDB];
	s0 =	simm.s32 @p2 $0x1  }
0x17: {  	s4 =	simm.s32 $0x1BF5;
	[smem:$0x3FB9] =	sst s0  }
0x18: {  	s0 =	sld [smem:$0x3F9C];
	_ =	swait.ge [sflag:s4], $0x0  }
0x19: {  	s7 =	sld [smem:$0x3F9D]  }
0x1a: {  	s8 =	sadd.s32 $0xFFFFE003, lr  }
0x1b: {  	s9 =	sadd.s32 $0xFFFFFEF7, lr;
	s5 =	simm.s32 $0xFFFFFFFF;
	p2 =	slt.u32 s8, $0xFFFFF086  }
0x1c: {  	p1 =	slt.u32 s9, $0xF7A;
	s5 =	simm.s32 @!p2 $0x0  }
0x1d: {  	s5 =	simm.s32 @p1 $0x1;
	p0 =	seq.s32 s7, s2  }
0x1e: {  	s7 =	smul.u32 @!p0 $0xF7A, s2;
	p2 =	seq.s32 @!p0 s5, $0x0  }
0x1f: {  	s9 =	smul.u32 $0xF7A, s1;
	s8 =	simm.s32 @!p0 $0x1BF5;
	p2 =	por !p2, p0  }
0x20: {  	[sflag:s8] =	ssyncset.s32 @!p0 $0xFFFFF086;
	s6 =	sadd.s32 @!p0 s3, s7;
	s7 =	simm.s32 @!p0 $0x108  }
0x21: {  	s3 =	sadd.s32 s3, s9;
	s6 =	sadd.s32 @!p0 $0x88, s6;
	s7 =	simm.s32 @p2 $0x1082  }
0x22: {  	[simem:s7], [sflag:s8] =	dma.local @!p0 [hbm:s6], $0xF7A  }
0x23: {  	s9 =	sor.u32 $0xD0000000, s2;
	s6 =	simm.s32 $0x108;
	_ =	swait.ge @!p0 [sflag:s8], $0x0  }
0x24: {  	s3 =	sadd.s32 $0x88, s3;
	s6 =	simm.s32 @!p1 $0x1082;
	[sflag:s4] =	ssyncset.s32 $0xFFFFF086  }
0x25: {  	[simem:s6], [sflag:s4] =	dma.local [hbm:s3], $0xF7A  }
0x26: {  	[smem:$0x3F9D] =	sst s1;
	(tag) =	ssettag s2;
	_ =	strace s9  }
0x27: {  	s1 =	sld [smem:$0x3FAD]  }
0x28: {  	s2 =	sld [smem:$0x3FAE]  }
0x29: {  	s4 =	sld [smem:$0x3FB0]  }
0x2a: {  	p0 =	seq.s32 s5, $0x0;
	s5 =	sld [smem:$0x3FB1]  }
0x2b: {  	s6 =	sld [smem:$0x3FB2]  }
0x2c: {  	s7 =	sld [smem:$0x3FB3]  }
0x2d: {  	s3 =	simm.s32 $0x108;
	s8 =	sld [smem:$0x3FB4]  }
0x2e: {  	s3 =	simm.s32 @!p0 $0x1082;
	s9 =	sld [smem:$0x3FB5]  }
0x2f: {  	lr =	sadd.s32 s0, s3;
	s0 =	sld [smem:$0x3FAC]  }
0x30: {  	s3 =	sld [smem:$0x3FAF]  }
0x31: {  	[smem:$0x3FB8] =	sst s10  }
0x32: {  	s10 =	sld [smem:$0x3FB6];
	_ =	sdelay $0x3  }
0x33: {  	p0 =	seq.s32 s10, $0x1;
	s10 =	sld [smem:$0x3FB8];
	_ =	sdelay $0x3  }
0x34: {  	[smem:$0x3FB8] =	sst s10  }
0x35: {  	s10 =	sld [smem:$0x3FB7];
	_ =	sdelay $0x3  }
0x36: {  	p1 =	seq.s32 s10, $0x1;
	s10 =	sld [smem:$0x3FB8];
	_ =	sdelay $0x3  }
0x37: {  	[smem:$0x3FB8] =	sst s10  }
0x38: {  	s10 =	sld [smem:$0x3FB9]  }
0x39: {  	_ = 	snop;
	(pc) =	sbr.ind lr, $3  }
0x3a: {  	_ = 	snop  }
0x3b: {  	_ = 	snop  }
0x3c: {  	p2 =	seq.s32 s10, $0x1;
	s10 =	sld [smem:$0x3FB8]  }
0x3d: {  	_ =	shalt  }
0x3e: {  	_ =	shalt  }
0x3f: {  	_ =	shalt  }
0x40: {  	_ =	shalt  }
0x41: {  	_ =	shalt  }
0x42: {  	_ =	shalt  }
0x43: {  	_ =	shalt  }
0x44: {  	_ =	shalt  }
0x45: {  	_ =	shalt  }
0x46: {  	_ =	shalt  }
0x47: {  	_ =	shalt  }
0x48: {  	_ =	shalt  }
0x49: {  	_ =	shalt  }
0x4a: {  	_ =	shalt  }
0x4b: {  	_ =	shalt  }
0x4c: {  	_ =	shalt  }
0x4d: {  	_ =	shalt  }
0x4e: {  	_ =	shalt  }
0x4f: {  	_ =	shalt  }
0x50: {  	_ =	shalt  }
0x51: {  	_ =	shalt  }
0x52: {  	_ =	shalt  }
0x53: {  	_ =	shalt  }
0x54: {  	_ =	shalt  }
0x55: {  	_ =	shalt  }
0x56: {  	_ =	shalt  }
0x57: {  	_ =	shalt  }
0x58: {  	_ =	shalt  }
0x59: {  	_ =	shalt  }
0x5a: {  	_ =	shalt  }
0x5b: {  	_ =	shalt  }
0x5c: {  	_ =	shalt  }
0x5d: {  	_ =	shalt  }
0x5e: {  	_ =	shalt  }
0x5f: {  	_ =	shalt  }
0x60: {  	_ =	shalt  }
0x61: {  	_ =	shalt  }
0x62: {  	_ =	shalt  }
0x63: {  	_ =	shalt  }
0x64: {  	_ =	shalt  }
0x65: {  	_ =	shalt  }
0x66: {  	_ =	shalt  }
0x67: {  	_ =	shalt  }
0x68: {  	_ =	shalt  }
0x69: {  	_ =	shalt  }
0x6a: {  	_ =	shalt  }
0x6b: {  	_ =	shalt  }
0x6c: {  	_ =	shalt  }
0x6d: {  	_ =	shalt  }
0x6e: {  	_ =	shalt  }
0x6f: {  	_ =	shalt  }
0x70: {  	_ =	shalt  }
0x71: {  	_ =	shalt  }
0x72: {  	_ =	shalt  }
0x73: {  	_ =	shalt  }
0x74: {  	_ =	shalt  }
0x75: {  	_ =	shalt  }
0x76: {  	_ =	shalt  }
0x77: {  	_ =	shalt  }
0x78: {  	_ =	shalt  }
0x79: {  	_ =	shalt  }
0x7a: {  	_ =	shalt  }
0x7b: {  	_ =	shalt  }
0x7c: {  	_ =	shalt  }
0x7d: {  	_ =	shalt  }
0x7e: {  	_ =	shalt  }
0x7f: {  	_ =	shalt  }
0x80: {  	_ =	shalt  }
0x81: {  	_ =	shalt  }
0x82: {  	_ =	shalt  }
0x83: {  	_ =	shalt  }
0x84: {  	_ =	shalt  }
0x85: {  	_ =	shalt  }
0x86: {  	_ =	shalt  }
0x87: {  	_ =	shalt  }
.Lfunc_end0:
.L_simem_size_0:
called_computation_lowered:
.L_overlay_start_0:
0x88: {  	s2 =	sld [smem:$0x3FD9]  }
0x89: {  	s3 =	sld [smem:$0x3FFE];
	_ =	sdelay $0x1  }
0x8a: {  	s1 =	srdreg.scid  }
0x8b: {  	s0 =	sand.u32 $0x1, s1  }
0x8c: {  	s16 =	sshll.u32 s0, $0xA;
	s2 =	sadd.s32 s3, s2  }
0x8d: {  	s2 =	sadd.s32 s2, s16  }
0x8e: {  	[smem:$0x3FC4] =	sst s2  }
0x8f: {  	_ = 	snop  }
0x90: {  	(tm) =	ssettm $0x1  }
0x91: {  	s17 =	sld [smem:$0x3FFB];
	_ =	sdelay $0x3  }
0x92: {  	_ =	strace s17  }
0x93: {  	s2 =	sld [smem:$0x3FFC];
	_ =	sdelay $0x3  }
0x94: {  	_ =	strace s2  }
0x95: {  	s2 =	sld [smem:$0x3FFD];
	_ =	sdelay $0x3  }
0x96: {  	_ =	strace s2  }
0x97: {  	_ =	strace $0x8FFFFFFF  }
0x98: {  	s18 =	sld [smem:$0x3FDB];
	_ =	sdelay $0x1  }
0x99: {  	s19 =	simm.s32 $_scs_section_size  }
0x9a: {  	s4 =	simm.s32 $_size__tile_overlayer_lowered;
	s5 =	simm.s32 $_tile_overlayer_lowered  }
0x9b: {  	s22 =	simm.s32 $0x1BFF;
	s21 =	sshll.u32 s5, $0x1;
	s2 =	sadd.s32 s19, s18  }
0x9c: {  	s6 =	simm.s32 $0x0;
	s20 =	sshll.u32 s4, $0x1;
	s4 =	sadd.s32 s21, s2  }
0x9d: {  	[timem:s6], [sflag:s22] =	dma.local [hbm:s4], s20  }
0x9e: {  	_ =	swait.ge [sflag:s22], s20  }
0x9f: {  	s3 =	ssub.s32 $0x0, s20;
	[sflag:s22] =	ssyncset.done $0x0  }
0xa0: {  	[sflag:s22] =	ssyncadd.s32 s3;
	_ =	sdelay $0x1  }
0xa1: {  	s23 =	simm.s32 $0x1B8B  }
0xa2: {  	_ =	swait.ge [sflag:s23], $0x1  }
0xa3: {  	[sflag:s23] =	ssyncset.done $0x0  }
0xa4: {  	s25 =	simm.s32 $0x1B8E;
	s24 =	sld [smem:$0x3FFE];
	[sflag:s23] =	ssyncadd.s32 $0xFFFFFFFF  }
0xa5: {  	s26 =	simm.s32 $execute0_lowered;
	[smem:$0x3FD2] =	sst s25  }
0xa6: {  	s4 =	sshll.u32 s26, $0x1;
	_ =	strace $0x80000046;
	[dreg:$0x1] =	wrdreg $0xFFFFFFFF  }
0xa7: {  	s28 =	simm.s32 $_size_execute0_lowered;
	s2 =	sadd.s32 s2, s4;
	[dreg:$0x0] =	wrdreg $0x0  }
0xa8: {  	s4 =	sshll.u32 s28, $0x1;
	[dreg:$0x2] =	wrdreg s2  }
0xa9: {  	[dreg:$0x3] =	wrdreg s4  }
0xaa: {  	[dreg:$0x4] =	wrdreg $0xC0  }
0xab: {  	_ =	task [dreg:s6], $0x5FFFF  }
0xac: {  	[dreg:$0x1] =	wrdreg $0xFFFFFFFF  }
0xad: {  	[dreg:$0x0] =	wrdreg $0x60  }
0xae: {  	[dreg:$0x2] =	wrdreg s24  }
0xaf: {  	[dreg:$0x3] =	wrdreg $0x9  }
0xb0: {  	_ =	task.clear_ibuf [dreg:s6], $0x4FFFF;
	_ =	strace $0x90000046  }
0xb1: {  	s29 =	simm.s32 $0x9;
	_ =	strace $0x80000048  }
0xb2: {  	_ =	swait.ge [sflag:s29], $0x1  }
0xb3: {  	[sflag:s29] =	ssyncadd.s32 $0xFFFFFFFF  }
0xb4: {  	_ =	strace $0x90000048  }
0xb5: {  	_ =	sfence  }
0xb6: {  	s30 =	sld [smem:$0x0];
	_ =	sdelay $0x2  }
0xb7: {  	s31 =	sshll.u32 s1, $0xD;
	s1 =	sshrl.u32 s1, $0x2  }
0xb8: {  	s3 =	sand.u32 $0x4000, s31;
	s1 =	sadd.s32 s1, s30  }
0xb9: {  	s0 =	sor.u32 s3, s0;
	s1 =	sshll.u32 s1, $0x11  }
0xba: {  	s0 =	sor.u32 s1, s0  }
0xbb: {  	s0 =	sadd.s32 $0x8F2B, s0  }
0xbc: {  	[sflag:s0] =	ssyncadd.remote.s32 $0x1  }
0xbd: {  	_ =	sfence.sel $0xFFFF  }
0xbe: {  	[dreg:$0x0] =	wrdreg $0xFFFFFFFF;
	(pc) =	sbr.abs _section_cstart, $3  }
0xbf: {  	[dreg:$0x1] =	wrdreg $0xFFFFFFFF  }
0xc0: {  	_ =	task.clear_ibuf [dreg:s6], $0x2FFFF;
	_ =	strace $0x9FFFFFFF  }
0xc1: {  	(tm) =	ssettm $0x7FFFFFFF  }
tec
execute0_lowered:
.L_overlay_start_1:
0x0: {  	(tag) =	ssettag $0x1  }
0x1: {  	s0 =	srdreg.scid  }
0x2: {  	s1 =	stileid.u32;
	s3 =	rddreg [dreg:$0x0]  }
0x3: {  	s2 =	simm.s32 $0x0;
	s8 =	simm.s32 $0x3;
	s9 =	simm.s32 $0x640  }
0x4: {  	s10 =	simm.s32 $0xC80;
	s0 =	sand.u32 $0x1, s0;
	s1 =	sshll.u32 s1, $0x1  }
0x5: {  	[smem:$0x7FF] =	sst s2;
	s1 =	sor.u32 s0, s1;
	s5 =	ssub.s32 $0x2, s0  }
0x6: {  	s4 =	smul.u32 $0x6400, s1;
	s1 =	sshll.u32 s1, $0xB;
	s7 =	sshrl.u32 s5, $0x1  }
0x7: {  	_ =	strace $0x80000047;
	s6 =	sadd.s32 s1, s3;
	s7 =	ssub.s32 s5, s7  }
0x8: {  	s4 =	sshrl.u32 s4, $0x3;
	s12 =	sadd.s32 $0x3EA200, s6;
	s15 =	sadd.s32 $0x3EA280, s6  }
0x9: {  	s17 =	sadd.s32 $0x3EA300, s6;
	s19 =	sadd.s32 $0x3EA380, s6;
	[dreg:$0x3] =	wrdreg s12  }
0xa: {  	s28 =	sadd.s32 $0x3EA580, s6;
	s29 =	sadd.s32 $0x3EA600, s6;
	[dreg:$0x6] =	wrdreg s15  }
0xb: {  	s30 =	sadd.s32 $0x3EA680, s6;
	s4 =	sadd.s32 s4, s3;
	[dreg:$0x8] =	wrdreg s17  }
0xc: {  	s31 =	sadd.s32 $0x3EA700, s6;
	[dreg:$0xa] =	wrdreg s19;
	s11 =	sadd.s32 $0x800, s4  }
0xd: {  	s1 =	sadd.s32 $0x3EA780, s6;
	s13 =	sadd.s32 $0x8C8, s4;
	[dreg:$0x2] =	wrdreg s11  }
0xe: {  	s0 =	sadd.s32 $0x3EA800, s6;
	s14 =	sadd.s32 $0x990, s4;
	[dreg:$0x4] =	wrdreg s13  }
0xf: {  	s5 =	sadd.s32 $0x3EA900, s6;
	s16 =	sadd.s32 $0xA58, s4;
	[dreg:$0x5] =	wrdreg s14  }
0x10: {  	s7 =	smax.u32 s7, $0x1;
	s20 =	sadd.s32 $0xBE8, s4;
	[dreg:$0x7] =	wrdreg s16  }
0x11: {  	s3 =	sadd.s32 $0x19800, s3;
	s21 =	sadd.s32 $0xCB0, s4;
	[dreg:$0xb] =	wrdreg s20  }
0x12: {  	s12 =	simm.s32 $0x1;
	s22 =	sadd.s32 $0xD78, s4;
	[dreg:$0xc] =	wrdreg s21  }
0x13: {  	s15 =	simm.s32 $0x0;
	s23 =	sadd.s32 $0xE40, s4;
	[dreg:$0xd] =	wrdreg s22  }
0x14: {  	s18 =	sadd.s32 $0xB20, s4;
	s24 =	sadd.s32 $0xF08, s4;
	[dreg:$0xe] =	wrdreg s23  }
0x15: {  	s25 =	sadd.s32 $0xFD0, s4;
	s26 =	sadd.s32 $0x1098, s4;
	[dreg:$0xf] =	wrdreg s24  }
0x16: {  	[dreg:$0x10] =	wrdreg s25;
	s20 =	sadd.s32 $0x1160, s4;
	s21 =	sadd.s32 $0x1228, s4  }
0x17: {  	s22 =	sadd.s32 $0x12F0, s4;
	s23 =	sadd.s32 $0x13B8, s4;
	s24 =	sadd.s32 $0x3EA400, s6  }
0x18: {  	[dreg:$0x11] =	wrdreg s26;
	s25 =	sadd.s32 $0x3EA480, s6;
	s26 =	sadd.s32 $0x3EA500, s6  }
0x19: {  	[dreg:$0x9] =	wrdreg s18;
	s4 =	sadd.s32 $0x3EA880, s6;
	s6 =	sadd.s32 $0x3EA980, s6  }
0x1a: {  	s11 =	simm.s32 $0xD480;
	s13 =	simm.s32 $0x19C80;
	s14 =	simm.s32 $0x2  }
.LBB2_1:
0x1b: {  	s16 =	rddreg [dreg:$0x2]  }
0x1c: {  	[tilespmem:s2], [sflag:$0x3] =	stream.linear.gather [hbm4b:s16+s2], $0x640, $0x38;
	[tilespmem:$0x1A080] =	vst v63  }
0x1d: {  	_ =	swait.ge [sflag:s8], $0x640  }
0x1e: {  	[sflag:s8] =	ssyncset.done $0x0  }
0x1f: {  	[sflag:s8] =	ssyncadd.s32 $0xFFFFF9C0  }
0x20: {  	[tilespmem:s10], [sflag:$0x1] =	stream.indirect.gather [hbm4b:s3+s9], $0x20, s2, s9, $0xb8;
	[tilespmem:$0x1A080] =	vst v63  }
0x21: {  	s19 =	rddreg [dreg:$0x4]  }
0x22: {  	[tilespmem:s9], [sflag:$0x3] =	stream.linear.gather [hbm4b:s19+s2], $0x640, $0x38;
	[tilespmem:$0x1A080] =	vst v63  }
0x23: {  	_ =	swait.ge [sflag:s8], $0x640  }
0x24: {  	[sflag:s8] =	ssyncset.done $0x0  }
0x25: {  	[sflag:s8] =	ssyncadd.s32 $0xFFFFF9C0  }
0x26: {  	[tilespmem:s11], [sflag:$0x2] =	stream.indirect.gather [hbm4b:s3+s9], $0x20, s9, s9, $0xb8;
	[tilespmem:$0x1A080] =	vst v63  }
0x27: {  	_ =	swait.ge [sflag:s12], $0xC800  }
0x28: {  	[sflag:s12] =	ssyncset.done $0x0  }
0x29: {  	s17 =	simm.s32 $0x0;
	s16 =	simm.s32 $0xD20;
	[sflag:s12] =	ssyncadd.s32 $0xFFFF3800  }
.LBB2_2:
0x2a: {  	v0 =	vld [tilespmem:s16+$0xFFFFFF60]  }
0x2b: {  	v1 =	vld [tilespmem:s16+$0xFFFFFF70]  }
0x2c: {  	v2 =	vld [tilespmem:s16+$0xFFFFFF80]  }
0x2d: {  	v3 =	vld [tilespmem:s16+$0xFFFFFF90]  }
0x2e: {  	v4 =	vld [tilespmem:s16+$0xFFFFFFA0]  }
0x2f: {  	v5 =	vld [tilespmem:s16+$0xFFFFFFB0];
	v6 =	vimm.f32 $0.0e+00  }
0x30: {  	v7 =	vld [tilespmem:s16+$0xFFFFFFC0];
	v0 =	vadd.f32 v0, v6;
	v1 =	vadd.f32 v1, v6  }
0x31: {  	v6 =	vld [tilespmem:s16+$0xFFFFFFD0]  }
0x32: {  	v8 =	vld [tilespmem:s16+$0xFFFFFFE0];
	v0 =	vadd.f32 v2, v0;
	v1 =	vadd.f32 v3, v1  }
0x33: {  	v2 =	vld [tilespmem:s16+$0xFFFFFFF0]  }
0x34: {  	v9 =	vld [tilespmem:s16+$0x0];
	v0 =	vadd.f32 v4, v0;
	v1 =	vadd.f32 v5, v1  }
0x35: {  	v4 =	vld [tilespmem:s16+$0x10]  }
0x36: {  	v5 =	vld [tilespmem:s16+$0x20];
	v3 =	vadd.f32 v7, v0;
	v1 =	vadd.f32 v6, v1  }
0x37: {  	v7 =	vld [tilespmem:s16+$0x30]  }
0x38: {  	v0 =	vld [tilespmem:s16+$0x40];
	v6 =	vadd.f32 v8, v3;
	v2 =	vadd.f32 v2, v1  }
0x39: {  	v3 =	vld [tilespmem:s16+$0x50]  }
0x3a: {  	v1 =	vld [tilespmem:s16+$0x60];
	v6 =	vadd.f32 v9, v6;
	v8 =	vadd.f32 v4, v2  }
0x3b: {  	v4 =	vld [tilespmem:s16+$0x70]  }
0x3c: {  	v2 =	vld [tilespmem:s16+$0x80];
	v6 =	vadd.f32 v5, v6;
	v7 =	vadd.f32 v7, v8  }
0x3d: {  	s18 =	simm.s32 $0x0;
	s19 =	sadd.s32 $0x140, s16;
	v5 =	vld [tilespmem:s16+$0x90]  }
.LBB2_3:
0x3e: {  	v8 =	vld [tilespmem:s19+$0xFFFFFF60];
	v0 =	vadd.f32 v0, v6;
	v3 =	vadd.f32 v3, v7  }
0x3f: {  	s18 =	sadd.s32 $0xA, s18;
	v6 =	vld [tilespmem:s19+$0xFFFFFF70]  }
0x40: {  	p0 =	slt.u32 s18, $0x28;
	v7 =	vld [tilespmem:s19+$0xFFFFFF80];
	v0 =	vadd.f32 v1, v0;
	v1 =	vadd.f32 v4, v3  }
0x41: {  	v3 =	vld [tilespmem:s19+$0xFFFFFF90]  }
0x42: {  	v4 =	vld [tilespmem:s19+$0xFFFFFFA0];
	v0 =	vadd.f32 v2, v0;
	v1 =	vadd.f32 v5, v1  }
0x43: {  	v2 =	vld [tilespmem:s19+$0xFFFFFFB0]  }
0x44: {  	v0 =	vadd.f32 v8, v0;
	v1 =	vadd.f32 v6, v1;
	v5 =	vld [tilespmem:s19+$0xFFFFFFC0]  }
0x45: {  	v6 =	vld [tilespmem:s19+$0xFFFFFFD0]  }
0x46: {  	v0 =	vadd.f32 v7, v0;
	v1 =	vadd.f32 v3, v1;
	v3 =	vld [tilespmem:s19+$0xFFFFFFE0]  }
0x47: {  	v7 =	vld [tilespmem:s19+$0xFFFFFFF0]  }
0x48: {  	v0 =	vadd.f32 v4, v0;
	v1 =	vadd.f32 v2, v1;
	v2 =	vld [tilespmem:s19+$0x0]  }
0x49: {  	v4 =	vld [tilespmem:s19+$0x10]  }
0x4a: {  	v0 =	vadd.f32 v5, v0;
	v1 =	vadd.f32 v6, v1;
	v5 =	vld [tilespmem:s19+$0x20]  }
0x4b: {  	v8 =	vld [tilespmem:s19+$0x30]  }
0x4c: {  	v6 =	vadd.f32 v3, v0;
	v1 =	vadd.f32 v7, v1;
	v0 =	vld [tilespmem:s19+$0x40]  }
.Ltmp0:
0x4d: {  	v3 =	vld [tilespmem:s19+$0x50];
	(pc) =	sbr.rel @p0 .LBB2_3-.Ltmp0, $4  }
0x4e: {  	v2 =	vadd.f32 v2, v6;
	v7 =	vadd.f32 v4, v1;
	v1 =	vld [tilespmem:s19+$0x60]  }
0x4f: {  	v4 =	vld [tilespmem:s19+$0x70]  }
0x50: {  	v6 =	vadd.f32 v5, v2;
	v7 =	vadd.f32 v8, v7;
	v2 =	vld [tilespmem:s19+$0x80]  }
0x51: {  	v5 =	vld [tilespmem:s19+$0x90];
	s19 =	sadd.s32 $0x140, s19  }
0x52: {  	v0 =	vadd.f32 v0, v6  }
0x53: {  	v3 =	vadd.f32 v3, v7;
	s18 =	sshll.u32 s17, $0x5;
	s17 =	sadd.s32 $0x1, s17  }
0x54: {  	p0 =	sne.s32 s17, $0x20;
	v0 =	vadd.f32 v1, v0  }
.Ltmp1:
0x55: {  	v63 =	vadd.f32 v4, v3;
	(pc) =	sbr.rel @p0 .LBB2_2-.Ltmp1, $4  }
0x56: {  	v0 =	vadd.f32 v2, v0  }
0x57: {  	s18 =	sand.u32 $0x3FFFFFE0, s18;
	v1 =	vadd.f32 v5, v63  }
0x58: {  	[tilespmem:s18+$0x19C80] =	vst v0  }
0x59: {  	s16 =	sadd.s32 $0x640, s16;
	[tilespmem:s18+$0x19C90] =	vst v1  }
0x5a: {  	s16 =	simm.s32 $0x0;
	s17 =	rddreg [dreg:$0x3]  }
0x5b: {  	[hbm4b:s17+s16] =	stream.linear.scatter [tilespmem:s13], [sflag:$0x3], $0x400, $0x38;
	[tilespmem:$0x1A080] =	vst v63  }
0x5c: {  	_ =	swait.ge [sflag:s8], $0x400  }
0x5d: {  	[sflag:s8] =	ssyncset.done $0x0  }
0x5e: {  	s19 =	rddreg [dreg:$0x5];
	[sflag:s8] =	ssyncadd.s32 $0xFFFFFC00  }
0x5f: {  	[tilespmem:s16], [sflag:$0x3] =	stream.linear.gather [hbm4b:s19+s16], $0x640, $0x38;
	[tilespmem:$0x1A080] =	vst v63  }
0x60: {  	_ =	swait.ge [sflag:s8], $0x640  }
0x61: {  	[sflag:s8] =	ssyncset.done $0x0  }
0x62: {  	[sflag:s8] =	ssyncadd.s32 $0xFFFFF9C0  }
0x63: {  	[tilespmem:s10], [sflag:$0x1] =	stream.indirect.gather [hbm4b:s3+s9], $0x20, s16, s9, $0xb8;
	[tilespmem:$0x1A080] =	vst v63  }
0x64: {  	_ =	swait.ge [sflag:s14], $0xC800  }
0x65: {  	[sflag:s14] =	ssyncset.done $0x0  }
0x66: {  	s17 =	simm.s32 $0xD520;
	[sflag:s14] =	ssyncadd.s32 $0xFFFF3800  }
.LBB2_6:
0x67: {  	v0 =	vld [tilespmem:s17+$0xFFFFFF60]  }
0x68: {  	v1 =	vld [tilespmem:s17+$0xFFFFFF70]  }
0x69: {  	v2 =	vld [tilespmem:s17+$0xFFFFFF80]  }
0x6a: {  	v3 =	vld [tilespmem:s17+$0xFFFFFF90]  }
0x6b: {  	v4 =	vld [tilespmem:s17+$0xFFFFFFA0]  }
0x6c: {  	v5 =	vld [tilespmem:s17+$0xFFFFFFB0];
	v6 =	vimm.f32 $0.0e+00  }
0x6d: {  	v7 =	vld [tilespmem:s17+$0xFFFFFFC0];
	v0 =	vadd.f32 v0, v6;
	v1 =	vadd.f32 v1, v6  }
0x6e: {  	v6 =	vld [tilespmem:s17+$0xFFFFFFD0]  }
0x6f: {  	v8 =	vld [tilespmem:s17+$0xFFFFFFE0];
	v0 =	vadd.f32 v2, v0;
	v1 =	vadd.f32 v3, v1  }
0x70: {  	v2 =	vld [tilespmem:s17+$0xFFFFFFF0]  }
0x71: {  	v9 =	vld [tilespmem:s17+$0x0];
	v0 =	vadd.f32 v4, v0;
	v1 =	vadd.f32 v5, v1  }
0x72: {  	v4 =	vld [tilespmem:s17+$0x10]  }
0x73: {  	v5 =	vld [tilespmem:s17+$0x20];
	v3 =	vadd.f32 v7, v0;
	v1 =	vadd.f32 v6, v1  }
0x74: {  	v7 =	vld [tilespmem:s17+$0x30]  }
0x75: {  	v0 =	vld [tilespmem:s17+$0x40];
	v6 =	vadd.f32 v8, v3;
	v2 =	vadd.f32 v2, v1  }
0x76: {  	v3 =	vld [tilespmem:s17+$0x50]  }
0x77: {  	v1 =	vld [tilespmem:s17+$0x60];
	v6 =	vadd.f32 v9, v6;
	v8 =	vadd.f32 v4, v2  }
0x78: {  	v4 =	vld [tilespmem:s17+$0x70]  }
0x79: {  	v2 =	vld [tilespmem:s17+$0x80];
	v6 =	vadd.f32 v5, v6;
	v7 =	vadd.f32 v7, v8  }
0x7a: {  	s18 =	simm.s32 $0x0;
	s19 =	sadd.s32 $0x140, s17;
	v5 =	vld [tilespmem:s17+$0x90]  }
.LBB2_7:
0x7b: {  	v8 =	vld [tilespmem:s19+$0xFFFFFF60];
	v0 =	vadd.f32 v0, v6;
	v3 =	vadd.f32 v3, v7  }
0x7c: {  	s18 =	sadd.s32 $0xA, s18;
	v6 =	vld [tilespmem:s19+$0xFFFFFF70]  }
0x7d: {  	p0 =	slt.u32 s18, $0x28;
	v7 =	vld [tilespmem:s19+$0xFFFFFF80];
	v0 =	vadd.f32 v1, v0;
	v1 =	vadd.f32 v4, v3  }
0x7e: {  	v3 =	vld [tilespmem:s19+$0xFFFFFF90]  }
0x7f: {  	v4 =	vld [tilespmem:s19+$0xFFFFFFA0];
	v0 =	vadd.f32 v2, v0;
	v1 =	vadd.f32 v5, v1  }
0x80: {  	v2 =	vld [tilespmem:s19+$0xFFFFFFB0]  }
0x81: {  	v0 =	vadd.f32 v8, v0;
	v1 =	vadd.f32 v6, v1;
	v5 =	vld [tilespmem:s19+$0xFFFFFFC0]  }
0x82: {  	v6 =	vld [tilespmem:s19+$0xFFFFFFD0]  }
0x83: {  	v0 =	vadd.f32 v7, v0;
	v1 =	vadd.f32 v3, v1;
	v3 =	vld [tilespmem:s19+$0xFFFFFFE0]  }
0x84: {  	v7 =	vld [tilespmem:s19+$0xFFFFFFF0]  }
0x85: {  	v0 =	vadd.f32 v4, v0;
	v1 =	vadd.f32 v2, v1;
	v2 =	vld [tilespmem:s19+$0x0]  }
0x86: {  	v4 =	vld [tilespmem:s19+$0x10]  }
0x87: {  	v0 =	vadd.f32 v5, v0;
	v1 =	vadd.f32 v6, v1;
	v5 =	vld [tilespmem:s19+$0x20]  }
0x88: {  	v8 =	vld [tilespmem:s19+$0x30]  }
0x89: {  	v6 =	vadd.f32 v3, v0;
	v1 =	vadd.f32 v7, v1;
	v0 =	vld [tilespmem:s19+$0x40]  }
.Ltmp2:
0x8a: {  	v3 =	vld [tilespmem:s19+$0x50];
	(pc) =	sbr.rel @p0 .LBB2_7-.Ltmp2, $4  }
0x8b: {  	v2 =	vadd.f32 v2, v6;
	v7 =	vadd.f32 v4, v1;
	v1 =	vld [tilespmem:s19+$0x60]  }
0x8c: {  	v4 =	vld [tilespmem:s19+$0x70]  }
0x8d: {  	v6 =	vadd.f32 v5, v2;
	v7 =	vadd.f32 v8, v7;
	v2 =	vld [tilespmem:s19+$0x80]  }
0x8e: {  	v5 =	vld [tilespmem:s19+$0x90];
	s19 =	sadd.s32 $0x140, s19  }
0x8f: {  	v0 =	vadd.f32 v0, v6  }
0x90: {  	v3 =	vadd.f32 v3, v7;
	s18 =	sshll.u32 s16, $0x5;
	s16 =	sadd.s32 $0x1, s16  }
0x91: {  	p0 =	sne.s32 s16, $0x20;
	v0 =	vadd.f32 v1, v0  }
.Ltmp3:
0x92: {  	v63 =	vadd.f32 v4, v3;
	(pc) =	sbr.rel @p0 .LBB2_6-.Ltmp3, $4  }
0x93: {  	v0 =	vadd.f32 v2, v0  }
0x94: {  	s18 =	sand.u32 $0x3FFFFFE0, s18;
	v1 =	vadd.f32 v5, v63  }
0x95: {  	[tilespmem:s18+$0x19C80] =	vst v0  }
0x96: {  	s17 =	sadd.s32 $0x640, s17;
	[tilespmem:s18+$0x19C90] =	vst v1  }
0x97: {  	s16 =	simm.s32 $0x0;
	s17 =	rddreg [dreg:$0x6]  }
0x98: {  	[hbm4b:s17+s16] =	stream.linear.scatter [tilespmem:s13], [sflag:$0x3], $0x400, $0x38;
	[tilespmem:$0x1A080] =	vst v63  }
0x99: {  	_ =	swait.ge [sflag:s8], $0x400  }
0x9a: {  	[sflag:s8] =	ssyncset.done $0x0  }
0x9b: {  	s19 =	rddreg [dreg:$0x7];
	[sflag:s8] =	ssyncadd.s32 $0xFFFFFC00  }
0x9c: {  	[tilespmem:s9], [sflag:$0x3] =	stream.linear.gather [hbm4b:s19+s16], $0x640, $0x38;
	[tilespmem:$0x1A080] =	vst v63  }
0x9d: {  	_ =	swait.ge [sflag:s8], $0x640  }
0x9e: {  	[sflag:s8] =	ssyncset.done $0x0  }
0x9f: {  	[sflag:s8] =	ssyncadd.s32 $0xFFFFF9C0  }
0xa0: {  	[tilespmem:s11], [sflag:$0x2] =	stream.indirect.gather [hbm4b:s3+s9], $0x20, s9, s9, $0xb8;
	[tilespmem:$0x1A080] =	vst v63  }
0xa1: {  	_ =	swait.ge [sflag:s12], $0xC800  }
0xa2: {  	[sflag:s12] =	ssyncset.done $0x0  }
0xa3: {  	s17 =	simm.s32 $0xD20;
	[sflag:s12] =	ssyncadd.s32 $0xFFFF3800  }
.LBB2_10:
0xa4: {  	v0 =	vld [tilespmem:s17+$0xFFFFFF60]  }
0xa5: {  	v1 =	vld [tilespmem:s17+$0xFFFFFF70]  }
0xa6: {  	v2 =	vld [tilespmem:s17+$0xFFFFFF80]  }
0xa7: {  	v3 =	vld [tilespmem:s17+$0xFFFFFF90]  }
0xa8: {  	v4 =	vld [tilespmem:s17+$0xFFFFFFA0]  }
0xa9: {  	v5 =	vld [tilespmem:s17+$0xFFFFFFB0];
	v6 =	vimm.f32 $0.0e+00  }
0xaa: {  	v7 =	vld [tilespmem:s17+$0xFFFFFFC0];
	v0 =	vadd.f32 v0, v6;
	v1 =	vadd.f32 v1, v6  }
0xab: {  	v6 =	vld [tilespmem:s17+$0xFFFFFFD0]  }
0xac: {  	v8 =	vld [tilespmem:s17+$0xFFFFFFE0];
	v0 =	vadd.f32 v2, v0;
	v1 =	vadd.f32 v3, v1  }
0xad: {  	v2 =	vld [tilespmem:s17+$0xFFFFFFF0]  }
0xae: {  	v9 =	vld [tilespmem:s17+$0x0];
	v0 =	vadd.f32 v4, v0;
	v1 =	vadd.f32 v5, v1  }
0xaf: {  	v4 =	vld [tilespmem:s17+$0x10]  }
0xb0: {  	v5 =	vld [tilespmem:s17+$0x20];
	v3 =	vadd.f32 v7, v0;
	v1 =	vadd.f32 v6, v1  }
0xb1: {  	v7 =	vld [tilespmem:s17+$0x30]  }
0xb2: {  	v0 =	vld [tilespmem:s17+$0x40];
	v6 =	vadd.f32 v8, v3;
	v2 =	vadd.f32 v2, v1  }
0xb3: {  	v3 =	vld [tilespmem:s17+$0x50]  }
0xb4: {  	v1 =	vld [tilespmem:s17+$0x60];
	v6 =	vadd.f32 v9, v6;
	v8 =	vadd.f32 v4, v2  }
0xb5: {  	v4 =	vld [tilespmem:s17+$0x70]  }
0xb6: {  	v2 =	vld [tilespmem:s17+$0x80];
	v6 =	vadd.f32 v5, v6;
	v7 =	vadd.f32 v7, v8  }
0xb7: {  	s18 =	simm.s32 $0x0;
	s19 =	sadd.s32 $0x140, s17;
	v5 =	vld [tilespmem:s17+$0x90]  }
.LBB2_11:
0xb8: {  	v8 =	vld [tilespmem:s19+$0xFFFFFF60];
	v0 =	vadd.f32 v0, v6;
	v3 =	vadd.f32 v3, v7  }
0xb9: {  	s18 =	sadd.s32 $0xA, s18;
	v6 =	vld [tilespmem:s19+$0xFFFFFF70]  }
0xba: {  	p0 =	slt.u32 s18, $0x28;
	v7 =	vld [tilespmem:s19+$0xFFFFFF80];
	v0 =	vadd.f32 v1, v0;
	v1 =	vadd.f32 v4, v3  }
0xbb: {  	v3 =	vld [tilespmem:s19+$0xFFFFFF90]  }
0xbc: {  	v4 =	vld [tilespmem:s19+$0xFFFFFFA0];
	v0 =	vadd.f32 v2, v0;
	v1 =	vadd.f32 v5, v1  }
0xbd: {  	v2 =	vld [tilespmem:s19+$0xFFFFFFB0]  }
0xbe: {  	v0 =	vadd.f32 v8, v0;
	v1 =	vadd.f32 v6, v1;
	v5 =	vld [tilespmem:s19+$0xFFFFFFC0]  }
0xbf: {  	v6 =	vld [tilespmem:s19+$0xFFFFFFD0]  }
0xc0: {  	v0 =	vadd.f32 v7, v0;
	v1 =	vadd.f32 v3, v1;
	v3 =	vld [tilespmem:s19+$0xFFFFFFE0]  }
0xc1: {  	v7 =	vld [tilespmem:s19+$0xFFFFFFF0]  }
0xc2: {  	v0 =	vadd.f32 v4, v0;
	v1 =	vadd.f32 v2, v1;
	v2 =	vld [tilespmem:s19+$0x0]  }
0xc3: {  	v4 =	vld [tilespmem:s19+$0x10]  }
0xc4: {  	v0 =	vadd.f32 v5, v0;
	v1 =	vadd.f32 v6, v1;
	v5 =	vld [tilespmem:s19+$0x20]  }
0xc5: {  	v8 =	vld [tilespmem:s19+$0x30]  }
0xc6: {  	v6 =	vadd.f32 v3, v0;
	v1 =	vadd.f32 v7, v1;
	v0 =	vld [tilespmem:s19+$0x40]  }
.Ltmp4:
0xc7: {  	v3 =	vld [tilespmem:s19+$0x50];
	(pc) =	sbr.rel @p0 .LBB2_11-.Ltmp4, $4  }
0xc8: {  	v2 =	vadd.f32 v2, v6;
	v7 =	vadd.f32 v4, v1;
	v1 =	vld [tilespmem:s19+$0x60]  }
0xc9: {  	v4 =	vld [tilespmem:s19+$0x70]  }
0xca: {  	v6 =	vadd.f32 v5, v2;
	v7 =	vadd.f32 v8, v7;
	v2 =	vld [tilespmem:s19+$0x80]  }
0xcb: {  	v5 =	vld [tilespmem:s19+$0x90];
	s19 =	sadd.s32 $0x140, s19  }
0xcc: {  	v0 =	vadd.f32 v0, v6  }
0xcd: {  	v3 =	vadd.f32 v3, v7;
	s18 =	sshll.u32 s16, $0x5;
	s16 =	sadd.s32 $0x1, s16  }
0xce: {  	p0 =	sne.s32 s16, $0x20;
	v0 =	vadd.f32 v1, v0  }
.Ltmp5:
0xcf: {  	v63 =	vadd.f32 v4, v3;
	(pc) =	sbr.rel @p0 .LBB2_10-.Ltmp5, $4  }
0xd0: {  	v0 =	vadd.f32 v2, v0  }
0xd1: {  	s18 =	sand.u32 $0x3FFFFFE0, s18;
	v1 =	vadd.f32 v5, v63  }
0xd2: {  	[tilespmem:s18+$0x19C80] =	vst v0  }
0xd3: {  	s17 =	sadd.s32 $0x640, s17;
	[tilespmem:s18+$0x19C90] =	vst v1  }
0xd4: {  	s16 =	simm.s32 $0x0;
	s17 =	rddreg [dreg:$0x8]  }
0xd5: {  	[hbm4b:s17+s16] =	stream.linear.scatter [tilespmem:s13], [sflag:$0x3], $0x400, $0x38;
	[tilespmem:$0x1A080] =	vst v63  }
0xd6: {  	_ =	swait.ge [sflag:s8], $0x400  }
0xd7: {  	[sflag:s8] =	ssyncset.done $0x0  }
0xd8: {  	s19 =	rddreg [dreg:$0x9];
	[sflag:s8] =	ssyncadd.s32 $0xFFFFFC00  }
0xd9: {  	[tilespmem:s16], [sflag:$0x3] =	stream.linear.gather [hbm4b:s19+s16], $0x640, $0x38;
	[tilespmem:$0x1A080] =	vst v63  }
0xda: {  	_ =	swait.ge [sflag:s8], $0x640  }
0xdb: {  	[sflag:s8] =	ssyncset.done $0x0  }
0xdc: {  	[sflag:s8] =	ssyncadd.s32 $0xFFFFF9C0  }
0xdd: {  	[tilespmem:s10], [sflag:$0x1] =	stream.indirect.gather [hbm4b:s3+s9], $0x20, s16, s9, $0xb8;
	[tilespmem:$0x1A080] =	vst v63  }
0xde: {  	_ =	swait.ge [sflag:s14], $0xC800  }
0xdf: {  	[sflag:s14] =	ssyncset.done $0x0  }
0xe0: {  	s17 =	simm.s32 $0xD520;
	[sflag:s14] =	ssyncadd.s32 $0xFFFF3800  }
.LBB2_14:
0xe1: {  	v0 =	vld [tilespmem:s17+$0xFFFFFF60]  }
0xe2: {  	v1 =	vld [tilespmem:s17+$0xFFFFFF70]  }
0xe3: {  	v2 =	vld [tilespmem:s17+$0xFFFFFF80]  }
0xe4: {  	v3 =	vld [tilespmem:s17+$0xFFFFFF90]  }
0xe5: {  	v4 =	vld [tilespmem:s17+$0xFFFFFFA0]  }
0xe6: {  	v5 =	vld [tilespmem:s17+$0xFFFFFFB0];
	v6 =	vimm.f32 $0.0e+00  }
0xe7: {  	v7 =	vld [tilespmem:s17+$0xFFFFFFC0];
	v0 =	vadd.f32 v0, v6;
	v1 =	vadd.f32 v1, v6  }
0xe8: {  	v6 =	vld [tilespmem:s17+$0xFFFFFFD0]  }
0xe9: {  	v8 =	vld [tilespmem:s17+$0xFFFFFFE0];
	v0 =	vadd.f32 v2, v0;
	v1 =	vadd.f32 v3, v1  }
0xea: {  	v2 =	vld [tilespmem:s17+$0xFFFFFFF0]  }
0xeb: {  	v9 =	vld [tilespmem:s17+$0x0];
	v0 =	vadd.f32 v4, v0;
	v1 =	vadd.f32 v5, v1  }
0xec: {  	v4 =	vld [tilespmem:s17+$0x10]  }
0xed: {  	v5 =	vld [tilespmem:s17+$0x20];
	v3 =	vadd.f32 v7, v0;
	v1 =	vadd.f32 v6, v1  }
0xee: {  	v7 =	vld [tilespmem:s17+$0x30]  }
0xef: {  	v0 =	vld [tilespmem:s17+$0x40];
	v6 =	vadd.f32 v8, v3;
	v2 =	vadd.f32 v2, v1  }
0xf0: {  	v3 =	vld [tilespmem:s17+$0x50]  }
0xf1: {  	v1 =	vld [tilespmem:s17+$0x60];
	v6 =	vadd.f32 v9, v6;
	v8 =	vadd.f32 v4, v2  }
0xf2: {  	v4 =	vld [tilespmem:s17+$0x70]  }
0xf3: {  	v2 =	vld [tilespmem:s17+$0x80];
	v6 =	vadd.f32 v5, v6;
	v7 =	vadd.f32 v7, v8  }
0xf4: {  	s18 =	simm.s32 $0x0;
	s19 =	sadd.s32 $0x140, s17;
	v5 =	vld [tilespmem:s17+$0x90]  }
.LBB2_15:
0xf5: {  	v8 =	vld [tilespmem:s19+$0xFFFFFF60];
	v0 =	vadd.f32 v0, v6;
	v3 =	vadd.f32 v3, v7  }
0xf6: {  	s18 =	sadd.s32 $0xA, s18;
	v6 =	vld [tilespmem:s19+$0xFFFFFF70]  }
0xf7: {  	p0 =	slt.u32 s18, $0x28;
	v7 =	vld [tilespmem:s19+$0xFFFFFF80];
	v0 =	vadd.f32 v1, v0;
	v1 =	vadd.f32 v4, v3  }
0xf8: {  	v3 =	vld [tilespmem:s19+$0xFFFFFF90]  }
0xf9: {  	v4 =	vld [tilespmem:s19+$0xFFFFFFA0];
	v0 =	vadd.f32 v2, v0;
	v1 =	vadd.f32 v5, v1  }
0xfa: {  	v2 =	vld [tilespmem:s19+$0xFFFFFFB0]  }
0xfb: {  	v0 =	vadd.f32 v8, v0;
	v1 =	vadd.f32 v6, v1;
	v5 =	vld [tilespmem:s19+$0xFFFFFFC0]  }
0xfc: {  	v6 =	vld [tilespmem:s19+$0xFFFFFFD0]  }
0xfd: {  	v0 =	vadd.f32 v7, v0;
	v1 =	vadd.f32 v3, v1;
	v3 =	vld [tilespmem:s19+$0xFFFFFFE0]  }
0xfe: {  	v7 =	vld [tilespmem:s19+$0xFFFFFFF0]  }
0xff: {  	v0 =	vadd.f32 v4, v0;
	v1 =	vadd.f32 v2, v1;
	v2 =	vld [tilespmem:s19+$0x0]  }
0x100: {  	v4 =	vld [tilespmem:s19+$0x10]  }
0x101: {  	v0 =	vadd.f32 v5, v0;
	v1 =	vadd.f32 v6, v1;
	v5 =	vld [tilespmem:s19+$0x20]  }
0x102: {  	v8 =	vld [tilespmem:s19+$0x30]  }
0x103: {  	v6 =	vadd.f32 v3, v0;
	v1 =	vadd.f32 v7, v1;
	v0 =	vld [tilespmem:s19+$0x40]  }
.Ltmp6:
0x104: {  	v3 =	vld [tilespmem:s19+$0x50];
	(pc) =	sbr.rel @p0 .LBB2_15-.Ltmp6, $4  }
0x105: {  	v2 =	vadd.f32 v2, v6;
	v7 =	vadd.f32 v4, v1;
	v1 =	vld [tilespmem:s19+$0x60]  }
0x106: {  	v4 =	vld [tilespmem:s19+$0x70]  }
0x107: {  	v6 =	vadd.f32 v5, v2;
	v7 =	vadd.f32 v8, v7;
	v2 =	vld [tilespmem:s19+$0x80]  }
0x108: {  	v5 =	vld [tilespmem:s19+$0x90];
	s19 =	sadd.s32 $0x140, s19  }
0x109: {  	v0 =	vadd.f32 v0, v6  }
0x10a: {  	v3 =	vadd.f32 v3, v7;
	s18 =	sshll.u32 s16, $0x5;
	s16 =	sadd.s32 $0x1, s16  }
0x10b: {  	p0 =	sne.s32 s16, $0x20;
	v0 =	vadd.f32 v1, v0  }
.Ltmp7:
0x10c: {  	v63 =	vadd.f32 v4, v3;
	(pc) =	sbr.rel @p0 .LBB2_14-.Ltmp7, $4  }
0x10d: {  	v0 =	vadd.f32 v2, v0  }
0x10e: {  	s18 =	sand.u32 $0x3FFFFFE0, s18;
	v1 =	vadd.f32 v5, v63  }
0x10f: {  	[tilespmem:s18+$0x19C80] =	vst v0  }
0x110: {  	s17 =	sadd.s32 $0x640, s17;
	[tilespmem:s18+$0x19C90] =	vst v1  }
0x111: {  	s16 =	simm.s32 $0x0;
	s17 =	rddreg [dreg:$0xa]  }
0x112: {  	[hbm4b:s17+s16] =	stream.linear.scatter [tilespmem:s13], [sflag:$0x3], $0x400, $0x38;
	[tilespmem:$0x1A080] =	vst v63  }
0x113: {  	_ =	swait.ge [sflag:s8], $0x400  }
0x114: {  	[sflag:s8] =	ssyncset.done $0x0  }
0x115: {  	s19 =	rddreg [dreg:$0xb];
	[sflag:s8] =	ssyncadd.s32 $0xFFFFFC00  }
0x116: {  	[tilespmem:s9], [sflag:$0x3] =	stream.linear.gather [hbm4b:s19+s16], $0x640, $0x38;
	[tilespmem:$0x1A080] =	vst v63  }
0x117: {  	_ =	swait.ge [sflag:s8], $0x640  }
0x118: {  	[sflag:s8] =	ssyncset.done $0x0  }
0x119: {  	[sflag:s8] =	ssyncadd.s32 $0xFFFFF9C0  }
0x11a: {  	[tilespmem:s11], [sflag:$0x2] =	stream.indirect.gather [hbm4b:s3+s9], $0x20, s9, s9, $0xb8;
	[tilespmem:$0x1A080] =	vst v63  }
0x11b: {  	_ =	swait.ge [sflag:s12], $0xC800  }
0x11c: {  	[sflag:s12] =	ssyncset.done $0x0  }
0x11d: {  	s17 =	simm.s32 $0xD20;
	[sflag:s12] =	ssyncadd.s32 $0xFFFF3800  }
.LBB2_18:
0x11e: {  	v0 =	vld [tilespmem:s17+$0xFFFFFF60]  }
0x11f: {  	v1 =	vld [tilespmem:s17+$0xFFFFFF70]  }
0x120: {  	v2 =	vld [tilespmem:s17+$0xFFFFFF80]  }
0x121: {  	v3 =	vld [tilespmem:s17+$0xFFFFFF90]  }
0x122: {  	v4 =	vld [tilespmem:s17+$0xFFFFFFA0]  }
0x123: {  	v5 =	vld [tilespmem:s17+$0xFFFFFFB0];
	v6 =	vimm.f32 $0.0e+00  }
0x124: {  	v7 =	vld [tilespmem:s17+$0xFFFFFFC0];
	v0 =	vadd.f32 v0, v6;
	v1 =	vadd.f32 v1, v6  }
0x125: {  	v6 =	vld [tilespmem:s17+$0xFFFFFFD0]  }
0x126: {  	v8 =	vld [tilespmem:s17+$0xFFFFFFE0];
	v0 =	vadd.f32 v2, v0;
	v1 =	vadd.f32 v3, v1  }
0x127: {  	v2 =	vld [tilespmem:s17+$0xFFFFFFF0]  }
0x128: {  	v9 =	vld [tilespmem:s17+$0x0];
	v0 =	vadd.f32 v4, v0;
	v1 =	vadd.f32 v5, v1  }
0x129: {  	v4 =	vld [tilespmem:s17+$0x10]  }
0x12a: {  	v5 =	vld [tilespmem:s17+$0x20];
	v3 =	vadd.f32 v7, v0;
	v1 =	vadd.f32 v6, v1  }
0x12b: {  	v7 =	vld [tilespmem:s17+$0x30]  }
0x12c: {  	v0 =	vld [tilespmem:s17+$0x40];
	v6 =	vadd.f32 v8, v3;
	v2 =	vadd.f32 v2, v1  }
0x12d: {  	v3 =	vld [tilespmem:s17+$0x50]  }
0x12e: {  	v1 =	vld [tilespmem:s17+$0x60];
	v6 =	vadd.f32 v9, v6;
	v8 =	vadd.f32 v4, v2  }
0x12f: {  	v4 =	vld [tilespmem:s17+$0x70]  }
0x130: {  	v2 =	vld [tilespmem:s17+$0x80];
	v6 =	vadd.f32 v5, v6;
	v7 =	vadd.f32 v7, v8  }
0x131: {  	s18 =	simm.s32 $0x0;
	s19 =	sadd.s32 $0x140, s17;
	v5 =	vld [tilespmem:s17+$0x90]  }
.LBB2_19:
0x132: {  	v8 =	vld [tilespmem:s19+$0xFFFFFF60];
	v0 =	vadd.f32 v0, v6;
	v3 =	vadd.f32 v3, v7  }
0x133: {  	s18 =	sadd.s32 $0xA, s18;
	v6 =	vld [tilespmem:s19+$0xFFFFFF70]  }
0x134: {  	p0 =	slt.u32 s18, $0x28;
	v7 =	vld [tilespmem:s19+$0xFFFFFF80];
	v0 =	vadd.f32 v1, v0;
	v1 =	vadd.f32 v4, v3  }
0x135: {  	v3 =	vld [tilespmem:s19+$0xFFFFFF90]  }
0x136: {  	v4 =	vld [tilespmem:s19+$0xFFFFFFA0];
	v0 =	vadd.f32 v2, v0;
	v1 =	vadd.f32 v5, v1  }
0x137: {  	v2 =	vld [tilespmem:s19+$0xFFFFFFB0]  }
0x138: {  	v0 =	vadd.f32 v8, v0;
	v1 =	vadd.f32 v6, v1;
	v5 =	vld [tilespmem:s19+$0xFFFFFFC0]  }
0x139: {  	v6 =	vld [tilespmem:s19+$0xFFFFFFD0]  }
0x13a: {  	v0 =	vadd.f32 v7, v0;
	v1 =	vadd.f32 v3, v1;
	v3 =	vld [tilespmem:s19+$0xFFFFFFE0]  }
0x13b: {  	v7 =	vld [tilespmem:s19+$0xFFFFFFF0]  }
0x13c: {  	v0 =	vadd.f32 v4, v0;
	v1 =	vadd.f32 v2, v1;
	v2 =	vld [tilespmem:s19+$0x0]  }
0x13d: {  	v4 =	vld [tilespmem:s19+$0x10]  }
0x13e: {  	v0 =	vadd.f32 v5, v0;
	v1 =	vadd.f32 v6, v1;
	v5 =	vld [tilespmem:s19+$0x20]  }
0x13f: {  	v8 =	vld [tilespmem:s19+$0x30]  }
0x140: {  	v6 =	vadd.f32 v3, v0;
	v1 =	vadd.f32 v7, v1;
	v0 =	vld [tilespmem:s19+$0x40]  }
.Ltmp8:
0x141: {  	v3 =	vld [tilespmem:s19+$0x50];
	(pc) =	sbr.rel @p0 .LBB2_19-.Ltmp8, $4  }
0x142: {  	v2 =	vadd.f32 v2, v6;
	v7 =	vadd.f32 v4, v1;
	v1 =	vld [tilespmem:s19+$0x60]  }
0x143: {  	v4 =	vld [tilespmem:s19+$0x70]  }
0x144: {  	v6 =	vadd.f32 v5, v2;
	v7 =	vadd.f32 v8, v7;
	v2 =	vld [tilespmem:s19+$0x80]  }
0x145: {  	v5 =	vld [tilespmem:s19+$0x90];
	s19 =	sadd.s32 $0x140, s19  }
0x146: {  	v0 =	vadd.f32 v0, v6  }
0x147: {  	v3 =	vadd.f32 v3, v7;
	s18 =	sshll.u32 s16, $0x5;
	s16 =	sadd.s32 $0x1, s16  }
0x148: {  	p0 =	sne.s32 s16, $0x20;
	v0 =	vadd.f32 v1, v0  }
.Ltmp9:
0x149: {  	v63 =	vadd.f32 v4, v3;
	(pc) =	sbr.rel @p0 .LBB2_18-.Ltmp9, $4  }
0x14a: {  	v0 =	vadd.f32 v2, v0  }
0x14b: {  	s18 =	sand.u32 $0x3FFFFFE0, s18;
	v1 =	vadd.f32 v5, v63  }
0x14c: {  	[tilespmem:s18+$0x19C80] =	vst v0  }
0x14d: {  	s17 =	sadd.s32 $0x640, s17;
	[tilespmem:s18+$0x19C90] =	vst v1  }
0x14e: {  	s16 =	simm.s32 $0x0  }
0x14f: {  	[hbm4b:s24+s16] =	stream.linear.scatter [tilespmem:s13], [sflag:$0x3], $0x400, $0x38;
	[tilespmem:$0x1A080] =	vst v63  }
0x150: {  	_ =	swait.ge [sflag:s8], $0x400  }
0x151: {  	[sflag:s8] =	ssyncset.done $0x0  }
0x152: {  	s17 =	rddreg [dreg:$0xc];
	[sflag:s8] =	ssyncadd.s32 $0xFFFFFC00  }
0x153: {  	[tilespmem:s16], [sflag:$0x3] =	stream.linear.gather [hbm4b:s17+s16], $0x640, $0x38;
	[tilespmem:$0x1A080] =	vst v63  }
0x154: {  	_ =	swait.ge [sflag:s8], $0x640  }
0x155: {  	[sflag:s8] =	ssyncset.done $0x0  }
0x156: {  	[sflag:s8] =	ssyncadd.s32 $0xFFFFF9C0  }
0x157: {  	[tilespmem:s10], [sflag:$0x1] =	stream.indirect.gather [hbm4b:s3+s9], $0x20, s16, s9, $0xb8;
	[tilespmem:$0x1A080] =	vst v63  }
0x158: {  	_ =	swait.ge [sflag:s14], $0xC800  }
0x159: {  	[sflag:s14] =	ssyncset.done $0x0  }
0x15a: {  	s17 =	simm.s32 $0xD520;
	[sflag:s14] =	ssyncadd.s32 $0xFFFF3800  }
.LBB2_22:
0x15b: {  	v0 =	vld [tilespmem:s17+$0xFFFFFF60]  }
0x15c: {  	v1 =	vld [tilespmem:s17+$0xFFFFFF70]  }
0x15d: {  	v2 =	vld [tilespmem:s17+$0xFFFFFF80]  }
0x15e: {  	v3 =	vld [tilespmem:s17+$0xFFFFFF90]  }
0x15f: {  	v4 =	vld [tilespmem:s17+$0xFFFFFFA0]  }
0x160: {  	v5 =	vld [tilespmem:s17+$0xFFFFFFB0];
	v6 =	vimm.f32 $0.0e+00  }
0x161: {  	v7 =	vld [tilespmem:s17+$0xFFFFFFC0];
	v0 =	vadd.f32 v0, v6;
	v1 =	vadd.f32 v1, v6  }
0x162: {  	v6 =	vld [tilespmem:s17+$0xFFFFFFD0]  }
0x163: {  	v8 =	vld [tilespmem:s17+$0xFFFFFFE0];
	v0 =	vadd.f32 v2, v0;
	v1 =	vadd.f32 v3, v1  }
0x164: {  	v2 =	vld [tilespmem:s17+$0xFFFFFFF0]  }
0x165: {  	v9 =	vld [tilespmem:s17+$0x0];
	v0 =	vadd.f32 v4, v0;
	v1 =	vadd.f32 v5, v1  }
0x166: {  	v4 =	vld [tilespmem:s17+$0x10]  }
0x167: {  	v5 =	vld [tilespmem:s17+$0x20];
	v3 =	vadd.f32 v7, v0;
	v1 =	vadd.f32 v6, v1  }
0x168: {  	v7 =	vld [tilespmem:s17+$0x30]  }
0x169: {  	v0 =	vld [tilespmem:s17+$0x40];
	v6 =	vadd.f32 v8, v3;
	v2 =	vadd.f32 v2, v1  }
0x16a: {  	v3 =	vld [tilespmem:s17+$0x50]  }
0x16b: {  	v1 =	vld [tilespmem:s17+$0x60];
	v6 =	vadd.f32 v9, v6;
	v8 =	vadd.f32 v4, v2  }
0x16c: {  	v4 =	vld [tilespmem:s17+$0x70]  }
0x16d: {  	v2 =	vld [tilespmem:s17+$0x80];
	v6 =	vadd.f32 v5, v6;
	v7 =	vadd.f32 v7, v8  }
0x16e: {  	s18 =	simm.s32 $0x0;
	s19 =	sadd.s32 $0x140, s17;
	v5 =	vld [tilespmem:s17+$0x90]  }
.LBB2_23:
0x16f: {  	v8 =	vld [tilespmem:s19+$0xFFFFFF60];
	v0 =	vadd.f32 v0, v6;
	v3 =	vadd.f32 v3, v7  }
0x170: {  	s18 =	sadd.s32 $0xA, s18;
	v6 =	vld [tilespmem:s19+$0xFFFFFF70]  }
0x171: {  	p0 =	slt.u32 s18, $0x28;
	v7 =	vld [tilespmem:s19+$0xFFFFFF80];
	v0 =	vadd.f32 v1, v0;
	v1 =	vadd.f32 v4, v3  }
0x172: {  	v3 =	vld [tilespmem:s19+$0xFFFFFF90]  }
0x173: {  	v4 =	vld [tilespmem:s19+$0xFFFFFFA0];
	v0 =	vadd.f32 v2, v0;
	v1 =	vadd.f32 v5, v1  }
0x174: {  	v2 =	vld [tilespmem:s19+$0xFFFFFFB0]  }
0x175: {  	v0 =	vadd.f32 v8, v0;
	v1 =	vadd.f32 v6, v1;
	v5 =	vld [tilespmem:s19+$0xFFFFFFC0]  }
0x176: {  	v6 =	vld [tilespmem:s19+$0xFFFFFFD0]  }
0x177: {  	v0 =	vadd.f32 v7, v0;
	v1 =	vadd.f32 v3, v1;
	v3 =	vld [tilespmem:s19+$0xFFFFFFE0]  }
0x178: {  	v7 =	vld [tilespmem:s19+$0xFFFFFFF0]  }
0x179: {  	v0 =	vadd.f32 v4, v0;
	v1 =	vadd.f32 v2, v1;
	v2 =	vld [tilespmem:s19+$0x0]  }
0x17a: {  	v4 =	vld [tilespmem:s19+$0x10]  }
0x17b: {  	v0 =	vadd.f32 v5, v0;
	v1 =	vadd.f32 v6, v1;
	v5 =	vld [tilespmem:s19+$0x20]  }
0x17c: {  	v8 =	vld [tilespmem:s19+$0x30]  }
0x17d: {  	v6 =	vadd.f32 v3, v0;
	v1 =	vadd.f32 v7, v1;
	v0 =	vld [tilespmem:s19+$0x40]  }
.Ltmp10:
0x17e: {  	v3 =	vld [tilespmem:s19+$0x50];
	(pc) =	sbr.rel @p0 .LBB2_23-.Ltmp10, $4  }
0x17f: {  	v2 =	vadd.f32 v2, v6;
	v7 =	vadd.f32 v4, v1;
	v1 =	vld [tilespmem:s19+$0x60]  }
0x180: {  	v4 =	vld [tilespmem:s19+$0x70]  }
0x181: {  	v6 =	vadd.f32 v5, v2;
	v7 =	vadd.f32 v8, v7;
	v2 =	vld [tilespmem:s19+$0x80]  }
0x182: {  	v5 =	vld [tilespmem:s19+$0x90];
	s19 =	sadd.s32 $0x140, s19  }
0x183: {  	v0 =	vadd.f32 v0, v6  }
0x184: {  	v3 =	vadd.f32 v3, v7;
	s18 =	sshll.u32 s16, $0x5;
	s16 =	sadd.s32 $0x1, s16  }
0x185: {  	p0 =	sne.s32 s16, $0x20;
	v0 =	vadd.f32 v1, v0  }
.Ltmp11:
0x186: {  	v63 =	vadd.f32 v4, v3;
	(pc) =	sbr.rel @p0 .LBB2_22-.Ltmp11, $4  }
0x187: {  	v0 =	vadd.f32 v2, v0  }
0x188: {  	s18 =	sand.u32 $0x3FFFFFE0, s18;
	v1 =	vadd.f32 v5, v63  }
0x189: {  	[tilespmem:s18+$0x19C80] =	vst v0  }
0x18a: {  	s17 =	sadd.s32 $0x640, s17;
	[tilespmem:s18+$0x19C90] =	vst v1  }
0x18b: {  	s16 =	simm.s32 $0x0  }
0x18c: {  	[hbm4b:s25+s16] =	stream.linear.scatter [tilespmem:s13], [sflag:$0x3], $0x400, $0x38;
	[tilespmem:$0x1A080] =	vst v63  }
0x18d: {  	_ =	swait.ge [sflag:s8], $0x400  }
0x18e: {  	[sflag:s8] =	ssyncset.done $0x0  }
0x18f: {  	s17 =	rddreg [dreg:$0xd];
	[sflag:s8] =	ssyncadd.s32 $0xFFFFFC00  }
0x190: {  	[tilespmem:s9], [sflag:$0x3] =	stream.linear.gather [hbm4b:s17+s16], $0x640, $0x38;
	[tilespmem:$0x1A080] =	vst v63  }
0x191: {  	_ =	swait.ge [sflag:s8], $0x640  }
0x192: {  	[sflag:s8] =	ssyncset.done $0x0  }
0x193: {  	[sflag:s8] =	ssyncadd.s32 $0xFFFFF9C0  }
0x194: {  	[tilespmem:s11], [sflag:$0x2] =	stream.indirect.gather [hbm4b:s3+s9], $0x20, s9, s9, $0xb8;
	[tilespmem:$0x1A080] =	vst v63  }
0x195: {  	_ =	swait.ge [sflag:s12], $0xC800  }
0x196: {  	[sflag:s12] =	ssyncset.done $0x0  }
0x197: {  	s17 =	simm.s32 $0xD20;
	[sflag:s12] =	ssyncadd.s32 $0xFFFF3800  }
.LBB2_26:
0x198: {  	v0 =	vld [tilespmem:s17+$0xFFFFFF60]  }
0x199: {  	v1 =	vld [tilespmem:s17+$0xFFFFFF70]  }
0x19a: {  	v2 =	vld [tilespmem:s17+$0xFFFFFF80]  }
0x19b: {  	v3 =	vld [tilespmem:s17+$0xFFFFFF90]  }
0x19c: {  	v4 =	vld [tilespmem:s17+$0xFFFFFFA0]  }
0x19d: {  	v5 =	vld [tilespmem:s17+$0xFFFFFFB0];
	v6 =	vimm.f32 $0.0e+00  }
0x19e: {  	v7 =	vld [tilespmem:s17+$0xFFFFFFC0];
	v0 =	vadd.f32 v0, v6;
	v1 =	vadd.f32 v1, v6  }
0x19f: {  	v6 =	vld [tilespmem:s17+$0xFFFFFFD0]  }
0x1a0: {  	v8 =	vld [tilespmem:s17+$0xFFFFFFE0];
	v0 =	vadd.f32 v2, v0;
	v1 =	vadd.f32 v3, v1  }
0x1a1: {  	v2 =	vld [tilespmem:s17+$0xFFFFFFF0]  }
0x1a2: {  	v9 =	vld [tilespmem:s17+$0x0];
	v0 =	vadd.f32 v4, v0;
	v1 =	vadd.f32 v5, v1  }
0x1a3: {  	v4 =	vld [tilespmem:s17+$0x10]  }
0x1a4: {  	v5 =	vld [tilespmem:s17+$0x20];
	v3 =	vadd.f32 v7, v0;
	v1 =	vadd.f32 v6, v1  }
0x1a5: {  	v7 =	vld [tilespmem:s17+$0x30]  }
0x1a6: {  	v0 =	vld [tilespmem:s17+$0x40];
	v6 =	vadd.f32 v8, v3;
	v2 =	vadd.f32 v2, v1  }
0x1a7: {  	v3 =	vld [tilespmem:s17+$0x50]  }
0x1a8: {  	v1 =	vld [tilespmem:s17+$0x60];
	v6 =	vadd.f32 v9, v6;
	v8 =	vadd.f32 v4, v2  }
0x1a9: {  	v4 =	vld [tilespmem:s17+$0x70]  }
0x1aa: {  	v2 =	vld [tilespmem:s17+$0x80];
	v6 =	vadd.f32 v5, v6;
	v7 =	vadd.f32 v7, v8  }
0x1ab: {  	s18 =	simm.s32 $0x0;
	s19 =	sadd.s32 $0x140, s17;
	v5 =	vld [tilespmem:s17+$0x90]  }
.LBB2_27:
0x1ac: {  	v8 =	vld [tilespmem:s19+$0xFFFFFF60];
	v0 =	vadd.f32 v0, v6;
	v3 =	vadd.f32 v3, v7  }
0x1ad: {  	s18 =	sadd.s32 $0xA, s18;
	v6 =	vld [tilespmem:s19+$0xFFFFFF70]  }
0x1ae: {  	p0 =	slt.u32 s18, $0x28;
	v7 =	vld [tilespmem:s19+$0xFFFFFF80];
	v0 =	vadd.f32 v1, v0;
	v1 =	vadd.f32 v4, v3  }
0x1af: {  	v3 =	vld [tilespmem:s19+$0xFFFFFF90]  }
0x1b0: {  	v4 =	vld [tilespmem:s19+$0xFFFFFFA0];
	v0 =	vadd.f32 v2, v0;
	v1 =	vadd.f32 v5, v1  }
0x1b1: {  	v2 =	vld [tilespmem:s19+$0xFFFFFFB0]  }
0x1b2: {  	v0 =	vadd.f32 v8, v0;
	v1 =	vadd.f32 v6, v1;
	v5 =	vld [tilespmem:s19+$0xFFFFFFC0]  }
0x1b3: {  	v6 =	vld [tilespmem:s19+$0xFFFFFFD0]  }
0x1b4: {  	v0 =	vadd.f32 v7, v0;
	v1 =	vadd.f32 v3, v1;
	v3 =	vld [tilespmem:s19+$0xFFFFFFE0]  }
0x1b5: {  	v7 =	vld [tilespmem:s19+$0xFFFFFFF0]  }
0x1b6: {  	v0 =	vadd.f32 v4, v0;
	v1 =	vadd.f32 v2, v1;
	v2 =	vld [tilespmem:s19+$0x0]  }
0x1b7: {  	v4 =	vld [tilespmem:s19+$0x10]  }
0x1b8: {  	v0 =	vadd.f32 v5, v0;
	v1 =	vadd.f32 v6, v1;
	v5 =	vld [tilespmem:s19+$0x20]  }
0x1b9: {  	v8 =	vld [tilespmem:s19+$0x30]  }
0x1ba: {  	v6 =	vadd.f32 v3, v0;
	v1 =	vadd.f32 v7, v1;
	v0 =	vld [tilespmem:s19+$0x40]  }
.Ltmp12:
0x1bb: {  	v3 =	vld [tilespmem:s19+$0x50];
	(pc) =	sbr.rel @p0 .LBB2_27-.Ltmp12, $4  }
0x1bc: {  	v2 =	vadd.f32 v2, v6;
	v7 =	vadd.f32 v4, v1;
	v1 =	vld [tilespmem:s19+$0x60]  }
0x1bd: {  	v4 =	vld [tilespmem:s19+$0x70]  }
0x1be: {  	v6 =	vadd.f32 v5, v2;
	v7 =	vadd.f32 v8, v7;
	v2 =	vld [tilespmem:s19+$0x80]  }
0x1bf: {  	v5 =	vld [tilespmem:s19+$0x90];
	s19 =	sadd.s32 $0x140, s19  }
0x1c0: {  	v0 =	vadd.f32 v0, v6  }
0x1c1: {  	v3 =	vadd.f32 v3, v7;
	s18 =	sshll.u32 s16, $0x5;
	s16 =	sadd.s32 $0x1, s16  }
0x1c2: {  	p0 =	sne.s32 s16, $0x20;
	v0 =	vadd.f32 v1, v0  }
.Ltmp13:
0x1c3: {  	v63 =	vadd.f32 v4, v3;
	(pc) =	sbr.rel @p0 .LBB2_26-.Ltmp13, $4  }
0x1c4: {  	v0 =	vadd.f32 v2, v0  }
0x1c5: {  	s18 =	sand.u32 $0x3FFFFFE0, s18;
	v1 =	vadd.f32 v5, v63  }
0x1c6: {  	[tilespmem:s18+$0x19C80] =	vst v0  }
0x1c7: {  	s17 =	sadd.s32 $0x640, s17;
	[tilespmem:s18+$0x19C90] =	vst v1  }
0x1c8: {  	s16 =	simm.s32 $0x0  }
0x1c9: {  	[hbm4b:s26+s16] =	stream.linear.scatter [tilespmem:s13], [sflag:$0x3], $0x400, $0x38;
	[tilespmem:$0x1A080] =	vst v63  }
0x1ca: {  	_ =	swait.ge [sflag:s8], $0x400  }
0x1cb: {  	[sflag:s8] =	ssyncset.done $0x0  }
0x1cc: {  	s17 =	rddreg [dreg:$0xe];
	[sflag:s8] =	ssyncadd.s32 $0xFFFFFC00  }
0x1cd: {  	[tilespmem:s16], [sflag:$0x3] =	stream.linear.gather [hbm4b:s17+s16], $0x640, $0x38;
	[tilespmem:$0x1A080] =	vst v63  }
0x1ce: {  	_ =	swait.ge [sflag:s8], $0x640  }
0x1cf: {  	[sflag:s8] =	ssyncset.done $0x0  }
0x1d0: {  	[sflag:s8] =	ssyncadd.s32 $0xFFFFF9C0  }
0x1d1: {  	[tilespmem:s10], [sflag:$0x1] =	stream.indirect.gather [hbm4b:s3+s9], $0x20, s16, s9, $0xb8;
	[tilespmem:$0x1A080] =	vst v63  }
0x1d2: {  	_ =	swait.ge [sflag:s14], $0xC800  }
0x1d3: {  	[sflag:s14] =	ssyncset.done $0x0  }
0x1d4: {  	s17 =	simm.s32 $0xD520;
	[sflag:s14] =	ssyncadd.s32 $0xFFFF3800  }
.LBB2_30:
0x1d5: {  	v0 =	vld [tilespmem:s17+$0xFFFFFF60]  }
0x1d6: {  	v1 =	vld [tilespmem:s17+$0xFFFFFF70]  }
0x1d7: {  	v2 =	vld [tilespmem:s17+$0xFFFFFF80]  }
0x1d8: {  	v3 =	vld [tilespmem:s17+$0xFFFFFF90]  }
0x1d9: {  	v4 =	vld [tilespmem:s17+$0xFFFFFFA0]  }
0x1da: {  	v5 =	vld [tilespmem:s17+$0xFFFFFFB0];
	v6 =	vimm.f32 $0.0e+00  }
0x1db: {  	v7 =	vld [tilespmem:s17+$0xFFFFFFC0];
	v0 =	vadd.f32 v0, v6;
	v1 =	vadd.f32 v1, v6  }
0x1dc: {  	v6 =	vld [tilespmem:s17+$0xFFFFFFD0]  }
0x1dd: {  	v8 =	vld [tilespmem:s17+$0xFFFFFFE0];
	v0 =	vadd.f32 v2, v0;
	v1 =	vadd.f32 v3, v1  }
0x1de: {  	v2 =	vld [tilespmem:s17+$0xFFFFFFF0]  }
0x1df: {  	v9 =	vld [tilespmem:s17+$0x0];
	v0 =	vadd.f32 v4, v0;
	v1 =	vadd.f32 v5, v1  }
0x1e0: {  	v4 =	vld [tilespmem:s17+$0x10]  }
0x1e1: {  	v5 =	vld [tilespmem:s17+$0x20];
	v3 =	vadd.f32 v7, v0;
	v1 =	vadd.f32 v6, v1  }
0x1e2: {  	v7 =	vld [tilespmem:s17+$0x30]  }
0x1e3: {  	v0 =	vld [tilespmem:s17+$0x40];
	v6 =	vadd.f32 v8, v3;
	v2 =	vadd.f32 v2, v1  }
0x1e4: {  	v3 =	vld [tilespmem:s17+$0x50]  }
0x1e5: {  	v1 =	vld [tilespmem:s17+$0x60];
	v6 =	vadd.f32 v9, v6;
	v8 =	vadd.f32 v4, v2  }
0x1e6: {  	v4 =	vld [tilespmem:s17+$0x70]  }
0x1e7: {  	v2 =	vld [tilespmem:s17+$0x80];
	v6 =	vadd.f32 v5, v6;
	v7 =	vadd.f32 v7, v8  }
0x1e8: {  	s18 =	simm.s32 $0x0;
	s19 =	sadd.s32 $0x140, s17;
	v5 =	vld [tilespmem:s17+$0x90]  }
.LBB2_31:
0x1e9: {  	v8 =	vld [tilespmem:s19+$0xFFFFFF60];
	v0 =	vadd.f32 v0, v6;
	v3 =	vadd.f32 v3, v7  }
0x1ea: {  	s18 =	sadd.s32 $0xA, s18;
	v6 =	vld [tilespmem:s19+$0xFFFFFF70]  }
0x1eb: {  	p0 =	slt.u32 s18, $0x28;
	v7 =	vld [tilespmem:s19+$0xFFFFFF80];
	v0 =	vadd.f32 v1, v0;
	v1 =	vadd.f32 v4, v3  }
0x1ec: {  	v3 =	vld [tilespmem:s19+$0xFFFFFF90]  }
0x1ed: {  	v4 =	vld [tilespmem:s19+$0xFFFFFFA0];
	v0 =	vadd.f32 v2, v0;
	v1 =	vadd.f32 v5, v1  }
0x1ee: {  	v2 =	vld [tilespmem:s19+$0xFFFFFFB0]  }
0x1ef: {  	v0 =	vadd.f32 v8, v0;
	v1 =	vadd.f32 v6, v1;
	v5 =	vld [tilespmem:s19+$0xFFFFFFC0]  }
0x1f0: {  	v6 =	vld [tilespmem:s19+$0xFFFFFFD0]  }
0x1f1: {  	v0 =	vadd.f32 v7, v0;
	v1 =	vadd.f32 v3, v1;
	v3 =	vld [tilespmem:s19+$0xFFFFFFE0]  }
0x1f2: {  	v7 =	vld [tilespmem:s19+$0xFFFFFFF0]  }
0x1f3: {  	v0 =	vadd.f32 v4, v0;
	v1 =	vadd.f32 v2, v1;
	v2 =	vld [tilespmem:s19+$0x0]  }
0x1f4: {  	v4 =	vld [tilespmem:s19+$0x10]  }
0x1f5: {  	v0 =	vadd.f32 v5, v0;
	v1 =	vadd.f32 v6, v1;
	v5 =	vld [tilespmem:s19+$0x20]  }
0x1f6: {  	v8 =	vld [tilespmem:s19+$0x30]  }
0x1f7: {  	v6 =	vadd.f32 v3, v0;
	v1 =	vadd.f32 v7, v1;
	v0 =	vld [tilespmem:s19+$0x40]  }
.Ltmp14:
0x1f8: {  	v3 =	vld [tilespmem:s19+$0x50];
	(pc) =	sbr.rel @p0 .LBB2_31-.Ltmp14, $4  }
0x1f9: {  	v2 =	vadd.f32 v2, v6;
	v7 =	vadd.f32 v4, v1;
	v1 =	vld [tilespmem:s19+$0x60]  }
0x1fa: {  	v4 =	vld [tilespmem:s19+$0x70]  }
0x1fb: {  	v6 =	vadd.f32 v5, v2;
	v7 =	vadd.f32 v8, v7;
	v2 =	vld [tilespmem:s19+$0x80]  }
0x1fc: {  	v5 =	vld [tilespmem:s19+$0x90];
	s19 =	sadd.s32 $0x140, s19  }
0x1fd: {  	v0 =	vadd.f32 v0, v6  }
0x1fe: {  	v3 =	vadd.f32 v3, v7;
	s18 =	sshll.u32 s16, $0x5;
	s16 =	sadd.s32 $0x1, s16  }
0x1ff: {  	p0 =	sne.s32 s16, $0x20;
	v0 =	vadd.f32 v1, v0  }
.Ltmp15:
0x200: {  	v63 =	vadd.f32 v4, v3;
	(pc) =	sbr.rel @p0 .LBB2_30-.Ltmp15, $4  }
0x201: {  	v0 =	vadd.f32 v2, v0  }
0x202: {  	s18 =	sand.u32 $0x3FFFFFE0, s18;
	v1 =	vadd.f32 v5, v63  }
0x203: {  	[tilespmem:s18+$0x19C80] =	vst v0  }
0x204: {  	s17 =	sadd.s32 $0x640, s17;
	[tilespmem:s18+$0x19C90] =	vst v1  }
0x205: {  	s16 =	simm.s32 $0x0  }
0x206: {  	[hbm4b:s28+s16] =	stream.linear.scatter [tilespmem:s13], [sflag:$0x3], $0x400, $0x38;
	[tilespmem:$0x1A080] =	vst v63  }
0x207: {  	_ =	swait.ge [sflag:s8], $0x400  }
0x208: {  	[sflag:s8] =	ssyncset.done $0x0  }
0x209: {  	s17 =	rddreg [dreg:$0xf];
	[sflag:s8] =	ssyncadd.s32 $0xFFFFFC00  }
0x20a: {  	[tilespmem:s9], [sflag:$0x3] =	stream.linear.gather [hbm4b:s17+s16], $0x640, $0x38;
	[tilespmem:$0x1A080] =	vst v63  }
0x20b: {  	_ =	swait.ge [sflag:s8], $0x640  }
0x20c: {  	[sflag:s8] =	ssyncset.done $0x0  }
0x20d: {  	[sflag:s8] =	ssyncadd.s32 $0xFFFFF9C0  }
0x20e: {  	[tilespmem:s11], [sflag:$0x2] =	stream.indirect.gather [hbm4b:s3+s9], $0x20, s9, s9, $0xb8;
	[tilespmem:$0x1A080] =	vst v63  }
0x20f: {  	_ =	swait.ge [sflag:s12], $0xC800  }
0x210: {  	[sflag:s12] =	ssyncset.done $0x0  }
0x211: {  	s17 =	simm.s32 $0xD20;
	[sflag:s12] =	ssyncadd.s32 $0xFFFF3800  }
.LBB2_34:
0x212: {  	v0 =	vld [tilespmem:s17+$0xFFFFFF60]  }
0x213: {  	v1 =	vld [tilespmem:s17+$0xFFFFFF70]  }
0x214: {  	v2 =	vld [tilespmem:s17+$0xFFFFFF80]  }
0x215: {  	v3 =	vld [tilespmem:s17+$0xFFFFFF90]  }
0x216: {  	v4 =	vld [tilespmem:s17+$0xFFFFFFA0]  }
0x217: {  	v5 =	vld [tilespmem:s17+$0xFFFFFFB0];
	v6 =	vimm.f32 $0.0e+00  }
0x218: {  	v7 =	vld [tilespmem:s17+$0xFFFFFFC0];
	v0 =	vadd.f32 v0, v6;
	v1 =	vadd.f32 v1, v6  }
0x219: {  	v6 =	vld [tilespmem:s17+$0xFFFFFFD0]  }
0x21a: {  	v8 =	vld [tilespmem:s17+$0xFFFFFFE0];
	v0 =	vadd.f32 v2, v0;
	v1 =	vadd.f32 v3, v1  }
0x21b: {  	v2 =	vld [tilespmem:s17+$0xFFFFFFF0]  }
0x21c: {  	v9 =	vld [tilespmem:s17+$0x0];
	v0 =	vadd.f32 v4, v0;
	v1 =	vadd.f32 v5, v1  }
0x21d: {  	v4 =	vld [tilespmem:s17+$0x10]  }
0x21e: {  	v5 =	vld [tilespmem:s17+$0x20];
	v3 =	vadd.f32 v7, v0;
	v1 =	vadd.f32 v6, v1  }
0x21f: {  	v7 =	vld [tilespmem:s17+$0x30]  }
0x220: {  	v0 =	vld [tilespmem:s17+$0x40];
	v6 =	vadd.f32 v8, v3;
	v2 =	vadd.f32 v2, v1  }
0x221: {  	v3 =	vld [tilespmem:s17+$0x50]  }
0x222: {  	v1 =	vld [tilespmem:s17+$0x60];
	v6 =	vadd.f32 v9, v6;
	v8 =	vadd.f32 v4, v2  }
0x223: {  	v4 =	vld [tilespmem:s17+$0x70]  }
0x224: {  	v2 =	vld [tilespmem:s17+$0x80];
	v6 =	vadd.f32 v5, v6;
	v7 =	vadd.f32 v7, v8  }
0x225: {  	s18 =	simm.s32 $0x0;
	s19 =	sadd.s32 $0x140, s17;
	v5 =	vld [tilespmem:s17+$0x90]  }
.LBB2_35:
0x226: {  	v8 =	vld [tilespmem:s19+$0xFFFFFF60];
	v0 =	vadd.f32 v0, v6;
	v3 =	vadd.f32 v3, v7  }
0x227: {  	s18 =	sadd.s32 $0xA, s18;
	v6 =	vld [tilespmem:s19+$0xFFFFFF70]  }
0x228: {  	p0 =	slt.u32 s18, $0x28;
	v7 =	vld [tilespmem:s19+$0xFFFFFF80];
	v0 =	vadd.f32 v1, v0;
	v1 =	vadd.f32 v4, v3  }
0x229: {  	v3 =	vld [tilespmem:s19+$0xFFFFFF90]  }
0x22a: {  	v4 =	vld [tilespmem:s19+$0xFFFFFFA0];
	v0 =	vadd.f32 v2, v0;
	v1 =	vadd.f32 v5, v1  }
0x22b: {  	v2 =	vld [tilespmem:s19+$0xFFFFFFB0]  }
0x22c: {  	v0 =	vadd.f32 v8, v0;
	v1 =	vadd.f32 v6, v1;
	v5 =	vld [tilespmem:s19+$0xFFFFFFC0]  }
0x22d: {  	v6 =	vld [tilespmem:s19+$0xFFFFFFD0]  }
0x22e: {  	v0 =	vadd.f32 v7, v0;
	v1 =	vadd.f32 v3, v1;
	v3 =	vld [tilespmem:s19+$0xFFFFFFE0]  }
0x22f: {  	v7 =	vld [tilespmem:s19+$0xFFFFFFF0]  }
0x230: {  	v0 =	vadd.f32 v4, v0;
	v1 =	vadd.f32 v2, v1;
	v2 =	vld [tilespmem:s19+$0x0]  }
0x231: {  	v4 =	vld [tilespmem:s19+$0x10]  }
0x232: {  	v0 =	vadd.f32 v5, v0;
	v1 =	vadd.f32 v6, v1;
	v5 =	vld [tilespmem:s19+$0x20]  }
0x233: {  	v8 =	vld [tilespmem:s19+$0x30]  }
0x234: {  	v6 =	vadd.f32 v3, v0;
	v1 =	vadd.f32 v7, v1;
	v0 =	vld [tilespmem:s19+$0x40]  }
.Ltmp16:
0x235: {  	v3 =	vld [tilespmem:s19+$0x50];
	(pc) =	sbr.rel @p0 .LBB2_35-.Ltmp16, $4  }
0x236: {  	v2 =	vadd.f32 v2, v6;
	v7 =	vadd.f32 v4, v1;
	v1 =	vld [tilespmem:s19+$0x60]  }
0x237: {  	v4 =	vld [tilespmem:s19+$0x70]  }
0x238: {  	v6 =	vadd.f32 v5, v2;
	v7 =	vadd.f32 v8, v7;
	v2 =	vld [tilespmem:s19+$0x80]  }
0x239: {  	v5 =	vld [tilespmem:s19+$0x90];
	s19 =	sadd.s32 $0x140, s19  }
0x23a: {  	v0 =	vadd.f32 v0, v6  }
0x23b: {  	v3 =	vadd.f32 v3, v7;
	s18 =	sshll.u32 s16, $0x5;
	s16 =	sadd.s32 $0x1, s16  }
0x23c: {  	p0 =	sne.s32 s16, $0x20;
	v0 =	vadd.f32 v1, v0  }
.Ltmp17:
0x23d: {  	v63 =	vadd.f32 v4, v3;
	(pc) =	sbr.rel @p0 .LBB2_34-.Ltmp17, $4  }
0x23e: {  	v0 =	vadd.f32 v2, v0  }
0x23f: {  	s18 =	sand.u32 $0x3FFFFFE0, s18;
	v1 =	vadd.f32 v5, v63  }
0x240: {  	[tilespmem:s18+$0x19C80] =	vst v0  }
0x241: {  	s17 =	sadd.s32 $0x640, s17;
	[tilespmem:s18+$0x19C90] =	vst v1  }
0x242: {  	s16 =	simm.s32 $0x0  }
0x243: {  	[hbm4b:s29+s16] =	stream.linear.scatter [tilespmem:s13], [sflag:$0x3], $0x400, $0x38;
	[tilespmem:$0x1A080] =	vst v63  }
0x244: {  	_ =	swait.ge [sflag:s8], $0x400  }
0x245: {  	[sflag:s8] =	ssyncset.done $0x0  }
0x246: {  	s17 =	rddreg [dreg:$0x10];
	[sflag:s8] =	ssyncadd.s32 $0xFFFFFC00  }
0x247: {  	[tilespmem:s16], [sflag:$0x3] =	stream.linear.gather [hbm4b:s17+s16], $0x640, $0x38;
	[tilespmem:$0x1A080] =	vst v63  }
0x248: {  	_ =	swait.ge [sflag:s8], $0x640  }
0x249: {  	[sflag:s8] =	ssyncset.done $0x0  }
0x24a: {  	[sflag:s8] =	ssyncadd.s32 $0xFFFFF9C0  }
0x24b: {  	[tilespmem:s10], [sflag:$0x1] =	stream.indirect.gather [hbm4b:s3+s9], $0x20, s16, s9, $0xb8;
	[tilespmem:$0x1A080] =	vst v63  }
0x24c: {  	_ =	swait.ge [sflag:s14], $0xC800  }
0x24d: {  	[sflag:s14] =	ssyncset.done $0x0  }
0x24e: {  	s17 =	simm.s32 $0xD520;
	[sflag:s14] =	ssyncadd.s32 $0xFFFF3800  }
.LBB2_38:
0x24f: {  	v0 =	vld [tilespmem:s17+$0xFFFFFF60]  }
0x250: {  	v1 =	vld [tilespmem:s17+$0xFFFFFF70]  }
0x251: {  	v2 =	vld [tilespmem:s17+$0xFFFFFF80]  }
0x252: {  	v3 =	vld [tilespmem:s17+$0xFFFFFF90]  }
0x253: {  	v4 =	vld [tilespmem:s17+$0xFFFFFFA0]  }
0x254: {  	v5 =	vld [tilespmem:s17+$0xFFFFFFB0];
	v6 =	vimm.f32 $0.0e+00  }
0x255: {  	v7 =	vld [tilespmem:s17+$0xFFFFFFC0];
	v0 =	vadd.f32 v0, v6;
	v1 =	vadd.f32 v1, v6  }
0x256: {  	v6 =	vld [tilespmem:s17+$0xFFFFFFD0]  }
0x257: {  	v8 =	vld [tilespmem:s17+$0xFFFFFFE0];
	v0 =	vadd.f32 v2, v0;
	v1 =	vadd.f32 v3, v1  }
0x258: {  	v2 =	vld [tilespmem:s17+$0xFFFFFFF0]  }
0x259: {  	v9 =	vld [tilespmem:s17+$0x0];
	v0 =	vadd.f32 v4, v0;
	v1 =	vadd.f32 v5, v1  }
0x25a: {  	v4 =	vld [tilespmem:s17+$0x10]  }
0x25b: {  	v5 =	vld [tilespmem:s17+$0x20];
	v3 =	vadd.f32 v7, v0;
	v1 =	vadd.f32 v6, v1  }
0x25c: {  	v7 =	vld [tilespmem:s17+$0x30]  }
0x25d: {  	v0 =	vld [tilespmem:s17+$0x40];
	v6 =	vadd.f32 v8, v3;
	v2 =	vadd.f32 v2, v1  }
0x25e: {  	v3 =	vld [tilespmem:s17+$0x50]  }
0x25f: {  	v1 =	vld [tilespmem:s17+$0x60];
	v6 =	vadd.f32 v9, v6;
	v8 =	vadd.f32 v4, v2  }
0x260: {  	v4 =	vld [tilespmem:s17+$0x70]  }
0x261: {  	v2 =	vld [tilespmem:s17+$0x80];
	v6 =	vadd.f32 v5, v6;
	v7 =	vadd.f32 v7, v8  }
0x262: {  	s18 =	simm.s32 $0x0;
	s19 =	sadd.s32 $0x140, s17;
	v5 =	vld [tilespmem:s17+$0x90]  }
.LBB2_39:
0x263: {  	v8 =	vld [tilespmem:s19+$0xFFFFFF60];
	v0 =	vadd.f32 v0, v6;
	v3 =	vadd.f32 v3, v7  }
0x264: {  	s18 =	sadd.s32 $0xA, s18;
	v6 =	vld [tilespmem:s19+$0xFFFFFF70]  }
0x265: {  	p0 =	slt.u32 s18, $0x28;
	v7 =	vld [tilespmem:s19+$0xFFFFFF80];
	v0 =	vadd.f32 v1, v0;
	v1 =	vadd.f32 v4, v3  }
0x266: {  	v3 =	vld [tilespmem:s19+$0xFFFFFF90]  }
0x267: {  	v4 =	vld [tilespmem:s19+$0xFFFFFFA0];
	v0 =	vadd.f32 v2, v0;
	v1 =	vadd.f32 v5, v1  }
0x268: {  	v2 =	vld [tilespmem:s19+$0xFFFFFFB0]  }
0x269: {  	v0 =	vadd.f32 v8, v0;
	v1 =	vadd.f32 v6, v1;
	v5 =	vld [tilespmem:s19+$0xFFFFFFC0]  }
0x26a: {  	v6 =	vld [tilespmem:s19+$0xFFFFFFD0]  }
0x26b: {  	v0 =	vadd.f32 v7, v0;
	v1 =	vadd.f32 v3, v1;
	v3 =	vld [tilespmem:s19+$0xFFFFFFE0]  }
0x26c: {  	v7 =	vld [tilespmem:s19+$0xFFFFFFF0]  }
0x26d: {  	v0 =	vadd.f32 v4, v0;
	v1 =	vadd.f32 v2, v1;
	v2 =	vld [tilespmem:s19+$0x0]  }
0x26e: {  	v4 =	vld [tilespmem:s19+$0x10]  }
0x26f: {  	v0 =	vadd.f32 v5, v0;
	v1 =	vadd.f32 v6, v1;
	v5 =	vld [tilespmem:s19+$0x20]  }
0x270: {  	v8 =	vld [tilespmem:s19+$0x30]  }
0x271: {  	v6 =	vadd.f32 v3, v0;
	v1 =	vadd.f32 v7, v1;
	v0 =	vld [tilespmem:s19+$0x40]  }
.Ltmp18:
0x272: {  	v3 =	vld [tilespmem:s19+$0x50];
	(pc) =	sbr.rel @p0 .LBB2_39-.Ltmp18, $4  }
0x273: {  	v2 =	vadd.f32 v2, v6;
	v7 =	vadd.f32 v4, v1;
	v1 =	vld [tilespmem:s19+$0x60]  }
0x274: {  	v4 =	vld [tilespmem:s19+$0x70]  }
0x275: {  	v6 =	vadd.f32 v5, v2;
	v7 =	vadd.f32 v8, v7;
	v2 =	vld [tilespmem:s19+$0x80]  }
0x276: {  	v5 =	vld [tilespmem:s19+$0x90];
	s19 =	sadd.s32 $0x140, s19  }
0x277: {  	v0 =	vadd.f32 v0, v6  }
0x278: {  	v3 =	vadd.f32 v3, v7;
	s18 =	sshll.u32 s16, $0x5;
	s16 =	sadd.s32 $0x1, s16  }
0x279: {  	p0 =	sne.s32 s16, $0x20;
	v0 =	vadd.f32 v1, v0  }
.Ltmp19:
0x27a: {  	v63 =	vadd.f32 v4, v3;
	(pc) =	sbr.rel @p0 .LBB2_38-.Ltmp19, $4  }
0x27b: {  	v0 =	vadd.f32 v2, v0  }
0x27c: {  	s18 =	sand.u32 $0x3FFFFFE0, s18;
	v1 =	vadd.f32 v5, v63  }
0x27d: {  	[tilespmem:s18+$0x19C80] =	vst v0  }
0x27e: {  	s17 =	sadd.s32 $0x640, s17;
	[tilespmem:s18+$0x19C90] =	vst v1  }
0x27f: {  	s16 =	simm.s32 $0x0  }
0x280: {  	[hbm4b:s30+s16] =	stream.linear.scatter [tilespmem:s13], [sflag:$0x3], $0x400, $0x38;
	[tilespmem:$0x1A080] =	vst v63  }
0x281: {  	_ =	swait.ge [sflag:s8], $0x400  }
0x282: {  	[sflag:s8] =	ssyncset.done $0x0  }
0x283: {  	s17 =	rddreg [dreg:$0x11];
	[sflag:s8] =	ssyncadd.s32 $0xFFFFFC00  }
0x284: {  	[tilespmem:s9], [sflag:$0x3] =	stream.linear.gather [hbm4b:s17+s16], $0x640, $0x38;
	[tilespmem:$0x1A080] =	vst v63  }
0x285: {  	_ =	swait.ge [sflag:s8], $0x640  }
0x286: {  	[sflag:s8] =	ssyncset.done $0x0  }
0x287: {  	[sflag:s8] =	ssyncadd.s32 $0xFFFFF9C0  }
0x288: {  	[tilespmem:s11], [sflag:$0x2] =	stream.indirect.gather [hbm4b:s3+s9], $0x20, s9, s9, $0xb8;
	[tilespmem:$0x1A080] =	vst v63  }
0x289: {  	_ =	swait.ge [sflag:s12], $0xC800  }
0x28a: {  	[sflag:s12] =	ssyncset.done $0x0  }
0x28b: {  	s17 =	simm.s32 $0xD20;
	[sflag:s12] =	ssyncadd.s32 $0xFFFF3800  }
.LBB2_42:
0x28c: {  	v0 =	vld [tilespmem:s17+$0xFFFFFF60]  }
0x28d: {  	v1 =	vld [tilespmem:s17+$0xFFFFFF70]  }
0x28e: {  	v2 =	vld [tilespmem:s17+$0xFFFFFF80]  }
0x28f: {  	v3 =	vld [tilespmem:s17+$0xFFFFFF90]  }
0x290: {  	v4 =	vld [tilespmem:s17+$0xFFFFFFA0]  }
0x291: {  	v5 =	vld [tilespmem:s17+$0xFFFFFFB0];
	v6 =	vimm.f32 $0.0e+00  }
0x292: {  	v7 =	vld [tilespmem:s17+$0xFFFFFFC0];
	v0 =	vadd.f32 v0, v6;
	v1 =	vadd.f32 v1, v6  }
0x293: {  	v6 =	vld [tilespmem:s17+$0xFFFFFFD0]  }
0x294: {  	v8 =	vld [tilespmem:s17+$0xFFFFFFE0];
	v0 =	vadd.f32 v2, v0;
	v1 =	vadd.f32 v3, v1  }
0x295: {  	v2 =	vld [tilespmem:s17+$0xFFFFFFF0]  }
0x296: {  	v9 =	vld [tilespmem:s17+$0x0];
	v0 =	vadd.f32 v4, v0;
	v1 =	vadd.f32 v5, v1  }
0x297: {  	v4 =	vld [tilespmem:s17+$0x10]  }
0x298: {  	v5 =	vld [tilespmem:s17+$0x20];
	v3 =	vadd.f32 v7, v0;
	v1 =	vadd.f32 v6, v1  }
0x299: {  	v7 =	vld [tilespmem:s17+$0x30]  }
0x29a: {  	v0 =	vld [tilespmem:s17+$0x40];
	v6 =	vadd.f32 v8, v3;
	v2 =	vadd.f32 v2, v1  }
0x29b: {  	v3 =	vld [tilespmem:s17+$0x50]  }
0x29c: {  	v1 =	vld [tilespmem:s17+$0x60];
	v6 =	vadd.f32 v9, v6;
	v8 =	vadd.f32 v4, v2  }
0x29d: {  	v4 =	vld [tilespmem:s17+$0x70]  }
0x29e: {  	v2 =	vld [tilespmem:s17+$0x80];
	v6 =	vadd.f32 v5, v6;
	v7 =	vadd.f32 v7, v8  }
0x29f: {  	s18 =	simm.s32 $0x0;
	s19 =	sadd.s32 $0x140, s17;
	v5 =	vld [tilespmem:s17+$0x90]  }
.LBB2_43:
0x2a0: {  	v8 =	vld [tilespmem:s19+$0xFFFFFF60];
	v0 =	vadd.f32 v0, v6;
	v3 =	vadd.f32 v3, v7  }
0x2a1: {  	s18 =	sadd.s32 $0xA, s18;
	v6 =	vld [tilespmem:s19+$0xFFFFFF70]  }
0x2a2: {  	p0 =	slt.u32 s18, $0x28;
	v7 =	vld [tilespmem:s19+$0xFFFFFF80];
	v0 =	vadd.f32 v1, v0;
	v1 =	vadd.f32 v4, v3  }
0x2a3: {  	v3 =	vld [tilespmem:s19+$0xFFFFFF90]  }
0x2a4: {  	v4 =	vld [tilespmem:s19+$0xFFFFFFA0];
	v0 =	vadd.f32 v2, v0;
	v1 =	vadd.f32 v5, v1  }
0x2a5: {  	v2 =	vld [tilespmem:s19+$0xFFFFFFB0]  }
0x2a6: {  	v0 =	vadd.f32 v8, v0;
	v1 =	vadd.f32 v6, v1;
	v5 =	vld [tilespmem:s19+$0xFFFFFFC0]  }
0x2a7: {  	v6 =	vld [tilespmem:s19+$0xFFFFFFD0]  }
0x2a8: {  	v0 =	vadd.f32 v7, v0;
	v1 =	vadd.f32 v3, v1;
	v3 =	vld [tilespmem:s19+$0xFFFFFFE0]  }
0x2a9: {  	v7 =	vld [tilespmem:s19+$0xFFFFFFF0]  }
0x2aa: {  	v0 =	vadd.f32 v4, v0;
	v1 =	vadd.f32 v2, v1;
	v2 =	vld [tilespmem:s19+$0x0]  }
0x2ab: {  	v4 =	vld [tilespmem:s19+$0x10]  }
0x2ac: {  	v0 =	vadd.f32 v5, v0;
	v1 =	vadd.f32 v6, v1;
	v5 =	vld [tilespmem:s19+$0x20]  }
0x2ad: {  	v8 =	vld [tilespmem:s19+$0x30]  }
0x2ae: {  	v6 =	vadd.f32 v3, v0;
	v1 =	vadd.f32 v7, v1;
	v0 =	vld [tilespmem:s19+$0x40]  }
.Ltmp20:
0x2af: {  	v3 =	vld [tilespmem:s19+$0x50];
	(pc) =	sbr.rel @p0 .LBB2_43-.Ltmp20, $4  }
0x2b0: {  	v2 =	vadd.f32 v2, v6;
	v7 =	vadd.f32 v4, v1;
	v1 =	vld [tilespmem:s19+$0x60]  }
0x2b1: {  	v4 =	vld [tilespmem:s19+$0x70]  }
0x2b2: {  	v6 =	vadd.f32 v5, v2;
	v7 =	vadd.f32 v8, v7;
	v2 =	vld [tilespmem:s19+$0x80]  }
0x2b3: {  	v5 =	vld [tilespmem:s19+$0x90];
	s19 =	sadd.s32 $0x140, s19  }
0x2b4: {  	v0 =	vadd.f32 v0, v6  }
0x2b5: {  	v3 =	vadd.f32 v3, v7;
	s18 =	sshll.u32 s16, $0x5;
	s16 =	sadd.s32 $0x1, s16  }
0x2b6: {  	p0 =	sne.s32 s16, $0x20;
	v0 =	vadd.f32 v1, v0  }
.Ltmp21:
0x2b7: {  	v63 =	vadd.f32 v4, v3;
	(pc) =	sbr.rel @p0 .LBB2_42-.Ltmp21, $4  }
0x2b8: {  	v0 =	vadd.f32 v2, v0  }
0x2b9: {  	s18 =	sand.u32 $0x3FFFFFE0, s18;
	v1 =	vadd.f32 v5, v63  }
0x2ba: {  	[tilespmem:s18+$0x19C80] =	vst v0  }
0x2bb: {  	s17 =	sadd.s32 $0x640, s17;
	[tilespmem:s18+$0x19C90] =	vst v1  }
0x2bc: {  	s16 =	simm.s32 $0x0  }
0x2bd: {  	[hbm4b:s31+s16] =	stream.linear.scatter [tilespmem:s13], [sflag:$0x3], $0x400, $0x38;
	[tilespmem:$0x1A080] =	vst v63  }
0x2be: {  	_ =	swait.ge [sflag:s8], $0x400  }
0x2bf: {  	[sflag:s8] =	ssyncset.done $0x0  }
0x2c0: {  	[sflag:s8] =	ssyncadd.s32 $0xFFFFFC00  }
0x2c1: {  	[tilespmem:s16], [sflag:$0x3] =	stream.linear.gather [hbm4b:s20+s16], $0x640, $0x38;
	[tilespmem:$0x1A080] =	vst v63  }
0x2c2: {  	_ =	swait.ge [sflag:s8], $0x640  }
0x2c3: {  	[sflag:s8] =	ssyncset.done $0x0  }
0x2c4: {  	[sflag:s8] =	ssyncadd.s32 $0xFFFFF9C0  }
0x2c5: {  	[tilespmem:s10], [sflag:$0x1] =	stream.indirect.gather [hbm4b:s3+s9], $0x20, s16, s9, $0xb8;
	[tilespmem:$0x1A080] =	vst v63  }
0x2c6: {  	_ =	swait.ge [sflag:s14], $0xC800  }
0x2c7: {  	[sflag:s14] =	ssyncset.done $0x0  }
0x2c8: {  	s17 =	simm.s32 $0xD520;
	[sflag:s14] =	ssyncadd.s32 $0xFFFF3800  }
.LBB2_46:
0x2c9: {  	v0 =	vld [tilespmem:s17+$0xFFFFFF60]  }
0x2ca: {  	v1 =	vld [tilespmem:s17+$0xFFFFFF70]  }
0x2cb: {  	v2 =	vld [tilespmem:s17+$0xFFFFFF80]  }
0x2cc: {  	v3 =	vld [tilespmem:s17+$0xFFFFFF90]  }
0x2cd: {  	v4 =	vld [tilespmem:s17+$0xFFFFFFA0]  }
0x2ce: {  	v5 =	vld [tilespmem:s17+$0xFFFFFFB0];
	v6 =	vimm.f32 $0.0e+00  }
0x2cf: {  	v7 =	vld [tilespmem:s17+$0xFFFFFFC0];
	v0 =	vadd.f32 v0, v6;
	v1 =	vadd.f32 v1, v6  }
0x2d0: {  	v6 =	vld [tilespmem:s17+$0xFFFFFFD0]  }
0x2d1: {  	v8 =	vld [tilespmem:s17+$0xFFFFFFE0];
	v0 =	vadd.f32 v2, v0;
	v1 =	vadd.f32 v3, v1  }
0x2d2: {  	v2 =	vld [tilespmem:s17+$0xFFFFFFF0]  }
0x2d3: {  	v9 =	vld [tilespmem:s17+$0x0];
	v0 =	vadd.f32 v4, v0;
	v1 =	vadd.f32 v5, v1  }
0x2d4: {  	v4 =	vld [tilespmem:s17+$0x10]  }
0x2d5: {  	v5 =	vld [tilespmem:s17+$0x20];
	v3 =	vadd.f32 v7, v0;
	v1 =	vadd.f32 v6, v1  }
0x2d6: {  	v7 =	vld [tilespmem:s17+$0x30]  }
0x2d7: {  	v0 =	vld [tilespmem:s17+$0x40];
	v6 =	vadd.f32 v8, v3;
	v2 =	vadd.f32 v2, v1  }
0x2d8: {  	v3 =	vld [tilespmem:s17+$0x50]  }
0x2d9: {  	v1 =	vld [tilespmem:s17+$0x60];
	v6 =	vadd.f32 v9, v6;
	v8 =	vadd.f32 v4, v2  }
0x2da: {  	v4 =	vld [tilespmem:s17+$0x70]  }
0x2db: {  	v2 =	vld [tilespmem:s17+$0x80];
	v6 =	vadd.f32 v5, v6;
	v7 =	vadd.f32 v7, v8  }
0x2dc: {  	s18 =	simm.s32 $0x0;
	s19 =	sadd.s32 $0x140, s17;
	v5 =	vld [tilespmem:s17+$0x90]  }
.LBB2_47:
0x2dd: {  	v8 =	vld [tilespmem:s19+$0xFFFFFF60];
	v0 =	vadd.f32 v0, v6;
	v3 =	vadd.f32 v3, v7  }
0x2de: {  	s18 =	sadd.s32 $0xA, s18;
	v6 =	vld [tilespmem:s19+$0xFFFFFF70]  }
0x2df: {  	p0 =	slt.u32 s18, $0x28;
	v7 =	vld [tilespmem:s19+$0xFFFFFF80];
	v0 =	vadd.f32 v1, v0;
	v1 =	vadd.f32 v4, v3  }
0x2e0: {  	v3 =	vld [tilespmem:s19+$0xFFFFFF90]  }
0x2e1: {  	v4 =	vld [tilespmem:s19+$0xFFFFFFA0];
	v0 =	vadd.f32 v2, v0;
	v1 =	vadd.f32 v5, v1  }
0x2e2: {  	v2 =	vld [tilespmem:s19+$0xFFFFFFB0]  }
0x2e3: {  	v0 =	vadd.f32 v8, v0;
	v1 =	vadd.f32 v6, v1;
	v5 =	vld [tilespmem:s19+$0xFFFFFFC0]  }
0x2e4: {  	v6 =	vld [tilespmem:s19+$0xFFFFFFD0]  }
0x2e5: {  	v0 =	vadd.f32 v7, v0;
	v1 =	vadd.f32 v3, v1;
	v3 =	vld [tilespmem:s19+$0xFFFFFFE0]  }
0x2e6: {  	v7 =	vld [tilespmem:s19+$0xFFFFFFF0]  }
0x2e7: {  	v0 =	vadd.f32 v4, v0;
	v1 =	vadd.f32 v2, v1;
	v2 =	vld [tilespmem:s19+$0x0]  }
0x2e8: {  	v4 =	vld [tilespmem:s19+$0x10]  }
0x2e9: {  	v0 =	vadd.f32 v5, v0;
	v1 =	vadd.f32 v6, v1;
	v5 =	vld [tilespmem:s19+$0x20]  }
0x2ea: {  	v8 =	vld [tilespmem:s19+$0x30]  }
0x2eb: {  	v6 =	vadd.f32 v3, v0;
	v1 =	vadd.f32 v7, v1;
	v0 =	vld [tilespmem:s19+$0x40]  }
.Ltmp22:
0x2ec: {  	v3 =	vld [tilespmem:s19+$0x50];
	(pc) =	sbr.rel @p0 .LBB2_47-.Ltmp22, $4  }
0x2ed: {  	v2 =	vadd.f32 v2, v6;
	v7 =	vadd.f32 v4, v1;
	v1 =	vld [tilespmem:s19+$0x60]  }
0x2ee: {  	v4 =	vld [tilespmem:s19+$0x70]  }
0x2ef: {  	v6 =	vadd.f32 v5, v2;
	v7 =	vadd.f32 v8, v7;
	v2 =	vld [tilespmem:s19+$0x80]  }
0x2f0: {  	v5 =	vld [tilespmem:s19+$0x90];
	s19 =	sadd.s32 $0x140, s19  }
0x2f1: {  	v0 =	vadd.f32 v0, v6  }
0x2f2: {  	v3 =	vadd.f32 v3, v7;
	s18 =	sshll.u32 s16, $0x5;
	s16 =	sadd.s32 $0x1, s16  }
0x2f3: {  	p0 =	sne.s32 s16, $0x20;
	v0 =	vadd.f32 v1, v0  }
.Ltmp23:
0x2f4: {  	v63 =	vadd.f32 v4, v3;
	(pc) =	sbr.rel @p0 .LBB2_46-.Ltmp23, $4  }
0x2f5: {  	v0 =	vadd.f32 v2, v0  }
0x2f6: {  	s18 =	sand.u32 $0x3FFFFFE0, s18;
	v1 =	vadd.f32 v5, v63  }
0x2f7: {  	[tilespmem:s18+$0x19C80] =	vst v0  }
0x2f8: {  	s17 =	sadd.s32 $0x640, s17;
	[tilespmem:s18+$0x19C90] =	vst v1  }
0x2f9: {  	s16 =	simm.s32 $0x0  }
0x2fa: {  	[hbm4b:s1+s16] =	stream.linear.scatter [tilespmem:s13], [sflag:$0x3], $0x400, $0x38;
	[tilespmem:$0x1A080] =	vst v63  }
0x2fb: {  	_ =	swait.ge [sflag:s8], $0x400  }
0x2fc: {  	[sflag:s8] =	ssyncset.done $0x0  }
0x2fd: {  	[sflag:s8] =	ssyncadd.s32 $0xFFFFFC00  }
0x2fe: {  	[tilespmem:s9], [sflag:$0x3] =	stream.linear.gather [hbm4b:s21+s16], $0x640, $0x38;
	[tilespmem:$0x1A080] =	vst v63  }
0x2ff: {  	_ =	swait.ge [sflag:s8], $0x640  }
0x300: {  	[sflag:s8] =	ssyncset.done $0x0  }
0x301: {  	[sflag:s8] =	ssyncadd.s32 $0xFFFFF9C0  }
0x302: {  	[tilespmem:s11], [sflag:$0x2] =	stream.indirect.gather [hbm4b:s3+s9], $0x20, s9, s9, $0xb8;
	[tilespmem:$0x1A080] =	vst v63  }
0x303: {  	_ =	swait.ge [sflag:s12], $0xC800  }
0x304: {  	[sflag:s12] =	ssyncset.done $0x0  }
0x305: {  	s17 =	simm.s32 $0xD20;
	[sflag:s12] =	ssyncadd.s32 $0xFFFF3800  }
.LBB2_50:
0x306: {  	v0 =	vld [tilespmem:s17+$0xFFFFFF60]  }
0x307: {  	v1 =	vld [tilespmem:s17+$0xFFFFFF70]  }
0x308: {  	v2 =	vld [tilespmem:s17+$0xFFFFFF80]  }
0x309: {  	v3 =	vld [tilespmem:s17+$0xFFFFFF90]  }
0x30a: {  	v4 =	vld [tilespmem:s17+$0xFFFFFFA0]  }
0x30b: {  	v5 =	vld [tilespmem:s17+$0xFFFFFFB0];
	v6 =	vimm.f32 $0.0e+00  }
0x30c: {  	v7 =	vld [tilespmem:s17+$0xFFFFFFC0];
	v0 =	vadd.f32 v0, v6;
	v1 =	vadd.f32 v1, v6  }
0x30d: {  	v6 =	vld [tilespmem:s17+$0xFFFFFFD0]  }
0x30e: {  	v8 =	vld [tilespmem:s17+$0xFFFFFFE0];
	v0 =	vadd.f32 v2, v0;
	v1 =	vadd.f32 v3, v1  }
0x30f: {  	v2 =	vld [tilespmem:s17+$0xFFFFFFF0]  }
0x310: {  	v9 =	vld [tilespmem:s17+$0x0];
	v0 =	vadd.f32 v4, v0;
	v1 =	vadd.f32 v5, v1  }
0x311: {  	v4 =	vld [tilespmem:s17+$0x10]  }
0x312: {  	v5 =	vld [tilespmem:s17+$0x20];
	v3 =	vadd.f32 v7, v0;
	v1 =	vadd.f32 v6, v1  }
0x313: {  	v7 =	vld [tilespmem:s17+$0x30]  }
0x314: {  	v0 =	vld [tilespmem:s17+$0x40];
	v6 =	vadd.f32 v8, v3;
	v2 =	vadd.f32 v2, v1  }
0x315: {  	v3 =	vld [tilespmem:s17+$0x50]  }
0x316: {  	v1 =	vld [tilespmem:s17+$0x60];
	v6 =	vadd.f32 v9, v6;
	v8 =	vadd.f32 v4, v2  }
0x317: {  	v4 =	vld [tilespmem:s17+$0x70]  }
0x318: {  	v2 =	vld [tilespmem:s17+$0x80];
	v6 =	vadd.f32 v5, v6;
	v7 =	vadd.f32 v7, v8  }
0x319: {  	s18 =	simm.s32 $0x0;
	s19 =	sadd.s32 $0x140, s17;
	v5 =	vld [tilespmem:s17+$0x90]  }
.LBB2_51:
0x31a: {  	v8 =	vld [tilespmem:s19+$0xFFFFFF60];
	v0 =	vadd.f32 v0, v6;
	v3 =	vadd.f32 v3, v7  }
0x31b: {  	s18 =	sadd.s32 $0xA, s18;
	v6 =	vld [tilespmem:s19+$0xFFFFFF70]  }
0x31c: {  	p0 =	slt.u32 s18, $0x28;
	v7 =	vld [tilespmem:s19+$0xFFFFFF80];
	v0 =	vadd.f32 v1, v0;
	v1 =	vadd.f32 v4, v3  }
0x31d: {  	v3 =	vld [tilespmem:s19+$0xFFFFFF90]  }
0x31e: {  	v4 =	vld [tilespmem:s19+$0xFFFFFFA0];
	v0 =	vadd.f32 v2, v0;
	v1 =	vadd.f32 v5, v1  }
0x31f: {  	v2 =	vld [tilespmem:s19+$0xFFFFFFB0]  }
0x320: {  	v0 =	vadd.f32 v8, v0;
	v1 =	vadd.f32 v6, v1;
	v5 =	vld [tilespmem:s19+$0xFFFFFFC0]  }
0x321: {  	v6 =	vld [tilespmem:s19+$0xFFFFFFD0]  }
0x322: {  	v0 =	vadd.f32 v7, v0;
	v1 =	vadd.f32 v3, v1;
	v3 =	vld [tilespmem:s19+$0xFFFFFFE0]  }
0x323: {  	v7 =	vld [tilespmem:s19+$0xFFFFFFF0]  }
0x324: {  	v0 =	vadd.f32 v4, v0;
	v1 =	vadd.f32 v2, v1;
	v2 =	vld [tilespmem:s19+$0x0]  }
0x325: {  	v4 =	vld [tilespmem:s19+$0x10]  }
0x326: {  	v0 =	vadd.f32 v5, v0;
	v1 =	vadd.f32 v6, v1;
	v5 =	vld [tilespmem:s19+$0x20]  }
0x327: {  	v8 =	vld [tilespmem:s19+$0x30]  }
0x328: {  	v6 =	vadd.f32 v3, v0;
	v1 =	vadd.f32 v7, v1;
	v0 =	vld [tilespmem:s19+$0x40]  }
.Ltmp24:
0x329: {  	v3 =	vld [tilespmem:s19+$0x50];
	(pc) =	sbr.rel @p0 .LBB2_51-.Ltmp24, $4  }
0x32a: {  	v2 =	vadd.f32 v2, v6;
	v7 =	vadd.f32 v4, v1;
	v1 =	vld [tilespmem:s19+$0x60]  }
0x32b: {  	v4 =	vld [tilespmem:s19+$0x70]  }
0x32c: {  	v6 =	vadd.f32 v5, v2;
	v7 =	vadd.f32 v8, v7;
	v2 =	vld [tilespmem:s19+$0x80]  }
0x32d: {  	v5 =	vld [tilespmem:s19+$0x90];
	s19 =	sadd.s32 $0x140, s19  }
0x32e: {  	v0 =	vadd.f32 v0, v6  }
0x32f: {  	v3 =	vadd.f32 v3, v7;
	s18 =	sshll.u32 s16, $0x5;
	s16 =	sadd.s32 $0x1, s16  }
0x330: {  	p0 =	sne.s32 s16, $0x20;
	v0 =	vadd.f32 v1, v0  }
.Ltmp25:
0x331: {  	v63 =	vadd.f32 v4, v3;
	(pc) =	sbr.rel @p0 .LBB2_50-.Ltmp25, $4  }
0x332: {  	v0 =	vadd.f32 v2, v0  }
0x333: {  	s18 =	sand.u32 $0x3FFFFFE0, s18;
	v1 =	vadd.f32 v5, v63  }
0x334: {  	[tilespmem:s18+$0x19C80] =	vst v0  }
0x335: {  	s17 =	sadd.s32 $0x640, s17;
	[tilespmem:s18+$0x19C90] =	vst v1  }
0x336: {  	s16 =	simm.s32 $0x0  }
0x337: {  	[hbm4b:s0+s16] =	stream.linear.scatter [tilespmem:s13], [sflag:$0x3], $0x400, $0x38;
	[tilespmem:$0x1A080] =	vst v63  }
0x338: {  	_ =	swait.ge [sflag:s8], $0x400  }
0x339: {  	[sflag:s8] =	ssyncset.done $0x0  }
0x33a: {  	[sflag:s8] =	ssyncadd.s32 $0xFFFFFC00  }
0x33b: {  	[tilespmem:s16], [sflag:$0x3] =	stream.linear.gather [hbm4b:s22+s16], $0x640, $0x38;
	[tilespmem:$0x1A080] =	vst v63  }
0x33c: {  	_ =	swait.ge [sflag:s8], $0x640  }
0x33d: {  	[sflag:s8] =	ssyncset.done $0x0  }
0x33e: {  	[sflag:s8] =	ssyncadd.s32 $0xFFFFF9C0  }
0x33f: {  	[tilespmem:s10], [sflag:$0x1] =	stream.indirect.gather [hbm4b:s3+s9], $0x20, s16, s9, $0xb8;
	[tilespmem:$0x1A080] =	vst v63  }
0x340: {  	_ =	swait.ge [sflag:s14], $0xC800  }
0x341: {  	[sflag:s14] =	ssyncset.done $0x0  }
0x342: {  	s17 =	simm.s32 $0xD520;
	[sflag:s14] =	ssyncadd.s32 $0xFFFF3800  }
.LBB2_54:
0x343: {  	v0 =	vld [tilespmem:s17+$0xFFFFFF60]  }
0x344: {  	v1 =	vld [tilespmem:s17+$0xFFFFFF70]  }
0x345: {  	v2 =	vld [tilespmem:s17+$0xFFFFFF80]  }
0x346: {  	v3 =	vld [tilespmem:s17+$0xFFFFFF90]  }
0x347: {  	v4 =	vld [tilespmem:s17+$0xFFFFFFA0]  }
0x348: {  	v5 =	vld [tilespmem:s17+$0xFFFFFFB0];
	v6 =	vimm.f32 $0.0e+00  }
0x349: {  	v7 =	vld [tilespmem:s17+$0xFFFFFFC0];
	v0 =	vadd.f32 v0, v6;
	v1 =	vadd.f32 v1, v6  }
0x34a: {  	v6 =	vld [tilespmem:s17+$0xFFFFFFD0]  }
0x34b: {  	v8 =	vld [tilespmem:s17+$0xFFFFFFE0];
	v0 =	vadd.f32 v2, v0;
	v1 =	vadd.f32 v3, v1  }
0x34c: {  	v2 =	vld [tilespmem:s17+$0xFFFFFFF0]  }
0x34d: {  	v9 =	vld [tilespmem:s17+$0x0];
	v0 =	vadd.f32 v4, v0;
	v1 =	vadd.f32 v5, v1  }
0x34e: {  	v4 =	vld [tilespmem:s17+$0x10]  }
0x34f: {  	v5 =	vld [tilespmem:s17+$0x20];
	v3 =	vadd.f32 v7, v0;
	v1 =	vadd.f32 v6, v1  }
0x350: {  	v7 =	vld [tilespmem:s17+$0x30]  }
0x351: {  	v0 =	vld [tilespmem:s17+$0x40];
	v6 =	vadd.f32 v8, v3;
	v2 =	vadd.f32 v2, v1  }
0x352: {  	v3 =	vld [tilespmem:s17+$0x50]  }
0x353: {  	v1 =	vld [tilespmem:s17+$0x60];
	v6 =	vadd.f32 v9, v6;
	v8 =	vadd.f32 v4, v2  }
0x354: {  	v4 =	vld [tilespmem:s17+$0x70]  }
0x355: {  	v2 =	vld [tilespmem:s17+$0x80];
	v6 =	vadd.f32 v5, v6;
	v7 =	vadd.f32 v7, v8  }
0x356: {  	s18 =	simm.s32 $0x0;
	s19 =	sadd.s32 $0x140, s17;
	v5 =	vld [tilespmem:s17+$0x90]  }
.LBB2_55:
0x357: {  	v8 =	vld [tilespmem:s19+$0xFFFFFF60];
	v0 =	vadd.f32 v0, v6;
	v3 =	vadd.f32 v3, v7  }
0x358: {  	s18 =	sadd.s32 $0xA, s18;
	v6 =	vld [tilespmem:s19+$0xFFFFFF70]  }
0x359: {  	p0 =	slt.u32 s18, $0x28;
	v7 =	vld [tilespmem:s19+$0xFFFFFF80];
	v0 =	vadd.f32 v1, v0;
	v1 =	vadd.f32 v4, v3  }
0x35a: {  	v3 =	vld [tilespmem:s19+$0xFFFFFF90]  }
0x35b: {  	v4 =	vld [tilespmem:s19+$0xFFFFFFA0];
	v0 =	vadd.f32 v2, v0;
	v1 =	vadd.f32 v5, v1  }
0x35c: {  	v2 =	vld [tilespmem:s19+$0xFFFFFFB0]  }
0x35d: {  	v0 =	vadd.f32 v8, v0;
	v1 =	vadd.f32 v6, v1;
	v5 =	vld [tilespmem:s19+$0xFFFFFFC0]  }
0x35e: {  	v6 =	vld [tilespmem:s19+$0xFFFFFFD0]  }
0x35f: {  	v0 =	vadd.f32 v7, v0;
	v1 =	vadd.f32 v3, v1;
	v3 =	vld [tilespmem:s19+$0xFFFFFFE0]  }
0x360: {  	v7 =	vld [tilespmem:s19+$0xFFFFFFF0]  }
0x361: {  	v0 =	vadd.f32 v4, v0;
	v1 =	vadd.f32 v2, v1;
	v2 =	vld [tilespmem:s19+$0x0]  }
0x362: {  	v4 =	vld [tilespmem:s19+$0x10]  }
0x363: {  	v0 =	vadd.f32 v5, v0;
	v1 =	vadd.f32 v6, v1;
	v5 =	vld [tilespmem:s19+$0x20]  }
0x364: {  	v8 =	vld [tilespmem:s19+$0x30]  }
0x365: {  	v6 =	vadd.f32 v3, v0;
	v1 =	vadd.f32 v7, v1;
	v0 =	vld [tilespmem:s19+$0x40]  }
.Ltmp26:
0x366: {  	v3 =	vld [tilespmem:s19+$0x50];
	(pc) =	sbr.rel @p0 .LBB2_55-.Ltmp26, $4  }
0x367: {  	v2 =	vadd.f32 v2, v6;
	v7 =	vadd.f32 v4, v1;
	v1 =	vld [tilespmem:s19+$0x60]  }
0x368: {  	v4 =	vld [tilespmem:s19+$0x70]  }
0x369: {  	v6 =	vadd.f32 v5, v2;
	v7 =	vadd.f32 v8, v7;
	v2 =	vld [tilespmem:s19+$0x80]  }
0x36a: {  	v5 =	vld [tilespmem:s19+$0x90];
	s19 =	sadd.s32 $0x140, s19  }
0x36b: {  	v0 =	vadd.f32 v0, v6  }
0x36c: {  	v3 =	vadd.f32 v3, v7;
	s18 =	sshll.u32 s16, $0x5;
	s16 =	sadd.s32 $0x1, s16  }
0x36d: {  	p0 =	sne.s32 s16, $0x20;
	v0 =	vadd.f32 v1, v0  }
.Ltmp27:
0x36e: {  	v63 =	vadd.f32 v4, v3;
	(pc) =	sbr.rel @p0 .LBB2_54-.Ltmp27, $4  }
0x36f: {  	v0 =	vadd.f32 v2, v0  }
0x370: {  	s18 =	sand.u32 $0x3FFFFFE0, s18;
	v1 =	vadd.f32 v5, v63  }
0x371: {  	[tilespmem:s18+$0x19C80] =	vst v0  }
0x372: {  	s17 =	sadd.s32 $0x640, s17;
	[tilespmem:s18+$0x19C90] =	vst v1  }
0x373: {  	s16 =	simm.s32 $0x0  }
0x374: {  	[hbm4b:s4+s16] =	stream.linear.scatter [tilespmem:s13], [sflag:$0x3], $0x400, $0x38;
	[tilespmem:$0x1A080] =	vst v63  }
0x375: {  	_ =	swait.ge [sflag:s8], $0x400  }
0x376: {  	[sflag:s8] =	ssyncset.done $0x0  }
0x377: {  	[sflag:s8] =	ssyncadd.s32 $0xFFFFFC00  }
0x378: {  	[tilespmem:s9], [sflag:$0x3] =	stream.linear.gather [hbm4b:s23+s16], $0x640, $0x38;
	[tilespmem:$0x1A080] =	vst v63  }
0x379: {  	_ =	swait.ge [sflag:s8], $0x640  }
0x37a: {  	[sflag:s8] =	ssyncset.done $0x0  }
0x37b: {  	[sflag:s8] =	ssyncadd.s32 $0xFFFFF9C0  }
0x37c: {  	[tilespmem:s11], [sflag:$0x2] =	stream.indirect.gather [hbm4b:s3+s9], $0x20, s9, s9, $0xb8;
	[tilespmem:$0x1A080] =	vst v63  }
0x37d: {  	_ =	swait.ge [sflag:s12], $0xC800  }
0x37e: {  	[sflag:s12] =	ssyncset.done $0x0  }
0x37f: {  	s17 =	simm.s32 $0xD20;
	[sflag:s12] =	ssyncadd.s32 $0xFFFF3800  }
.LBB2_58:
0x380: {  	v0 =	vld [tilespmem:s17+$0xFFFFFF60]  }
0x381: {  	v1 =	vld [tilespmem:s17+$0xFFFFFF70]  }
0x382: {  	v2 =	vld [tilespmem:s17+$0xFFFFFF80]  }
0x383: {  	v3 =	vld [tilespmem:s17+$0xFFFFFF90]  }
0x384: {  	v4 =	vld [tilespmem:s17+$0xFFFFFFA0]  }
0x385: {  	v5 =	vld [tilespmem:s17+$0xFFFFFFB0];
	v6 =	vimm.f32 $0.0e+00  }
0x386: {  	v7 =	vld [tilespmem:s17+$0xFFFFFFC0];
	v0 =	vadd.f32 v0, v6;
	v1 =	vadd.f32 v1, v6  }
0x387: {  	v6 =	vld [tilespmem:s17+$0xFFFFFFD0]  }
0x388: {  	v8 =	vld [tilespmem:s17+$0xFFFFFFE0];
	v0 =	vadd.f32 v2, v0;
	v1 =	vadd.f32 v3, v1  }
0x389: {  	v2 =	vld [tilespmem:s17+$0xFFFFFFF0]  }
0x38a: {  	v9 =	vld [tilespmem:s17+$0x0];
	v0 =	vadd.f32 v4, v0;
	v1 =	vadd.f32 v5, v1  }
0x38b: {  	v4 =	vld [tilespmem:s17+$0x10]  }
0x38c: {  	v5 =	vld [tilespmem:s17+$0x20];
	v3 =	vadd.f32 v7, v0;
	v1 =	vadd.f32 v6, v1  }
0x38d: {  	v7 =	vld [tilespmem:s17+$0x30]  }
0x38e: {  	v0 =	vld [tilespmem:s17+$0x40];
	v6 =	vadd.f32 v8, v3;
	v2 =	vadd.f32 v2, v1  }
0x38f: {  	v3 =	vld [tilespmem:s17+$0x50]  }
0x390: {  	v1 =	vld [tilespmem:s17+$0x60];
	v6 =	vadd.f32 v9, v6;
	v8 =	vadd.f32 v4, v2  }
0x391: {  	v4 =	vld [tilespmem:s17+$0x70]  }
0x392: {  	v2 =	vld [tilespmem:s17+$0x80];
	v6 =	vadd.f32 v5, v6;
	v7 =	vadd.f32 v7, v8  }
0x393: {  	s18 =	simm.s32 $0x0;
	s19 =	sadd.s32 $0x140, s17;
	v5 =	vld [tilespmem:s17+$0x90]  }
.LBB2_59:
0x394: {  	v8 =	vld [tilespmem:s19+$0xFFFFFF60];
	v0 =	vadd.f32 v0, v6;
	v3 =	vadd.f32 v3, v7  }
0x395: {  	s18 =	sadd.s32 $0xA, s18;
	v6 =	vld [tilespmem:s19+$0xFFFFFF70]  }
0x396: {  	p0 =	slt.u32 s18, $0x28;
	v7 =	vld [tilespmem:s19+$0xFFFFFF80];
	v0 =	vadd.f32 v1, v0;
	v1 =	vadd.f32 v4, v3  }
0x397: {  	v3 =	vld [tilespmem:s19+$0xFFFFFF90]  }
0x398: {  	v4 =	vld [tilespmem:s19+$0xFFFFFFA0];
	v0 =	vadd.f32 v2, v0;
	v1 =	vadd.f32 v5, v1  }
0x399: {  	v2 =	vld [tilespmem:s19+$0xFFFFFFB0]  }
0x39a: {  	v0 =	vadd.f32 v8, v0;
	v1 =	vadd.f32 v6, v1;
	v5 =	vld [tilespmem:s19+$0xFFFFFFC0]  }
0x39b: {  	v6 =	vld [tilespmem:s19+$0xFFFFFFD0]  }
0x39c: {  	v0 =	vadd.f32 v7, v0;
	v1 =	vadd.f32 v3, v1;
	v3 =	vld [tilespmem:s19+$0xFFFFFFE0]  }
0x39d: {  	v7 =	vld [tilespmem:s19+$0xFFFFFFF0]  }
0x39e: {  	v0 =	vadd.f32 v4, v0;
	v1 =	vadd.f32 v2, v1;
	v2 =	vld [tilespmem:s19+$0x0]  }
0x39f: {  	v4 =	vld [tilespmem:s19+$0x10]  }
0x3a0: {  	v0 =	vadd.f32 v5, v0;
	v1 =	vadd.f32 v6, v1;
	v5 =	vld [tilespmem:s19+$0x20]  }
0x3a1: {  	v8 =	vld [tilespmem:s19+$0x30]  }
0x3a2: {  	v6 =	vadd.f32 v3, v0;
	v1 =	vadd.f32 v7, v1;
	v0 =	vld [tilespmem:s19+$0x40]  }
.Ltmp28:
0x3a3: {  	v3 =	vld [tilespmem:s19+$0x50];
	(pc) =	sbr.rel @p0 .LBB2_59-.Ltmp28, $4  }
0x3a4: {  	v2 =	vadd.f32 v2, v6;
	v7 =	vadd.f32 v4, v1;
	v1 =	vld [tilespmem:s19+$0x60]  }
0x3a5: {  	v4 =	vld [tilespmem:s19+$0x70]  }
0x3a6: {  	v6 =	vadd.f32 v5, v2;
	v7 =	vadd.f32 v8, v7;
	v2 =	vld [tilespmem:s19+$0x80]  }
0x3a7: {  	v5 =	vld [tilespmem:s19+$0x90];
	s19 =	sadd.s32 $0x140, s19  }
0x3a8: {  	v0 =	vadd.f32 v0, v6  }
0x3a9: {  	v3 =	vadd.f32 v3, v7;
	s18 =	sshll.u32 s16, $0x5;
	s16 =	sadd.s32 $0x1, s16  }
0x3aa: {  	p0 =	sne.s32 s16, $0x20;
	v0 =	vadd.f32 v1, v0  }
.Ltmp29:
0x3ab: {  	v63 =	vadd.f32 v4, v3;
	(pc) =	sbr.rel @p0 .LBB2_58-.Ltmp29, $4  }
0x3ac: {  	v0 =	vadd.f32 v2, v0  }
0x3ad: {  	s18 =	sand.u32 $0x3FFFFFE0, s18;
	v1 =	vadd.f32 v5, v63  }
0x3ae: {  	[tilespmem:s18+$0x19C80] =	vst v0  }
0x3af: {  	s17 =	sadd.s32 $0x640, s17;
	[tilespmem:s18+$0x19C90] =	vst v1  }
0x3b0: {  	s16 =	simm.s32 $0x0  }
0x3b1: {  	[hbm4b:s5+s16] =	stream.linear.scatter [tilespmem:s13], [sflag:$0x3], $0x400, $0x38;
	[tilespmem:$0x1A080] =	vst v63  }
0x3b2: {  	_ =	swait.ge [sflag:s8], $0x400  }
0x3b3: {  	[sflag:s8] =	ssyncset.done $0x0  }
0x3b4: {  	[sflag:s8] =	ssyncadd.s32 $0xFFFFFC00  }
0x3b5: {  	_ =	swait.ge [sflag:s14], $0xC800  }
0x3b6: {  	[sflag:s14] =	ssyncset.done $0x0  }
0x3b7: {  	s17 =	simm.s32 $0xD520;
	[sflag:s14] =	ssyncadd.s32 $0xFFFF3800  }
.LBB2_62:
0x3b8: {  	v0 =	vld [tilespmem:s17+$0xFFFFFF60]  }
0x3b9: {  	v1 =	vld [tilespmem:s17+$0xFFFFFF70]  }
0x3ba: {  	v2 =	vld [tilespmem:s17+$0xFFFFFF80]  }
0x3bb: {  	v3 =	vld [tilespmem:s17+$0xFFFFFF90]  }
0x3bc: {  	v4 =	vld [tilespmem:s17+$0xFFFFFFA0]  }
0x3bd: {  	v5 =	vld [tilespmem:s17+$0xFFFFFFB0];
	v6 =	vimm.f32 $0.0e+00  }
0x3be: {  	v7 =	vld [tilespmem:s17+$0xFFFFFFC0];
	v0 =	vadd.f32 v0, v6;
	v1 =	vadd.f32 v1, v6  }
0x3bf: {  	v6 =	vld [tilespmem:s17+$0xFFFFFFD0]  }
0x3c0: {  	v8 =	vld [tilespmem:s17+$0xFFFFFFE0];
	v0 =	vadd.f32 v2, v0;
	v1 =	vadd.f32 v3, v1  }
0x3c1: {  	v2 =	vld [tilespmem:s17+$0xFFFFFFF0]  }
0x3c2: {  	v9 =	vld [tilespmem:s17+$0x0];
	v0 =	vadd.f32 v4, v0;
	v1 =	vadd.f32 v5, v1  }
0x3c3: {  	v4 =	vld [tilespmem:s17+$0x10]  }
0x3c4: {  	v5 =	vld [tilespmem:s17+$0x20];
	v3 =	vadd.f32 v7, v0;
	v1 =	vadd.f32 v6, v1  }
0x3c5: {  	v7 =	vld [tilespmem:s17+$0x30]  }
0x3c6: {  	v0 =	vld [tilespmem:s17+$0x40];
	v6 =	vadd.f32 v8, v3;
	v2 =	vadd.f32 v2, v1  }
0x3c7: {  	v3 =	vld [tilespmem:s17+$0x50]  }
0x3c8: {  	v1 =	vld [tilespmem:s17+$0x60];
	v6 =	vadd.f32 v9, v6;
	v8 =	vadd.f32 v4, v2  }
0x3c9: {  	v4 =	vld [tilespmem:s17+$0x70]  }
0x3ca: {  	v2 =	vld [tilespmem:s17+$0x80];
	v6 =	vadd.f32 v5, v6;
	v7 =	vadd.f32 v7, v8  }
0x3cb: {  	s18 =	simm.s32 $0x0;
	s19 =	sadd.s32 $0x140, s17;
	v5 =	vld [tilespmem:s17+$0x90]  }
.LBB2_63:
0x3cc: {  	v8 =	vld [tilespmem:s19+$0xFFFFFF60];
	v0 =	vadd.f32 v0, v6;
	v3 =	vadd.f32 v3, v7  }
0x3cd: {  	s18 =	sadd.s32 $0xA, s18;
	v6 =	vld [tilespmem:s19+$0xFFFFFF70]  }
0x3ce: {  	p0 =	slt.u32 s18, $0x28;
	v7 =	vld [tilespmem:s19+$0xFFFFFF80];
	v0 =	vadd.f32 v1, v0;
	v1 =	vadd.f32 v4, v3  }
0x3cf: {  	v3 =	vld [tilespmem:s19+$0xFFFFFF90]  }
0x3d0: {  	v4 =	vld [tilespmem:s19+$0xFFFFFFA0];
	v0 =	vadd.f32 v2, v0;
	v1 =	vadd.f32 v5, v1  }
0x3d1: {  	v2 =	vld [tilespmem:s19+$0xFFFFFFB0]  }
0x3d2: {  	v0 =	vadd.f32 v8, v0;
	v1 =	vadd.f32 v6, v1;
	v5 =	vld [tilespmem:s19+$0xFFFFFFC0]  }
0x3d3: {  	v6 =	vld [tilespmem:s19+$0xFFFFFFD0]  }
0x3d4: {  	v0 =	vadd.f32 v7, v0;
	v1 =	vadd.f32 v3, v1;
	v3 =	vld [tilespmem:s19+$0xFFFFFFE0]  }
0x3d5: {  	v7 =	vld [tilespmem:s19+$0xFFFFFFF0]  }
0x3d6: {  	v0 =	vadd.f32 v4, v0;
	v1 =	vadd.f32 v2, v1;
	v2 =	vld [tilespmem:s19+$0x0]  }
0x3d7: {  	v4 =	vld [tilespmem:s19+$0x10]  }
0x3d8: {  	v0 =	vadd.f32 v5, v0;
	v1 =	vadd.f32 v6, v1;
	v5 =	vld [tilespmem:s19+$0x20]  }
0x3d9: {  	v8 =	vld [tilespmem:s19+$0x30]  }
0x3da: {  	v6 =	vadd.f32 v3, v0;
	v1 =	vadd.f32 v7, v1;
	v0 =	vld [tilespmem:s19+$0x40]  }
.Ltmp30:
0x3db: {  	v3 =	vld [tilespmem:s19+$0x50];
	(pc) =	sbr.rel @p0 .LBB2_63-.Ltmp30, $4  }
0x3dc: {  	v2 =	vadd.f32 v2, v6;
	v7 =	vadd.f32 v4, v1;
	v1 =	vld [tilespmem:s19+$0x60]  }
0x3dd: {  	v4 =	vld [tilespmem:s19+$0x70]  }
0x3de: {  	v6 =	vadd.f32 v5, v2;
	v7 =	vadd.f32 v8, v7;
	v2 =	vld [tilespmem:s19+$0x80]  }
0x3df: {  	v5 =	vld [tilespmem:s19+$0x90];
	s19 =	sadd.s32 $0x140, s19  }
0x3e0: {  	v0 =	vadd.f32 v0, v6  }
0x3e1: {  	v3 =	vadd.f32 v3, v7;
	s18 =	sshll.u32 s16, $0x5;
	s16 =	sadd.s32 $0x1, s16  }
0x3e2: {  	p0 =	sne.s32 s16, $0x20;
	v0 =	vadd.f32 v1, v0  }
.Ltmp31:
0x3e3: {  	v63 =	vadd.f32 v4, v3;
	(pc) =	sbr.rel @p0 .LBB2_62-.Ltmp31, $4  }
0x3e4: {  	v0 =	vadd.f32 v2, v0  }
0x3e5: {  	s18 =	sand.u32 $0x3FFFFFE0, s18;
	v1 =	vadd.f32 v5, v63  }
0x3e6: {  	[tilespmem:s18+$0x19C80] =	vst v0  }
0x3e7: {  	s17 =	sadd.s32 $0x640, s17;
	[tilespmem:s18+$0x19C90] =	vst v1  }
0x3e8: {  	s15 =	sadd.s32 $0x1, s15  }
0x3e9: {  	p0 =	sne.s32 s15, s7  }
.Ltmp32:
0x3ea: {  	_ = 	snop;
	(pc) =	sbr.rel @p0 .LBB2_1-.Ltmp32, $4  }
0x3eb: {  	[hbm4b:s6+s2] =	stream.linear.scatter [tilespmem:s13], [sflag:$0x3], $0x400, $0x38;
	[tilespmem:$0x1A080] =	vst v63  }
0x3ec: {  	_ =	swait.ge [sflag:s8], $0x400  }
0x3ed: {  	[sflag:s8] =	ssyncset.done $0x0  }
0x3ee: {  	[sflag:s8] =	ssyncadd.s32 $0xFFFFFC00  }
0x3ef: {  	_ =	sfence.sel $0x180000  }
0x3f0: {  	[bflag:$0x0] =	sbarrier.arrive $0xFFFF  }
0x3f1: {  	_ =	strace $0x90000047  }
0x3f2: {  	s0 =	stileid.u32;
	[bflag:$0x2] =	sbarrier.arrive $0xFFFF  }
0x3f3: {  	p0 =	sne.s32 s0, $0x0;
	s0 =	rddreg [dreg:$0x1]  }
0x3f4: {  	s0 =	sadd.s32 @!p0 $0x100000, s0  }
0x3f5: {  	[sflag:s0] =	ssyncadd.tile.s32 @!p0 $0x1;
	_ =	shalt  }
.Lfunc_end2:
_tile_overlayer_lowered:
.L_overlay_start_2:
0x3f6: {  	(tag) =	ssettag $0x2  }
0x3f7: {  	s0 =	rddreg [dreg:$0x0];
	s2 =	stileid.u32  }
0x3f8: {  	s1 =	rddreg [dreg:$0x1];
	p0 =	sne.s32 s2, $0x0  }
0x3f9: {  	s3 =	rddreg [dreg:$0x2];
	[bflag:$0x3] =	sbarrier.arrive $0xFFFF;
	s2 =	simm.s32 @!p0 $0x1C03  }
0x3fa: {  	[timem:s3], [sflag:s2] =	dma.local @!p0 [hbm:s0], s1  }
0x3fb: {  	s0 =	simm.s32 @!p0 $0x3  }
0x3fc: {  	_ =	swait.ge @!p0 [sflag:s0], s1  }
0x3fd: {  	s1 =	ssub.s32 @!p0 $0x0, s1;
	[sflag:s0] =	ssyncset.done @!p0 $0x0  }
0x3fe: {  	[sflag:s0] =	ssyncadd.s32 @!p0 s1  }
0x3ff: {  	[bflag:$0x3] =	sbarrier.arrive $0xFFFF  }
0x400: {  	_ =	shalt  }

</sc_bundles>
